<compile_context>
chip_gen: v7x
topology: tpu7x:2x2x1
jax: 0.10.2.dev20260603
libtpu: 0.0.44.dev20260713+nightly
codegen_flags: <defaults>
</compile_context>

<pallas_src>
import functools

import jax
import jax.numpy as jnp
from jax import lax
from jax.experimental import pallas as pl
from jax.experimental.pallas import tpu as pltpu
from jax.experimental.pallas import tpu_sc as plsc

N = 10000
E = 320000
D = 128
NPAD = 10240

NC = 2
NS = 16
NW = NC * NS
EW = E // NW
CH = 80
NCHUNK = EW // CH
SLABC = 25
NSLAB = NCHUNK // SLABC
RPS = NPAD // NS
ZCH = CH
NZ = RPS // ZCH

_MESH = dict(core_axis_name="c", subcore_axis_name="s",
             num_cores=NC, num_subcores=NS)


def _msg_body(h, src4, dst4, zrow_h, P,
              acc, src_a, src_b, dst_a, dst_b, rows_a, rows_b,
              sem_a, sem_b):
    cid = lax.axis_index("c")
    sid = lax.axis_index("s")
    wid = cid * NS + sid

    pltpu.sync_copy(zrow_h, rows_a)
    for i in range(NZ):
        pltpu.sync_copy(rows_a, acc.at[pl.ds(sid * RPS + i * ZCH, ZCH)])

    plsc.subcore_barrier()

    for s in range(NSLAB):
        src_s = src_a if s % 2 == 0 else src_b
        dst_s = dst_a if s % 2 == 0 else dst_b
        pltpu.sync_copy(src4.at[wid, s], src_s)
        pltpu.sync_copy(dst4.at[wid, s], dst_s)

        pltpu.async_copy(h.at[src_s.at[0]], rows_a, sem_a)

        def pair(i, _, src_s=src_s, dst_s=dst_s):
            c1 = 2 * i + 1
            pltpu.async_copy(h.at[src_s.at[c1]], rows_b, sem_b)
            pltpu.make_async_copy(h.at[src_s.at[2 * i]], rows_a, sem_a).wait()
            pltpu.sync_copy(rows_a, acc.at[dst_s.at[2 * i]], add=True)
            pltpu.async_copy(h.at[src_s.at[c1 + 1]], rows_a, sem_a)
            pltpu.make_async_copy(h.at[src_s.at[c1]], rows_b, sem_b).wait()
            pltpu.sync_copy(rows_b, acc.at[dst_s.at[c1]], add=True)
            return ()

        lax.fori_loop(0, SLABC // 2, pair, (), unroll=False)

        pltpu.make_async_copy(
            h.at[src_s.at[SLABC - 1]], rows_a, sem_a).wait()
        pltpu.sync_copy(rows_a, acc.at[dst_s.at[SLABC - 1]], add=True)

    plsc.subcore_barrier()

    for i in range(NZ):
        r0 = sid * RPS + i * ZCH
        pltpu.sync_copy(acc.at[pl.ds(r0, ZCH)], rows_a)
        pltpu.sync_copy(rows_a, P.at[cid, pl.ds(r0, ZCH)])


@functools.lru_cache(maxsize=None)
def _get_sc_msg():
  return pl.kernel(
    _msg_body,
    out_type=jax.ShapeDtypeStruct((NC, NPAD, D), jnp.float32),
    mesh=plsc.VectorSubcoreMesh(**_MESH),
    scratch_types=[
        pltpu.VMEM_SHARED((NPAD, D), jnp.float32),
        pltpu.VMEM((SLABC, CH), jnp.int32),
        pltpu.VMEM((SLABC, CH), jnp.int32),
        pltpu.VMEM((SLABC, CH), jnp.int32),
        pltpu.VMEM((SLABC, CH), jnp.int32),
        pltpu.VMEM((ZCH, D), jnp.float32),
        pltpu.VMEM((ZCH, D), jnp.float32),
        pltpu.SemaphoreType.DMA,
        pltpu.SemaphoreType.DMA,
    ],
  )


def _deg_body(dst3, zrow_h, DEG, dst_v, hist_v):
    cid = lax.axis_index("c")
    sid = lax.axis_index("s")
    wid = cid * NS + sid

    pltpu.sync_copy(dst3.at[wid], dst_v)
    pltpu.sync_copy(zrow_h.at[pl.ds(0, NPAD // D)], hist_v)

    ones = jnp.ones((16,), jnp.float32)

    def chunk(j, _):
        for k in range(CH // 16):
            dv = dst_v[j, pl.ds(k * 16, 16)]
            hi = lax.shift_right_logical(dv, 7)
            lo = lax.bitwise_and(dv, 127)
            plsc.addupdate_scatter(hist_v, [hi, lo], ones)
        return ()

    lax.fori_loop(0, NCHUNK, chunk, (), unroll=False)

    pltpu.sync_copy(hist_v, DEG.at[wid])


@functools.lru_cache(maxsize=None)
def _get_sc_deg():
  return pl.kernel(
    _deg_body,
    out_type=jax.ShapeDtypeStruct((NW, NPAD // D, D), jnp.float32),
    mesh=plsc.VectorSubcoreMesh(**_MESH),
    scratch_types=[
        pltpu.VMEM((NCHUNK, CH), jnp.int32),
        pltpu.VMEM((NPAD // D, D), jnp.float32),
    ],
    compiler_params=pltpu.CompilerParams(needs_layout_passes=False),
  )


def _tc_body(relu, x_ref, p_ref, deg_ref, ws_ref, wn_ref, b_ref, o_ref):
    s = p_ref[0] + p_ref[1]
    d = jnp.sum(deg_ref[...], axis=1)
    hn = s / jnp.maximum(d, 1.0)[:, None]
    o = (jnp.dot(x_ref[...], ws_ref[...], preferred_element_type=jnp.float32)
         + jnp.dot(hn, wn_ref[...], preferred_element_type=jnp.float32)
         + b_ref[...])
    if relu:
        o = jnp.maximum(o, 0.0)
    o_ref[...] = o


_TCB = 1000


def _tc_dense(x, P, DEG, W_self, W_neigh, b, relu):
    grid = (N // _TCB,)
    return pl.pallas_call(
        functools.partial(_tc_body, relu),
        grid=grid,
        in_specs=[
            pl.BlockSpec((_TCB, D), lambda i: (i, 0)),
            pl.BlockSpec((NC, _TCB, D), lambda i: (0, i, 0)),
            pl.BlockSpec((_TCB, NW), lambda i: (i, 0)),
            pl.BlockSpec((D, D), lambda i: (0, 0)),
            pl.BlockSpec((D, D), lambda i: (0, 0)),
            pl.BlockSpec((1, D), lambda i: (0, 0)),
        ],
        out_specs=pl.BlockSpec((_TCB, D), lambda i: (i, 0)),
        out_shape=jax.ShapeDtypeStruct((N, D), jnp.float32),
    )(x, P, DEG, W_self, W_neigh, b.reshape(1, D))


def kernel(inputs, edge_index, W_self0, W_neigh0, b0, W_self1, W_neigh1, b1):
    src4 = edge_index[0].reshape(NW, NSLAB, SLABC, CH)
    dst4 = edge_index[1].reshape(NW, NSLAB, SLABC, CH)
    dst3 = edge_index[1].reshape(NW, NCHUNK, CH)
    zrow = jnp.zeros((ZCH, D), jnp.float32)

    DEG = _get_sc_deg()(dst3, zrow).reshape(NW, NPAD).T
    P0 = _get_sc_msg()(inputs, src4, dst4, zrow)
    h1 = _tc_dense(inputs, P0, DEG, W_self0, W_neigh0, b0, relu=True)
    P1 = _get_sc_msg()(h1, src4, dst4, zrow)
    out = _tc_dense(h1, P1, DEG, W_self1, W_neigh1, b1, relu=False)
    return out

# --- scband reference (transcript-rebuilt; emitter-appended) ---
"""Pipeline reference for scband-gconv-layers-27101243638399 (READ-ONLY COPY).

The authoritative reference and input builder live on the scoring server;
editing this copy changes nothing except your own understanding.
"""

import jax, jax.numpy as jnp
import numpy as np

N = 10000
E = 320000
D = 128
H = 128


def setup_inputs(seed: int = 0) -> dict:
    key = jax.random.key(seed)
    ks = jax.random.split(key, 8)
    x = jax.random.normal(ks[0], (N, D), dtype=jnp.float32)
    edge_index = jax.random.randint(ks[1], (2, E), 0, N, dtype=jnp.int32)
    s = 1.0 / np.sqrt(D)
    W_self0 = jax.random.normal(ks[2], (D, H), dtype=jnp.float32) * s
    W_neigh0 = jax.random.normal(ks[3], (D, H), dtype=jnp.float32) * s
    b0 = jnp.zeros((H,), dtype=jnp.float32)
    sh = 1.0 / np.sqrt(H)
    W_self1 = jax.random.normal(ks[4], (H, H), dtype=jnp.float32) * sh
    W_neigh1 = jax.random.normal(ks[5], (H, H), dtype=jnp.float32) * sh
    b1 = jnp.zeros((H,), dtype=jnp.float32)
    return {"inputs": x, "edge_index": edge_index, "W_self0": W_self0,
            "W_neigh0": W_neigh0, "b0": b0, "W_self1": W_self1,
            "W_neigh1": W_neigh1, "b1": b1}


def _sage_layer(h, src, dst, W_self, W_neigh, b):
    # DGL SAGEConv with 'mean' aggregator:
    # h_neigh = mean_{j in N(i)} h_j ; out = h @ W_self + h_neigh @ W_neigh + b
    msg = jax.ops.segment_sum(h[src], dst, num_segments=N)
    deg = jax.ops.segment_sum(jnp.ones((E,), dtype=jnp.float32), dst, num_segments=N)
    h_neigh = msg / jnp.clip(deg, 1.0)[:, None]
    return h @ W_self + h_neigh @ W_neigh + b


def reference(inputs, edge_index, W_self0, W_neigh0, b0, W_self1, W_neigh1, b1):
    src = edge_index[0]
    dst = edge_index[1]
    # layer 0 (in_dim -> hidden_dim)
    h = _sage_layer(inputs, src, dst, W_self0, W_neigh0, b0)
    # activation + dropout(p=0.0) between layers (dropout is identity)
    h = jax.nn.relu(h)
    # layer 1 (hidden_dim -> hidden_dim), no activation after last layer
    h = _sage_layer(h, src, dst, W_self1, W_neigh1, b1)
    return h

if __name__ == "__main__":
    import jax
    _d = setup_inputs()
    print(jax.jit(kernel)(*tuple(_d.values())))

</pallas_src>

<mosaic_0001>
#map = affine_map<(d0, d1) -> (0, 0)>
#map1 = affine_map<(d0, d1) -> (0, 0, 0, 0)>
#map2 = affine_map<(d0, d1) -> (0, 0, 0)>
module attributes {stable_mosaic.version = 14 : i64} {
  func.func @_msg_body(%arg0: i32, %arg1: i32, %arg2: memref<10000x128xf32, #tpu.memory_space<hbm>>, %arg3: memref<32x5x25x80xi32, #tpu.memory_space<hbm>>, %arg4: memref<32x5x25x80xi32, #tpu.memory_space<hbm>>, %arg5: memref<80x128xf32, #tpu.memory_space<hbm>>, %arg6: memref<2x10240x128xf32, #tpu.memory_space<hbm>>, %arg7: memref<10240x128xf32, #tpu.memory_space<vmem_shared>>, %arg8: memref<25x80xi32, #tpu.memory_space<vmem>>, %arg9: memref<25x80xi32, #tpu.memory_space<vmem>>, %arg10: memref<25x80xi32, #tpu.memory_space<vmem>>, %arg11: memref<25x80xi32, #tpu.memory_space<vmem>>, %arg12: memref<80x128xf32, #tpu.memory_space<vmem>>, %arg13: memref<80x128xf32, #tpu.memory_space<vmem>>, %arg14: memref<!tpu.dma_semaphore, #tpu.memory_space<semaphore_mem>>, %arg15: memref<!tpu.dma_semaphore, #tpu.memory_space<semaphore_mem>>) attributes {dimension_semantics = [#tpu.dimension_semantics<core_parallel>, #tpu.dimension_semantics<subcore_parallel>], iteration_bounds = array<i64: 2, 16>, scalar_prefetch = 0 : i64, scratch_operands = 9 : i64, tpu.core_type = #tpu.core_type<sc_vector_subcore>, window_params = [{transform_indices = #map}, {transform_indices = #map1}, {transform_indices = #map1}, {transform_indices = #map}, {transform_indices = #map2}]} {
    %mul3A = arith.constant 16 : i32
    %mul3A_0 = arith.muli %arg0, %mul3A : i32
    %add3A = arith.addi %mul3A_0, %arg1 : i32
    "tpu.region"() ({
      %run_scoped3A_172 = tpu.sem_alloc : memref<!tpu.dma_semaphore, #tpu.memory_space<semaphore_mem>>
      tpu.enqueue_dma source(%arg5 : memref<80x128xf32, #tpu.memory_space<hbm>>) target(%arg12 : memref<80x128xf32, #tpu.memory_space<vmem>>) target_semaphore(%run_scoped3A_172 : memref<!tpu.dma_semaphore, #tpu.memory_space<semaphore_mem>>)
      tpu.wait_dma2 semaphore(%run_scoped3A_172 : memref<!tpu.dma_semaphore, #tpu.memory_space<semaphore_mem>>) src(%arg5 : memref<80x128xf32, #tpu.memory_space<hbm>>) dst(%arg12 : memref<80x128xf32, #tpu.memory_space<vmem>>)
      tpu.yield
    }) : () -> ()
    %mul3A_1 = arith.constant 640 : i32
    %mul3A_2 = arith.muli %arg1, %mul3A_1 : i32
    %add3A_3 = arith.constant 0 : i32
    %add3A_4 = arith.addi %mul3A_2, %add3A_3 : i32
    "tpu.region"() ({
      %run_scoped3A_172 = tpu.sem_alloc : memref<!tpu.dma_semaphore, #tpu.memory_space<semaphore_mem>>
      %dma_start3A_173 = arith.constant 0 : i32
      %dma_start3A_174 = tpu.memref_slice %arg7[%add3A_4, %dma_start3A_173] : memref<10240x128xf32, #tpu.memory_space<vmem_shared>> -> memref<80x128xf32, #tpu.memory_space<vmem_shared>>
      %dma_start3A_175 = arith.constant 0 : i32
      %dma_start3A_176 = tpu.memref_slice %arg7[%add3A_4, %dma_start3A_175] : memref<10240x128xf32, #tpu.memory_space<vmem_shared>> -> memref<80x128xf32, #tpu.memory_space<vmem_shared>>
      tpu.enqueue_dma source(%arg12 : memref<80x128xf32, #tpu.memory_space<vmem>>) target(%dma_start3A_176 : memref<80x128xf32, #tpu.memory_space<vmem_shared>>) target_semaphore(%run_scoped3A_172 : memref<!tpu.dma_semaphore, #tpu.memory_space<semaphore_mem>>)
      %dma_wait3A_177 = arith.constant 0 : i32
      %dma_wait3A_178 = tpu.memref_slice %arg7[%add3A_4, %dma_wait3A_177] : memref<10240x128xf32, #tpu.memory_space<vmem_shared>> -> memref<80x128xf32, #tpu.memory_space<vmem_shared>>
      %dma_wait3A_179 = arith.constant 0 : i32
      %dma_wait3A_180 = tpu.memref_slice %arg7[%add3A_4, %dma_wait3A_179] : memref<10240x128xf32, #tpu.memory_space<vmem_shared>> -> memref<80x128xf32, #tpu.memory_space<vmem_shared>>
      tpu.wait_dma2 semaphore(%run_scoped3A_172 : memref<!tpu.dma_semaphore, #tpu.memory_space<semaphore_mem>>) src(%arg12 : memref<80x128xf32, #tpu.memory_space<vmem>>) dst(%dma_wait3A_180 : memref<80x128xf32, #tpu.memory_space<vmem_shared>>)
      tpu.yield
    }) : () -> ()
    %mul3A_5 = arith.constant 640 : i32
    %mul3A_6 = arith.muli %arg1, %mul3A_5 : i32
    %add3A_7 = arith.constant 80 : i32
    %add3A_8 = arith.addi %mul3A_6, %add3A_7 : i32
    "tpu.region"() ({
      %run_scoped3A_172 = tpu.sem_alloc : memref<!tpu.dma_semaphore, #tpu.memory_space<semaphore_mem>>
      %dma_start3A_173 = arith.constant 0 : i32
      %dma_start3A_174 = tpu.memref_slice %arg7[%add3A_8, %dma_start3A_173] : memref<10240x128xf32, #tpu.memory_space<vmem_shared>> -> memref<80x128xf32, #tpu.memory_space<vmem_shared>>
      %dma_start3A_175 = arith.constant 0 : i32
      %dma_start3A_176 = tpu.memref_slice %arg7[%add3A_8, %dma_start3A_175] : memref<10240x128xf32, #tpu.memory_space<vmem_shared>> -> memref<80x128xf32, #tpu.memory_space<vmem_shared>>
      tpu.enqueue_dma source(%arg12 : memref<80x128xf32, #tpu.memory_space<vmem>>) target(%dma_start3A_176 : memref<80x128xf32, #tpu.memory_space<vmem_shared>>) target_semaphore(%run_scoped3A_172 : memref<!tpu.dma_semaphore, #tpu.memory_space<semaphore_mem>>)
      %dma_wait3A_177 = arith.constant 0 : i32
      %dma_wait3A_178 = tpu.memref_slice %arg7[%add3A_8, %dma_wait3A_177] : memref<10240x128xf32, #tpu.memory_space<vmem_shared>> -> memref<80x128xf32, #tpu.memory_space<vmem_shared>>
      %dma_wait3A_179 = arith.constant 0 : i32
      %dma_wait3A_180 = tpu.memref_slice %arg7[%add3A_8, %dma_wait3A_179] : memref<10240x128xf32, #tpu.memory_space<vmem_shared>> -> memref<80x128xf32, #tpu.memory_space<vmem_shared>>
      tpu.wait_dma2 semaphore(%run_scoped3A_172 : memref<!tpu.dma_semaphore, #tpu.memory_space<semaphore_mem>>) src(%arg12 : memref<80x128xf32, #tpu.memory_space<vmem>>) dst(%dma_wait3A_180 : memref<80x128xf32, #tpu.memory_space<vmem_shared>>)
      tpu.yield
    }) : () -> ()
    %mul3A_9 = arith.constant 640 : i32
    %mul3A_10 = arith.muli %arg1, %mul3A_9 : i32
    %add3A_11 = arith.constant 160 : i32
    %add3A_12 = arith.addi %mul3A_10, %add3A_11 : i32
    "tpu.region"() ({
      %run_scoped3A_172 = tpu.sem_alloc : memref<!tpu.dma_semaphore, #tpu.memory_space<semaphore_mem>>
      %dma_start3A_173 = arith.constant 0 : i32
      %dma_start3A_174 = tpu.memref_slice %arg7[%add3A_12, %dma_start3A_173] : memref<10240x128xf32, #tpu.memory_space<vmem_shared>> -> memref<80x128xf32, #tpu.memory_space<vmem_shared>>
      %dma_start3A_175 = arith.constant 0 : i32
      %dma_start3A_176 = tpu.memref_slice %arg7[%add3A_12, %dma_start3A_175] : memref<10240x128xf32, #tpu.memory_space<vmem_shared>> -> memref<80x128xf32, #tpu.memory_space<vmem_shared>>
      tpu.enqueue_dma source(%arg12 : memref<80x128xf32, #tpu.memory_space<vmem>>) target(%dma_start3A_176 : memref<80x128xf32, #tpu.memory_space<vmem_shared>>) target_semaphore(%run_scoped3A_172 : memref<!tpu.dma_semaphore, #tpu.memory_space<semaphore_mem>>)
      %dma_wait3A_177 = arith.constant 0 : i32
      %dma_wait3A_178 = tpu.memref_slice %arg7[%add3A_12, %dma_wait3A_177] : memref<10240x128xf32, #tpu.memory_space<vmem_shared>> -> memref<80x128xf32, #tpu.memory_space<vmem_shared>>
      %dma_wait3A_179 = arith.constant 0 : i32
      %dma_wait3A_180 = tpu.memref_slice %arg7[%add3A_12, %dma_wait3A_179] : memref<10240x128xf32, #tpu.memory_space<vmem_shared>> -> memref<80x128xf32, #tpu.memory_space<vmem_shared>>
      tpu.wait_dma2 semaphore(%run_scoped3A_172 : memref<!tpu.dma_semaphore, #tpu.memory_space<semaphore_mem>>) src(%arg12 : memref<80x128xf32, #tpu.memory_space<vmem>>) dst(%dma_wait3A_180 : memref<80x128xf32, #tpu.memory_space<vmem_shared>>)
      tpu.yield
    }) : () -> ()
    %mul3A_13 = arith.constant 640 : i32
    %mul3A_14 = arith.muli %arg1, %mul3A_13 : i32
    %add3A_15 = arith.constant 240 : i32
    %add3A_16 = arith.addi %mul3A_14, %add3A_15 : i32
    "tpu.region"() ({
      %run_scoped3A_172 = tpu.sem_alloc : memref<!tpu.dma_semaphore, #tpu.memory_space<semaphore_mem>>
      %dma_start3A_173 = arith.constant 0 : i32
      %dma_start3A_174 = tpu.memref_slice %arg7[%add3A_16, %dma_start3A_173] : memref<10240x128xf32, #tpu.memory_space<vmem_shared>> -> memref<80x128xf32, #tpu.memory_space<vmem_shared>>
      %dma_start3A_175 = arith.constant 0 : i32
      %dma_start3A_176 = tpu.memref_slice %arg7[%add3A_16, %dma_start3A_175] : memref<10240x128xf32, #tpu.memory_space<vmem_shared>> -> memref<80x128xf32, #tpu.memory_space<vmem_shared>>
      tpu.enqueue_dma source(%arg12 : memref<80x128xf32, #tpu.memory_space<vmem>>) target(%dma_start3A_176 : memref<80x128xf32, #tpu.memory_space<vmem_shared>>) target_semaphore(%run_scoped3A_172 : memref<!tpu.dma_semaphore, #tpu.memory_space<semaphore_mem>>)
      %dma_wait3A_177 = arith.constant 0 : i32
      %dma_wait3A_178 = tpu.memref_slice %arg7[%add3A_16, %dma_wait3A_177] : memref<10240x128xf32, #tpu.memory_space<vmem_shared>> -> memref<80x128xf32, #tpu.memory_space<vmem_shared>>
      %dma_wait3A_179 = arith.constant 0 : i32
      %dma_wait3A_180 = tpu.memref_slice %arg7[%add3A_16, %dma_wait3A_179] : memref<10240x128xf32, #tpu.memory_space<vmem_shared>> -> memref<80x128xf32, #tpu.memory_space<vmem_shared>>
      tpu.wait_dma2 semaphore(%run_scoped3A_172 : memref<!tpu.dma_semaphore, #tpu.memory_space<semaphore_mem>>) src(%arg12 : memref<80x128xf32, #tpu.memory_space<vmem>>) dst(%dma_wait3A_180 : memref<80x128xf32, #tpu.memory_space<vmem_shared>>)
      tpu.yield
    }) : () -> ()
    %mul3A_17 = arith.constant 640 : i32
    %mul3A_18 = arith.muli %arg1, %mul3A_17 : i32
    %add3A_19 = arith.constant 320 : i32
    %add3A_20 = arith.addi %mul3A_18, %add3A_19 : i32
    "tpu.region"() ({
      %run_scoped3A_172 = tpu.sem_alloc : memref<!tpu.dma_semaphore, #tpu.memory_space<semaphore_mem>>
      %dma_start3A_173 = arith.constant 0 : i32
      %dma_start3A_174 = tpu.memref_slice %arg7[%add3A_20, %dma_start3A_173] : memref<10240x128xf32, #tpu.memory_space<vmem_shared>> -> memref<80x128xf32, #tpu.memory_space<vmem_shared>>
      %dma_start3A_175 = arith.constant 0 : i32
      %dma_start3A_176 = tpu.memref_slice %arg7[%add3A_20, %dma_start3A_175] : memref<10240x128xf32, #tpu.memory_space<vmem_shared>> -> memref<80x128xf32, #tpu.memory_space<vmem_shared>>
      tpu.enqueue_dma source(%arg12 : memref<80x128xf32, #tpu.memory_space<vmem>>) target(%dma_start3A_176 : memref<80x128xf32, #tpu.memory_space<vmem_shared>>) target_semaphore(%run_scoped3A_172 : memref<!tpu.dma_semaphore, #tpu.memory_space<semaphore_mem>>)
      %dma_wait3A_177 = arith.constant 0 : i32
      %dma_wait3A_178 = tpu.memref_slice %arg7[%add3A_20, %dma_wait3A_177] : memref<10240x128xf32, #tpu.memory_space<vmem_shared>> -> memref<80x128xf32, #tpu.memory_space<vmem_shared>>
      %dma_wait3A_179 = arith.constant 0 : i32
      %dma_wait3A_180 = tpu.memref_slice %arg7[%add3A_20, %dma_wait3A_179] : memref<10240x128xf32, #tpu.memory_space<vmem_shared>> -> memref<80x128xf32, #tpu.memory_space<vmem_shared>>
      tpu.wait_dma2 semaphore(%run_scoped3A_172 : memref<!tpu.dma_semaphore, #tpu.memory_space<semaphore_mem>>) src(%arg12 : memref<80x128xf32, #tpu.memory_space<vmem>>) dst(%dma_wait3A_180 : memref<80x128xf32, #tpu.memory_space<vmem_shared>>)
      tpu.yield
    }) : () -> ()
    %mul3A_21 = arith.constant 640 : i32
    %mul3A_22 = arith.muli %arg1, %mul3A_21 : i32
    %add3A_23 = arith.constant 400 : i32
    %add3A_24 = arith.addi %mul3A_22, %add3A_23 : i32
    "tpu.region"() ({
      %run_scoped3A_172 = tpu.sem_alloc : memref<!tpu.dma_semaphore, #tpu.memory_space<semaphore_mem>>
      %dma_start3A_173 = arith.constant 0 : i32
      %dma_start3A_174 = tpu.memref_slice %arg7[%add3A_24, %dma_start3A_173] : memref<10240x128xf32, #tpu.memory_space<vmem_shared>> -> memref<80x128xf32, #tpu.memory_space<vmem_shared>>
      %dma_start3A_175 = arith.constant 0 : i32
      %dma_start3A_176 = tpu.memref_slice %arg7[%add3A_24, %dma_start3A_175] : memref<10240x128xf32, #tpu.memory_space<vmem_shared>> -> memref<80x128xf32, #tpu.memory_space<vmem_shared>>
      tpu.enqueue_dma source(%arg12 : memref<80x128xf32, #tpu.memory_space<vmem>>) target(%dma_start3A_176 : memref<80x128xf32, #tpu.memory_space<vmem_shared>>) target_semaphore(%run_scoped3A_172 : memref<!tpu.dma_semaphore, #tpu.memory_space<semaphore_mem>>)
      %dma_wait3A_177 = arith.constant 0 : i32
      %dma_wait3A_178 = tpu.memref_slice %arg7[%add3A_24, %dma_wait3A_177] : memref<10240x128xf32, #tpu.memory_space<vmem_shared>> -> memref<80x128xf32, #tpu.memory_space<vmem_shared>>
      %dma_wait3A_179 = arith.constant 0 : i32
      %dma_wait3A_180 = tpu.memref_slice %arg7[%add3A_24, %dma_wait3A_179] : memref<10240x128xf32, #tpu.memory_space<vmem_shared>> -> memref<80x128xf32, #tpu.memory_space<vmem_shared>>
      tpu.wait_dma2 semaphore(%run_scoped3A_172 : memref<!tpu.dma_semaphore, #tpu.memory_space<semaphore_mem>>) src(%arg12 : memref<80x128xf32, #tpu.memory_space<vmem>>) dst(%dma_wait3A_180 : memref<80x128xf32, #tpu.memory_space<vmem_shared>>)
      tpu.yield
    }) : () -> ()
    %mul3A_25 = arith.constant 640 : i32
    %mul3A_26 = arith.muli %arg1, %mul3A_25 : i32
    %add3A_27 = arith.constant 480 : i32
    %add3A_28 = arith.addi %mul3A_26, %add3A_27 : i32
    "tpu.region"() ({
      %run_scoped3A_172 = tpu.sem_alloc : memref<!tpu.dma_semaphore, #tpu.memory_space<semaphore_mem>>
      %dma_start3A_173 = arith.constant 0 : i32
      %dma_start3A_174 = tpu.memref_slice %arg7[%add3A_28, %dma_start3A_173] : memref<10240x128xf32, #tpu.memory_space<vmem_shared>> -> memref<80x128xf32, #tpu.memory_space<vmem_shared>>
      %dma_start3A_175 = arith.constant 0 : i32
      %dma_start3A_176 = tpu.memref_slice %arg7[%add3A_28, %dma_start3A_175] : memref<10240x128xf32, #tpu.memory_space<vmem_shared>> -> memref<80x128xf32, #tpu.memory_space<vmem_shared>>
      tpu.enqueue_dma source(%arg12 : memref<80x128xf32, #tpu.memory_space<vmem>>) target(%dma_start3A_176 : memref<80x128xf32, #tpu.memory_space<vmem_shared>>) target_semaphore(%run_scoped3A_172 : memref<!tpu.dma_semaphore, #tpu.memory_space<semaphore_mem>>)
      %dma_wait3A_177 = arith.constant 0 : i32
      %dma_wait3A_178 = tpu.memref_slice %arg7[%add3A_28, %dma_wait3A_177] : memref<10240x128xf32, #tpu.memory_space<vmem_shared>> -> memref<80x128xf32, #tpu.memory_space<vmem_shared>>
      %dma_wait3A_179 = arith.constant 0 : i32
      %dma_wait3A_180 = tpu.memref_slice %arg7[%add3A_28, %dma_wait3A_179] : memref<10240x128xf32, #tpu.memory_space<vmem_shared>> -> memref<80x128xf32, #tpu.memory_space<vmem_shared>>
      tpu.wait_dma2 semaphore(%run_scoped3A_172 : memref<!tpu.dma_semaphore, #tpu.memory_space<semaphore_mem>>) src(%arg12 : memref<80x128xf32, #tpu.memory_space<vmem>>) dst(%dma_wait3A_180 : memref<80x128xf32, #tpu.memory_space<vmem_shared>>)
      tpu.yield
    }) : () -> ()
    %mul3A_29 = arith.constant 640 : i32
    %mul3A_30 = arith.muli %arg1, %mul3A_29 : i32
    %add3A_31 = arith.constant 560 : i32
    %add3A_32 = arith.addi %mul3A_30, %add3A_31 : i32
    "tpu.region"() ({
      %run_scoped3A_172 = tpu.sem_alloc : memref<!tpu.dma_semaphore, #tpu.memory_space<semaphore_mem>>
      %dma_start3A_173 = arith.constant 0 : i32
      %dma_start3A_174 = tpu.memref_slice %arg7[%add3A_32, %dma_start3A_173] : memref<10240x128xf32, #tpu.memory_space<vmem_shared>> -> memref<80x128xf32, #tpu.memory_space<vmem_shared>>
      %dma_start3A_175 = arith.constant 0 : i32
      %dma_start3A_176 = tpu.memref_slice %arg7[%add3A_32, %dma_start3A_175] : memref<10240x128xf32, #tpu.memory_space<vmem_shared>> -> memref<80x128xf32, #tpu.memory_space<vmem_shared>>
      tpu.enqueue_dma source(%arg12 : memref<80x128xf32, #tpu.memory_space<vmem>>) target(%dma_start3A_176 : memref<80x128xf32, #tpu.memory_space<vmem_shared>>) target_semaphore(%run_scoped3A_172 : memref<!tpu.dma_semaphore, #tpu.memory_space<semaphore_mem>>)
      %dma_wait3A_177 = arith.constant 0 : i32
      %dma_wait3A_178 = tpu.memref_slice %arg7[%add3A_32, %dma_wait3A_177] : memref<10240x128xf32, #tpu.memory_space<vmem_shared>> -> memref<80x128xf32, #tpu.memory_space<vmem_shared>>
      %dma_wait3A_179 = arith.constant 0 : i32
      %dma_wait3A_180 = tpu.memref_slice %arg7[%add3A_32, %dma_wait3A_179] : memref<10240x128xf32, #tpu.memory_space<vmem_shared>> -> memref<80x128xf32, #tpu.memory_space<vmem_shared>>
      tpu.wait_dma2 semaphore(%run_scoped3A_172 : memref<!tpu.dma_semaphore, #tpu.memory_space<semaphore_mem>>) src(%arg12 : memref<80x128xf32, #tpu.memory_space<vmem>>) dst(%dma_wait3A_180 : memref<80x128xf32, #tpu.memory_space<vmem_shared>>)
      tpu.yield
    }) : () -> ()
    %barrier3A = arith.constant 0 : index
    tpu.barrier barrier_id(%barrier3A)
    %run_scoped3A = arith.constant 0 : i32
    "tpu.region"() ({
      %run_scoped3A_172 = tpu.sem_alloc : memref<!tpu.dma_semaphore, #tpu.memory_space<semaphore_mem>>
      %dma_start3A_173 = arith.constant 0 : i32
      %dma_start3A_174 = arith.constant 0 : i32
      %dma_start3A_175 = tpu.memref_slice %arg3[%add3A, %run_scoped3A, %dma_start3A_173, %dma_start3A_174] : memref<32x5x25x80xi32, #tpu.memory_space<hbm>> -> memref<1x1x25x80xi32, #tpu.memory_space<hbm>>
      %dma_start3A_176 = tpu.memref_squeeze %dma_start3A_175 : memref<1x1x25x80xi32, #tpu.memory_space<hbm>> -> memref<25x80xi32, #tpu.memory_space<hbm>>
      %dma_start3A_177 = arith.constant 0 : i32
      %dma_start3A_178 = arith.constant 0 : i32
      %dma_start3A_179 = tpu.memref_slice %arg3[%add3A, %run_scoped3A, %dma_start3A_177, %dma_start3A_178] : memref<32x5x25x80xi32, #tpu.memory_space<hbm>> -> memref<1x1x25x80xi32, #tpu.memory_space<hbm>>
      %dma_start3A_180 = tpu.memref_squeeze %dma_start3A_179 : memref<1x1x25x80xi32, #tpu.memory_space<hbm>> -> memref<25x80xi32, #tpu.memory_space<hbm>>
      tpu.enqueue_dma source(%dma_start3A_180 : memref<25x80xi32, #tpu.memory_space<hbm>>) target(%arg8 : memref<25x80xi32, #tpu.memory_space<vmem>>) target_semaphore(%run_scoped3A_172 : memref<!tpu.dma_semaphore, #tpu.memory_space<semaphore_mem>>)
      %dma_wait3A_181 = arith.constant 0 : i32
      %dma_wait3A_182 = arith.constant 0 : i32
      %dma_wait3A_183 = tpu.memref_slice %arg3[%add3A, %run_scoped3A, %dma_wait3A_181, %dma_wait3A_182] : memref<32x5x25x80xi32, #tpu.memory_space<hbm>> -> memref<1x1x25x80xi32, #tpu.memory_space<hbm>>
      %dma_wait3A_184 = tpu.memref_squeeze %dma_wait3A_183 : memref<1x1x25x80xi32, #tpu.memory_space<hbm>> -> memref<25x80xi32, #tpu.memory_space<hbm>>
      %dma_wait3A_185 = arith.constant 0 : i32
      %dma_wait3A_186 = arith.constant 0 : i32
      %dma_wait3A_187 = tpu.memref_slice %arg3[%add3A, %run_scoped3A, %dma_wait3A_185, %dma_wait3A_186] : memref<32x5x25x80xi32, #tpu.memory_space<hbm>> -> memref<1x1x25x80xi32, #tpu.memory_space<hbm>>
      %dma_wait3A_188 = tpu.memref_squeeze %dma_wait3A_187 : memref<1x1x25x80xi32, #tpu.memory_space<hbm>> -> memref<25x80xi32, #tpu.memory_space<hbm>>
      tpu.wait_dma2 semaphore(%run_scoped3A_172 : memref<!tpu.dma_semaphore, #tpu.memory_space<semaphore_mem>>) src(%dma_wait3A_188 : memref<25x80xi32, #tpu.memory_space<hbm>>) dst(%arg8 : memref<25x80xi32, #tpu.memory_space<vmem>>)
      tpu.yield
    }) : () -> ()
    %run_scoped3A_33 = arith.constant 0 : i32
    "tpu.region"() ({
      %run_scoped3A_172 = tpu.sem_alloc : memref<!tpu.dma_semaphore, #tpu.memory_space<semaphore_mem>>
      %dma_start3A_173 = arith.constant 0 : i32
      %dma_start3A_174 = arith.constant 0 : i32
      %dma_start3A_175 = tpu.memref_slice %arg4[%add3A, %run_scoped3A_33, %dma_start3A_173, %dma_start3A_174] : memref<32x5x25x80xi32, #tpu.memory_space<hbm>> -> memref<1x1x25x80xi32, #tpu.memory_space<hbm>>
      %dma_start3A_176 = tpu.memref_squeeze %dma_start3A_175 : memref<1x1x25x80xi32, #tpu.memory_space<hbm>> -> memref<25x80xi32, #tpu.memory_space<hbm>>
      %dma_start3A_177 = arith.constant 0 : i32
      %dma_start3A_178 = arith.constant 0 : i32
      %dma_start3A_179 = tpu.memref_slice %arg4[%add3A, %run_scoped3A_33, %dma_start3A_177, %dma_start3A_178] : memref<32x5x25x80xi32, #tpu.memory_space<hbm>> -> memref<1x1x25x80xi32, #tpu.memory_space<hbm>>
      %dma_start3A_180 = tpu.memref_squeeze %dma_start3A_179 : memref<1x1x25x80xi32, #tpu.memory_space<hbm>> -> memref<25x80xi32, #tpu.memory_space<hbm>>
      tpu.enqueue_dma source(%dma_start3A_180 : memref<25x80xi32, #tpu.memory_space<hbm>>) target(%arg10 : memref<25x80xi32, #tpu.memory_space<vmem>>) target_semaphore(%run_scoped3A_172 : memref<!tpu.dma_semaphore, #tpu.memory_space<semaphore_mem>>)
      %dma_wait3A_181 = arith.constant 0 : i32
      %dma_wait3A_182 = arith.constant 0 : i32
      %dma_wait3A_183 = tpu.memref_slice %arg4[%add3A, %run_scoped3A_33, %dma_wait3A_181, %dma_wait3A_182] : memref<32x5x25x80xi32, #tpu.memory_space<hbm>> -> memref<1x1x25x80xi32, #tpu.memory_space<hbm>>
      %dma_wait3A_184 = tpu.memref_squeeze %dma_wait3A_183 : memref<1x1x25x80xi32, #tpu.memory_space<hbm>> -> memref<25x80xi32, #tpu.memory_space<hbm>>
      %dma_wait3A_185 = arith.constant 0 : i32
      %dma_wait3A_186 = arith.constant 0 : i32
      %dma_wait3A_187 = tpu.memref_slice %arg4[%add3A, %run_scoped3A_33, %dma_wait3A_185, %dma_wait3A_186] : memref<32x5x25x80xi32, #tpu.memory_space<hbm>> -> memref<1x1x25x80xi32, #tpu.memory_space<hbm>>
      %dma_wait3A_188 = tpu.memref_squeeze %dma_wait3A_187 : memref<1x1x25x80xi32, #tpu.memory_space<hbm>> -> memref<25x80xi32, #tpu.memory_space<hbm>>
      tpu.wait_dma2 semaphore(%run_scoped3A_172 : memref<!tpu.dma_semaphore, #tpu.memory_space<semaphore_mem>>) src(%dma_wait3A_188 : memref<25x80xi32, #tpu.memory_space<hbm>>) dst(%arg10 : memref<25x80xi32, #tpu.memory_space<vmem>>)
      tpu.yield
    }) : () -> ()
    %dma_start3A = arith.constant 0 : i32
    %dma_start3A_34 = arith.constant 0 : i32
    %dma_start3A_35 = tpu.memref_slice %arg8[%dma_start3A, %dma_start3A_34] : memref<25x80xi32, #tpu.memory_space<vmem>> -> memref<1x80xi32, #tpu.memory_space<vmem>>
    %dma_start3A_36 = tpu.memref_squeeze %dma_start3A_35 : memref<1x80xi32, #tpu.memory_space<vmem>> -> memref<80xi32, #tpu.memory_space<vmem>>
    %dma_start3A_37 = arith.constant 0 : i32
    %dma_start3A_38 = arith.constant 0 : i32
    %dma_start3A_39 = tpu.memref_slice %arg2[%dma_start3A_37, %dma_start3A_38] : memref<10000x128xf32, #tpu.memory_space<hbm>> -> memref<10000x128xf32, #tpu.memory_space<hbm>>
    tpu.enqueue_indirect_dma source(%dma_start3A_39 : memref<10000x128xf32, #tpu.memory_space<hbm>>) target(%arg12 : memref<80x128xf32, #tpu.memory_space<vmem>>) offsets(%dma_start3A_36 : memref<80xi32, #tpu.memory_space<vmem>>) semaphore(%arg14 : memref<!tpu.dma_semaphore, #tpu.memory_space<semaphore_mem>>)
    %scan3A = arith.constant 0 : i32
    %scan3A_40 = arith.constant 12 : i32
    %scan3A_41 = arith.addi %scan3A, %scan3A_40 : i32
    %scan3A_42 = arith.constant 1 : i32
    scf.for %scan3A_172 = %scan3A to %scan3A_41 step %scan3A_42  : i32 {
      %mul3A_173 = arith.constant 2 : i32
      %mul3A_174 = arith.muli %mul3A_173, %scan3A_172 : i32
      %add3A_175 = arith.constant 1 : i32
      %add3A_176 = arith.addi %mul3A_174, %add3A_175 : i32
      %dma_start3A_177 = arith.constant 0 : i32
      %dma_start3A_178 = tpu.memref_slice %arg8[%add3A_176, %dma_start3A_177] : memref<25x80xi32, #tpu.memory_space<vmem>> -> memref<1x80xi32, #tpu.memory_space<vmem>>
      %dma_start3A_179 = tpu.memref_squeeze %dma_start3A_178 : memref<1x80xi32, #tpu.memory_space<vmem>> -> memref<80xi32, #tpu.memory_space<vmem>>
      %dma_start3A_180 = arith.constant 0 : i32
      %dma_start3A_181 = arith.constant 0 : i32
      %dma_start3A_182 = tpu.memref_slice %arg2[%dma_start3A_180, %dma_start3A_181] : memref<10000x128xf32, #tpu.memory_space<hbm>> -> memref<10000x128xf32, #tpu.memory_space<hbm>>
      tpu.enqueue_indirect_dma source(%dma_start3A_182 : memref<10000x128xf32, #tpu.memory_space<hbm>>) target(%arg13 : memref<80x128xf32, #tpu.memory_space<vmem>>) offsets(%dma_start3A_179 : memref<80xi32, #tpu.memory_space<vmem>>) semaphore(%arg15 : memref<!tpu.dma_semaphore, #tpu.memory_space<semaphore_mem>>)
      %mul3A_183 = arith.constant 2 : i32
      %mul3A_184 = arith.muli %mul3A_183, %scan3A_172 : i32
      %dma_wait3A_185 = arith.constant 0 : i32
      %dma_wait3A_186 = tpu.memref_slice %arg8[%mul3A_184, %dma_wait3A_185] : memref<25x80xi32, #tpu.memory_space<vmem>> -> memref<1x80xi32, #tpu.memory_space<vmem>>
      %dma_wait3A_187 = tpu.memref_squeeze %dma_wait3A_186 : memref<1x80xi32, #tpu.memory_space<vmem>> -> memref<80xi32, #tpu.memory_space<vmem>>
      %dma_wait3A_188 = arith.constant 0 : i32
      %dma_wait3A_189 = arith.constant 0 : i32
      %dma_wait3A_190 = tpu.memref_slice %arg2[%dma_wait3A_188, %dma_wait3A_189] : memref<10000x128xf32, #tpu.memory_space<hbm>> -> memref<10000x128xf32, #tpu.memory_space<hbm>>
      tpu.wait_indirect_dma semaphore(%arg14 : memref<!tpu.dma_semaphore, #tpu.memory_space<semaphore_mem>>) src(%dma_wait3A_190 : memref<10000x128xf32, #tpu.memory_space<hbm>>) dst(%arg12 : memref<80x128xf32, #tpu.memory_space<vmem>>)
      %mul3A_191 = arith.constant 2 : i32
      %mul3A_192 = arith.muli %mul3A_191, %scan3A_172 : i32
      "tpu.region"() ({
        %run_scoped3A_207 = tpu.sem_alloc : memref<!tpu.dma_semaphore, #tpu.memory_space<semaphore_mem>>
        %dma_start3A_208 = arith.constant 0 : i32
        %dma_start3A_209 = tpu.memref_slice %arg10[%mul3A_192, %dma_start3A_208] : memref<25x80xi32, #tpu.memory_space<vmem>> -> memref<1x80xi32, #tpu.memory_space<vmem>>
        %dma_start3A_210 = tpu.memref_squeeze %dma_start3A_209 : memref<1x80xi32, #tpu.memory_space<vmem>> -> memref<80xi32, #tpu.memory_space<vmem>>
        %dma_start3A_211 = arith.constant 0 : i32
        %dma_start3A_212 = arith.constant 0 : i32
        %dma_start3A_213 = tpu.memref_slice %arg7[%dma_start3A_211, %dma_start3A_212] : memref<10240x128xf32, #tpu.memory_space<vmem_shared>> -> memref<10240x128xf32, #tpu.memory_space<vmem_shared>>
        tpu.enqueue_indirect_dma source(%arg12 : memref<80x128xf32, #tpu.memory_space<vmem>>) target(%dma_start3A_213 : memref<10240x128xf32, #tpu.memory_space<vmem_shared>>) offsets(%dma_start3A_210 : memref<80xi32, #tpu.memory_space<vmem>>) semaphore(%run_scoped3A_207 : memref<!tpu.dma_semaphore, #tpu.memory_space<semaphore_mem>>) {add = true}
        %dma_wait3A_214 = arith.constant 0 : i32
        %dma_wait3A_215 = tpu.memref_slice %arg10[%mul3A_192, %dma_wait3A_214] : memref<25x80xi32, #tpu.memory_space<vmem>> -> memref<1x80xi32, #tpu.memory_space<vmem>>
        %dma_wait3A_216 = tpu.memref_squeeze %dma_wait3A_215 : memref<1x80xi32, #tpu.memory_space<vmem>> -> memref<80xi32, #tpu.memory_space<vmem>>
        %dma_wait3A_217 = arith.constant 0 : i32
        %dma_wait3A_218 = arith.constant 0 : i32
        %dma_wait3A_219 = tpu.memref_slice %arg7[%dma_wait3A_217, %dma_wait3A_218] : memref<10240x128xf32, #tpu.memory_space<vmem_shared>> -> memref<10240x128xf32, #tpu.memory_space<vmem_shared>>
        tpu.wait_indirect_dma semaphore(%run_scoped3A_207 : memref<!tpu.dma_semaphore, #tpu.memory_space<semaphore_mem>>) src(%arg12 : memref<80x128xf32, #tpu.memory_space<vmem>>) dst(%dma_wait3A_219 : memref<10240x128xf32, #tpu.memory_space<vmem_shared>>)
        tpu.yield
      }) : () -> ()
      %add3A_193 = arith.constant 1 : i32
      %add3A_194 = arith.addi %add3A_176, %add3A_193 : i32
      %dma_start3A_195 = arith.constant 0 : i32
      %dma_start3A_196 = tpu.memref_slice %arg8[%add3A_194, %dma_start3A_195] : memref<25x80xi32, #tpu.memory_space<vmem>> -> memref<1x80xi32, #tpu.memory_space<vmem>>
      %dma_start3A_197 = tpu.memref_squeeze %dma_start3A_196 : memref<1x80xi32, #tpu.memory_space<vmem>> -> memref<80xi32, #tpu.memory_space<vmem>>
      %dma_start3A_198 = arith.constant 0 : i32
      %dma_start3A_199 = arith.constant 0 : i32
      %dma_start3A_200 = tpu.memref_slice %arg2[%dma_start3A_198, %dma_start3A_199] : memref<10000x128xf32, #tpu.memory_space<hbm>> -> memref<10000x128xf32, #tpu.memory_space<hbm>>
      tpu.enqueue_indirect_dma source(%dma_start3A_200 : memref<10000x128xf32, #tpu.memory_space<hbm>>) target(%arg12 : memref<80x128xf32, #tpu.memory_space<vmem>>) offsets(%dma_start3A_197 : memref<80xi32, #tpu.memory_space<vmem>>) semaphore(%arg14 : memref<!tpu.dma_semaphore, #tpu.memory_space<semaphore_mem>>)
      %dma_wait3A_201 = arith.constant 0 : i32
      %dma_wait3A_202 = tpu.memref_slice %arg8[%add3A_176, %dma_wait3A_201] : memref<25x80xi32, #tpu.memory_space<vmem>> -> memref<1x80xi32, #tpu.memory_space<vmem>>
      %dma_wait3A_203 = tpu.memref_squeeze %dma_wait3A_202 : memref<1x80xi32, #tpu.memory_space<vmem>> -> memref<80xi32, #tpu.memory_space<vmem>>
      %dma_wait3A_204 = arith.constant 0 : i32
      %dma_wait3A_205 = arith.constant 0 : i32
      %dma_wait3A_206 = tpu.memref_slice %arg2[%dma_wait3A_204, %dma_wait3A_205] : memref<10000x128xf32, #tpu.memory_space<hbm>> -> memref<10000x128xf32, #tpu.memory_space<hbm>>
      tpu.wait_indirect_dma semaphore(%arg15 : memref<!tpu.dma_semaphore, #tpu.memory_space<semaphore_mem>>) src(%dma_wait3A_206 : memref<10000x128xf32, #tpu.memory_space<hbm>>) dst(%arg13 : memref<80x128xf32, #tpu.memory_space<vmem>>)
      "tpu.region"() ({
        %run_scoped3A_207 = tpu.sem_alloc : memref<!tpu.dma_semaphore, #tpu.memory_space<semaphore_mem>>
        %dma_start3A_208 = arith.constant 0 : i32
        %dma_start3A_209 = tpu.memref_slice %arg10[%add3A_176, %dma_start3A_208] : memref<25x80xi32, #tpu.memory_space<vmem>> -> memref<1x80xi32, #tpu.memory_space<vmem>>
        %dma_start3A_210 = tpu.memref_squeeze %dma_start3A_209 : memref<1x80xi32, #tpu.memory_space<vmem>> -> memref<80xi32, #tpu.memory_space<vmem>>
        %dma_start3A_211 = arith.constant 0 : i32
        %dma_start3A_212 = arith.constant 0 : i32
        %dma_start3A_213 = tpu.memref_slice %arg7[%dma_start3A_211, %dma_start3A_212] : memref<10240x128xf32, #tpu.memory_space<vmem_shared>> -> memref<10240x128xf32, #tpu.memory_space<vmem_shared>>
        tpu.enqueue_indirect_dma source(%arg13 : memref<80x128xf32, #tpu.memory_space<vmem>>) target(%dma_start3A_213 : memref<10240x128xf32, #tpu.memory_space<vmem_shared>>) offsets(%dma_start3A_210 : memref<80xi32, #tpu.memory_space<vmem>>) semaphore(%run_scoped3A_207 : memref<!tpu.dma_semaphore, #tpu.memory_space<semaphore_mem>>) {add = true}
        %dma_wait3A_214 = arith.constant 0 : i32
        %dma_wait3A_215 = tpu.memref_slice %arg10[%add3A_176, %dma_wait3A_214] : memref<25x80xi32, #tpu.memory_space<vmem>> -> memref<1x80xi32, #tpu.memory_space<vmem>>
        %dma_wait3A_216 = tpu.memref_squeeze %dma_wait3A_215 : memref<1x80xi32, #tpu.memory_space<vmem>> -> memref<80xi32, #tpu.memory_space<vmem>>
        %dma_wait3A_217 = arith.constant 0 : i32
        %dma_wait3A_218 = arith.constant 0 : i32
        %dma_wait3A_219 = tpu.memref_slice %arg7[%dma_wait3A_217, %dma_wait3A_218] : memref<10240x128xf32, #tpu.memory_space<vmem_shared>> -> memref<10240x128xf32, #tpu.memory_space<vmem_shared>>
        tpu.wait_indirect_dma semaphore(%run_scoped3A_207 : memref<!tpu.dma_semaphore, #tpu.memory_space<semaphore_mem>>) src(%arg13 : memref<80x128xf32, #tpu.memory_space<vmem>>) dst(%dma_wait3A_219 : memref<10240x128xf32, #tpu.memory_space<vmem_shared>>)
        tpu.yield
      }) : () -> ()
    }
    %scan3A_43 = arith.constant 12 : i32
    %dma_wait3A = arith.constant 24 : i32
    %dma_wait3A_44 = arith.constant 0 : i32
    %dma_wait3A_45 = tpu.memref_slice %arg8[%dma_wait3A, %dma_wait3A_44] : memref<25x80xi32, #tpu.memory_space<vmem>> -> memref<1x80xi32, #tpu.memory_space<vmem>>
    %dma_wait3A_46 = tpu.memref_squeeze %dma_wait3A_45 : memref<1x80xi32, #tpu.memory_space<vmem>> -> memref<80xi32, #tpu.memory_space<vmem>>
    %dma_wait3A_47 = arith.constant 0 : i32
    %dma_wait3A_48 = arith.constant 0 : i32
    %dma_wait3A_49 = tpu.memref_slice %arg2[%dma_wait3A_47, %dma_wait3A_48] : memref<10000x128xf32, #tpu.memory_space<hbm>> -> memref<10000x128xf32, #tpu.memory_space<hbm>>
    tpu.wait_indirect_dma semaphore(%arg14 : memref<!tpu.dma_semaphore, #tpu.memory_space<semaphore_mem>>) src(%dma_wait3A_49 : memref<10000x128xf32, #tpu.memory_space<hbm>>) dst(%arg12 : memref<80x128xf32, #tpu.memory_space<vmem>>)
    %run_scoped3A_50 = arith.constant 24 : i32
    "tpu.region"() ({
      %run_scoped3A_172 = tpu.sem_alloc : memref<!tpu.dma_semaphore, #tpu.memory_space<semaphore_mem>>
      %dma_start3A_173 = arith.constant 0 : i32
      %dma_start3A_174 = tpu.memref_slice %arg10[%run_scoped3A_50, %dma_start3A_173] : memref<25x80xi32, #tpu.memory_space<vmem>> -> memref<1x80xi32, #tpu.memory_space<vmem>>
      %dma_start3A_175 = tpu.memref_squeeze %dma_start3A_174 : memref<1x80xi32, #tpu.memory_space<vmem>> -> memref<80xi32, #tpu.memory_space<vmem>>
      %dma_start3A_176 = arith.constant 0 : i32
      %dma_start3A_177 = arith.constant 0 : i32
      %dma_start3A_178 = tpu.memref_slice %arg7[%dma_start3A_176, %dma_start3A_177] : memref<10240x128xf32, #tpu.memory_space<vmem_shared>> -> memref<10240x128xf32, #tpu.memory_space<vmem_shared>>
      tpu.enqueue_indirect_dma source(%arg12 : memref<80x128xf32, #tpu.memory_space<vmem>>) target(%dma_start3A_178 : memref<10240x128xf32, #tpu.memory_space<vmem_shared>>) offsets(%dma_start3A_175 : memref<80xi32, #tpu.memory_space<vmem>>) semaphore(%run_scoped3A_172 : memref<!tpu.dma_semaphore, #tpu.memory_space<semaphore_mem>>) {add = true}
      %dma_wait3A_179 = arith.constant 0 : i32
      %dma_wait3A_180 = tpu.memref_slice %arg10[%run_scoped3A_50, %dma_wait3A_179] : memref<25x80xi32, #tpu.memory_space<vmem>> -> memref<1x80xi32, #tpu.memory_space<vmem>>
      %dma_wait3A_181 = tpu.memref_squeeze %dma_wait3A_180 : memref<1x80xi32, #tpu.memory_space<vmem>> -> memref<80xi32, #tpu.memory_space<vmem>>
      %dma_wait3A_182 = arith.constant 0 : i32
      %dma_wait3A_183 = arith.constant 0 : i32
      %dma_wait3A_184 = tpu.memref_slice %arg7[%dma_wait3A_182, %dma_wait3A_183] : memref<10240x128xf32, #tpu.memory_space<vmem_shared>> -> memref<10240x128xf32, #tpu.memory_space<vmem_shared>>
      tpu.wait_indirect_dma semaphore(%run_scoped3A_172 : memref<!tpu.dma_semaphore, #tpu.memory_space<semaphore_mem>>) src(%arg12 : memref<80x128xf32, #tpu.memory_space<vmem>>) dst(%dma_wait3A_184 : memref<10240x128xf32, #tpu.memory_space<vmem_shared>>)
      tpu.yield
    }) : () -> ()
    %run_scoped3A_51 = arith.constant 1 : i32
    "tpu.region"() ({
      %run_scoped3A_172 = tpu.sem_alloc : memref<!tpu.dma_semaphore, #tpu.memory_space<semaphore_mem>>
      %dma_start3A_173 = arith.constant 0 : i32
      %dma_start3A_174 = arith.constant 0 : i32
      %dma_start3A_175 = tpu.memref_slice %arg3[%add3A, %run_scoped3A_51, %dma_start3A_173, %dma_start3A_174] : memref<32x5x25x80xi32, #tpu.memory_space<hbm>> -> memref<1x1x25x80xi32, #tpu.memory_space<hbm>>
      %dma_start3A_176 = tpu.memref_squeeze %dma_start3A_175 : memref<1x1x25x80xi32, #tpu.memory_space<hbm>> -> memref<25x80xi32, #tpu.memory_space<hbm>>
      %dma_start3A_177 = arith.constant 0 : i32
      %dma_start3A_178 = arith.constant 0 : i32
      %dma_start3A_179 = tpu.memref_slice %arg3[%add3A, %run_scoped3A_51, %dma_start3A_177, %dma_start3A_178] : memref<32x5x25x80xi32, #tpu.memory_space<hbm>> -> memref<1x1x25x80xi32, #tpu.memory_space<hbm>>
      %dma_start3A_180 = tpu.memref_squeeze %dma_start3A_179 : memref<1x1x25x80xi32, #tpu.memory_space<hbm>> -> memref<25x80xi32, #tpu.memory_space<hbm>>
      tpu.enqueue_dma source(%dma_start3A_180 : memref<25x80xi32, #tpu.memory_space<hbm>>) target(%arg9 : memref<25x80xi32, #tpu.memory_space<vmem>>) target_semaphore(%run_scoped3A_172 : memref<!tpu.dma_semaphore, #tpu.memory_space<semaphore_mem>>)
      %dma_wait3A_181 = arith.constant 0 : i32
      %dma_wait3A_182 = arith.constant 0 : i32
      %dma_wait3A_183 = tpu.memref_slice %arg3[%add3A, %run_scoped3A_51, %dma_wait3A_181, %dma_wait3A_182] : memref<32x5x25x80xi32, #tpu.memory_space<hbm>> -> memref<1x1x25x80xi32, #tpu.memory_space<hbm>>
      %dma_wait3A_184 = tpu.memref_squeeze %dma_wait3A_183 : memref<1x1x25x80xi32, #tpu.memory_space<hbm>> -> memref<25x80xi32, #tpu.memory_space<hbm>>
      %dma_wait3A_185 = arith.constant 0 : i32
      %dma_wait3A_186 = arith.constant 0 : i32
      %dma_wait3A_187 = tpu.memref_slice %arg3[%add3A, %run_scoped3A_51, %dma_wait3A_185, %dma_wait3A_186] : memref<32x5x25x80xi32, #tpu.memory_space<hbm>> -> memref<1x1x25x80xi32, #tpu.memory_space<hbm>>
      %dma_wait3A_188 = tpu.memref_squeeze %dma_wait3A_187 : memref<1x1x25x80xi32, #tpu.memory_space<hbm>> -> memref<25x80xi32, #tpu.memory_space<hbm>>
      tpu.wait_dma2 semaphore(%run_scoped3A_172 : memref<!tpu.dma_semaphore, #tpu.memory_space<semaphore_mem>>) src(%dma_wait3A_188 : memref<25x80xi32, #tpu.memory_space<hbm>>) dst(%arg9 : memref<25x80xi32, #tpu.memory_space<vmem>>)
      tpu.yield
    }) : () -> ()
    %run_scoped3A_52 = arith.constant 1 : i32
    "tpu.region"() ({
      %run_scoped3A_172 = tpu.sem_alloc : memref<!tpu.dma_semaphore, #tpu.memory_space<semaphore_mem>>
      %dma_start3A_173 = arith.constant 0 : i32
      %dma_start3A_174 = arith.constant 0 : i32
      %dma_start3A_175 = tpu.memref_slice %arg4[%add3A, %run_scoped3A_52, %dma_start3A_173, %dma_start3A_174] : memref<32x5x25x80xi32, #tpu.memory_space<hbm>> -> memref<1x1x25x80xi32, #tpu.memory_space<hbm>>
      %dma_start3A_176 = tpu.memref_squeeze %dma_start3A_175 : memref<1x1x25x80xi32, #tpu.memory_space<hbm>> -> memref<25x80xi32, #tpu.memory_space<hbm>>
      %dma_start3A_177 = arith.constant 0 : i32
      %dma_start3A_178 = arith.constant 0 : i32
      %dma_start3A_179 = tpu.memref_slice %arg4[%add3A, %run_scoped3A_52, %dma_start3A_177, %dma_start3A_178] : memref<32x5x25x80xi32, #tpu.memory_space<hbm>> -> memref<1x1x25x80xi32, #tpu.memory_space<hbm>>
      %dma_start3A_180 = tpu.memref_squeeze %dma_start3A_179 : memref<1x1x25x80xi32, #tpu.memory_space<hbm>> -> memref<25x80xi32, #tpu.memory_space<hbm>>
      tpu.enqueue_dma source(%dma_start3A_180 : memref<25x80xi32, #tpu.memory_space<hbm>>) target(%arg11 : memref<25x80xi32, #tpu.memory_space<vmem>>) target_semaphore(%run_scoped3A_172 : memref<!tpu.dma_semaphore, #tpu.memory_space<semaphore_mem>>)
      %dma_wait3A_181 = arith.constant 0 : i32
      %dma_wait3A_182 = arith.constant 0 : i32
      %dma_wait3A_183 = tpu.memref_slice %arg4[%add3A, %run_scoped3A_52, %dma_wait3A_181, %dma_wait3A_182] : memref<32x5x25x80xi32, #tpu.memory_space<hbm>> -> memref<1x1x25x80xi32, #tpu.memory_space<hbm>>
      %dma_wait3A_184 = tpu.memref_squeeze %dma_wait3A_183 : memref<1x1x25x80xi32, #tpu.memory_space<hbm>> -> memref<25x80xi32, #tpu.memory_space<hbm>>
      %dma_wait3A_185 = arith.constant 0 : i32
      %dma_wait3A_186 = arith.constant 0 : i32
      %dma_wait3A_187 = tpu.memref_slice %arg4[%add3A, %run_scoped3A_52, %dma_wait3A_185, %dma_wait3A_186] : memref<32x5x25x80xi32, #tpu.memory_space<hbm>> -> memref<1x1x25x80xi32, #tpu.memory_space<hbm>>
      %dma_wait3A_188 = tpu.memref_squeeze %dma_wait3A_187 : memref<1x1x25x80xi32, #tpu.memory_space<hbm>> -> memref<25x80xi32, #tpu.memory_space<hbm>>
      tpu.wait_dma2 semaphore(%run_scoped3A_172 : memref<!tpu.dma_semaphore, #tpu.memory_space<semaphore_mem>>) src(%dma_wait3A_188 : memref<25x80xi32, #tpu.memory_space<hbm>>) dst(%arg11 : memref<25x80xi32, #tpu.memory_space<vmem>>)
      tpu.yield
    }) : () -> ()
    %dma_start3A_53 = arith.constant 0 : i32
    %dma_start3A_54 = arith.constant 0 : i32
    %dma_start3A_55 = tpu.memref_slice %arg9[%dma_start3A_53, %dma_start3A_54] : memref<25x80xi32, #tpu.memory_space<vmem>> -> memref<1x80xi32, #tpu.memory_space<vmem>>
    %dma_start3A_56 = tpu.memref_squeeze %dma_start3A_55 : memref<1x80xi32, #tpu.memory_space<vmem>> -> memref<80xi32, #tpu.memory_space<vmem>>
    %dma_start3A_57 = arith.constant 0 : i32
    %dma_start3A_58 = arith.constant 0 : i32
    %dma_start3A_59 = tpu.memref_slice %arg2[%dma_start3A_57, %dma_start3A_58] : memref<10000x128xf32, #tpu.memory_space<hbm>> -> memref<10000x128xf32, #tpu.memory_space<hbm>>
    tpu.enqueue_indirect_dma source(%dma_start3A_59 : memref<10000x128xf32, #tpu.memory_space<hbm>>) target(%arg12 : memref<80x128xf32, #tpu.memory_space<vmem>>) offsets(%dma_start3A_56 : memref<80xi32, #tpu.memory_space<vmem>>) semaphore(%arg14 : memref<!tpu.dma_semaphore, #tpu.memory_space<semaphore_mem>>)
    %scan3A_60 = arith.constant 0 : i32
    %scan3A_61 = arith.constant 12 : i32
    %scan3A_62 = arith.addi %scan3A_60, %scan3A_61 : i32
    %scan3A_63 = arith.constant 1 : i32
    scf.for %scan3A_172 = %scan3A_60 to %scan3A_62 step %scan3A_63  : i32 {
      %mul3A_173 = arith.constant 2 : i32
      %mul3A_174 = arith.muli %mul3A_173, %scan3A_172 : i32
      %add3A_175 = arith.constant 1 : i32
      %add3A_176 = arith.addi %mul3A_174, %add3A_175 : i32
      %dma_start3A_177 = arith.constant 0 : i32
      %dma_start3A_178 = tpu.memref_slice %arg9[%add3A_176, %dma_start3A_177] : memref<25x80xi32, #tpu.memory_space<vmem>> -> memref<1x80xi32, #tpu.memory_space<vmem>>
      %dma_start3A_179 = tpu.memref_squeeze %dma_start3A_178 : memref<1x80xi32, #tpu.memory_space<vmem>> -> memref<80xi32, #tpu.memory_space<vmem>>
      %dma_start3A_180 = arith.constant 0 : i32
      %dma_start3A_181 = arith.constant 0 : i32
      %dma_start3A_182 = tpu.memref_slice %arg2[%dma_start3A_180, %dma_start3A_181] : memref<10000x128xf32, #tpu.memory_space<hbm>> -> memref<10000x128xf32, #tpu.memory_space<hbm>>
      tpu.enqueue_indirect_dma source(%dma_start3A_182 : memref<10000x128xf32, #tpu.memory_space<hbm>>) target(%arg13 : memref<80x128xf32, #tpu.memory_space<vmem>>) offsets(%dma_start3A_179 : memref<80xi32, #tpu.memory_space<vmem>>) semaphore(%arg15 : memref<!tpu.dma_semaphore, #tpu.memory_space<semaphore_mem>>)
      %mul3A_183 = arith.constant 2 : i32
      %mul3A_184 = arith.muli %mul3A_183, %scan3A_172 : i32
      %dma_wait3A_185 = arith.constant 0 : i32
      %dma_wait3A_186 = tpu.memref_slice %arg9[%mul3A_184, %dma_wait3A_185] : memref<25x80xi32, #tpu.memory_space<vmem>> -> memref<1x80xi32, #tpu.memory_space<vmem>>
      %dma_wait3A_187 = tpu.memref_squeeze %dma_wait3A_186 : memref<1x80xi32, #tpu.memory_space<vmem>> -> memref<80xi32, #tpu.memory_space<vmem>>
      %dma_wait3A_188 = arith.constant 0 : i32
      %dma_wait3A_189 = arith.constant 0 : i32
      %dma_wait3A_190 = tpu.memref_slice %arg2[%dma_wait3A_188, %dma_wait3A_189] : memref<10000x128xf32, #tpu.memory_space<hbm>> -> memref<10000x128xf32, #tpu.memory_space<hbm>>
      tpu.wait_indirect_dma semaphore(%arg14 : memref<!tpu.dma_semaphore, #tpu.memory_space<semaphore_mem>>) src(%dma_wait3A_190 : memref<10000x128xf32, #tpu.memory_space<hbm>>) dst(%arg12 : memref<80x128xf32, #tpu.memory_space<vmem>>)
      %mul3A_191 = arith.constant 2 : i32
      %mul3A_192 = arith.muli %mul3A_191, %scan3A_172 : i32
      "tpu.region"() ({
        %run_scoped3A_207 = tpu.sem_alloc : memref<!tpu.dma_semaphore, #tpu.memory_space<semaphore_mem>>
        %dma_start3A_208 = arith.constant 0 : i32
        %dma_start3A_209 = tpu.memref_slice %arg11[%mul3A_192, %dma_start3A_208] : memref<25x80xi32, #tpu.memory_space<vmem>> -> memref<1x80xi32, #tpu.memory_space<vmem>>
        %dma_start3A_210 = tpu.memref_squeeze %dma_start3A_209 : memref<1x80xi32, #tpu.memory_space<vmem>> -> memref<80xi32, #tpu.memory_space<vmem>>
        %dma_start3A_211 = arith.constant 0 : i32
        %dma_start3A_212 = arith.constant 0 : i32
        %dma_start3A_213 = tpu.memref_slice %arg7[%dma_start3A_211, %dma_start3A_212] : memref<10240x128xf32, #tpu.memory_space<vmem_shared>> -> memref<10240x128xf32, #tpu.memory_space<vmem_shared>>
        tpu.enqueue_indirect_dma source(%arg12 : memref<80x128xf32, #tpu.memory_space<vmem>>) target(%dma_start3A_213 : memref<10240x128xf32, #tpu.memory_space<vmem_shared>>) offsets(%dma_start3A_210 : memref<80xi32, #tpu.memory_space<vmem>>) semaphore(%run_scoped3A_207 : memref<!tpu.dma_semaphore, #tpu.memory_space<semaphore_mem>>) {add = true}
        %dma_wait3A_214 = arith.constant 0 : i32
        %dma_wait3A_215 = tpu.memref_slice %arg11[%mul3A_192, %dma_wait3A_214] : memref<25x80xi32, #tpu.memory_space<vmem>> -> memref<1x80xi32, #tpu.memory_space<vmem>>
        %dma_wait3A_216 = tpu.memref_squeeze %dma_wait3A_215 : memref<1x80xi32, #tpu.memory_space<vmem>> -> memref<80xi32, #tpu.memory_space<vmem>>
        %dma_wait3A_217 = arith.constant 0 : i32
        %dma_wait3A_218 = arith.constant 0 : i32
        %dma_wait3A_219 = tpu.memref_slice %arg7[%dma_wait3A_217, %dma_wait3A_218] : memref<10240x128xf32, #tpu.memory_space<vmem_shared>> -> memref<10240x128xf32, #tpu.memory_space<vmem_shared>>
        tpu.wait_indirect_dma semaphore(%run_scoped3A_207 : memref<!tpu.dma_semaphore, #tpu.memory_space<semaphore_mem>>) src(%arg12 : memref<80x128xf32, #tpu.memory_space<vmem>>) dst(%dma_wait3A_219 : memref<10240x128xf32, #tpu.memory_space<vmem_shared>>)
        tpu.yield
      }) : () -> ()
      %add3A_193 = arith.constant 1 : i32
      %add3A_194 = arith.addi %add3A_176, %add3A_193 : i32
      %dma_start3A_195 = arith.constant 0 : i32
      %dma_start3A_196 = tpu.memref_slice %arg9[%add3A_194, %dma_start3A_195] : memref<25x80xi32, #tpu.memory_space<vmem>> -> memref<1x80xi32, #tpu.memory_space<vmem>>
      %dma_start3A_197 = tpu.memref_squeeze %dma_start3A_196 : memref<1x80xi32, #tpu.memory_space<vmem>> -> memref<80xi32, #tpu.memory_space<vmem>>
      %dma_start3A_198 = arith.constant 0 : i32
      %dma_start3A_199 = arith.constant 0 : i32
      %dma_start3A_200 = tpu.memref_slice %arg2[%dma_start3A_198, %dma_start3A_199] : memref<10000x128xf32, #tpu.memory_space<hbm>> -> memref<10000x128xf32, #tpu.memory_space<hbm>>
      tpu.enqueue_indirect_dma source(%dma_start3A_200 : memref<10000x128xf32, #tpu.memory_space<hbm>>) target(%arg12 : memref<80x128xf32, #tpu.memory_space<vmem>>) offsets(%dma_start3A_197 : memref<80xi32, #tpu.memory_space<vmem>>) semaphore(%arg14 : memref<!tpu.dma_semaphore, #tpu.memory_space<semaphore_mem>>)
      %dma_wait3A_201 = arith.constant 0 : i32
      %dma_wait3A_202 = tpu.memref_slice %arg9[%add3A_176, %dma_wait3A_201] : memref<25x80xi32, #tpu.memory_space<vmem>> -> memref<1x80xi32, #tpu.memory_space<vmem>>
      %dma_wait3A_203 = tpu.memref_squeeze %dma_wait3A_202 : memref<1x80xi32, #tpu.memory_space<vmem>> -> memref<80xi32, #tpu.memory_space<vmem>>
      %dma_wait3A_204 = arith.constant 0 : i32
      %dma_wait3A_205 = arith.constant 0 : i32
      %dma_wait3A_206 = tpu.memref_slice %arg2[%dma_wait3A_204, %dma_wait3A_205] : memref<10000x128xf32, #tpu.memory_space<hbm>> -> memref<10000x128xf32, #tpu.memory_space<hbm>>
      tpu.wait_indirect_dma semaphore(%arg15 : memref<!tpu.dma_semaphore, #tpu.memory_space<semaphore_mem>>) src(%dma_wait3A_206 : memref<10000x128xf32, #tpu.memory_space<hbm>>) dst(%arg13 : memref<80x128xf32, #tpu.memory_space<vmem>>)
      "tpu.region"() ({
        %run_scoped3A_207 = tpu.sem_alloc : memref<!tpu.dma_semaphore, #tpu.memory_space<semaphore_mem>>
        %dma_start3A_208 = arith.constant 0 : i32
        %dma_start3A_209 = tpu.memref_slice %arg11[%add3A_176, %dma_start3A_208] : memref<25x80xi32, #tpu.memory_space<vmem>> -> memref<1x80xi32, #tpu.memory_space<vmem>>
        %dma_start3A_210 = tpu.memref_squeeze %dma_start3A_209 : memref<1x80xi32, #tpu.memory_space<vmem>> -> memref<80xi32, #tpu.memory_space<vmem>>
        %dma_start3A_211 = arith.constant 0 : i32
        %dma_start3A_212 = arith.constant 0 : i32
        %dma_start3A_213 = tpu.memref_slice %arg7[%dma_start3A_211, %dma_start3A_212] : memref<10240x128xf32, #tpu.memory_space<vmem_shared>> -> memref<10240x128xf32, #tpu.memory_space<vmem_shared>>
        tpu.enqueue_indirect_dma source(%arg13 : memref<80x128xf32, #tpu.memory_space<vmem>>) target(%dma_start3A_213 : memref<10240x128xf32, #tpu.memory_space<vmem_shared>>) offsets(%dma_start3A_210 : memref<80xi32, #tpu.memory_space<vmem>>) semaphore(%run_scoped3A_207 : memref<!tpu.dma_semaphore, #tpu.memory_space<semaphore_mem>>) {add = true}
        %dma_wait3A_214 = arith.constant 0 : i32
        %dma_wait3A_215 = tpu.memref_slice %arg11[%add3A_176, %dma_wait3A_214] : memref<25x80xi32, #tpu.memory_space<vmem>> -> memref<1x80xi32, #tpu.memory_space<vmem>>
        %dma_wait3A_216 = tpu.memref_squeeze %dma_wait3A_215 : memref<1x80xi32, #tpu.memory_space<vmem>> -> memref<80xi32, #tpu.memory_space<vmem>>
        %dma_wait3A_217 = arith.constant 0 : i32
        %dma_wait3A_218 = arith.constant 0 : i32
        %dma_wait3A_219 = tpu.memref_slice %arg7[%dma_wait3A_217, %dma_wait3A_218] : memref<10240x128xf32, #tpu.memory_space<vmem_shared>> -> memref<10240x128xf32, #tpu.memory_space<vmem_shared>>
        tpu.wait_indirect_dma semaphore(%run_scoped3A_207 : memref<!tpu.dma_semaphore, #tpu.memory_space<semaphore_mem>>) src(%arg13 : memref<80x128xf32, #tpu.memory_space<vmem>>) dst(%dma_wait3A_219 : memref<10240x128xf32, #tpu.memory_space<vmem_shared>>)
        tpu.yield
      }) : () -> ()
    }
    %scan3A_64 = arith.constant 12 : i32
    %dma_wait3A_65 = arith.constant 24 : i32
    %dma_wait3A_66 = arith.constant 0 : i32
    %dma_wait3A_67 = tpu.memref_slice %arg9[%dma_wait3A_65, %dma_wait3A_66] : memref<25x80xi32, #tpu.memory_space<vmem>> -> memref<1x80xi32, #tpu.memory_space<vmem>>
    %dma_wait3A_68 = tpu.memref_squeeze %dma_wait3A_67 : memref<1x80xi32, #tpu.memory_space<vmem>> -> memref<80xi32, #tpu.memory_space<vmem>>
    %dma_wait3A_69 = arith.constant 0 : i32
    %dma_wait3A_70 = arith.constant 0 : i32
    %dma_wait3A_71 = tpu.memref_slice %arg2[%dma_wait3A_69, %dma_wait3A_70] : memref<10000x128xf32, #tpu.memory_space<hbm>> -> memref<10000x128xf32, #tpu.memory_space<hbm>>
    tpu.wait_indirect_dma semaphore(%arg14 : memref<!tpu.dma_semaphore, #tpu.memory_space<semaphore_mem>>) src(%dma_wait3A_71 : memref<10000x128xf32, #tpu.memory_space<hbm>>) dst(%arg12 : memref<80x128xf32, #tpu.memory_space<vmem>>)
    %run_scoped3A_72 = arith.constant 24 : i32
    "tpu.region"() ({
      %run_scoped3A_172 = tpu.sem_alloc : memref<!tpu.dma_semaphore, #tpu.memory_space<semaphore_mem>>
      %dma_start3A_173 = arith.constant 0 : i32
      %dma_start3A_174 = tpu.memref_slice %arg11[%run_scoped3A_72, %dma_start3A_173] : memref<25x80xi32, #tpu.memory_space<vmem>> -> memref<1x80xi32, #tpu.memory_space<vmem>>
      %dma_start3A_175 = tpu.memref_squeeze %dma_start3A_174 : memref<1x80xi32, #tpu.memory_space<vmem>> -> memref<80xi32, #tpu.memory_space<vmem>>
      %dma_start3A_176 = arith.constant 0 : i32
      %dma_start3A_177 = arith.constant 0 : i32
      %dma_start3A_178 = tpu.memref_slice %arg7[%dma_start3A_176, %dma_start3A_177] : memref<10240x128xf32, #tpu.memory_space<vmem_shared>> -> memref<10240x128xf32, #tpu.memory_space<vmem_shared>>
      tpu.enqueue_indirect_dma source(%arg12 : memref<80x128xf32, #tpu.memory_space<vmem>>) target(%dma_start3A_178 : memref<10240x128xf32, #tpu.memory_space<vmem_shared>>) offsets(%dma_start3A_175 : memref<80xi32, #tpu.memory_space<vmem>>) semaphore(%run_scoped3A_172 : memref<!tpu.dma_semaphore, #tpu.memory_space<semaphore_mem>>) {add = true}
      %dma_wait3A_179 = arith.constant 0 : i32
      %dma_wait3A_180 = tpu.memref_slice %arg11[%run_scoped3A_72, %dma_wait3A_179] : memref<25x80xi32, #tpu.memory_space<vmem>> -> memref<1x80xi32, #tpu.memory_space<vmem>>
      %dma_wait3A_181 = tpu.memref_squeeze %dma_wait3A_180 : memref<1x80xi32, #tpu.memory_space<vmem>> -> memref<80xi32, #tpu.memory_space<vmem>>
      %dma_wait3A_182 = arith.constant 0 : i32
      %dma_wait3A_183 = arith.constant 0 : i32
      %dma_wait3A_184 = tpu.memref_slice %arg7[%dma_wait3A_182, %dma_wait3A_183] : memref<10240x128xf32, #tpu.memory_space<vmem_shared>> -> memref<10240x128xf32, #tpu.memory_space<vmem_shared>>
      tpu.wait_indirect_dma semaphore(%run_scoped3A_172 : memref<!tpu.dma_semaphore, #tpu.memory_space<semaphore_mem>>) src(%arg12 : memref<80x128xf32, #tpu.memory_space<vmem>>) dst(%dma_wait3A_184 : memref<10240x128xf32, #tpu.memory_space<vmem_shared>>)
      tpu.yield
    }) : () -> ()
    %run_scoped3A_73 = arith.constant 2 : i32
    "tpu.region"() ({
      %run_scoped3A_172 = tpu.sem_alloc : memref<!tpu.dma_semaphore, #tpu.memory_space<semaphore_mem>>
      %dma_start3A_173 = arith.constant 0 : i32
      %dma_start3A_174 = arith.constant 0 : i32
      %dma_start3A_175 = tpu.memref_slice %arg3[%add3A, %run_scoped3A_73, %dma_start3A_173, %dma_start3A_174] : memref<32x5x25x80xi32, #tpu.memory_space<hbm>> -> memref<1x1x25x80xi32, #tpu.memory_space<hbm>>
      %dma_start3A_176 = tpu.memref_squeeze %dma_start3A_175 : memref<1x1x25x80xi32, #tpu.memory_space<hbm>> -> memref<25x80xi32, #tpu.memory_space<hbm>>
      %dma_start3A_177 = arith.constant 0 : i32
      %dma_start3A_178 = arith.constant 0 : i32
      %dma_start3A_179 = tpu.memref_slice %arg3[%add3A, %run_scoped3A_73, %dma_start3A_177, %dma_start3A_178] : memref<32x5x25x80xi32, #tpu.memory_space<hbm>> -> memref<1x1x25x80xi32, #tpu.memory_space<hbm>>
      %dma_start3A_180 = tpu.memref_squeeze %dma_start3A_179 : memref<1x1x25x80xi32, #tpu.memory_space<hbm>> -> memref<25x80xi32, #tpu.memory_space<hbm>>
      tpu.enqueue_dma source(%dma_start3A_180 : memref<25x80xi32, #tpu.memory_space<hbm>>) target(%arg8 : memref<25x80xi32, #tpu.memory_space<vmem>>) target_semaphore(%run_scoped3A_172 : memref<!tpu.dma_semaphore, #tpu.memory_space<semaphore_mem>>)
      %dma_wait3A_181 = arith.constant 0 : i32
      %dma_wait3A_182 = arith.constant 0 : i32
      %dma_wait3A_183 = tpu.memref_slice %arg3[%add3A, %run_scoped3A_73, %dma_wait3A_181, %dma_wait3A_182] : memref<32x5x25x80xi32, #tpu.memory_space<hbm>> -> memref<1x1x25x80xi32, #tpu.memory_space<hbm>>
      %dma_wait3A_184 = tpu.memref_squeeze %dma_wait3A_183 : memref<1x1x25x80xi32, #tpu.memory_space<hbm>> -> memref<25x80xi32, #tpu.memory_space<hbm>>
      %dma_wait3A_185 = arith.constant 0 : i32
      %dma_wait3A_186 = arith.constant 0 : i32
      %dma_wait3A_187 = tpu.memref_slice %arg3[%add3A, %run_scoped3A_73, %dma_wait3A_185, %dma_wait3A_186] : memref<32x5x25x80xi32, #tpu.memory_space<hbm>> -> memref<1x1x25x80xi32, #tpu.memory_space<hbm>>
      %dma_wait3A_188 = tpu.memref_squeeze %dma_wait3A_187 : memref<1x1x25x80xi32, #tpu.memory_space<hbm>> -> memref<25x80xi32, #tpu.memory_space<hbm>>
      tpu.wait_dma2 semaphore(%run_scoped3A_172 : memref<!tpu.dma_semaphore, #tpu.memory_space<semaphore_mem>>) src(%dma_wait3A_188 : memref<25x80xi32, #tpu.memory_space<hbm>>) dst(%arg8 : memref<25x80xi32, #tpu.memory_space<vmem>>)
      tpu.yield
    }) : () -> ()
    %run_scoped3A_74 = arith.constant 2 : i32
    "tpu.region"() ({
      %run_scoped3A_172 = tpu.sem_alloc : memref<!tpu.dma_semaphore, #tpu.memory_space<semaphore_mem>>
      %dma_start3A_173 = arith.constant 0 : i32
      %dma_start3A_174 = arith.constant 0 : i32
      %dma_start3A_175 = tpu.memref_slice %arg4[%add3A, %run_scoped3A_74, %dma_start3A_173, %dma_start3A_174] : memref<32x5x25x80xi32, #tpu.memory_space<hbm>> -> memref<1x1x25x80xi32, #tpu.memory_space<hbm>>
      %dma_start3A_176 = tpu.memref_squeeze %dma_start3A_175 : memref<1x1x25x80xi32, #tpu.memory_space<hbm>> -> memref<25x80xi32, #tpu.memory_space<hbm>>
      %dma_start3A_177 = arith.constant 0 : i32
      %dma_start3A_178 = arith.constant 0 : i32
      %dma_start3A_179 = tpu.memref_slice %arg4[%add3A, %run_scoped3A_74, %dma_start3A_177, %dma_start3A_178] : memref<32x5x25x80xi32, #tpu.memory_space<hbm>> -> memref<1x1x25x80xi32, #tpu.memory_space<hbm>>
      %dma_start3A_180 = tpu.memref_squeeze %dma_start3A_179 : memref<1x1x25x80xi32, #tpu.memory_space<hbm>> -> memref<25x80xi32, #tpu.memory_space<hbm>>
      tpu.enqueue_dma source(%dma_start3A_180 : memref<25x80xi32, #tpu.memory_space<hbm>>) target(%arg10 : memref<25x80xi32, #tpu.memory_space<vmem>>) target_semaphore(%run_scoped3A_172 : memref<!tpu.dma_semaphore, #tpu.memory_space<semaphore_mem>>)
      %dma_wait3A_181 = arith.constant 0 : i32
      %dma_wait3A_182 = arith.constant 0 : i32
      %dma_wait3A_183 = tpu.memref_slice %arg4[%add3A, %run_scoped3A_74, %dma_wait3A_181, %dma_wait3A_182] : memref<32x5x25x80xi32, #tpu.memory_space<hbm>> -> memref<1x1x25x80xi32, #tpu.memory_space<hbm>>
      %dma_wait3A_184 = tpu.memref_squeeze %dma_wait3A_183 : memref<1x1x25x80xi32, #tpu.memory_space<hbm>> -> memref<25x80xi32, #tpu.memory_space<hbm>>
      %dma_wait3A_185 = arith.constant 0 : i32
      %dma_wait3A_186 = arith.constant 0 : i32
      %dma_wait3A_187 = tpu.memref_slice %arg4[%add3A, %run_scoped3A_74, %dma_wait3A_185, %dma_wait3A_186] : memref<32x5x25x80xi32, #tpu.memory_space<hbm>> -> memref<1x1x25x80xi32, #tpu.memory_space<hbm>>
      %dma_wait3A_188 = tpu.memref_squeeze %dma_wait3A_187 : memref<1x1x25x80xi32, #tpu.memory_space<hbm>> -> memref<25x80xi32, #tpu.memory_space<hbm>>
      tpu.wait_dma2 semaphore(%run_scoped3A_172 : memref<!tpu.dma_semaphore, #tpu.memory_space<semaphore_mem>>) src(%dma_wait3A_188 : memref<25x80xi32, #tpu.memory_space<hbm>>) dst(%arg10 : memref<25x80xi32, #tpu.memory_space<vmem>>)
      tpu.yield
    }) : () -> ()
    %dma_start3A_75 = arith.constant 0 : i32
    %dma_start3A_76 = arith.constant 0 : i32
    %dma_start3A_77 = tpu.memref_slice %arg8[%dma_start3A_75, %dma_start3A_76] : memref<25x80xi32, #tpu.memory_space<vmem>> -> memref<1x80xi32, #tpu.memory_space<vmem>>
    %dma_start3A_78 = tpu.memref_squeeze %dma_start3A_77 : memref<1x80xi32, #tpu.memory_space<vmem>> -> memref<80xi32, #tpu.memory_space<vmem>>
    %dma_start3A_79 = arith.constant 0 : i32
    %dma_start3A_80 = arith.constant 0 : i32
    %dma_start3A_81 = tpu.memref_slice %arg2[%dma_start3A_79, %dma_start3A_80] : memref<10000x128xf32, #tpu.memory_space<hbm>> -> memref<10000x128xf32, #tpu.memory_space<hbm>>
    tpu.enqueue_indirect_dma source(%dma_start3A_81 : memref<10000x128xf32, #tpu.memory_space<hbm>>) target(%arg12 : memref<80x128xf32, #tpu.memory_space<vmem>>) offsets(%dma_start3A_78 : memref<80xi32, #tpu.memory_space<vmem>>) semaphore(%arg14 : memref<!tpu.dma_semaphore, #tpu.memory_space<semaphore_mem>>)
    %scan3A_82 = arith.constant 0 : i32
    %scan3A_83 = arith.constant 12 : i32
    %scan3A_84 = arith.addi %scan3A_82, %scan3A_83 : i32
    %scan3A_85 = arith.constant 1 : i32
    scf.for %scan3A_172 = %scan3A_82 to %scan3A_84 step %scan3A_85  : i32 {
      %mul3A_173 = arith.constant 2 : i32
      %mul3A_174 = arith.muli %mul3A_173, %scan3A_172 : i32
      %add3A_175 = arith.constant 1 : i32
      %add3A_176 = arith.addi %mul3A_174, %add3A_175 : i32
      %dma_start3A_177 = arith.constant 0 : i32
      %dma_start3A_178 = tpu.memref_slice %arg8[%add3A_176, %dma_start3A_177] : memref<25x80xi32, #tpu.memory_space<vmem>> -> memref<1x80xi32, #tpu.memory_space<vmem>>
      %dma_start3A_179 = tpu.memref_squeeze %dma_start3A_178 : memref<1x80xi32, #tpu.memory_space<vmem>> -> memref<80xi32, #tpu.memory_space<vmem>>
      %dma_start3A_180 = arith.constant 0 : i32
      %dma_start3A_181 = arith.constant 0 : i32
      %dma_start3A_182 = tpu.memref_slice %arg2[%dma_start3A_180, %dma_start3A_181] : memref<10000x128xf32, #tpu.memory_space<hbm>> -> memref<10000x128xf32, #tpu.memory_space<hbm>>
      tpu.enqueue_indirect_dma source(%dma_start3A_182 : memref<10000x128xf32, #tpu.memory_space<hbm>>) target(%arg13 : memref<80x128xf32, #tpu.memory_space<vmem>>) offsets(%dma_start3A_179 : memref<80xi32, #tpu.memory_space<vmem>>) semaphore(%arg15 : memref<!tpu.dma_semaphore, #tpu.memory_space<semaphore_mem>>)
      %mul3A_183 = arith.constant 2 : i32
      %mul3A_184 = arith.muli %mul3A_183, %scan3A_172 : i32
      %dma_wait3A_185 = arith.constant 0 : i32
      %dma_wait3A_186 = tpu.memref_slice %arg8[%mul3A_184, %dma_wait3A_185] : memref<25x80xi32, #tpu.memory_space<vmem>> -> memref<1x80xi32, #tpu.memory_space<vmem>>
      %dma_wait3A_187 = tpu.memref_squeeze %dma_wait3A_186 : memref<1x80xi32, #tpu.memory_space<vmem>> -> memref<80xi32, #tpu.memory_space<vmem>>
      %dma_wait3A_188 = arith.constant 0 : i32
      %dma_wait3A_189 = arith.constant 0 : i32
      %dma_wait3A_190 = tpu.memref_slice %arg2[%dma_wait3A_188, %dma_wait3A_189] : memref<10000x128xf32, #tpu.memory_space<hbm>> -> memref<10000x128xf32, #tpu.memory_space<hbm>>
      tpu.wait_indirect_dma semaphore(%arg14 : memref<!tpu.dma_semaphore, #tpu.memory_space<semaphore_mem>>) src(%dma_wait3A_190 : memref<10000x128xf32, #tpu.memory_space<hbm>>) dst(%arg12 : memref<80x128xf32, #tpu.memory_space<vmem>>)
      %mul3A_191 = arith.constant 2 : i32
      %mul3A_192 = arith.muli %mul3A_191, %scan3A_172 : i32
      "tpu.region"() ({
        %run_scoped3A_207 = tpu.sem_alloc : memref<!tpu.dma_semaphore, #tpu.memory_space<semaphore_mem>>
        %dma_start3A_208 = arith.constant 0 : i32
        %dma_start3A_209 = tpu.memref_slice %arg10[%mul3A_192, %dma_start3A_208] : memref<25x80xi32, #tpu.memory_space<vmem>> -> memref<1x80xi32, #tpu.memory_space<vmem>>
        %dma_start3A_210 = tpu.memref_squeeze %dma_start3A_209 : memref<1x80xi32, #tpu.memory_space<vmem>> -> memref<80xi32, #tpu.memory_space<vmem>>
        %dma_start3A_211 = arith.constant 0 : i32
        %dma_start3A_212 = arith.constant 0 : i32
        %dma_start3A_213 = tpu.memref_slice %arg7[%dma_start3A_211, %dma_start3A_212] : memref<10240x128xf32, #tpu.memory_space<vmem_shared>> -> memref<10240x128xf32, #tpu.memory_space<vmem_shared>>
        tpu.enqueue_indirect_dma source(%arg12 : memref<80x128xf32, #tpu.memory_space<vmem>>) target(%dma_start3A_213 : memref<10240x128xf32, #tpu.memory_space<vmem_shared>>) offsets(%dma_start3A_210 : memref<80xi32, #tpu.memory_space<vmem>>) semaphore(%run_scoped3A_207 : memref<!tpu.dma_semaphore, #tpu.memory_space<semaphore_mem>>) {add = true}
        %dma_wait3A_214 = arith.constant 0 : i32
        %dma_wait3A_215 = tpu.memref_slice %arg10[%mul3A_192, %dma_wait3A_214] : memref<25x80xi32, #tpu.memory_space<vmem>> -> memref<1x80xi32, #tpu.memory_space<vmem>>
        %dma_wait3A_216 = tpu.memref_squeeze %dma_wait3A_215 : memref<1x80xi32, #tpu.memory_space<vmem>> -> memref<80xi32, #tpu.memory_space<vmem>>
        %dma_wait3A_217 = arith.constant 0 : i32
        %dma_wait3A_218 = arith.constant 0 : i32
        %dma_wait3A_219 = tpu.memref_slice %arg7[%dma_wait3A_217, %dma_wait3A_218] : memref<10240x128xf32, #tpu.memory_space<vmem_shared>> -> memref<10240x128xf32, #tpu.memory_space<vmem_shared>>
        tpu.wait_indirect_dma semaphore(%run_scoped3A_207 : memref<!tpu.dma_semaphore, #tpu.memory_space<semaphore_mem>>) src(%arg12 : memref<80x128xf32, #tpu.memory_space<vmem>>) dst(%dma_wait3A_219 : memref<10240x128xf32, #tpu.memory_space<vmem_shared>>)
        tpu.yield
      }) : () -> ()
      %add3A_193 = arith.constant 1 : i32
      %add3A_194 = arith.addi %add3A_176, %add3A_193 : i32
      %dma_start3A_195 = arith.constant 0 : i32
      %dma_start3A_196 = tpu.memref_slice %arg8[%add3A_194, %dma_start3A_195] : memref<25x80xi32, #tpu.memory_space<vmem>> -> memref<1x80xi32, #tpu.memory_space<vmem>>
      %dma_start3A_197 = tpu.memref_squeeze %dma_start3A_196 : memref<1x80xi32, #tpu.memory_space<vmem>> -> memref<80xi32, #tpu.memory_space<vmem>>
      %dma_start3A_198 = arith.constant 0 : i32
      %dma_start3A_199 = arith.constant 0 : i32
      %dma_start3A_200 = tpu.memref_slice %arg2[%dma_start3A_198, %dma_start3A_199] : memref<10000x128xf32, #tpu.memory_space<hbm>> -> memref<10000x128xf32, #tpu.memory_space<hbm>>
      tpu.enqueue_indirect_dma source(%dma_start3A_200 : memref<10000x128xf32, #tpu.memory_space<hbm>>) target(%arg12 : memref<80x128xf32, #tpu.memory_space<vmem>>) offsets(%dma_start3A_197 : memref<80xi32, #tpu.memory_space<vmem>>) semaphore(%arg14 : memref<!tpu.dma_semaphore, #tpu.memory_space<semaphore_mem>>)
      %dma_wait3A_201 = arith.constant 0 : i32
      %dma_wait3A_202 = tpu.memref_slice %arg8[%add3A_176, %dma_wait3A_201] : memref<25x80xi32, #tpu.memory_space<vmem>> -> memref<1x80xi32, #tpu.memory_space<vmem>>
      %dma_wait3A_203 = tpu.memref_squeeze %dma_wait3A_202 : memref<1x80xi32, #tpu.memory_space<vmem>> -> memref<80xi32, #tpu.memory_space<vmem>>
      %dma_wait3A_204 = arith.constant 0 : i32
      %dma_wait3A_205 = arith.constant 0 : i32
      %dma_wait3A_206 = tpu.memref_slice %arg2[%dma_wait3A_204, %dma_wait3A_205] : memref<10000x128xf32, #tpu.memory_space<hbm>> -> memref<10000x128xf32, #tpu.memory_space<hbm>>
      tpu.wait_indirect_dma semaphore(%arg15 : memref<!tpu.dma_semaphore, #tpu.memory_space<semaphore_mem>>) src(%dma_wait3A_206 : memref<10000x128xf32, #tpu.memory_space<hbm>>) dst(%arg13 : memref<80x128xf32, #tpu.memory_space<vmem>>)
      "tpu.region"() ({
        %run_scoped3A_207 = tpu.sem_alloc : memref<!tpu.dma_semaphore, #tpu.memory_space<semaphore_mem>>
        %dma_start3A_208 = arith.constant 0 : i32
        %dma_start3A_209 = tpu.memref_slice %arg10[%add3A_176, %dma_start3A_208] : memref<25x80xi32, #tpu.memory_space<vmem>> -> memref<1x80xi32, #tpu.memory_space<vmem>>
        %dma_start3A_210 = tpu.memref_squeeze %dma_start3A_209 : memref<1x80xi32, #tpu.memory_space<vmem>> -> memref<80xi32, #tpu.memory_space<vmem>>
        %dma_start3A_211 = arith.constant 0 : i32
        %dma_start3A_212 = arith.constant 0 : i32
        %dma_start3A_213 = tpu.memref_slice %arg7[%dma_start3A_211, %dma_start3A_212] : memref<10240x128xf32, #tpu.memory_space<vmem_shared>> -> memref<10240x128xf32, #tpu.memory_space<vmem_shared>>
        tpu.enqueue_indirect_dma source(%arg13 : memref<80x128xf32, #tpu.memory_space<vmem>>) target(%dma_start3A_213 : memref<10240x128xf32, #tpu.memory_space<vmem_shared>>) offsets(%dma_start3A_210 : memref<80xi32, #tpu.memory_space<vmem>>) semaphore(%run_scoped3A_207 : memref<!tpu.dma_semaphore, #tpu.memory_space<semaphore_mem>>) {add = true}
        %dma_wait3A_214 = arith.constant 0 : i32
        %dma_wait3A_215 = tpu.memref_slice %arg10[%add3A_176, %dma_wait3A_214] : memref<25x80xi32, #tpu.memory_space<vmem>> -> memref<1x80xi32, #tpu.memory_space<vmem>>
        %dma_wait3A_216 = tpu.memref_squeeze %dma_wait3A_215 : memref<1x80xi32, #tpu.memory_space<vmem>> -> memref<80xi32, #tpu.memory_space<vmem>>
        %dma_wait3A_217 = arith.constant 0 : i32
        %dma_wait3A_218 = arith.constant 0 : i32
        %dma_wait3A_219 = tpu.memref_slice %arg7[%dma_wait3A_217, %dma_wait3A_218] : memref<10240x128xf32, #tpu.memory_space<vmem_shared>> -> memref<10240x128xf32, #tpu.memory_space<vmem_shared>>
        tpu.wait_indirect_dma semaphore(%run_scoped3A_207 : memref<!tpu.dma_semaphore, #tpu.memory_space<semaphore_mem>>) src(%arg13 : memref<80x128xf32, #tpu.memory_space<vmem>>) dst(%dma_wait3A_219 : memref<10240x128xf32, #tpu.memory_space<vmem_shared>>)
        tpu.yield
      }) : () -> ()
    }
    %scan3A_86 = arith.constant 12 : i32
    %dma_wait3A_87 = arith.constant 24 : i32
    %dma_wait3A_88 = arith.constant 0 : i32
    %dma_wait3A_89 = tpu.memref_slice %arg8[%dma_wait3A_87, %dma_wait3A_88] : memref<25x80xi32, #tpu.memory_space<vmem>> -> memref<1x80xi32, #tpu.memory_space<vmem>>
    %dma_wait3A_90 = tpu.memref_squeeze %dma_wait3A_89 : memref<1x80xi32, #tpu.memory_space<vmem>> -> memref<80xi32, #tpu.memory_space<vmem>>
    %dma_wait3A_91 = arith.constant 0 : i32
    %dma_wait3A_92 = arith.constant 0 : i32
    %dma_wait3A_93 = tpu.memref_slice %arg2[%dma_wait3A_91, %dma_wait3A_92] : memref<10000x128xf32, #tpu.memory_space<hbm>> -> memref<10000x128xf32, #tpu.memory_space<hbm>>
    tpu.wait_indirect_dma semaphore(%arg14 : memref<!tpu.dma_semaphore, #tpu.memory_space<semaphore_mem>>) src(%dma_wait3A_93 : memref<10000x128xf32, #tpu.memory_space<hbm>>) dst(%arg12 : memref<80x128xf32, #tpu.memory_space<vmem>>)
    %run_scoped3A_94 = arith.constant 24 : i32
    "tpu.region"() ({
      %run_scoped3A_172 = tpu.sem_alloc : memref<!tpu.dma_semaphore, #tpu.memory_space<semaphore_mem>>
      %dma_start3A_173 = arith.constant 0 : i32
      %dma_start3A_174 = tpu.memref_slice %arg10[%run_scoped3A_94, %dma_start3A_173] : memref<25x80xi32, #tpu.memory_space<vmem>> -> memref<1x80xi32, #tpu.memory_space<vmem>>
      %dma_start3A_175 = tpu.memref_squeeze %dma_start3A_174 : memref<1x80xi32, #tpu.memory_space<vmem>> -> memref<80xi32, #tpu.memory_space<vmem>>
      %dma_start3A_176 = arith.constant 0 : i32
      %dma_start3A_177 = arith.constant 0 : i32
      %dma_start3A_178 = tpu.memref_slice %arg7[%dma_start3A_176, %dma_start3A_177] : memref<10240x128xf32, #tpu.memory_space<vmem_shared>> -> memref<10240x128xf32, #tpu.memory_space<vmem_shared>>
      tpu.enqueue_indirect_dma source(%arg12 : memref<80x128xf32, #tpu.memory_space<vmem>>) target(%dma_start3A_178 : memref<10240x128xf32, #tpu.memory_space<vmem_shared>>) offsets(%dma_start3A_175 : memref<80xi32, #tpu.memory_space<vmem>>) semaphore(%run_scoped3A_172 : memref<!tpu.dma_semaphore, #tpu.memory_space<semaphore_mem>>) {add = true}
      %dma_wait3A_179 = arith.constant 0 : i32
      %dma_wait3A_180 = tpu.memref_slice %arg10[%run_scoped3A_94, %dma_wait3A_179] : memref<25x80xi32, #tpu.memory_space<vmem>> -> memref<1x80xi32, #tpu.memory_space<vmem>>
      %dma_wait3A_181 = tpu.memref_squeeze %dma_wait3A_180 : memref<1x80xi32, #tpu.memory_space<vmem>> -> memref<80xi32, #tpu.memory_space<vmem>>
      %dma_wait3A_182 = arith.constant 0 : i32
      %dma_wait3A_183 = arith.constant 0 : i32
      %dma_wait3A_184 = tpu.memref_slice %arg7[%dma_wait3A_182, %dma_wait3A_183] : memref<10240x128xf32, #tpu.memory_space<vmem_shared>> -> memref<10240x128xf32, #tpu.memory_space<vmem_shared>>
      tpu.wait_indirect_dma semaphore(%run_scoped3A_172 : memref<!tpu.dma_semaphore, #tpu.memory_space<semaphore_mem>>) src(%arg12 : memref<80x128xf32, #tpu.memory_space<vmem>>) dst(%dma_wait3A_184 : memref<10240x128xf32, #tpu.memory_space<vmem_shared>>)
      tpu.yield
    }) : () -> ()
    %run_scoped3A_95 = arith.constant 3 : i32
    "tpu.region"() ({
      %run_scoped3A_172 = tpu.sem_alloc : memref<!tpu.dma_semaphore, #tpu.memory_space<semaphore_mem>>
      %dma_start3A_173 = arith.constant 0 : i32
      %dma_start3A_174 = arith.constant 0 : i32
      %dma_start3A_175 = tpu.memref_slice %arg3[%add3A, %run_scoped3A_95, %dma_start3A_173, %dma_start3A_174] : memref<32x5x25x80xi32, #tpu.memory_space<hbm>> -> memref<1x1x25x80xi32, #tpu.memory_space<hbm>>
      %dma_start3A_176 = tpu.memref_squeeze %dma_start3A_175 : memref<1x1x25x80xi32, #tpu.memory_space<hbm>> -> memref<25x80xi32, #tpu.memory_space<hbm>>
      %dma_start3A_177 = arith.constant 0 : i32
      %dma_start3A_178 = arith.constant 0 : i32
      %dma_start3A_179 = tpu.memref_slice %arg3[%add3A, %run_scoped3A_95, %dma_start3A_177, %dma_start3A_178] : memref<32x5x25x80xi32, #tpu.memory_space<hbm>> -> memref<1x1x25x80xi32, #tpu.memory_space<hbm>>
      %dma_start3A_180 = tpu.memref_squeeze %dma_start3A_179 : memref<1x1x25x80xi32, #tpu.memory_space<hbm>> -> memref<25x80xi32, #tpu.memory_space<hbm>>
      tpu.enqueue_dma source(%dma_start3A_180 : memref<25x80xi32, #tpu.memory_space<hbm>>) target(%arg9 : memref<25x80xi32, #tpu.memory_space<vmem>>) target_semaphore(%run_scoped3A_172 : memref<!tpu.dma_semaphore, #tpu.memory_space<semaphore_mem>>)
      %dma_wait3A_181 = arith.constant 0 : i32
      %dma_wait3A_182 = arith.constant 0 : i32
      %dma_wait3A_183 = tpu.memref_slice %arg3[%add3A, %run_scoped3A_95, %dma_wait3A_181, %dma_wait3A_182] : memref<32x5x25x80xi32, #tpu.memory_space<hbm>> -> memref<1x1x25x80xi32, #tpu.memory_space<hbm>>
      %dma_wait3A_184 = tpu.memref_squeeze %dma_wait3A_183 : memref<1x1x25x80xi32, #tpu.memory_space<hbm>> -> memref<25x80xi32, #tpu.memory_space<hbm>>
      %dma_wait3A_185 = arith.constant 0 : i32
      %dma_wait3A_186 = arith.constant 0 : i32
      %dma_wait3A_187 = tpu.memref_slice %arg3[%add3A, %run_scoped3A_95, %dma_wait3A_185, %dma_wait3A_186] : memref<32x5x25x80xi32, #tpu.memory_space<hbm>> -> memref<1x1x25x80xi32, #tpu.memory_space<hbm>>
      %dma_wait3A_188 = tpu.memref_squeeze %dma_wait3A_187 : memref<1x1x25x80xi32, #tpu.memory_space<hbm>> -> memref<25x80xi32, #tpu.memory_space<hbm>>
      tpu.wait_dma2 semaphore(%run_scoped3A_172 : memref<!tpu.dma_semaphore, #tpu.memory_space<semaphore_mem>>) src(%dma_wait3A_188 : memref<25x80xi32, #tpu.memory_space<hbm>>) dst(%arg9 : memref<25x80xi32, #tpu.memory_space<vmem>>)
      tpu.yield
    }) : () -> ()
    %run_scoped3A_96 = arith.constant 3 : i32
    "tpu.region"() ({
      %run_scoped3A_172 = tpu.sem_alloc : memref<!tpu.dma_semaphore, #tpu.memory_space<semaphore_mem>>
      %dma_start3A_173 = arith.constant 0 : i32
      %dma_start3A_174 = arith.constant 0 : i32
      %dma_start3A_175 = tpu.memref_slice %arg4[%add3A, %run_scoped3A_96, %dma_start3A_173, %dma_start3A_174] : memref<32x5x25x80xi32, #tpu.memory_space<hbm>> -> memref<1x1x25x80xi32, #tpu.memory_space<hbm>>
      %dma_start3A_176 = tpu.memref_squeeze %dma_start3A_175 : memref<1x1x25x80xi32, #tpu.memory_space<hbm>> -> memref<25x80xi32, #tpu.memory_space<hbm>>
      %dma_start3A_177 = arith.constant 0 : i32
      %dma_start3A_178 = arith.constant 0 : i32
      %dma_start3A_179 = tpu.memref_slice %arg4[%add3A, %run_scoped3A_96, %dma_start3A_177, %dma_start3A_178] : memref<32x5x25x80xi32, #tpu.memory_space<hbm>> -> memref<1x1x25x80xi32, #tpu.memory_space<hbm>>
      %dma_start3A_180 = tpu.memref_squeeze %dma_start3A_179 : memref<1x1x25x80xi32, #tpu.memory_space<hbm>> -> memref<25x80xi32, #tpu.memory_space<hbm>>
      tpu.enqueue_dma source(%dma_start3A_180 : memref<25x80xi32, #tpu.memory_space<hbm>>) target(%arg11 : memref<25x80xi32, #tpu.memory_space<vmem>>) target_semaphore(%run_scoped3A_172 : memref<!tpu.dma_semaphore, #tpu.memory_space<semaphore_mem>>)
      %dma_wait3A_181 = arith.constant 0 : i32
      %dma_wait3A_182 = arith.constant 0 : i32
      %dma_wait3A_183 = tpu.memref_slice %arg4[%add3A, %run_scoped3A_96, %dma_wait3A_181, %dma_wait3A_182] : memref<32x5x25x80xi32, #tpu.memory_space<hbm>> -> memref<1x1x25x80xi32, #tpu.memory_space<hbm>>
      %dma_wait3A_184 = tpu.memref_squeeze %dma_wait3A_183 : memref<1x1x25x80xi32, #tpu.memory_space<hbm>> -> memref<25x80xi32, #tpu.memory_space<hbm>>
      %dma_wait3A_185 = arith.constant 0 : i32
      %dma_wait3A_186 = arith.constant 0 : i32
      %dma_wait3A_187 = tpu.memref_slice %arg4[%add3A, %run_scoped3A_96, %dma_wait3A_185, %dma_wait3A_186] : memref<32x5x25x80xi32, #tpu.memory_space<hbm>> -> memref<1x1x25x80xi32, #tpu.memory_space<hbm>>
      %dma_wait3A_188 = tpu.memref_squeeze %dma_wait3A_187 : memref<1x1x25x80xi32, #tpu.memory_space<hbm>> -> memref<25x80xi32, #tpu.memory_space<hbm>>
      tpu.wait_dma2 semaphore(%run_scoped3A_172 : memref<!tpu.dma_semaphore, #tpu.memory_space<semaphore_mem>>) src(%dma_wait3A_188 : memref<25x80xi32, #tpu.memory_space<hbm>>) dst(%arg11 : memref<25x80xi32, #tpu.memory_space<vmem>>)
      tpu.yield
    }) : () -> ()
    %dma_start3A_97 = arith.constant 0 : i32
    %dma_start3A_98 = arith.constant 0 : i32
    %dma_start3A_99 = tpu.memref_slice %arg9[%dma_start3A_97, %dma_start3A_98] : memref<25x80xi32, #tpu.memory_space<vmem>> -> memref<1x80xi32, #tpu.memory_space<vmem>>
    %dma_start3A_100 = tpu.memref_squeeze %dma_start3A_99 : memref<1x80xi32, #tpu.memory_space<vmem>> -> memref<80xi32, #tpu.memory_space<vmem>>
    %dma_start3A_101 = arith.constant 0 : i32
    %dma_start3A_102 = arith.constant 0 : i32
    %dma_start3A_103 = tpu.memref_slice %arg2[%dma_start3A_101, %dma_start3A_102] : memref<10000x128xf32, #tpu.memory_space<hbm>> -> memref<10000x128xf32, #tpu.memory_space<hbm>>
    tpu.enqueue_indirect_dma source(%dma_start3A_103 : memref<10000x128xf32, #tpu.memory_space<hbm>>) target(%arg12 : memref<80x128xf32, #tpu.memory_space<vmem>>) offsets(%dma_start3A_100 : memref<80xi32, #tpu.memory_space<vmem>>) semaphore(%arg14 : memref<!tpu.dma_semaphore, #tpu.memory_space<semaphore_mem>>)
    %scan3A_104 = arith.constant 0 : i32
    %scan3A_105 = arith.constant 12 : i32
    %scan3A_106 = arith.addi %scan3A_104, %scan3A_105 : i32
    %scan3A_107 = arith.constant 1 : i32
    scf.for %scan3A_172 = %scan3A_104 to %scan3A_106 step %scan3A_107  : i32 {
      %mul3A_173 = arith.constant 2 : i32
      %mul3A_174 = arith.muli %mul3A_173, %scan3A_172 : i32
      %add3A_175 = arith.constant 1 : i32
      %add3A_176 = arith.addi %mul3A_174, %add3A_175 : i32
      %dma_start3A_177 = arith.constant 0 : i32
      %dma_start3A_178 = tpu.memref_slice %arg9[%add3A_176, %dma_start3A_177] : memref<25x80xi32, #tpu.memory_space<vmem>> -> memref<1x80xi32, #tpu.memory_space<vmem>>
      %dma_start3A_179 = tpu.memref_squeeze %dma_start3A_178 : memref<1x80xi32, #tpu.memory_space<vmem>> -> memref<80xi32, #tpu.memory_space<vmem>>
      %dma_start3A_180 = arith.constant 0 : i32
      %dma_start3A_181 = arith.constant 0 : i32
      %dma_start3A_182 = tpu.memref_slice %arg2[%dma_start3A_180, %dma_start3A_181] : memref<10000x128xf32, #tpu.memory_space<hbm>> -> memref<10000x128xf32, #tpu.memory_space<hbm>>
      tpu.enqueue_indirect_dma source(%dma_start3A_182 : memref<10000x128xf32, #tpu.memory_space<hbm>>) target(%arg13 : memref<80x128xf32, #tpu.memory_space<vmem>>) offsets(%dma_start3A_179 : memref<80xi32, #tpu.memory_space<vmem>>) semaphore(%arg15 : memref<!tpu.dma_semaphore, #tpu.memory_space<semaphore_mem>>)
      %mul3A_183 = arith.constant 2 : i32
      %mul3A_184 = arith.muli %mul3A_183, %scan3A_172 : i32
      %dma_wait3A_185 = arith.constant 0 : i32
      %dma_wait3A_186 = tpu.memref_slice %arg9[%mul3A_184, %dma_wait3A_185] : memref<25x80xi32, #tpu.memory_space<vmem>> -> memref<1x80xi32, #tpu.memory_space<vmem>>
      %dma_wait3A_187 = tpu.memref_squeeze %dma_wait3A_186 : memref<1x80xi32, #tpu.memory_space<vmem>> -> memref<80xi32, #tpu.memory_space<vmem>>
      %dma_wait3A_188 = arith.constant 0 : i32
      %dma_wait3A_189 = arith.constant 0 : i32
      %dma_wait3A_190 = tpu.memref_slice %arg2[%dma_wait3A_188, %dma_wait3A_189] : memref<10000x128xf32, #tpu.memory_space<hbm>> -> memref<10000x128xf32, #tpu.memory_space<hbm>>
      tpu.wait_indirect_dma semaphore(%arg14 : memref<!tpu.dma_semaphore, #tpu.memory_space<semaphore_mem>>) src(%dma_wait3A_190 : memref<10000x128xf32, #tpu.memory_space<hbm>>) dst(%arg12 : memref<80x128xf32, #tpu.memory_space<vmem>>)
      %mul3A_191 = arith.constant 2 : i32
      %mul3A_192 = arith.muli %mul3A_191, %scan3A_172 : i32
      "tpu.region"() ({
        %run_scoped3A_207 = tpu.sem_alloc : memref<!tpu.dma_semaphore, #tpu.memory_space<semaphore_mem>>
        %dma_start3A_208 = arith.constant 0 : i32
        %dma_start3A_209 = tpu.memref_slice %arg11[%mul3A_192, %dma_start3A_208] : memref<25x80xi32, #tpu.memory_space<vmem>> -> memref<1x80xi32, #tpu.memory_space<vmem>>
        %dma_start3A_210 = tpu.memref_squeeze %dma_start3A_209 : memref<1x80xi32, #tpu.memory_space<vmem>> -> memref<80xi32, #tpu.memory_space<vmem>>
        %dma_start3A_211 = arith.constant 0 : i32
        %dma_start3A_212 = arith.constant 0 : i32
        %dma_start3A_213 = tpu.memref_slice %arg7[%dma_start3A_211, %dma_start3A_212] : memref<10240x128xf32, #tpu.memory_space<vmem_shared>> -> memref<10240x128xf32, #tpu.memory_space<vmem_shared>>
        tpu.enqueue_indirect_dma source(%arg12 : memref<80x128xf32, #tpu.memory_space<vmem>>) target(%dma_start3A_213 : memref<10240x128xf32, #tpu.memory_space<vmem_shared>>) offsets(%dma_start3A_210 : memref<80xi32, #tpu.memory_space<vmem>>) semaphore(%run_scoped3A_207 : memref<!tpu.dma_semaphore, #tpu.memory_space<semaphore_mem>>) {add = true}
        %dma_wait3A_214 = arith.constant 0 : i32
        %dma_wait3A_215 = tpu.memref_slice %arg11[%mul3A_192, %dma_wait3A_214] : memref<25x80xi32, #tpu.memory_space<vmem>> -> memref<1x80xi32, #tpu.memory_space<vmem>>
        %dma_wait3A_216 = tpu.memref_squeeze %dma_wait3A_215 : memref<1x80xi32, #tpu.memory_space<vmem>> -> memref<80xi32, #tpu.memory_space<vmem>>
        %dma_wait3A_217 = arith.constant 0 : i32
        %dma_wait3A_218 = arith.constant 0 : i32
        %dma_wait3A_219 = tpu.memref_slice %arg7[%dma_wait3A_217, %dma_wait3A_218] : memref<10240x128xf32, #tpu.memory_space<vmem_shared>> -> memref<10240x128xf32, #tpu.memory_space<vmem_shared>>
        tpu.wait_indirect_dma semaphore(%run_scoped3A_207 : memref<!tpu.dma_semaphore, #tpu.memory_space<semaphore_mem>>) src(%arg12 : memref<80x128xf32, #tpu.memory_space<vmem>>) dst(%dma_wait3A_219 : memref<10240x128xf32, #tpu.memory_space<vmem_shared>>)
        tpu.yield
      }) : () -> ()
      %add3A_193 = arith.constant 1 : i32
      %add3A_194 = arith.addi %add3A_176, %add3A_193 : i32
      %dma_start3A_195 = arith.constant 0 : i32
      %dma_start3A_196 = tpu.memref_slice %arg9[%add3A_194, %dma_start3A_195] : memref<25x80xi32, #tpu.memory_space<vmem>> -> memref<1x80xi32, #tpu.memory_space<vmem>>
      %dma_start3A_197 = tpu.memref_squeeze %dma_start3A_196 : memref<1x80xi32, #tpu.memory_space<vmem>> -> memref<80xi32, #tpu.memory_space<vmem>>
      %dma_start3A_198 = arith.constant 0 : i32
      %dma_start3A_199 = arith.constant 0 : i32
      %dma_start3A_200 = tpu.memref_slice %arg2[%dma_start3A_198, %dma_start3A_199] : memref<10000x128xf32, #tpu.memory_space<hbm>> -> memref<10000x128xf32, #tpu.memory_space<hbm>>
      tpu.enqueue_indirect_dma source(%dma_start3A_200 : memref<10000x128xf32, #tpu.memory_space<hbm>>) target(%arg12 : memref<80x128xf32, #tpu.memory_space<vmem>>) offsets(%dma_start3A_197 : memref<80xi32, #tpu.memory_space<vmem>>) semaphore(%arg14 : memref<!tpu.dma_semaphore, #tpu.memory_space<semaphore_mem>>)
      %dma_wait3A_201 = arith.constant 0 : i32
      %dma_wait3A_202 = tpu.memref_slice %arg9[%add3A_176, %dma_wait3A_201] : memref<25x80xi32, #tpu.memory_space<vmem>> -> memref<1x80xi32, #tpu.memory_space<vmem>>
      %dma_wait3A_203 = tpu.memref_squeeze %dma_wait3A_202 : memref<1x80xi32, #tpu.memory_space<vmem>> -> memref<80xi32, #tpu.memory_space<vmem>>
      %dma_wait3A_204 = arith.constant 0 : i32
      %dma_wait3A_205 = arith.constant 0 : i32
      %dma_wait3A_206 = tpu.memref_slice %arg2[%dma_wait3A_204, %dma_wait3A_205] : memref<10000x128xf32, #tpu.memory_space<hbm>> -> memref<10000x128xf32, #tpu.memory_space<hbm>>
      tpu.wait_indirect_dma semaphore(%arg15 : memref<!tpu.dma_semaphore, #tpu.memory_space<semaphore_mem>>) src(%dma_wait3A_206 : memref<10000x128xf32, #tpu.memory_space<hbm>>) dst(%arg13 : memref<80x128xf32, #tpu.memory_space<vmem>>)
      "tpu.region"() ({
        %run_scoped3A_207 = tpu.sem_alloc : memref<!tpu.dma_semaphore, #tpu.memory_space<semaphore_mem>>
        %dma_start3A_208 = arith.constant 0 : i32
        %dma_start3A_209 = tpu.memref_slice %arg11[%add3A_176, %dma_start3A_208] : memref<25x80xi32, #tpu.memory_space<vmem>> -> memref<1x80xi32, #tpu.memory_space<vmem>>
        %dma_start3A_210 = tpu.memref_squeeze %dma_start3A_209 : memref<1x80xi32, #tpu.memory_space<vmem>> -> memref<80xi32, #tpu.memory_space<vmem>>
        %dma_start3A_211 = arith.constant 0 : i32
        %dma_start3A_212 = arith.constant 0 : i32
        %dma_start3A_213 = tpu.memref_slice %arg7[%dma_start3A_211, %dma_start3A_212] : memref<10240x128xf32, #tpu.memory_space<vmem_shared>> -> memref<10240x128xf32, #tpu.memory_space<vmem_shared>>
        tpu.enqueue_indirect_dma source(%arg13 : memref<80x128xf32, #tpu.memory_space<vmem>>) target(%dma_start3A_213 : memref<10240x128xf32, #tpu.memory_space<vmem_shared>>) offsets(%dma_start3A_210 : memref<80xi32, #tpu.memory_space<vmem>>) semaphore(%run_scoped3A_207 : memref<!tpu.dma_semaphore, #tpu.memory_space<semaphore_mem>>) {add = true}
        %dma_wait3A_214 = arith.constant 0 : i32
        %dma_wait3A_215 = tpu.memref_slice %arg11[%add3A_176, %dma_wait3A_214] : memref<25x80xi32, #tpu.memory_space<vmem>> -> memref<1x80xi32, #tpu.memory_space<vmem>>
        %dma_wait3A_216 = tpu.memref_squeeze %dma_wait3A_215 : memref<1x80xi32, #tpu.memory_space<vmem>> -> memref<80xi32, #tpu.memory_space<vmem>>
        %dma_wait3A_217 = arith.constant 0 : i32
        %dma_wait3A_218 = arith.constant 0 : i32
        %dma_wait3A_219 = tpu.memref_slice %arg7[%dma_wait3A_217, %dma_wait3A_218] : memref<10240x128xf32, #tpu.memory_space<vmem_shared>> -> memref<10240x128xf32, #tpu.memory_space<vmem_shared>>
        tpu.wait_indirect_dma semaphore(%run_scoped3A_207 : memref<!tpu.dma_semaphore, #tpu.memory_space<semaphore_mem>>) src(%arg13 : memref<80x128xf32, #tpu.memory_space<vmem>>) dst(%dma_wait3A_219 : memref<10240x128xf32, #tpu.memory_space<vmem_shared>>)
        tpu.yield
      }) : () -> ()
    }
    %scan3A_108 = arith.constant 12 : i32
    %dma_wait3A_109 = arith.constant 24 : i32
    %dma_wait3A_110 = arith.constant 0 : i32
    %dma_wait3A_111 = tpu.memref_slice %arg9[%dma_wait3A_109, %dma_wait3A_110] : memref<25x80xi32, #tpu.memory_space<vmem>> -> memref<1x80xi32, #tpu.memory_space<vmem>>
    %dma_wait3A_112 = tpu.memref_squeeze %dma_wait3A_111 : memref<1x80xi32, #tpu.memory_space<vmem>> -> memref<80xi32, #tpu.memory_space<vmem>>
    %dma_wait3A_113 = arith.constant 0 : i32
    %dma_wait3A_114 = arith.constant 0 : i32
    %dma_wait3A_115 = tpu.memref_slice %arg2[%dma_wait3A_113, %dma_wait3A_114] : memref<10000x128xf32, #tpu.memory_space<hbm>> -> memref<10000x128xf32, #tpu.memory_space<hbm>>
    tpu.wait_indirect_dma semaphore(%arg14 : memref<!tpu.dma_semaphore, #tpu.memory_space<semaphore_mem>>) src(%dma_wait3A_115 : memref<10000x128xf32, #tpu.memory_space<hbm>>) dst(%arg12 : memref<80x128xf32, #tpu.memory_space<vmem>>)
    %run_scoped3A_116 = arith.constant 24 : i32
    "tpu.region"() ({
      %run_scoped3A_172 = tpu.sem_alloc : memref<!tpu.dma_semaphore, #tpu.memory_space<semaphore_mem>>
      %dma_start3A_173 = arith.constant 0 : i32
      %dma_start3A_174 = tpu.memref_slice %arg11[%run_scoped3A_116, %dma_start3A_173] : memref<25x80xi32, #tpu.memory_space<vmem>> -> memref<1x80xi32, #tpu.memory_space<vmem>>
      %dma_start3A_175 = tpu.memref_squeeze %dma_start3A_174 : memref<1x80xi32, #tpu.memory_space<vmem>> -> memref<80xi32, #tpu.memory_space<vmem>>
      %dma_start3A_176 = arith.constant 0 : i32
      %dma_start3A_177 = arith.constant 0 : i32
      %dma_start3A_178 = tpu.memref_slice %arg7[%dma_start3A_176, %dma_start3A_177] : memref<10240x128xf32, #tpu.memory_space<vmem_shared>> -> memref<10240x128xf32, #tpu.memory_space<vmem_shared>>
      tpu.enqueue_indirect_dma source(%arg12 : memref<80x128xf32, #tpu.memory_space<vmem>>) target(%dma_start3A_178 : memref<10240x128xf32, #tpu.memory_space<vmem_shared>>) offsets(%dma_start3A_175 : memref<80xi32, #tpu.memory_space<vmem>>) semaphore(%run_scoped3A_172 : memref<!tpu.dma_semaphore, #tpu.memory_space<semaphore_mem>>) {add = true}
      %dma_wait3A_179 = arith.constant 0 : i32
      %dma_wait3A_180 = tpu.memref_slice %arg11[%run_scoped3A_116, %dma_wait3A_179] : memref<25x80xi32, #tpu.memory_space<vmem>> -> memref<1x80xi32, #tpu.memory_space<vmem>>
      %dma_wait3A_181 = tpu.memref_squeeze %dma_wait3A_180 : memref<1x80xi32, #tpu.memory_space<vmem>> -> memref<80xi32, #tpu.memory_space<vmem>>
      %dma_wait3A_182 = arith.constant 0 : i32
      %dma_wait3A_183 = arith.constant 0 : i32
      %dma_wait3A_184 = tpu.memref_slice %arg7[%dma_wait3A_182, %dma_wait3A_183] : memref<10240x128xf32, #tpu.memory_space<vmem_shared>> -> memref<10240x128xf32, #tpu.memory_space<vmem_shared>>
      tpu.wait_indirect_dma semaphore(%run_scoped3A_172 : memref<!tpu.dma_semaphore, #tpu.memory_space<semaphore_mem>>) src(%arg12 : memref<80x128xf32, #tpu.memory_space<vmem>>) dst(%dma_wait3A_184 : memref<10240x128xf32, #tpu.memory_space<vmem_shared>>)
      tpu.yield
    }) : () -> ()
    %run_scoped3A_117 = arith.constant 4 : i32
    "tpu.region"() ({
      %run_scoped3A_172 = tpu.sem_alloc : memref<!tpu.dma_semaphore, #tpu.memory_space<semaphore_mem>>
      %dma_start3A_173 = arith.constant 0 : i32
      %dma_start3A_174 = arith.constant 0 : i32
      %dma_start3A_175 = tpu.memref_slice %arg3[%add3A, %run_scoped3A_117, %dma_start3A_173, %dma_start3A_174] : memref<32x5x25x80xi32, #tpu.memory_space<hbm>> -> memref<1x1x25x80xi32, #tpu.memory_space<hbm>>
      %dma_start3A_176 = tpu.memref_squeeze %dma_start3A_175 : memref<1x1x25x80xi32, #tpu.memory_space<hbm>> -> memref<25x80xi32, #tpu.memory_space<hbm>>
      %dma_start3A_177 = arith.constant 0 : i32
      %dma_start3A_178 = arith.constant 0 : i32
      %dma_start3A_179 = tpu.memref_slice %arg3[%add3A, %run_scoped3A_117, %dma_start3A_177, %dma_start3A_178] : memref<32x5x25x80xi32, #tpu.memory_space<hbm>> -> memref<1x1x25x80xi32, #tpu.memory_space<hbm>>
      %dma_start3A_180 = tpu.memref_squeeze %dma_start3A_179 : memref<1x1x25x80xi32, #tpu.memory_space<hbm>> -> memref<25x80xi32, #tpu.memory_space<hbm>>
      tpu.enqueue_dma source(%dma_start3A_180 : memref<25x80xi32, #tpu.memory_space<hbm>>) target(%arg8 : memref<25x80xi32, #tpu.memory_space<vmem>>) target_semaphore(%run_scoped3A_172 : memref<!tpu.dma_semaphore, #tpu.memory_space<semaphore_mem>>)
      %dma_wait3A_181 = arith.constant 0 : i32
      %dma_wait3A_182 = arith.constant 0 : i32
      %dma_wait3A_183 = tpu.memref_slice %arg3[%add3A, %run_scoped3A_117, %dma_wait3A_181, %dma_wait3A_182] : memref<32x5x25x80xi32, #tpu.memory_space<hbm>> -> memref<1x1x25x80xi32, #tpu.memory_space<hbm>>
      %dma_wait3A_184 = tpu.memref_squeeze %dma_wait3A_183 : memref<1x1x25x80xi32, #tpu.memory_space<hbm>> -> memref<25x80xi32, #tpu.memory_space<hbm>>
      %dma_wait3A_185 = arith.constant 0 : i32
      %dma_wait3A_186 = arith.constant 0 : i32
      %dma_wait3A_187 = tpu.memref_slice %arg3[%add3A, %run_scoped3A_117, %dma_wait3A_185, %dma_wait3A_186] : memref<32x5x25x80xi32, #tpu.memory_space<hbm>> -> memref<1x1x25x80xi32, #tpu.memory_space<hbm>>
      %dma_wait3A_188 = tpu.memref_squeeze %dma_wait3A_187 : memref<1x1x25x80xi32, #tpu.memory_space<hbm>> -> memref<25x80xi32, #tpu.memory_space<hbm>>
      tpu.wait_dma2 semaphore(%run_scoped3A_172 : memref<!tpu.dma_semaphore, #tpu.memory_space<semaphore_mem>>) src(%dma_wait3A_188 : memref<25x80xi32, #tpu.memory_space<hbm>>) dst(%arg8 : memref<25x80xi32, #tpu.memory_space<vmem>>)
      tpu.yield
    }) : () -> ()
    %run_scoped3A_118 = arith.constant 4 : i32
    "tpu.region"() ({
      %run_scoped3A_172 = tpu.sem_alloc : memref<!tpu.dma_semaphore, #tpu.memory_space<semaphore_mem>>
      %dma_start3A_173 = arith.constant 0 : i32
      %dma_start3A_174 = arith.constant 0 : i32
      %dma_start3A_175 = tpu.memref_slice %arg4[%add3A, %run_scoped3A_118, %dma_start3A_173, %dma_start3A_174] : memref<32x5x25x80xi32, #tpu.memory_space<hbm>> -> memref<1x1x25x80xi32, #tpu.memory_space<hbm>>
      %dma_start3A_176 = tpu.memref_squeeze %dma_start3A_175 : memref<1x1x25x80xi32, #tpu.memory_space<hbm>> -> memref<25x80xi32, #tpu.memory_space<hbm>>
      %dma_start3A_177 = arith.constant 0 : i32
      %dma_start3A_178 = arith.constant 0 : i32
      %dma_start3A_179 = tpu.memref_slice %arg4[%add3A, %run_scoped3A_118, %dma_start3A_177, %dma_start3A_178] : memref<32x5x25x80xi32, #tpu.memory_space<hbm>> -> memref<1x1x25x80xi32, #tpu.memory_space<hbm>>
      %dma_start3A_180 = tpu.memref_squeeze %dma_start3A_179 : memref<1x1x25x80xi32, #tpu.memory_space<hbm>> -> memref<25x80xi32, #tpu.memory_space<hbm>>
      tpu.enqueue_dma source(%dma_start3A_180 : memref<25x80xi32, #tpu.memory_space<hbm>>) target(%arg10 : memref<25x80xi32, #tpu.memory_space<vmem>>) target_semaphore(%run_scoped3A_172 : memref<!tpu.dma_semaphore, #tpu.memory_space<semaphore_mem>>)
      %dma_wait3A_181 = arith.constant 0 : i32
      %dma_wait3A_182 = arith.constant 0 : i32
      %dma_wait3A_183 = tpu.memref_slice %arg4[%add3A, %run_scoped3A_118, %dma_wait3A_181, %dma_wait3A_182] : memref<32x5x25x80xi32, #tpu.memory_space<hbm>> -> memref<1x1x25x80xi32, #tpu.memory_space<hbm>>
      %dma_wait3A_184 = tpu.memref_squeeze %dma_wait3A_183 : memref<1x1x25x80xi32, #tpu.memory_space<hbm>> -> memref<25x80xi32, #tpu.memory_space<hbm>>
      %dma_wait3A_185 = arith.constant 0 : i32
      %dma_wait3A_186 = arith.constant 0 : i32
      %dma_wait3A_187 = tpu.memref_slice %arg4[%add3A, %run_scoped3A_118, %dma_wait3A_185, %dma_wait3A_186] : memref<32x5x25x80xi32, #tpu.memory_space<hbm>> -> memref<1x1x25x80xi32, #tpu.memory_space<hbm>>
      %dma_wait3A_188 = tpu.memref_squeeze %dma_wait3A_187 : memref<1x1x25x80xi32, #tpu.memory_space<hbm>> -> memref<25x80xi32, #tpu.memory_space<hbm>>
      tpu.wait_dma2 semaphore(%run_scoped3A_172 : memref<!tpu.dma_semaphore, #tpu.memory_space<semaphore_mem>>) src(%dma_wait3A_188 : memref<25x80xi32, #tpu.memory_space<hbm>>) dst(%arg10 : memref<25x80xi32, #tpu.memory_space<vmem>>)
      tpu.yield
    }) : () -> ()
    %dma_start3A_119 = arith.constant 0 : i32
    %dma_start3A_120 = arith.constant 0 : i32
    %dma_start3A_121 = tpu.memref_slice %arg8[%dma_start3A_119, %dma_start3A_120] : memref<25x80xi32, #tpu.memory_space<vmem>> -> memref<1x80xi32, #tpu.memory_space<vmem>>
    %dma_start3A_122 = tpu.memref_squeeze %dma_start3A_121 : memref<1x80xi32, #tpu.memory_space<vmem>> -> memref<80xi32, #tpu.memory_space<vmem>>
    %dma_start3A_123 = arith.constant 0 : i32
    %dma_start3A_124 = arith.constant 0 : i32
    %dma_start3A_125 = tpu.memref_slice %arg2[%dma_start3A_123, %dma_start3A_124] : memref<10000x128xf32, #tpu.memory_space<hbm>> -> memref<10000x128xf32, #tpu.memory_space<hbm>>
    tpu.enqueue_indirect_dma source(%dma_start3A_125 : memref<10000x128xf32, #tpu.memory_space<hbm>>) target(%arg12 : memref<80x128xf32, #tpu.memory_space<vmem>>) offsets(%dma_start3A_122 : memref<80xi32, #tpu.memory_space<vmem>>) semaphore(%arg14 : memref<!tpu.dma_semaphore, #tpu.memory_space<semaphore_mem>>)
    %scan3A_126 = arith.constant 0 : i32
    %scan3A_127 = arith.constant 12 : i32
    %scan3A_128 = arith.addi %scan3A_126, %scan3A_127 : i32
    %scan3A_129 = arith.constant 1 : i32
    scf.for %scan3A_172 = %scan3A_126 to %scan3A_128 step %scan3A_129  : i32 {
      %mul3A_173 = arith.constant 2 : i32
      %mul3A_174 = arith.muli %mul3A_173, %scan3A_172 : i32
      %add3A_175 = arith.constant 1 : i32
      %add3A_176 = arith.addi %mul3A_174, %add3A_175 : i32
      %dma_start3A_177 = arith.constant 0 : i32
      %dma_start3A_178 = tpu.memref_slice %arg8[%add3A_176, %dma_start3A_177] : memref<25x80xi32, #tpu.memory_space<vmem>> -> memref<1x80xi32, #tpu.memory_space<vmem>>
      %dma_start3A_179 = tpu.memref_squeeze %dma_start3A_178 : memref<1x80xi32, #tpu.memory_space<vmem>> -> memref<80xi32, #tpu.memory_space<vmem>>
      %dma_start3A_180 = arith.constant 0 : i32
      %dma_start3A_181 = arith.constant 0 : i32
      %dma_start3A_182 = tpu.memref_slice %arg2[%dma_start3A_180, %dma_start3A_181] : memref<10000x128xf32, #tpu.memory_space<hbm>> -> memref<10000x128xf32, #tpu.memory_space<hbm>>
      tpu.enqueue_indirect_dma source(%dma_start3A_182 : memref<10000x128xf32, #tpu.memory_space<hbm>>) target(%arg13 : memref<80x128xf32, #tpu.memory_space<vmem>>) offsets(%dma_start3A_179 : memref<80xi32, #tpu.memory_space<vmem>>) semaphore(%arg15 : memref<!tpu.dma_semaphore, #tpu.memory_space<semaphore_mem>>)
      %mul3A_183 = arith.constant 2 : i32
      %mul3A_184 = arith.muli %mul3A_183, %scan3A_172 : i32
      %dma_wait3A_185 = arith.constant 0 : i32
      %dma_wait3A_186 = tpu.memref_slice %arg8[%mul3A_184, %dma_wait3A_185] : memref<25x80xi32, #tpu.memory_space<vmem>> -> memref<1x80xi32, #tpu.memory_space<vmem>>
      %dma_wait3A_187 = tpu.memref_squeeze %dma_wait3A_186 : memref<1x80xi32, #tpu.memory_space<vmem>> -> memref<80xi32, #tpu.memory_space<vmem>>
      %dma_wait3A_188 = arith.constant 0 : i32
      %dma_wait3A_189 = arith.constant 0 : i32
      %dma_wait3A_190 = tpu.memref_slice %arg2[%dma_wait3A_188, %dma_wait3A_189] : memref<10000x128xf32, #tpu.memory_space<hbm>> -> memref<10000x128xf32, #tpu.memory_space<hbm>>
      tpu.wait_indirect_dma semaphore(%arg14 : memref<!tpu.dma_semaphore, #tpu.memory_space<semaphore_mem>>) src(%dma_wait3A_190 : memref<10000x128xf32, #tpu.memory_space<hbm>>) dst(%arg12 : memref<80x128xf32, #tpu.memory_space<vmem>>)
      %mul3A_191 = arith.constant 2 : i32
      %mul3A_192 = arith.muli %mul3A_191, %scan3A_172 : i32
      "tpu.region"() ({
        %run_scoped3A_207 = tpu.sem_alloc : memref<!tpu.dma_semaphore, #tpu.memory_space<semaphore_mem>>
        %dma_start3A_208 = arith.constant 0 : i32
        %dma_start3A_209 = tpu.memref_slice %arg10[%mul3A_192, %dma_start3A_208] : memref<25x80xi32, #tpu.memory_space<vmem>> -> memref<1x80xi32, #tpu.memory_space<vmem>>
        %dma_start3A_210 = tpu.memref_squeeze %dma_start3A_209 : memref<1x80xi32, #tpu.memory_space<vmem>> -> memref<80xi32, #tpu.memory_space<vmem>>
        %dma_start3A_211 = arith.constant 0 : i32
        %dma_start3A_212 = arith.constant 0 : i32
        %dma_start3A_213 = tpu.memref_slice %arg7[%dma_start3A_211, %dma_start3A_212] : memref<10240x128xf32, #tpu.memory_space<vmem_shared>> -> memref<10240x128xf32, #tpu.memory_space<vmem_shared>>
        tpu.enqueue_indirect_dma source(%arg12 : memref<80x128xf32, #tpu.memory_space<vmem>>) target(%dma_start3A_213 : memref<10240x128xf32, #tpu.memory_space<vmem_shared>>) offsets(%dma_start3A_210 : memref<80xi32, #tpu.memory_space<vmem>>) semaphore(%run_scoped3A_207 : memref<!tpu.dma_semaphore, #tpu.memory_space<semaphore_mem>>) {add = true}
        %dma_wait3A_214 = arith.constant 0 : i32
        %dma_wait3A_215 = tpu.memref_slice %arg10[%mul3A_192, %dma_wait3A_214] : memref<25x80xi32, #tpu.memory_space<vmem>> -> memref<1x80xi32, #tpu.memory_space<vmem>>
        %dma_wait3A_216 = tpu.memref_squeeze %dma_wait3A_215 : memref<1x80xi32, #tpu.memory_space<vmem>> -> memref<80xi32, #tpu.memory_space<vmem>>
        %dma_wait3A_217 = arith.constant 0 : i32
        %dma_wait3A_218 = arith.constant 0 : i32
        %dma_wait3A_219 = tpu.memref_slice %arg7[%dma_wait3A_217, %dma_wait3A_218] : memref<10240x128xf32, #tpu.memory_space<vmem_shared>> -> memref<10240x128xf32, #tpu.memory_space<vmem_shared>>
        tpu.wait_indirect_dma semaphore(%run_scoped3A_207 : memref<!tpu.dma_semaphore, #tpu.memory_space<semaphore_mem>>) src(%arg12 : memref<80x128xf32, #tpu.memory_space<vmem>>) dst(%dma_wait3A_219 : memref<10240x128xf32, #tpu.memory_space<vmem_shared>>)
        tpu.yield
      }) : () -> ()
      %add3A_193 = arith.constant 1 : i32
      %add3A_194 = arith.addi %add3A_176, %add3A_193 : i32
      %dma_start3A_195 = arith.constant 0 : i32
      %dma_start3A_196 = tpu.memref_slice %arg8[%add3A_194, %dma_start3A_195] : memref<25x80xi32, #tpu.memory_space<vmem>> -> memref<1x80xi32, #tpu.memory_space<vmem>>
      %dma_start3A_197 = tpu.memref_squeeze %dma_start3A_196 : memref<1x80xi32, #tpu.memory_space<vmem>> -> memref<80xi32, #tpu.memory_space<vmem>>
      %dma_start3A_198 = arith.constant 0 : i32
      %dma_start3A_199 = arith.constant 0 : i32
      %dma_start3A_200 = tpu.memref_slice %arg2[%dma_start3A_198, %dma_start3A_199] : memref<10000x128xf32, #tpu.memory_space<hbm>> -> memref<10000x128xf32, #tpu.memory_space<hbm>>
      tpu.enqueue_indirect_dma source(%dma_start3A_200 : memref<10000x128xf32, #tpu.memory_space<hbm>>) target(%arg12 : memref<80x128xf32, #tpu.memory_space<vmem>>) offsets(%dma_start3A_197 : memref<80xi32, #tpu.memory_space<vmem>>) semaphore(%arg14 : memref<!tpu.dma_semaphore, #tpu.memory_space<semaphore_mem>>)
      %dma_wait3A_201 = arith.constant 0 : i32
      %dma_wait3A_202 = tpu.memref_slice %arg8[%add3A_176, %dma_wait3A_201] : memref<25x80xi32, #tpu.memory_space<vmem>> -> memref<1x80xi32, #tpu.memory_space<vmem>>
      %dma_wait3A_203 = tpu.memref_squeeze %dma_wait3A_202 : memref<1x80xi32, #tpu.memory_space<vmem>> -> memref<80xi32, #tpu.memory_space<vmem>>
      %dma_wait3A_204 = arith.constant 0 : i32
      %dma_wait3A_205 = arith.constant 0 : i32
      %dma_wait3A_206 = tpu.memref_slice %arg2[%dma_wait3A_204, %dma_wait3A_205] : memref<10000x128xf32, #tpu.memory_space<hbm>> -> memref<10000x128xf32, #tpu.memory_space<hbm>>
      tpu.wait_indirect_dma semaphore(%arg15 : memref<!tpu.dma_semaphore, #tpu.memory_space<semaphore_mem>>) src(%dma_wait3A_206 : memref<10000x128xf32, #tpu.memory_space<hbm>>) dst(%arg13 : memref<80x128xf32, #tpu.memory_space<vmem>>)
      "tpu.region"() ({
        %run_scoped3A_207 = tpu.sem_alloc : memref<!tpu.dma_semaphore, #tpu.memory_space<semaphore_mem>>
        %dma_start3A_208 = arith.constant 0 : i32
        %dma_start3A_209 = tpu.memref_slice %arg10[%add3A_176, %dma_start3A_208] : memref<25x80xi32, #tpu.memory_space<vmem>> -> memref<1x80xi32, #tpu.memory_space<vmem>>
        %dma_start3A_210 = tpu.memref_squeeze %dma_start3A_209 : memref<1x80xi32, #tpu.memory_space<vmem>> -> memref<80xi32, #tpu.memory_space<vmem>>
        %dma_start3A_211 = arith.constant 0 : i32
        %dma_start3A_212 = arith.constant 0 : i32
        %dma_start3A_213 = tpu.memref_slice %arg7[%dma_start3A_211, %dma_start3A_212] : memref<10240x128xf32, #tpu.memory_space<vmem_shared>> -> memref<10240x128xf32, #tpu.memory_space<vmem_shared>>
        tpu.enqueue_indirect_dma source(%arg13 : memref<80x128xf32, #tpu.memory_space<vmem>>) target(%dma_start3A_213 : memref<10240x128xf32, #tpu.memory_space<vmem_shared>>) offsets(%dma_start3A_210 : memref<80xi32, #tpu.memory_space<vmem>>) semaphore(%run_scoped3A_207 : memref<!tpu.dma_semaphore, #tpu.memory_space<semaphore_mem>>) {add = true}
        %dma_wait3A_214 = arith.constant 0 : i32
        %dma_wait3A_215 = tpu.memref_slice %arg10[%add3A_176, %dma_wait3A_214] : memref<25x80xi32, #tpu.memory_space<vmem>> -> memref<1x80xi32, #tpu.memory_space<vmem>>
        %dma_wait3A_216 = tpu.memref_squeeze %dma_wait3A_215 : memref<1x80xi32, #tpu.memory_space<vmem>> -> memref<80xi32, #tpu.memory_space<vmem>>
        %dma_wait3A_217 = arith.constant 0 : i32
        %dma_wait3A_218 = arith.constant 0 : i32
        %dma_wait3A_219 = tpu.memref_slice %arg7[%dma_wait3A_217, %dma_wait3A_218] : memref<10240x128xf32, #tpu.memory_space<vmem_shared>> -> memref<10240x128xf32, #tpu.memory_space<vmem_shared>>
        tpu.wait_indirect_dma semaphore(%run_scoped3A_207 : memref<!tpu.dma_semaphore, #tpu.memory_space<semaphore_mem>>) src(%arg13 : memref<80x128xf32, #tpu.memory_space<vmem>>) dst(%dma_wait3A_219 : memref<10240x128xf32, #tpu.memory_space<vmem_shared>>)
        tpu.yield
      }) : () -> ()
    }
    %scan3A_130 = arith.constant 12 : i32
    %dma_wait3A_131 = arith.constant 24 : i32
    %dma_wait3A_132 = arith.constant 0 : i32
    %dma_wait3A_133 = tpu.memref_slice %arg8[%dma_wait3A_131, %dma_wait3A_132] : memref<25x80xi32, #tpu.memory_space<vmem>> -> memref<1x80xi32, #tpu.memory_space<vmem>>
    %dma_wait3A_134 = tpu.memref_squeeze %dma_wait3A_133 : memref<1x80xi32, #tpu.memory_space<vmem>> -> memref<80xi32, #tpu.memory_space<vmem>>
    %dma_wait3A_135 = arith.constant 0 : i32
    %dma_wait3A_136 = arith.constant 0 : i32
    %dma_wait3A_137 = tpu.memref_slice %arg2[%dma_wait3A_135, %dma_wait3A_136] : memref<10000x128xf32, #tpu.memory_space<hbm>> -> memref<10000x128xf32, #tpu.memory_space<hbm>>
    tpu.wait_indirect_dma semaphore(%arg14 : memref<!tpu.dma_semaphore, #tpu.memory_space<semaphore_mem>>) src(%dma_wait3A_137 : memref<10000x128xf32, #tpu.memory_space<hbm>>) dst(%arg12 : memref<80x128xf32, #tpu.memory_space<vmem>>)
    %run_scoped3A_138 = arith.constant 24 : i32
    "tpu.region"() ({
      %run_scoped3A_172 = tpu.sem_alloc : memref<!tpu.dma_semaphore, #tpu.memory_space<semaphore_mem>>
      %dma_start3A_173 = arith.constant 0 : i32
      %dma_start3A_174 = tpu.memref_slice %arg10[%run_scoped3A_138, %dma_start3A_173] : memref<25x80xi32, #tpu.memory_space<vmem>> -> memref<1x80xi32, #tpu.memory_space<vmem>>
      %dma_start3A_175 = tpu.memref_squeeze %dma_start3A_174 : memref<1x80xi32, #tpu.memory_space<vmem>> -> memref<80xi32, #tpu.memory_space<vmem>>
      %dma_start3A_176 = arith.constant 0 : i32
      %dma_start3A_177 = arith.constant 0 : i32
      %dma_start3A_178 = tpu.memref_slice %arg7[%dma_start3A_176, %dma_start3A_177] : memref<10240x128xf32, #tpu.memory_space<vmem_shared>> -> memref<10240x128xf32, #tpu.memory_space<vmem_shared>>
      tpu.enqueue_indirect_dma source(%arg12 : memref<80x128xf32, #tpu.memory_space<vmem>>) target(%dma_start3A_178 : memref<10240x128xf32, #tpu.memory_space<vmem_shared>>) offsets(%dma_start3A_175 : memref<80xi32, #tpu.memory_space<vmem>>) semaphore(%run_scoped3A_172 : memref<!tpu.dma_semaphore, #tpu.memory_space<semaphore_mem>>) {add = true}
      %dma_wait3A_179 = arith.constant 0 : i32
      %dma_wait3A_180 = tpu.memref_slice %arg10[%run_scoped3A_138, %dma_wait3A_179] : memref<25x80xi32, #tpu.memory_space<vmem>> -> memref<1x80xi32, #tpu.memory_space<vmem>>
      %dma_wait3A_181 = tpu.memref_squeeze %dma_wait3A_180 : memref<1x80xi32, #tpu.memory_space<vmem>> -> memref<80xi32, #tpu.memory_space<vmem>>
      %dma_wait3A_182 = arith.constant 0 : i32
      %dma_wait3A_183 = arith.constant 0 : i32
      %dma_wait3A_184 = tpu.memref_slice %arg7[%dma_wait3A_182, %dma_wait3A_183] : memref<10240x128xf32, #tpu.memory_space<vmem_shared>> -> memref<10240x128xf32, #tpu.memory_space<vmem_shared>>
      tpu.wait_indirect_dma semaphore(%run_scoped3A_172 : memref<!tpu.dma_semaphore, #tpu.memory_space<semaphore_mem>>) src(%arg12 : memref<80x128xf32, #tpu.memory_space<vmem>>) dst(%dma_wait3A_184 : memref<10240x128xf32, #tpu.memory_space<vmem_shared>>)
      tpu.yield
    }) : () -> ()
    %barrier3A_139 = arith.constant 0 : index
    tpu.barrier barrier_id(%barrier3A_139)
    %mul3A_140 = arith.constant 640 : i32
    %mul3A_141 = arith.muli %arg1, %mul3A_140 : i32
    %add3A_142 = arith.constant 0 : i32
    %add3A_143 = arith.addi %mul3A_141, %add3A_142 : i32
    "tpu.region"() ({
      %run_scoped3A_172 = tpu.sem_alloc : memref<!tpu.dma_semaphore, #tpu.memory_space<semaphore_mem>>
      %dma_start3A_173 = arith.constant 0 : i32
      %dma_start3A_174 = tpu.memref_slice %arg7[%add3A_143, %dma_start3A_173] : memref<10240x128xf32, #tpu.memory_space<vmem_shared>> -> memref<80x128xf32, #tpu.memory_space<vmem_shared>>
      %dma_start3A_175 = arith.constant 0 : i32
      %dma_start3A_176 = tpu.memref_slice %arg7[%add3A_143, %dma_start3A_175] : memref<10240x128xf32, #tpu.memory_space<vmem_shared>> -> memref<80x128xf32, #tpu.memory_space<vmem_shared>>
      tpu.enqueue_dma source(%dma_start3A_176 : memref<80x128xf32, #tpu.memory_space<vmem_shared>>) target(%arg12 : memref<80x128xf32, #tpu.memory_space<vmem>>) target_semaphore(%run_scoped3A_172 : memref<!tpu.dma_semaphore, #tpu.memory_space<semaphore_mem>>)
      %dma_wait3A_177 = arith.constant 0 : i32
      %dma_wait3A_178 = tpu.memref_slice %arg7[%add3A_143, %dma_wait3A_177] : memref<10240x128xf32, #tpu.memory_space<vmem_shared>> -> memref<80x128xf32, #tpu.memory_space<vmem_shared>>
      %dma_wait3A_179 = arith.constant 0 : i32
      %dma_wait3A_180 = tpu.memref_slice %arg7[%add3A_143, %dma_wait3A_179] : memref<10240x128xf32, #tpu.memory_space<vmem_shared>> -> memref<80x128xf32, #tpu.memory_space<vmem_shared>>
      tpu.wait_dma2 semaphore(%run_scoped3A_172 : memref<!tpu.dma_semaphore, #tpu.memory_space<semaphore_mem>>) src(%dma_wait3A_180 : memref<80x128xf32, #tpu.memory_space<vmem_shared>>) dst(%arg12 : memref<80x128xf32, #tpu.memory_space<vmem>>)
      tpu.yield
    }) : () -> ()
    "tpu.region"() ({
      %run_scoped3A_172 = tpu.sem_alloc : memref<!tpu.dma_semaphore, #tpu.memory_space<semaphore_mem>>
      %dma_start3A_173 = arith.constant 0 : i32
      %dma_start3A_174 = tpu.memref_slice %arg6[%arg0, %add3A_143, %dma_start3A_173] : memref<2x10240x128xf32, #tpu.memory_space<hbm>> -> memref<1x80x128xf32, #tpu.memory_space<hbm>>
      %dma_start3A_175 = tpu.memref_squeeze %dma_start3A_174 : memref<1x80x128xf32, #tpu.memory_space<hbm>> -> memref<80x128xf32, #tpu.memory_space<hbm>>
      %dma_start3A_176 = arith.constant 0 : i32
      %dma_start3A_177 = tpu.memref_slice %arg6[%arg0, %add3A_143, %dma_start3A_176] : memref<2x10240x128xf32, #tpu.memory_space<hbm>> -> memref<1x80x128xf32, #tpu.memory_space<hbm>>
      %dma_start3A_178 = tpu.memref_squeeze %dma_start3A_177 : memref<1x80x128xf32, #tpu.memory_space<hbm>> -> memref<80x128xf32, #tpu.memory_space<hbm>>
      tpu.enqueue_dma source(%arg12 : memref<80x128xf32, #tpu.memory_space<vmem>>) target(%dma_start3A_178 : memref<80x128xf32, #tpu.memory_space<hbm>>) target_semaphore(%run_scoped3A_172 : memref<!tpu.dma_semaphore, #tpu.memory_space<semaphore_mem>>)
      %dma_wait3A_179 = arith.constant 0 : i32
      %dma_wait3A_180 = tpu.memref_slice %arg6[%arg0, %add3A_143, %dma_wait3A_179] : memref<2x10240x128xf32, #tpu.memory_space<hbm>> -> memref<1x80x128xf32, #tpu.memory_space<hbm>>
      %dma_wait3A_181 = tpu.memref_squeeze %dma_wait3A_180 : memref<1x80x128xf32, #tpu.memory_space<hbm>> -> memref<80x128xf32, #tpu.memory_space<hbm>>
      %dma_wait3A_182 = arith.constant 0 : i32
      %dma_wait3A_183 = tpu.memref_slice %arg6[%arg0, %add3A_143, %dma_wait3A_182] : memref<2x10240x128xf32, #tpu.memory_space<hbm>> -> memref<1x80x128xf32, #tpu.memory_space<hbm>>
      %dma_wait3A_184 = tpu.memref_squeeze %dma_wait3A_183 : memref<1x80x128xf32, #tpu.memory_space<hbm>> -> memref<80x128xf32, #tpu.memory_space<hbm>>
      tpu.wait_dma2 semaphore(%run_scoped3A_172 : memref<!tpu.dma_semaphore, #tpu.memory_space<semaphore_mem>>) src(%arg12 : memref<80x128xf32, #tpu.memory_space<vmem>>) dst(%dma_wait3A_184 : memref<80x128xf32, #tpu.memory_space<hbm>>)
      tpu.yield
    }) : () -> ()
    %mul3A_144 = arith.constant 640 : i32
    %mul3A_145 = arith.muli %arg1, %mul3A_144 : i32
    %add3A_146 = arith.constant 80 : i32
    %add3A_147 = arith.addi %mul3A_145, %add3A_146 : i32
    "tpu.region"() ({
      %run_scoped3A_172 = tpu.sem_alloc : memref<!tpu.dma_semaphore, #tpu.memory_space<semaphore_mem>>
      %dma_start3A_173 = arith.constant 0 : i32
      %dma_start3A_174 = tpu.memref_slice %arg7[%add3A_147, %dma_start3A_173] : memref<10240x128xf32, #tpu.memory_space<vmem_shared>> -> memref<80x128xf32, #tpu.memory_space<vmem_shared>>
      %dma_start3A_175 = arith.constant 0 : i32
      %dma_start3A_176 = tpu.memref_slice %arg7[%add3A_147, %dma_start3A_175] : memref<10240x128xf32, #tpu.memory_space<vmem_shared>> -> memref<80x128xf32, #tpu.memory_space<vmem_shared>>
      tpu.enqueue_dma source(%dma_start3A_176 : memref<80x128xf32, #tpu.memory_space<vmem_shared>>) target(%arg12 : memref<80x128xf32, #tpu.memory_space<vmem>>) target_semaphore(%run_scoped3A_172 : memref<!tpu.dma_semaphore, #tpu.memory_space<semaphore_mem>>)
      %dma_wait3A_177 = arith.constant 0 : i32
      %dma_wait3A_178 = tpu.memref_slice %arg7[%add3A_147, %dma_wait3A_177] : memref<10240x128xf32, #tpu.memory_space<vmem_shared>> -> memref<80x128xf32, #tpu.memory_space<vmem_shared>>
      %dma_wait3A_179 = arith.constant 0 : i32
      %dma_wait3A_180 = tpu.memref_slice %arg7[%add3A_147, %dma_wait3A_179] : memref<10240x128xf32, #tpu.memory_space<vmem_shared>> -> memref<80x128xf32, #tpu.memory_space<vmem_shared>>
      tpu.wait_dma2 semaphore(%run_scoped3A_172 : memref<!tpu.dma_semaphore, #tpu.memory_space<semaphore_mem>>) src(%dma_wait3A_180 : memref<80x128xf32, #tpu.memory_space<vmem_shared>>) dst(%arg12 : memref<80x128xf32, #tpu.memory_space<vmem>>)
      tpu.yield
    }) : () -> ()
    "tpu.region"() ({
      %run_scoped3A_172 = tpu.sem_alloc : memref<!tpu.dma_semaphore, #tpu.memory_space<semaphore_mem>>
      %dma_start3A_173 = arith.constant 0 : i32
      %dma_start3A_174 = tpu.memref_slice %arg6[%arg0, %add3A_147, %dma_start3A_173] : memref<2x10240x128xf32, #tpu.memory_space<hbm>> -> memref<1x80x128xf32, #tpu.memory_space<hbm>>
      %dma_start3A_175 = tpu.memref_squeeze %dma_start3A_174 : memref<1x80x128xf32, #tpu.memory_space<hbm>> -> memref<80x128xf32, #tpu.memory_space<hbm>>
      %dma_start3A_176 = arith.constant 0 : i32
      %dma_start3A_177 = tpu.memref_slice %arg6[%arg0, %add3A_147, %dma_start3A_176] : memref<2x10240x128xf32, #tpu.memory_space<hbm>> -> memref<1x80x128xf32, #tpu.memory_space<hbm>>
      %dma_start3A_178 = tpu.memref_squeeze %dma_start3A_177 : memref<1x80x128xf32, #tpu.memory_space<hbm>> -> memref<80x128xf32, #tpu.memory_space<hbm>>
      tpu.enqueue_dma source(%arg12 : memref<80x128xf32, #tpu.memory_space<vmem>>) target(%dma_start3A_178 : memref<80x128xf32, #tpu.memory_space<hbm>>) target_semaphore(%run_scoped3A_172 : memref<!tpu.dma_semaphore, #tpu.memory_space<semaphore_mem>>)
      %dma_wait3A_179 = arith.constant 0 : i32
      %dma_wait3A_180 = tpu.memref_slice %arg6[%arg0, %add3A_147, %dma_wait3A_179] : memref<2x10240x128xf32, #tpu.memory_space<hbm>> -> memref<1x80x128xf32, #tpu.memory_space<hbm>>
      %dma_wait3A_181 = tpu.memref_squeeze %dma_wait3A_180 : memref<1x80x128xf32, #tpu.memory_space<hbm>> -> memref<80x128xf32, #tpu.memory_space<hbm>>
      %dma_wait3A_182 = arith.constant 0 : i32
      %dma_wait3A_183 = tpu.memref_slice %arg6[%arg0, %add3A_147, %dma_wait3A_182] : memref<2x10240x128xf32, #tpu.memory_space<hbm>> -> memref<1x80x128xf32, #tpu.memory_space<hbm>>
      %dma_wait3A_184 = tpu.memref_squeeze %dma_wait3A_183 : memref<1x80x128xf32, #tpu.memory_space<hbm>> -> memref<80x128xf32, #tpu.memory_space<hbm>>
      tpu.wait_dma2 semaphore(%run_scoped3A_172 : memref<!tpu.dma_semaphore, #tpu.memory_space<semaphore_mem>>) src(%arg12 : memref<80x128xf32, #tpu.memory_space<vmem>>) dst(%dma_wait3A_184 : memref<80x128xf32, #tpu.memory_space<hbm>>)
      tpu.yield
    }) : () -> ()
    %mul3A_148 = arith.constant 640 : i32
    %mul3A_149 = arith.muli %arg1, %mul3A_148 : i32
    %add3A_150 = arith.constant 160 : i32
    %add3A_151 = arith.addi %mul3A_149, %add3A_150 : i32
    "tpu.region"() ({
      %run_scoped3A_172 = tpu.sem_alloc : memref<!tpu.dma_semaphore, #tpu.memory_space<semaphore_mem>>
      %dma_start3A_173 = arith.constant 0 : i32
      %dma_start3A_174 = tpu.memref_slice %arg7[%add3A_151, %dma_start3A_173] : memref<10240x128xf32, #tpu.memory_space<vmem_shared>> -> memref<80x128xf32, #tpu.memory_space<vmem_shared>>
      %dma_start3A_175 = arith.constant 0 : i32
      %dma_start3A_176 = tpu.memref_slice %arg7[%add3A_151, %dma_start3A_175] : memref<10240x128xf32, #tpu.memory_space<vmem_shared>> -> memref<80x128xf32, #tpu.memory_space<vmem_shared>>
      tpu.enqueue_dma source(%dma_start3A_176 : memref<80x128xf32, #tpu.memory_space<vmem_shared>>) target(%arg12 : memref<80x128xf32, #tpu.memory_space<vmem>>) target_semaphore(%run_scoped3A_172 : memref<!tpu.dma_semaphore, #tpu.memory_space<semaphore_mem>>)
      %dma_wait3A_177 = arith.constant 0 : i32
      %dma_wait3A_178 = tpu.memref_slice %arg7[%add3A_151, %dma_wait3A_177] : memref<10240x128xf32, #tpu.memory_space<vmem_shared>> -> memref<80x128xf32, #tpu.memory_space<vmem_shared>>
      %dma_wait3A_179 = arith.constant 0 : i32
      %dma_wait3A_180 = tpu.memref_slice %arg7[%add3A_151, %dma_wait3A_179] : memref<10240x128xf32, #tpu.memory_space<vmem_shared>> -> memref<80x128xf32, #tpu.memory_space<vmem_shared>>
      tpu.wait_dma2 semaphore(%run_scoped3A_172 : memref<!tpu.dma_semaphore, #tpu.memory_space<semaphore_mem>>) src(%dma_wait3A_180 : memref<80x128xf32, #tpu.memory_space<vmem_shared>>) dst(%arg12 : memref<80x128xf32, #tpu.memory_space<vmem>>)
      tpu.yield
    }) : () -> ()
    "tpu.region"() ({
      %run_scoped3A_172 = tpu.sem_alloc : memref<!tpu.dma_semaphore, #tpu.memory_space<semaphore_mem>>
      %dma_start3A_173 = arith.constant 0 : i32
      %dma_start3A_174 = tpu.memref_slice %arg6[%arg0, %add3A_151, %dma_start3A_173] : memref<2x10240x128xf32, #tpu.memory_space<hbm>> -> memref<1x80x128xf32, #tpu.memory_space<hbm>>
      %dma_start3A_175 = tpu.memref_squeeze %dma_start3A_174 : memref<1x80x128xf32, #tpu.memory_space<hbm>> -> memref<80x128xf32, #tpu.memory_space<hbm>>
      %dma_start3A_176 = arith.constant 0 : i32
      %dma_start3A_177 = tpu.memref_slice %arg6[%arg0, %add3A_151, %dma_start3A_176] : memref<2x10240x128xf32, #tpu.memory_space<hbm>> -> memref<1x80x128xf32, #tpu.memory_space<hbm>>
      %dma_start3A_178 = tpu.memref_squeeze %dma_start3A_177 : memref<1x80x128xf32, #tpu.memory_space<hbm>> -> memref<80x128xf32, #tpu.memory_space<hbm>>
      tpu.enqueue_dma source(%arg12 : memref<80x128xf32, #tpu.memory_space<vmem>>) target(%dma_start3A_178 : memref<80x128xf32, #tpu.memory_space<hbm>>) target_semaphore(%run_scoped3A_172 : memref<!tpu.dma_semaphore, #tpu.memory_space<semaphore_mem>>)
      %dma_wait3A_179 = arith.constant 0 : i32
      %dma_wait3A_180 = tpu.memref_slice %arg6[%arg0, %add3A_151, %dma_wait3A_179] : memref<2x10240x128xf32, #tpu.memory_space<hbm>> -> memref<1x80x128xf32, #tpu.memory_space<hbm>>
      %dma_wait3A_181 = tpu.memref_squeeze %dma_wait3A_180 : memref<1x80x128xf32, #tpu.memory_space<hbm>> -> memref<80x128xf32, #tpu.memory_space<hbm>>
      %dma_wait3A_182 = arith.constant 0 : i32
      %dma_wait3A_183 = tpu.memref_slice %arg6[%arg0, %add3A_151, %dma_wait3A_182] : memref<2x10240x128xf32, #tpu.memory_space<hbm>> -> memref<1x80x128xf32, #tpu.memory_space<hbm>>
      %dma_wait3A_184 = tpu.memref_squeeze %dma_wait3A_183 : memref<1x80x128xf32, #tpu.memory_space<hbm>> -> memref<80x128xf32, #tpu.memory_space<hbm>>
      tpu.wait_dma2 semaphore(%run_scoped3A_172 : memref<!tpu.dma_semaphore, #tpu.memory_space<semaphore_mem>>) src(%arg12 : memref<80x128xf32, #tpu.memory_space<vmem>>) dst(%dma_wait3A_184 : memref<80x128xf32, #tpu.memory_space<hbm>>)
      tpu.yield
    }) : () -> ()
    %mul3A_152 = arith.constant 640 : i32
    %mul3A_153 = arith.muli %arg1, %mul3A_152 : i32
    %add3A_154 = arith.constant 240 : i32
    %add3A_155 = arith.addi %mul3A_153, %add3A_154 : i32
    "tpu.region"() ({
      %run_scoped3A_172 = tpu.sem_alloc : memref<!tpu.dma_semaphore, #tpu.memory_space<semaphore_mem>>
      %dma_start3A_173 = arith.constant 0 : i32
      %dma_start3A_174 = tpu.memref_slice %arg7[%add3A_155, %dma_start3A_173] : memref<10240x128xf32, #tpu.memory_space<vmem_shared>> -> memref<80x128xf32, #tpu.memory_space<vmem_shared>>
      %dma_start3A_175 = arith.constant 0 : i32
      %dma_start3A_176 = tpu.memref_slice %arg7[%add3A_155, %dma_start3A_175] : memref<10240x128xf32, #tpu.memory_space<vmem_shared>> -> memref<80x128xf32, #tpu.memory_space<vmem_shared>>
      tpu.enqueue_dma source(%dma_start3A_176 : memref<80x128xf32, #tpu.memory_space<vmem_shared>>) target(%arg12 : memref<80x128xf32, #tpu.memory_space<vmem>>) target_semaphore(%run_scoped3A_172 : memref<!tpu.dma_semaphore, #tpu.memory_space<semaphore_mem>>)
      %dma_wait3A_177 = arith.constant 0 : i32
      %dma_wait3A_178 = tpu.memref_slice %arg7[%add3A_155, %dma_wait3A_177] : memref<10240x128xf32, #tpu.memory_space<vmem_shared>> -> memref<80x128xf32, #tpu.memory_space<vmem_shared>>
      %dma_wait3A_179 = arith.constant 0 : i32
      %dma_wait3A_180 = tpu.memref_slice %arg7[%add3A_155, %dma_wait3A_179] : memref<10240x128xf32, #tpu.memory_space<vmem_shared>> -> memref<80x128xf32, #tpu.memory_space<vmem_shared>>
      tpu.wait_dma2 semaphore(%run_scoped3A_172 : memref<!tpu.dma_semaphore, #tpu.memory_space<semaphore_mem>>) src(%dma_wait3A_180 : memref<80x128xf32, #tpu.memory_space<vmem_shared>>) dst(%arg12 : memref<80x128xf32, #tpu.memory_space<vmem>>)
      tpu.yield
    }) : () -> ()
    "tpu.region"() ({
      %run_scoped3A_172 = tpu.sem_alloc : memref<!tpu.dma_semaphore, #tpu.memory_space<semaphore_mem>>
      %dma_start3A_173 = arith.constant 0 : i32
      %dma_start3A_174 = tpu.memref_slice %arg6[%arg0, %add3A_155, %dma_start3A_173] : memref<2x10240x128xf32, #tpu.memory_space<hbm>> -> memref<1x80x128xf32, #tpu.memory_space<hbm>>
      %dma_start3A_175 = tpu.memref_squeeze %dma_start3A_174 : memref<1x80x128xf32, #tpu.memory_space<hbm>> -> memref<80x128xf32, #tpu.memory_space<hbm>>
      %dma_start3A_176 = arith.constant 0 : i32
      %dma_start3A_177 = tpu.memref_slice %arg6[%arg0, %add3A_155, %dma_start3A_176] : memref<2x10240x128xf32, #tpu.memory_space<hbm>> -> memref<1x80x128xf32, #tpu.memory_space<hbm>>
      %dma_start3A_178 = tpu.memref_squeeze %dma_start3A_177 : memref<1x80x128xf32, #tpu.memory_space<hbm>> -> memref<80x128xf32, #tpu.memory_space<hbm>>
      tpu.enqueue_dma source(%arg12 : memref<80x128xf32, #tpu.memory_space<vmem>>) target(%dma_start3A_178 : memref<80x128xf32, #tpu.memory_space<hbm>>) target_semaphore(%run_scoped3A_172 : memref<!tpu.dma_semaphore, #tpu.memory_space<semaphore_mem>>)
      %dma_wait3A_179 = arith.constant 0 : i32
      %dma_wait3A_180 = tpu.memref_slice %arg6[%arg0, %add3A_155, %dma_wait3A_179] : memref<2x10240x128xf32, #tpu.memory_space<hbm>> -> memref<1x80x128xf32, #tpu.memory_space<hbm>>
      %dma_wait3A_181 = tpu.memref_squeeze %dma_wait3A_180 : memref<1x80x128xf32, #tpu.memory_space<hbm>> -> memref<80x128xf32, #tpu.memory_space<hbm>>
      %dma_wait3A_182 = arith.constant 0 : i32
      %dma_wait3A_183 = tpu.memref_slice %arg6[%arg0, %add3A_155, %dma_wait3A_182] : memref<2x10240x128xf32, #tpu.memory_space<hbm>> -> memref<1x80x128xf32, #tpu.memory_space<hbm>>
      %dma_wait3A_184 = tpu.memref_squeeze %dma_wait3A_183 : memref<1x80x128xf32, #tpu.memory_space<hbm>> -> memref<80x128xf32, #tpu.memory_space<hbm>>
      tpu.wait_dma2 semaphore(%run_scoped3A_172 : memref<!tpu.dma_semaphore, #tpu.memory_space<semaphore_mem>>) src(%arg12 : memref<80x128xf32, #tpu.memory_space<vmem>>) dst(%dma_wait3A_184 : memref<80x128xf32, #tpu.memory_space<hbm>>)
      tpu.yield
    }) : () -> ()
    %mul3A_156 = arith.constant 640 : i32
    %mul3A_157 = arith.muli %arg1, %mul3A_156 : i32
    %add3A_158 = arith.constant 320 : i32
    %add3A_159 = arith.addi %mul3A_157, %add3A_158 : i32
    "tpu.region"() ({
      %run_scoped3A_172 = tpu.sem_alloc : memref<!tpu.dma_semaphore, #tpu.memory_space<semaphore_mem>>
      %dma_start3A_173 = arith.constant 0 : i32
      %dma_start3A_174 = tpu.memref_slice %arg7[%add3A_159, %dma_start3A_173] : memref<10240x128xf32, #tpu.memory_space<vmem_shared>> -> memref<80x128xf32, #tpu.memory_space<vmem_shared>>
      %dma_start3A_175 = arith.constant 0 : i32
      %dma_start3A_176 = tpu.memref_slice %arg7[%add3A_159, %dma_start3A_175] : memref<10240x128xf32, #tpu.memory_space<vmem_shared>> -> memref<80x128xf32, #tpu.memory_space<vmem_shared>>
      tpu.enqueue_dma source(%dma_start3A_176 : memref<80x128xf32, #tpu.memory_space<vmem_shared>>) target(%arg12 : memref<80x128xf32, #tpu.memory_space<vmem>>) target_semaphore(%run_scoped3A_172 : memref<!tpu.dma_semaphore, #tpu.memory_space<semaphore_mem>>)
      %dma_wait3A_177 = arith.constant 0 : i32
      %dma_wait3A_178 = tpu.memref_slice %arg7[%add3A_159, %dma_wait3A_177] : memref<10240x128xf32, #tpu.memory_space<vmem_shared>> -> memref<80x128xf32, #tpu.memory_space<vmem_shared>>
      %dma_wait3A_179 = arith.constant 0 : i32
      %dma_wait3A_180 = tpu.memref_slice %arg7[%add3A_159, %dma_wait3A_179] : memref<10240x128xf32, #tpu.memory_space<vmem_shared>> -> memref<80x128xf32, #tpu.memory_space<vmem_shared>>
      tpu.wait_dma2 semaphore(%run_scoped3A_172 : memref<!tpu.dma_semaphore, #tpu.memory_space<semaphore_mem>>) src(%dma_wait3A_180 : memref<80x128xf32, #tpu.memory_space<vmem_shared>>) dst(%arg12 : memref<80x128xf32, #tpu.memory_space<vmem>>)
      tpu.yield
    }) : () -> ()
    "tpu.region"() ({
      %run_scoped3A_172 = tpu.sem_alloc : memref<!tpu.dma_semaphore, #tpu.memory_space<semaphore_mem>>
      %dma_start3A_173 = arith.constant 0 : i32
      %dma_start3A_174 = tpu.memref_slice %arg6[%arg0, %add3A_159, %dma_start3A_173] : memref<2x10240x128xf32, #tpu.memory_space<hbm>> -> memref<1x80x128xf32, #tpu.memory_space<hbm>>
      %dma_start3A_175 = tpu.memref_squeeze %dma_start3A_174 : memref<1x80x128xf32, #tpu.memory_space<hbm>> -> memref<80x128xf32, #tpu.memory_space<hbm>>
      %dma_start3A_176 = arith.constant 0 : i32
      %dma_start3A_177 = tpu.memref_slice %arg6[%arg0, %add3A_159, %dma_start3A_176] : memref<2x10240x128xf32, #tpu.memory_space<hbm>> -> memref<1x80x128xf32, #tpu.memory_space<hbm>>
      %dma_start3A_178 = tpu.memref_squeeze %dma_start3A_177 : memref<1x80x128xf32, #tpu.memory_space<hbm>> -> memref<80x128xf32, #tpu.memory_space<hbm>>
      tpu.enqueue_dma source(%arg12 : memref<80x128xf32, #tpu.memory_space<vmem>>) target(%dma_start3A_178 : memref<80x128xf32, #tpu.memory_space<hbm>>) target_semaphore(%run_scoped3A_172 : memref<!tpu.dma_semaphore, #tpu.memory_space<semaphore_mem>>)
      %dma_wait3A_179 = arith.constant 0 : i32
      %dma_wait3A_180 = tpu.memref_slice %arg6[%arg0, %add3A_159, %dma_wait3A_179] : memref<2x10240x128xf32, #tpu.memory_space<hbm>> -> memref<1x80x128xf32, #tpu.memory_space<hbm>>
      %dma_wait3A_181 = tpu.memref_squeeze %dma_wait3A_180 : memref<1x80x128xf32, #tpu.memory_space<hbm>> -> memref<80x128xf32, #tpu.memory_space<hbm>>
      %dma_wait3A_182 = arith.constant 0 : i32
      %dma_wait3A_183 = tpu.memref_slice %arg6[%arg0, %add3A_159, %dma_wait3A_182] : memref<2x10240x128xf32, #tpu.memory_space<hbm>> -> memref<1x80x128xf32, #tpu.memory_space<hbm>>
      %dma_wait3A_184 = tpu.memref_squeeze %dma_wait3A_183 : memref<1x80x128xf32, #tpu.memory_space<hbm>> -> memref<80x128xf32, #tpu.memory_space<hbm>>
      tpu.wait_dma2 semaphore(%run_scoped3A_172 : memref<!tpu.dma_semaphore, #tpu.memory_space<semaphore_mem>>) src(%arg12 : memref<80x128xf32, #tpu.memory_space<vmem>>) dst(%dma_wait3A_184 : memref<80x128xf32, #tpu.memory_space<hbm>>)
      tpu.yield
    }) : () -> ()
    %mul3A_160 = arith.constant 640 : i32
    %mul3A_161 = arith.muli %arg1, %mul3A_160 : i32
    %add3A_162 = arith.constant 400 : i32
    %add3A_163 = arith.addi %mul3A_161, %add3A_162 : i32
    "tpu.region"() ({
      %run_scoped3A_172 = tpu.sem_alloc : memref<!tpu.dma_semaphore, #tpu.memory_space<semaphore_mem>>
      %dma_start3A_173 = arith.constant 0 : i32
      %dma_start3A_174 = tpu.memref_slice %arg7[%add3A_163, %dma_start3A_173] : memref<10240x128xf32, #tpu.memory_space<vmem_shared>> -> memref<80x128xf32, #tpu.memory_space<vmem_shared>>
      %dma_start3A_175 = arith.constant 0 : i32
      %dma_start3A_176 = tpu.memref_slice %arg7[%add3A_163, %dma_start3A_175] : memref<10240x128xf32, #tpu.memory_space<vmem_shared>> -> memref<80x128xf32, #tpu.memory_space<vmem_shared>>
      tpu.enqueue_dma source(%dma_start3A_176 : memref<80x128xf32, #tpu.memory_space<vmem_shared>>) target(%arg12 : memref<80x128xf32, #tpu.memory_space<vmem>>) target_semaphore(%run_scoped3A_172 : memref<!tpu.dma_semaphore, #tpu.memory_space<semaphore_mem>>)
      %dma_wait3A_177 = arith.constant 0 : i32
      %dma_wait3A_178 = tpu.memref_slice %arg7[%add3A_163, %dma_wait3A_177] : memref<10240x128xf32, #tpu.memory_space<vmem_shared>> -> memref<80x128xf32, #tpu.memory_space<vmem_shared>>
      %dma_wait3A_179 = arith.constant 0 : i32
      %dma_wait3A_180 = tpu.memref_slice %arg7[%add3A_163, %dma_wait3A_179] : memref<10240x128xf32, #tpu.memory_space<vmem_shared>> -> memref<80x128xf32, #tpu.memory_space<vmem_shared>>
      tpu.wait_dma2 semaphore(%run_scoped3A_172 : memref<!tpu.dma_semaphore, #tpu.memory_space<semaphore_mem>>) src(%dma_wait3A_180 : memref<80x128xf32, #tpu.memory_space<vmem_shared>>) dst(%arg12 : memref<80x128xf32, #tpu.memory_space<vmem>>)
      tpu.yield
    }) : () -> ()
    "tpu.region"() ({
      %run_scoped3A_172 = tpu.sem_alloc : memref<!tpu.dma_semaphore, #tpu.memory_space<semaphore_mem>>
      %dma_start3A_173 = arith.constant 0 : i32
      %dma_start3A_174 = tpu.memref_slice %arg6[%arg0, %add3A_163, %dma_start3A_173] : memref<2x10240x128xf32, #tpu.memory_space<hbm>> -> memref<1x80x128xf32, #tpu.memory_space<hbm>>
      %dma_start3A_175 = tpu.memref_squeeze %dma_start3A_174 : memref<1x80x128xf32, #tpu.memory_space<hbm>> -> memref<80x128xf32, #tpu.memory_space<hbm>>
      %dma_start3A_176 = arith.constant 0 : i32
      %dma_start3A_177 = tpu.memref_slice %arg6[%arg0, %add3A_163, %dma_start3A_176] : memref<2x10240x128xf32, #tpu.memory_space<hbm>> -> memref<1x80x128xf32, #tpu.memory_space<hbm>>
      %dma_start3A_178 = tpu.memref_squeeze %dma_start3A_177 : memref<1x80x128xf32, #tpu.memory_space<hbm>> -> memref<80x128xf32, #tpu.memory_space<hbm>>
      tpu.enqueue_dma source(%arg12 : memref<80x128xf32, #tpu.memory_space<vmem>>) target(%dma_start3A_178 : memref<80x128xf32, #tpu.memory_space<hbm>>) target_semaphore(%run_scoped3A_172 : memref<!tpu.dma_semaphore, #tpu.memory_space<semaphore_mem>>)
      %dma_wait3A_179 = arith.constant 0 : i32
      %dma_wait3A_180 = tpu.memref_slice %arg6[%arg0, %add3A_163, %dma_wait3A_179] : memref<2x10240x128xf32, #tpu.memory_space<hbm>> -> memref<1x80x128xf32, #tpu.memory_space<hbm>>
      %dma_wait3A_181 = tpu.memref_squeeze %dma_wait3A_180 : memref<1x80x128xf32, #tpu.memory_space<hbm>> -> memref<80x128xf32, #tpu.memory_space<hbm>>
      %dma_wait3A_182 = arith.constant 0 : i32
      %dma_wait3A_183 = tpu.memref_slice %arg6[%arg0, %add3A_163, %dma_wait3A_182] : memref<2x10240x128xf32, #tpu.memory_space<hbm>> -> memref<1x80x128xf32, #tpu.memory_space<hbm>>
      %dma_wait3A_184 = tpu.memref_squeeze %dma_wait3A_183 : memref<1x80x128xf32, #tpu.memory_space<hbm>> -> memref<80x128xf32, #tpu.memory_space<hbm>>
      tpu.wait_dma2 semaphore(%run_scoped3A_172 : memref<!tpu.dma_semaphore, #tpu.memory_space<semaphore_mem>>) src(%arg12 : memref<80x128xf32, #tpu.memory_space<vmem>>) dst(%dma_wait3A_184 : memref<80x128xf32, #tpu.memory_space<hbm>>)
      tpu.yield
    }) : () -> ()
    %mul3A_164 = arith.constant 640 : i32
    %mul3A_165 = arith.muli %arg1, %mul3A_164 : i32
    %add3A_166 = arith.constant 480 : i32
    %add3A_167 = arith.addi %mul3A_165, %add3A_166 : i32
    "tpu.region"() ({
      %run_scoped3A_172 = tpu.sem_alloc : memref<!tpu.dma_semaphore, #tpu.memory_space<semaphore_mem>>
      %dma_start3A_173 = arith.constant 0 : i32
      %dma_start3A_174 = tpu.memref_slice %arg7[%add3A_167, %dma_start3A_173] : memref<10240x128xf32, #tpu.memory_space<vmem_shared>> -> memref<80x128xf32, #tpu.memory_space<vmem_shared>>
      %dma_start3A_175 = arith.constant 0 : i32
      %dma_start3A_176 = tpu.memref_slice %arg7[%add3A_167, %dma_start3A_175] : memref<10240x128xf32, #tpu.memory_space<vmem_shared>> -> memref<80x128xf32, #tpu.memory_space<vmem_shared>>
      tpu.enqueue_dma source(%dma_start3A_176 : memref<80x128xf32, #tpu.memory_space<vmem_shared>>) target(%arg12 : memref<80x128xf32, #tpu.memory_space<vmem>>) target_semaphore(%run_scoped3A_172 : memref<!tpu.dma_semaphore, #tpu.memory_space<semaphore_mem>>)
      %dma_wait3A_177 = arith.constant 0 : i32
      %dma_wait3A_178 = tpu.memref_slice %arg7[%add3A_167, %dma_wait3A_177] : memref<10240x128xf32, #tpu.memory_space<vmem_shared>> -> memref<80x128xf32, #tpu.memory_space<vmem_shared>>
      %dma_wait3A_179 = arith.constant 0 : i32
      %dma_wait3A_180 = tpu.memref_slice %arg7[%add3A_167, %dma_wait3A_179] : memref<10240x128xf32, #tpu.memory_space<vmem_shared>> -> memref<80x128xf32, #tpu.memory_space<vmem_shared>>
      tpu.wait_dma2 semaphore(%run_scoped3A_172 : memref<!tpu.dma_semaphore, #tpu.memory_space<semaphore_mem>>) src(%dma_wait3A_180 : memref<80x128xf32, #tpu.memory_space<vmem_shared>>) dst(%arg12 : memref<80x128xf32, #tpu.memory_space<vmem>>)
      tpu.yield
    }) : () -> ()
    "tpu.region"() ({
      %run_scoped3A_172 = tpu.sem_alloc : memref<!tpu.dma_semaphore, #tpu.memory_space<semaphore_mem>>
      %dma_start3A_173 = arith.constant 0 : i32
      %dma_start3A_174 = tpu.memref_slice %arg6[%arg0, %add3A_167, %dma_start3A_173] : memref<2x10240x128xf32, #tpu.memory_space<hbm>> -> memref<1x80x128xf32, #tpu.memory_space<hbm>>
      %dma_start3A_175 = tpu.memref_squeeze %dma_start3A_174 : memref<1x80x128xf32, #tpu.memory_space<hbm>> -> memref<80x128xf32, #tpu.memory_space<hbm>>
      %dma_start3A_176 = arith.constant 0 : i32
      %dma_start3A_177 = tpu.memref_slice %arg6[%arg0, %add3A_167, %dma_start3A_176] : memref<2x10240x128xf32, #tpu.memory_space<hbm>> -> memref<1x80x128xf32, #tpu.memory_space<hbm>>
      %dma_start3A_178 = tpu.memref_squeeze %dma_start3A_177 : memref<1x80x128xf32, #tpu.memory_space<hbm>> -> memref<80x128xf32, #tpu.memory_space<hbm>>
      tpu.enqueue_dma source(%arg12 : memref<80x128xf32, #tpu.memory_space<vmem>>) target(%dma_start3A_178 : memref<80x128xf32, #tpu.memory_space<hbm>>) target_semaphore(%run_scoped3A_172 : memref<!tpu.dma_semaphore, #tpu.memory_space<semaphore_mem>>)
      %dma_wait3A_179 = arith.constant 0 : i32
      %dma_wait3A_180 = tpu.memref_slice %arg6[%arg0, %add3A_167, %dma_wait3A_179] : memref<2x10240x128xf32, #tpu.memory_space<hbm>> -> memref<1x80x128xf32, #tpu.memory_space<hbm>>
      %dma_wait3A_181 = tpu.memref_squeeze %dma_wait3A_180 : memref<1x80x128xf32, #tpu.memory_space<hbm>> -> memref<80x128xf32, #tpu.memory_space<hbm>>
      %dma_wait3A_182 = arith.constant 0 : i32
      %dma_wait3A_183 = tpu.memref_slice %arg6[%arg0, %add3A_167, %dma_wait3A_182] : memref<2x10240x128xf32, #tpu.memory_space<hbm>> -> memref<1x80x128xf32, #tpu.memory_space<hbm>>
      %dma_wait3A_184 = tpu.memref_squeeze %dma_wait3A_183 : memref<1x80x128xf32, #tpu.memory_space<hbm>> -> memref<80x128xf32, #tpu.memory_space<hbm>>
      tpu.wait_dma2 semaphore(%run_scoped3A_172 : memref<!tpu.dma_semaphore, #tpu.memory_space<semaphore_mem>>) src(%arg12 : memref<80x128xf32, #tpu.memory_space<vmem>>) dst(%dma_wait3A_184 : memref<80x128xf32, #tpu.memory_space<hbm>>)
      tpu.yield
    }) : () -> ()
    %mul3A_168 = arith.constant 640 : i32
    %mul3A_169 = arith.muli %arg1, %mul3A_168 : i32
    %add3A_170 = arith.constant 560 : i32
    %add3A_171 = arith.addi %mul3A_169, %add3A_170 : i32
    "tpu.region"() ({
      %run_scoped3A_172 = tpu.sem_alloc : memref<!tpu.dma_semaphore, #tpu.memory_space<semaphore_mem>>
      %dma_start3A_173 = arith.constant 0 : i32
      %dma_start3A_174 = tpu.memref_slice %arg7[%add3A_171, %dma_start3A_173] : memref<10240x128xf32, #tpu.memory_space<vmem_shared>> -> memref<80x128xf32, #tpu.memory_space<vmem_shared>>
      %dma_start3A_175 = arith.constant 0 : i32
      %dma_start3A_176 = tpu.memref_slice %arg7[%add3A_171, %dma_start3A_175] : memref<10240x128xf32, #tpu.memory_space<vmem_shared>> -> memref<80x128xf32, #tpu.memory_space<vmem_shared>>
      tpu.enqueue_dma source(%dma_start3A_176 : memref<80x128xf32, #tpu.memory_space<vmem_shared>>) target(%arg12 : memref<80x128xf32, #tpu.memory_space<vmem>>) target_semaphore(%run_scoped3A_172 : memref<!tpu.dma_semaphore, #tpu.memory_space<semaphore_mem>>)
      %dma_wait3A_177 = arith.constant 0 : i32
      %dma_wait3A_178 = tpu.memref_slice %arg7[%add3A_171, %dma_wait3A_177] : memref<10240x128xf32, #tpu.memory_space<vmem_shared>> -> memref<80x128xf32, #tpu.memory_space<vmem_shared>>
      %dma_wait3A_179 = arith.constant 0 : i32
      %dma_wait3A_180 = tpu.memref_slice %arg7[%add3A_171, %dma_wait3A_179] : memref<10240x128xf32, #tpu.memory_space<vmem_shared>> -> memref<80x128xf32, #tpu.memory_space<vmem_shared>>
      tpu.wait_dma2 semaphore(%run_scoped3A_172 : memref<!tpu.dma_semaphore, #tpu.memory_space<semaphore_mem>>) src(%dma_wait3A_180 : memref<80x128xf32, #tpu.memory_space<vmem_shared>>) dst(%arg12 : memref<80x128xf32, #tpu.memory_space<vmem>>)
      tpu.yield
    }) : () -> ()
    "tpu.region"() ({
      %run_scoped3A_172 = tpu.sem_alloc : memref<!tpu.dma_semaphore, #tpu.memory_space<semaphore_mem>>
      %dma_start3A_173 = arith.constant 0 : i32
      %dma_start3A_174 = tpu.memref_slice %arg6[%arg0, %add3A_171, %dma_start3A_173] : memref<2x10240x128xf32, #tpu.memory_space<hbm>> -> memref<1x80x128xf32, #tpu.memory_space<hbm>>
      %dma_start3A_175 = tpu.memref_squeeze %dma_start3A_174 : memref<1x80x128xf32, #tpu.memory_space<hbm>> -> memref<80x128xf32, #tpu.memory_space<hbm>>
      %dma_start3A_176 = arith.constant 0 : i32
      %dma_start3A_177 = tpu.memref_slice %arg6[%arg0, %add3A_171, %dma_start3A_176] : memref<2x10240x128xf32, #tpu.memory_space<hbm>> -> memref<1x80x128xf32, #tpu.memory_space<hbm>>
      %dma_start3A_178 = tpu.memref_squeeze %dma_start3A_177 : memref<1x80x128xf32, #tpu.memory_space<hbm>> -> memref<80x128xf32, #tpu.memory_space<hbm>>
      tpu.enqueue_dma source(%arg12 : memref<80x128xf32, #tpu.memory_space<vmem>>) target(%dma_start3A_178 : memref<80x128xf32, #tpu.memory_space<hbm>>) target_semaphore(%run_scoped3A_172 : memref<!tpu.dma_semaphore, #tpu.memory_space<semaphore_mem>>)
      %dma_wait3A_179 = arith.constant 0 : i32
      %dma_wait3A_180 = tpu.memref_slice %arg6[%arg0, %add3A_171, %dma_wait3A_179] : memref<2x10240x128xf32, #tpu.memory_space<hbm>> -> memref<1x80x128xf32, #tpu.memory_space<hbm>>
      %dma_wait3A_181 = tpu.memref_squeeze %dma_wait3A_180 : memref<1x80x128xf32, #tpu.memory_space<hbm>> -> memref<80x128xf32, #tpu.memory_space<hbm>>
      %dma_wait3A_182 = arith.constant 0 : i32
      %dma_wait3A_183 = tpu.memref_slice %arg6[%arg0, %add3A_171, %dma_wait3A_182] : memref<2x10240x128xf32, #tpu.memory_space<hbm>> -> memref<1x80x128xf32, #tpu.memory_space<hbm>>
      %dma_wait3A_184 = tpu.memref_squeeze %dma_wait3A_183 : memref<1x80x128xf32, #tpu.memory_space<hbm>> -> memref<80x128xf32, #tpu.memory_space<hbm>>
      tpu.wait_dma2 semaphore(%run_scoped3A_172 : memref<!tpu.dma_semaphore, #tpu.memory_space<semaphore_mem>>) src(%arg12 : memref<80x128xf32, #tpu.memory_space<vmem>>) dst(%dma_wait3A_184 : memref<80x128xf32, #tpu.memory_space<hbm>>)
      tpu.yield
    }) : () -> ()
    return
  }
}

#map = affine_map<(d0, d1) -> (0, 0)>
#map1 = affine_map<(d0, d1) -> (0, 0, 0, 0)>
#map2 = affine_map<(d0, d1) -> (0, 0, 0)>
module attributes {stable_mosaic.version = 14 : i64} {
  func.func @_msg_body(%arg0: i32, %arg1: i32, %arg2: memref<10000x128xf32, #tpu.memory_space<hbm>>, %arg3: memref<32x5x25x80xi32, #tpu.memory_space<hbm>>, %arg4: memref<32x5x25x80xi32, #tpu.memory_space<hbm>>, %arg5: memref<80x128xf32, #tpu.memory_space<hbm>>, %arg6: memref<2x10240x128xf32, #tpu.memory_space<hbm>>, %arg7: memref<10240x128xf32, #tpu.memory_space<vmem_shared>>, %arg8: memref<25x80xi32, #tpu.memory_space<vmem>>, %arg9: memref<25x80xi32, #tpu.memory_space<vmem>>, %arg10: memref<25x80xi32, #tpu.memory_space<vmem>>, %arg11: memref<25x80xi32, #tpu.memory_space<vmem>>, %arg12: memref<80x128xf32, #tpu.memory_space<vmem>>, %arg13: memref<80x128xf32, #tpu.memory_space<vmem>>, %arg14: memref<!tpu.dma_semaphore, #tpu.memory_space<semaphore_mem>>, %arg15: memref<!tpu.dma_semaphore, #tpu.memory_space<semaphore_mem>>) attributes {dimension_semantics = [#tpu.dimension_semantics<core_parallel>, #tpu.dimension_semantics<subcore_parallel>], iteration_bounds = array<i64: 2, 16>, scalar_prefetch = 0 : i64, scratch_operands = 9 : i64, tpu.core_type = #tpu.core_type<sc_vector_subcore>, window_params = [{transform_indices = #map}, {transform_indices = #map1}, {transform_indices = #map1}, {transform_indices = #map}, {transform_indices = #map2}]} {
    %mul3A = arith.constant 16 : i32
    %mul3A_0 = arith.muli %arg0, %mul3A : i32
    %add3A = arith.addi %mul3A_0, %arg1 : i32
    "tpu.region"() ({
      %run_scoped3A_172 = tpu.sem_alloc : memref<!tpu.dma_semaphore, #tpu.memory_space<semaphore_mem>>
      tpu.enqueue_dma source(%arg5 : memref<80x128xf32, #tpu.memory_space<hbm>>) target(%arg12 : memref<80x128xf32, #tpu.memory_space<vmem>>) target_semaphore(%run_scoped3A_172 : memref<!tpu.dma_semaphore, #tpu.memory_space<semaphore_mem>>)
      tpu.wait_dma2 semaphore(%run_scoped3A_172 : memref<!tpu.dma_semaphore, #tpu.memory_space<semaphore_mem>>) src(%arg5 : memref<80x128xf32, #tpu.memory_space<hbm>>) dst(%arg12 : memref<80x128xf32, #tpu.memory_space<vmem>>)
      tpu.yield
    }) : () -> ()
    %mul3A_1 = arith.constant 640 : i32
    %mul3A_2 = arith.muli %arg1, %mul3A_1 : i32
    %add3A_3 = arith.constant 0 : i32
    %add3A_4 = arith.addi %mul3A_2, %add3A_3 : i32
    "tpu.region"() ({
      %run_scoped3A_172 = tpu.sem_alloc : memref<!tpu.dma_semaphore, #tpu.memory_space<semaphore_mem>>
      %dma_start3A_173 = arith.constant 0 : i32
      %dma_start3A_174 = tpu.memref_slice %arg7[%add3A_4, %dma_start3A_173] : memref<10240x128xf32, #tpu.memory_space<vmem_shared>> -> memref<80x128xf32, #tpu.memory_space<vmem_shared>>
      %dma_start3A_175 = arith.constant 0 : i32
      %dma_start3A_176 = tpu.memref_slice %arg7[%add3A_4, %dma_start3A_175] : memref<10240x128xf32, #tpu.memory_space<vmem_shared>> -> memref<80x128xf32, #tpu.memory_space<vmem_shared>>
      tpu.enqueue_dma source(%arg12 : memref<80x128xf32, #tpu.memory_space<vmem>>) target(%dma_start3A_176 : memref<80x128xf32, #tpu.memory_space<vmem_shared>>) target_semaphore(%run_scoped3A_172 : memref<!tpu.dma_semaphore, #tpu.memory_space<semaphore_mem>>)
      %dma_wait3A_177 = arith.constant 0 : i32
      %dma_wait3A_178 = tpu.memref_slice %arg7[%add3A_4, %dma_wait3A_177] : memref<10240x128xf32, #tpu.memory_space<vmem_shared>> -> memref<80x128xf32, #tpu.memory_space<vmem_shared>>
      %dma_wait3A_179 = arith.constant 0 : i32
      %dma_wait3A_180 = tpu.memref_slice %arg7[%add3A_4, %dma_wait3A_179] : memref<10240x128xf32, #tpu.memory_space<vmem_shared>> -> memref<80x128xf32, #tpu.memory_space<vmem_shared>>
      tpu.wait_dma2 semaphore(%run_scoped3A_172 : memref<!tpu.dma_semaphore, #tpu.memory_space<semaphore_mem>>) src(%arg12 : memref<80x128xf32, #tpu.memory_space<vmem>>) dst(%dma_wait3A_180 : memref<80x128xf32, #tpu.memory_space<vmem_shared>>)
      tpu.yield
    }) : () -> ()
    %mul3A_5 = arith.constant 640 : i32
    %mul3A_6 = arith.muli %arg1, %mul3A_5 : i32
    %add3A_7 = arith.constant 80 : i32
    %add3A_8 = arith.addi %mul3A_6, %add3A_7 : i32
    "tpu.region"() ({
      %run_scoped3A_172 = tpu.sem_alloc : memref<!tpu.dma_semaphore, #tpu.memory_space<semaphore_mem>>
      %dma_start3A_173 = arith.constant 0 : i32
      %dma_start3A_174 = tpu.memref_slice %arg7[%add3A_8, %dma_start3A_173] : memref<10240x128xf32, #tpu.memory_space<vmem_shared>> -> memref<80x128xf32, #tpu.memory_space<vmem_shared>>
      %dma_start3A_175 = arith.constant 0 : i32
      %dma_start3A_176 = tpu.memref_slice %arg7[%add3A_8, %dma_start3A_175] : memref<10240x128xf32, #tpu.memory_space<vmem_shared>> -> memref<80x128xf32, #tpu.memory_space<vmem_shared>>
      tpu.enqueue_dma source(%arg12 : memref<80x128xf32, #tpu.memory_space<vmem>>) target(%dma_start3A_176 : memref<80x128xf32, #tpu.memory_space<vmem_shared>>) target_semaphore(%run_scoped3A_172 : memref<!tpu.dma_semaphore, #tpu.memory_space<semaphore_mem>>)
      %dma_wait3A_177 = arith.constant 0 : i32
      %dma_wait3A_178 = tpu.memref_slice %arg7[%add3A_8, %dma_wait3A_177] : memref<10240x128xf32, #tpu.memory_space<vmem_shared>> -> memref<80x128xf32, #tpu.memory_space<vmem_shared>>
      %dma_wait3A_179 = arith.constant 0 : i32
      %dma_wait3A_180 = tpu.memref_slice %arg7[%add3A_8, %dma_wait3A_179] : memref<10240x128xf32, #tpu.memory_space<vmem_shared>> -> memref<80x128xf32, #tpu.memory_space<vmem_shared>>
      tpu.wait_dma2 semaphore(%run_scoped3A_172 : memref<!tpu.dma_semaphore, #tpu.memory_space<semaphore_mem>>) src(%arg12 : memref<80x128xf32, #tpu.memory_space<vmem>>) dst(%dma_wait3A_180 : memref<80x128xf32, #tpu.memory_space<vmem_shared>>)
      tpu.yield
    }) : () -> ()
    %mul3A_9 = arith.constant 640 : i32
    %mul3A_10 = arith.muli %arg1, %mul3A_9 : i32
    %add3A_11 = arith.constant 160 : i32
    %add3A_12 = arith.addi %mul3A_10, %add3A_11 : i32
    "tpu.region"() ({
      %run_scoped3A_172 = tpu.sem_alloc : memref<!tpu.dma_semaphore, #tpu.memory_space<semaphore_mem>>
      %dma_start3A_173 = arith.constant 0 : i32
      %dma_start3A_174 = tpu.memref_slice %arg7[%add3A_12, %dma_start3A_173] : memref<10240x128xf32, #tpu.memory_space<vmem_shared>> -> memref<80x128xf32, #tpu.memory_space<vmem_shared>>
      %dma_start3A_175 = arith.constant 0 : i32
      %dma_start3A_176 = tpu.memref_slice %arg7[%add3A_12, %dma_start3A_175] : memref<10240x128xf32, #tpu.memory_space<vmem_shared>> -> memref<80x128xf32, #tpu.memory_space<vmem_shared>>
      tpu.enqueue_dma source(%arg12 : memref<80x128xf32, #tpu.memory_space<vmem>>) target(%dma_start3A_176 : memref<80x128xf32, #tpu.memory_space<vmem_shared>>) target_semaphore(%run_scoped3A_172 : memref<!tpu.dma_semaphore, #tpu.memory_space<semaphore_mem>>)
      %dma_wait3A_177 = arith.constant 0 : i32
      %dma_wait3A_178 = tpu.memref_slice %arg7[%add3A_12, %dma_wait3A_177] : memref<10240x128xf32, #tpu.memory_space<vmem_shared>> -> memref<80x128xf32, #tpu.memory_space<vmem_shared>>
      %dma_wait3A_179 = arith.constant 0 : i32
      %dma_wait3A_180 = tpu.memref_slice %arg7[%add3A_12, %dma_wait3A_179] : memref<10240x128xf32, #tpu.memory_space<vmem_shared>> -> memref<80x128xf32, #tpu.memory_space<vmem_shared>>
      tpu.wait_dma2 semaphore(%run_scoped3A_172 : memref<!tpu.dma_semaphore, #tpu.memory_space<semaphore_mem>>) src(%arg12 : memref<80x128xf32, #tpu.memory_space<vmem>>) dst(%dma_wait3A_180 : memref<80x128xf32, #tpu.memory_space<vmem_shared>>)
      tpu.yield
    }) : () -> ()
    %mul3A_13 = arith.constant 640 : i32
    %mul3A_14 = arith.muli %arg1, %mul3A_13 : i32
    %add3A_15 = arith.constant 240 : i32
    %add3A_16 = arith.addi %mul3A_14, %add3A_15 : i32
    "tpu.region"() ({
      %run_scoped3A_172 = tpu.sem_alloc : memref<!tpu.dma_semaphore, #tpu.memory_space<semaphore_mem>>
      %dma_start3A_173 = arith.constant 0 : i32
      %dma_start3A_174 = tpu.memref_slice %arg7[%add3A_16, %dma_start3A_173] : memref<10240x128xf32, #tpu.memory_space<vmem_shared>> -> memref<80x128xf32, #tpu.memory_space<vmem_shared>>
      %dma_start3A_175 = arith.constant 0 : i32
      %dma_start3A_176 = tpu.memref_slice %arg7[%add3A_16, %dma_start3A_175] : memref<10240x128xf32, #tpu.memory_space<vmem_shared>> -> memref<80x128xf32, #tpu.memory_space<vmem_shared>>
      tpu.enqueue_dma source(%arg12 : memref<80x128xf32, #tpu.memory_space<vmem>>) target(%dma_start3A_176 : memref<80x128xf32, #tpu.memory_space<vmem_shared>>) target_semaphore(%run_scoped3A_172 : memref<!tpu.dma_semaphore, #tpu.memory_space<semaphore_mem>>)
      %dma_wait3A_177 = arith.constant 0 : i32
      %dma_wait3A_178 = tpu.memref_slice %arg7[%add3A_16, %dma_wait3A_177] : memref<10240x128xf32, #tpu.memory_space<vmem_shared>> -> memref<80x128xf32, #tpu.memory_space<vmem_shared>>
      %dma_wait3A_179 = arith.constant 0 : i32
      %dma_wait3A_180 = tpu.memref_slice %arg7[%add3A_16, %dma_wait3A_179] : memref<10240x128xf32, #tpu.memory_space<vmem_shared>> -> memref<80x128xf32, #tpu.memory_space<vmem_shared>>
      tpu.wait_dma2 semaphore(%run_scoped3A_172 : memref<!tpu.dma_semaphore, #tpu.memory_space<semaphore_mem>>) src(%arg12 : memref<80x128xf32, #tpu.memory_space<vmem>>) dst(%dma_wait3A_180 : memref<80x128xf32, #tpu.memory_space<vmem_shared>>)
      tpu.yield
    }) : () -> ()
    %mul3A_17 = arith.constant 640 : i32
    %mul3A_18 = arith.muli %arg1, %mul3A_17 : i32
    %add3A_19 = arith.constant 320 : i32
    %add3A_20 = arith.addi %mul3A_18, %add3A_19 : i32
    "tpu.region"() ({
      %run_scoped3A_172 = tpu.sem_alloc : memref<!tpu.dma_semaphore, #tpu.memory_space<semaphore_mem>>
      %dma_start3A_173 = arith.constant 0 : i32
      %dma_start3A_174 = tpu.memref_slice %arg7[%add3A_20, %dma_start3A_173] : memref<10240x128xf32, #tpu.memory_space<vmem_shared>> -> memref<80x128xf32, #tpu.memory_space<vmem_shared>>
      %dma_start3A_175 = arith.constant 0 : i32
      %dma_start3A_176 = tpu.memref_slice %arg7[%add3A_20, %dma_start3A_175] : memref<10240x128xf32, #tpu.memory_space<vmem_shared>> -> memref<80x128xf32, #tpu.memory_space<vmem_shared>>
      tpu.enqueue_dma source(%arg12 : memref<80x128xf32, #tpu.memory_space<vmem>>) target(%dma_start3A_176 : memref<80x128xf32, #tpu.memory_space<vmem_shared>>) target_semaphore(%run_scoped3A_172 : memref<!tpu.dma_semaphore, #tpu.memory_space<semaphore_mem>>)
      %dma_wait3A_177 = arith.constant 0 : i32
      %dma_wait3A_178 = tpu.memref_slice %arg7[%add3A_20, %dma_wait3A_177] : memref<10240x128xf32, #tpu.memory_space<vmem_shared>> -> memref<80x128xf32, #tpu.memory_space<vmem_shared>>
      %dma_wait3A_179 = arith.constant 0 : i32
      %dma_wait3A_180 = tpu.memref_slice %arg7[%add3A_20, %dma_wait3A_179] : memref<10240x128xf32, #tpu.memory_space<vmem_shared>> -> memref<80x128xf32, #tpu.memory_space<vmem_shared>>
      tpu.wait_dma2 semaphore(%run_scoped3A_172 : memref<!tpu.dma_semaphore, #tpu.memory_space<semaphore_mem>>) src(%arg12 : memref<80x128xf32, #tpu.memory_space<vmem>>) dst(%dma_wait3A_180 : memref<80x128xf32, #tpu.memory_space<vmem_shared>>)
      tpu.yield
    }) : () -> ()
    %mul3A_21 = arith.constant 640 : i32
    %mul3A_22 = arith.muli %arg1, %mul3A_21 : i32
    %add3A_23 = arith.constant 400 : i32
    %add3A_24 = arith.addi %mul3A_22, %add3A_23 : i32
    "tpu.region"() ({
      %run_scoped3A_172 = tpu.sem_alloc : memref<!tpu.dma_semaphore, #tpu.memory_space<semaphore_mem>>
      %dma_start3A_173 = arith.constant 0 : i32
      %dma_start3A_174 = tpu.memref_slice %arg7[%add3A_24, %dma_start3A_173] : memref<10240x128xf32, #tpu.memory_space<vmem_shared>> -> memref<80x128xf32, #tpu.memory_space<vmem_shared>>
      %dma_start3A_175 = arith.constant 0 : i32
      %dma_start3A_176 = tpu.memref_slice %arg7[%add3A_24, %dma_start3A_175] : memref<10240x128xf32, #tpu.memory_space<vmem_shared>> -> memref<80x128xf32, #tpu.memory_space<vmem_shared>>
      tpu.enqueue_dma source(%arg12 : memref<80x128xf32, #tpu.memory_space<vmem>>) target(%dma_start3A_176 : memref<80x128xf32, #tpu.memory_space<vmem_shared>>) target_semaphore(%run_scoped3A_172 : memref<!tpu.dma_semaphore, #tpu.memory_space<semaphore_mem>>)
      %dma_wait3A_177 = arith.constant 0 : i32
      %dma_wait3A_178 = tpu.memref_slice %arg7[%add3A_24, %dma_wait3A_177] : memref<10240x128xf32, #tpu.memory_space<vmem_shared>> -> memref<80x128xf32, #tpu.memory_space<vmem_shared>>
      %dma_wait3A_179 = arith.constant 0 : i32
      %dma_wait3A_180 = tpu.memref_slice %arg7[%add3A_24, %dma_wait3A_179] : memref<10240x128xf32, #tpu.memory_space<vmem_shared>> -> memref<80x128xf32, #tpu.memory_space<vmem_shared>>
      tpu.wait_dma2 semaphore(%run_scoped3A_172 : memref<!tpu.dma_semaphore, #tpu.memory_space<semaphore_mem>>) src(%arg12 : memref<80x128xf32, #tpu.memory_space<vmem>>) dst(%dma_wait3A_180 : memref<80x128xf32, #tpu.memory_space<vmem_shared>>)
      tpu.yield
    }) : () -> ()
    %mul3A_25 = arith.constant 640 : i32
    %mul3A_26 = arith.muli %arg1, %mul3A_25 : i32
    %add3A_27 = arith.constant 480 : i32
    %add3A_28 = arith.addi %mul3A_26, %add3A_27 : i32
    "tpu.region"() ({
      %run_scoped3A_172 = tpu.sem_alloc : memref<!tpu.dma_semaphore, #tpu.memory_space<semaphore_mem>>
      %dma_start3A_173 = arith.constant 0 : i32
      %dma_start3A_174 = tpu.memref_slice %arg7[%add3A_28, %dma_start3A_173] : memref<10240x128xf32, #tpu.memory_space<vmem_shared>> -> memref<80x128xf32, #tpu.memory_space<vmem_shared>>
      %dma_start3A_175 = arith.constant 0 : i32
      %dma_start3A_176 = tpu.memref_slice %arg7[%add3A_28, %dma_start3A_175] : memref<10240x128xf32, #tpu.memory_space<vmem_shared>> -> memref<80x128xf32, #tpu.memory_space<vmem_shared>>
      tpu.enqueue_dma source(%arg12 : memref<80x128xf32, #tpu.memory_space<vmem>>) target(%dma_start3A_176 : memref<80x128xf32, #tpu.memory_space<vmem_shared>>) target_semaphore(%run_scoped3A_172 : memref<!tpu.dma_semaphore, #tpu.memory_space<semaphore_mem>>)
      %dma_wait3A_177 = arith.constant 0 : i32
      %dma_wait3A_178 = tpu.memref_slice %arg7[%add3A_28, %dma_wait3A_177] : memref<10240x128xf32, #tpu.memory_space<vmem_shared>> -> memref<80x128xf32, #tpu.memory_space<vmem_shared>>
      %dma_wait3A_179 = arith.constant 0 : i32
      %dma_wait3A_180 = tpu.memref_slice %arg7[%add3A_28, %dma_wait3A_179] : memref<10240x128xf32, #tpu.memory_space<vmem_shared>> -> memref<80x128xf32, #tpu.memory_space<vmem_shared>>
      tpu.wait_dma2 semaphore(%run_scoped3A_172 : memref<!tpu.dma_semaphore, #tpu.memory_space<semaphore_mem>>) src(%arg12 : memref<80x128xf32, #tpu.memory_space<vmem>>) dst(%dma_wait3A_180 : memref<80x128xf32, #tpu.memory_space<vmem_shared>>)
      tpu.yield
    }) : () -> ()
    %mul3A_29 = arith.constant 640 : i32
    %mul3A_30 = arith.muli %arg1, %mul3A_29 : i32
    %add3A_31 = arith.constant 560 : i32
    %add3A_32 = arith.addi %mul3A_30, %add3A_31 : i32
    "tpu.region"() ({
      %run_scoped3A_172 = tpu.sem_alloc : memref<!tpu.dma_semaphore, #tpu.memory_space<semaphore_mem>>
      %dma_start3A_173 = arith.constant 0 : i32
      %dma_start3A_174 = tpu.memref_slice %arg7[%add3A_32, %dma_start3A_173] : memref<10240x128xf32, #tpu.memory_space<vmem_shared>> -> memref<80x128xf32, #tpu.memory_space<vmem_shared>>
      %dma_start3A_175 = arith.constant 0 : i32
      %dma_start3A_176 = tpu.memref_slice %arg7[%add3A_32, %dma_start3A_175] : memref<10240x128xf32, #tpu.memory_space<vmem_shared>> -> memref<80x128xf32, #tpu.memory_space<vmem_shared>>
      tpu.enqueue_dma source(%arg12 : memref<80x128xf32, #tpu.memory_space<vmem>>) target(%dma_start3A_176 : memref<80x128xf32, #tpu.memory_space<vmem_shared>>) target_semaphore(%run_scoped3A_172 : memref<!tpu.dma_semaphore, #tpu.memory_space<semaphore_mem>>)
      %dma_wait3A_177 = arith.constant 0 : i32
      %dma_wait3A_178 = tpu.memref_slice %arg7[%add3A_32, %dma_wait3A_177] : memref<10240x128xf32, #tpu.memory_space<vmem_shared>> -> memref<80x128xf32, #tpu.memory_space<vmem_shared>>
      %dma_wait3A_179 = arith.constant 0 : i32
      %dma_wait3A_180 = tpu.memref_slice %arg7[%add3A_32, %dma_wait3A_179] : memref<10240x128xf32, #tpu.memory_space<vmem_shared>> -> memref<80x128xf32, #tpu.memory_space<vmem_shared>>
      tpu.wait_dma2 semaphore(%run_scoped3A_172 : memref<!tpu.dma_semaphore, #tpu.memory_space<semaphore_mem>>) src(%arg12 : memref<80x128xf32, #tpu.memory_space<vmem>>) dst(%dma_wait3A_180 : memref<80x128xf32, #tpu.memory_space<vmem_shared>>)
      tpu.yield
    }) : () -> ()
    %barrier3A = arith.constant 0 : index
    tpu.barrier barrier_id(%barrier3A)
    %run_scoped3A = arith.constant 0 : i32
    "tpu.region"() ({
      %run_scoped3A_172 = tpu.sem_alloc : memref<!tpu.dma_semaphore, #tpu.memory_space<semaphore_mem>>
      %dma_start3A_173 = arith.constant 0 : i32
      %dma_start3A_174 = arith.constant 0 : i32
      %dma_start3A_175 = tpu.memref_slice %arg3[%add3A, %run_scoped3A, %dma_start3A_173, %dma_start3A_174] : memref<32x5x25x80xi32, #tpu.memory_space<hbm>> -> memref<1x1x25x80xi32, #tpu.memory_space<hbm>>
      %dma_start3A_176 = tpu.memref_squeeze %dma_start3A_175 : memref<1x1x25x80xi32, #tpu.memory_space<hbm>> -> memref<25x80xi32, #tpu.memory_space<hbm>>
      %dma_start3A_177 = arith.constant 0 : i32
      %dma_start3A_178 = arith.constant 0 : i32
      %dma_start3A_179 = tpu.memref_slice %arg3[%add3A, %run_scoped3A, %dma_start3A_177, %dma_start3A_178] : memref<32x5x25x80xi32, #tpu.memory_space<hbm>> -> memref<1x1x25x80xi32, #tpu.memory_space<hbm>>
      %dma_start3A_180 = tpu.memref_squeeze %dma_start3A_179 : memref<1x1x25x80xi32, #tpu.memory_space<hbm>> -> memref<25x80xi32, #tpu.memory_space<hbm>>
      tpu.enqueue_dma source(%dma_start3A_180 : memref<25x80xi32, #tpu.memory_space<hbm>>) target(%arg8 : memref<25x80xi32, #tpu.memory_space<vmem>>) target_semaphore(%run_scoped3A_172 : memref<!tpu.dma_semaphore, #tpu.memory_space<semaphore_mem>>)
      %dma_wait3A_181 = arith.constant 0 : i32
      %dma_wait3A_182 = arith.constant 0 : i32
      %dma_wait3A_183 = tpu.memref_slice %arg3[%add3A, %run_scoped3A, %dma_wait3A_181, %dma_wait3A_182] : memref<32x5x25x80xi32, #tpu.memory_space<hbm>> -> memref<1x1x25x80xi32, #tpu.memory_space<hbm>>
      %dma_wait3A_184 = tpu.memref_squeeze %dma_wait3A_183 : memref<1x1x25x80xi32, #tpu.memory_space<hbm>> -> memref<25x80xi32, #tpu.memory_space<hbm>>
      %dma_wait3A_185 = arith.constant 0 : i32
      %dma_wait3A_186 = arith.constant 0 : i32
      %dma_wait3A_187 = tpu.memref_slice %arg3[%add3A, %run_scoped3A, %dma_wait3A_185, %dma_wait3A_186] : memref<32x5x25x80xi32, #tpu.memory_space<hbm>> -> memref<1x1x25x80xi32, #tpu.memory_space<hbm>>
      %dma_wait3A_188 = tpu.memref_squeeze %dma_wait3A_187 : memref<1x1x25x80xi32, #tpu.memory_space<hbm>> -> memref<25x80xi32, #tpu.memory_space<hbm>>
      tpu.wait_dma2 semaphore(%run_scoped3A_172 : memref<!tpu.dma_semaphore, #tpu.memory_space<semaphore_mem>>) src(%dma_wait3A_188 : memref<25x80xi32, #tpu.memory_space<hbm>>) dst(%arg8 : memref<25x80xi32, #tpu.memory_space<vmem>>)
      tpu.yield
    }) : () -> ()
    %run_scoped3A_33 = arith.constant 0 : i32
    "tpu.region"() ({
      %run_scoped3A_172 = tpu.sem_alloc : memref<!tpu.dma_semaphore, #tpu.memory_space<semaphore_mem>>
      %dma_start3A_173 = arith.constant 0 : i32
      %dma_start3A_174 = arith.constant 0 : i32
      %dma_start3A_175 = tpu.memref_slice %arg4[%add3A, %run_scoped3A_33, %dma_start3A_173, %dma_start3A_174] : memref<32x5x25x80xi32, #tpu.memory_space<hbm>> -> memref<1x1x25x80xi32, #tpu.memory_space<hbm>>
      %dma_start3A_176 = tpu.memref_squeeze %dma_start3A_175 : memref<1x1x25x80xi32, #tpu.memory_space<hbm>> -> memref<25x80xi32, #tpu.memory_space<hbm>>
      %dma_start3A_177 = arith.constant 0 : i32
      %dma_start3A_178 = arith.constant 0 : i32
      %dma_start3A_179 = tpu.memref_slice %arg4[%add3A, %run_scoped3A_33, %dma_start3A_177, %dma_start3A_178] : memref<32x5x25x80xi32, #tpu.memory_space<hbm>> -> memref<1x1x25x80xi32, #tpu.memory_space<hbm>>
      %dma_start3A_180 = tpu.memref_squeeze %dma_start3A_179 : memref<1x1x25x80xi32, #tpu.memory_space<hbm>> -> memref<25x80xi32, #tpu.memory_space<hbm>>
      tpu.enqueue_dma source(%dma_start3A_180 : memref<25x80xi32, #tpu.memory_space<hbm>>) target(%arg10 : memref<25x80xi32, #tpu.memory_space<vmem>>) target_semaphore(%run_scoped3A_172 : memref<!tpu.dma_semaphore, #tpu.memory_space<semaphore_mem>>)
      %dma_wait3A_181 = arith.constant 0 : i32
      %dma_wait3A_182 = arith.constant 0 : i32
      %dma_wait3A_183 = tpu.memref_slice %arg4[%add3A, %run_scoped3A_33, %dma_wait3A_181, %dma_wait3A_182] : memref<32x5x25x80xi32, #tpu.memory_space<hbm>> -> memref<1x1x25x80xi32, #tpu.memory_space<hbm>>
      %dma_wait3A_184 = tpu.memref_squeeze %dma_wait3A_183 : memref<1x1x25x80xi32, #tpu.memory_space<hbm>> -> memref<25x80xi32, #tpu.memory_space<hbm>>
      %dma_wait3A_185 = arith.constant 0 : i32
      %dma_wait3A_186 = arith.constant 0 : i32
      %dma_wait3A_187 = tpu.memref_slice %arg4[%add3A, %run_scoped3A_33, %dma_wait3A_185, %dma_wait3A_186] : memref<32x5x25x80xi32, #tpu.memory_space<hbm>> -> memref<1x1x25x80xi32, #tpu.memory_space<hbm>>
      %dma_wait3A_188 = tpu.memref_squeeze %dma_wait3A_187 : memref<1x1x25x80xi32, #tpu.memory_space<hbm>> -> memref<25x80xi32, #tpu.memory_space<hbm>>
      tpu.wait_dma2 semaphore(%run_scoped3A_172 : memref<!tpu.dma_semaphore, #tpu.memory_space<semaphore_mem>>) src(%dma_wait3A_188 : memref<25x80xi32, #tpu.memory_space<hbm>>) dst(%arg10 : memref<25x80xi32, #tpu.memory_space<vmem>>)
      tpu.yield
    }) : () -> ()
    %dma_start3A = arith.constant 0 : i32
    %dma_start3A_34 = arith.constant 0 : i32
    %dma_start3A_35 = tpu.memref_slice %arg8[%dma_start3A, %dma_start3A_34] : memref<25x80xi32, #tpu.memory_space<vmem>> -> memref<1x80xi32, #tpu.memory_space<vmem>>
    %dma_start3A_36 = tpu.memref_squeeze %dma_start3A_35 : memref<1x80xi32, #tpu.memory_space<vmem>> -> memref<80xi32, #tpu.memory_space<vmem>>
    %dma_start3A_37 = arith.constant 0 : i32
    %dma_start3A_38 = arith.constant 0 : i32
    %dma_start3A_39 = tpu.memref_slice %arg2[%dma_start3A_37, %dma_start3A_38] : memref<10000x128xf32, #tpu.memory_space<hbm>> -> memref<10000x128xf32, #tpu.memory_space<hbm>>
    tpu.enqueue_indirect_dma source(%dma_start3A_39 : memref<10000x128xf32, #tpu.memory_space<hbm>>) target(%arg12 : memref<80x128xf32, #tpu.memory_space<vmem>>) offsets(%dma_start3A_36 : memref<80xi32, #tpu.memory_space<vmem>>) semaphore(%arg14 : memref<!tpu.dma_semaphore, #tpu.memory_space<semaphore_mem>>)
    %scan3A = arith.constant 0 : i32
    %scan3A_40 = arith.constant 12 : i32
    %scan3A_41 = arith.addi %scan3A, %scan3A_40 : i32
    %scan3A_42 = arith.constant 1 : i32
    scf.for %scan3A_172 = %scan3A to %scan3A_41 step %scan3A_42  : i32 {
      %mul3A_173 = arith.constant 2 : i32
      %mul3A_174 = arith.muli %mul3A_173, %scan3A_172 : i32
      %add3A_175 = arith.constant 1 : i32
      %add3A_176 = arith.addi %mul3A_174, %add3A_175 : i32
      %dma_start3A_177 = arith.constant 0 : i32
      %dma_start3A_178 = tpu.memref_slice %arg8[%add3A_176, %dma_start3A_177] : memref<25x80xi32, #tpu.memory_space<vmem>> -> memref<1x80xi32, #tpu.memory_space<vmem>>
      %dma_start3A_179 = tpu.memref_squeeze %dma_start3A_178 : memref<1x80xi32, #tpu.memory_space<vmem>> -> memref<80xi32, #tpu.memory_space<vmem>>
      %dma_start3A_180 = arith.constant 0 : i32
      %dma_start3A_181 = arith.constant 0 : i32
      %dma_start3A_182 = tpu.memref_slice %arg2[%dma_start3A_180, %dma_start3A_181] : memref<10000x128xf32, #tpu.memory_space<hbm>> -> memref<10000x128xf32, #tpu.memory_space<hbm>>
      tpu.enqueue_indirect_dma source(%dma_start3A_182 : memref<10000x128xf32, #tpu.memory_space<hbm>>) target(%arg13 : memref<80x128xf32, #tpu.memory_space<vmem>>) offsets(%dma_start3A_179 : memref<80xi32, #tpu.memory_space<vmem>>) semaphore(%arg15 : memref<!tpu.dma_semaphore, #tpu.memory_space<semaphore_mem>>)
      %mul3A_183 = arith.constant 2 : i32
      %mul3A_184 = arith.muli %mul3A_183, %scan3A_172 : i32
      %dma_wait3A_185 = arith.constant 0 : i32
      %dma_wait3A_186 = tpu.memref_slice %arg8[%mul3A_184, %dma_wait3A_185] : memref<25x80xi32, #tpu.memory_space<vmem>> -> memref<1x80xi32, #tpu.memory_space<vmem>>
      %dma_wait3A_187 = tpu.memref_squeeze %dma_wait3A_186 : memref<1x80xi32, #tpu.memory_space<vmem>> -> memref<80xi32, #tpu.memory_space<vmem>>
      %dma_wait3A_188 = arith.constant 0 : i32
      %dma_wait3A_189 = arith.constant 0 : i32
      %dma_wait3A_190 = tpu.memref_slice %arg2[%dma_wait3A_188, %dma_wait3A_189] : memref<10000x128xf32, #tpu.memory_space<hbm>> -> memref<10000x128xf32, #tpu.memory_space<hbm>>
      tpu.wait_indirect_dma semaphore(%arg14 : memref<!tpu.dma_semaphore, #tpu.memory_space<semaphore_mem>>) src(%dma_wait3A_190 : memref<10000x128xf32, #tpu.memory_space<hbm>>) dst(%arg12 : memref<80x128xf32, #tpu.memory_space<vmem>>)
      %mul3A_191 = arith.constant 2 : i32
      %mul3A_192 = arith.muli %mul3A_191, %scan3A_172 : i32
      "tpu.region"() ({
        %run_scoped3A_207 = tpu.sem_alloc : memref<!tpu.dma_semaphore, #tpu.memory_space<semaphore_mem>>
        %dma_start3A_208 = arith.constant 0 : i32
        %dma_start3A_209 = tpu.memref_slice %arg10[%mul3A_192, %dma_start3A_208] : memref<25x80xi32, #tpu.memory_space<vmem>> -> memref<1x80xi32, #tpu.memory_space<vmem>>
        %dma_start3A_210 = tpu.memref_squeeze %dma_start3A_209 : memref<1x80xi32, #tpu.memory_space<vmem>> -> memref<80xi32, #tpu.memory_space<vmem>>
        %dma_start3A_211 = arith.constant 0 : i32
        %dma_start3A_212 = arith.constant 0 : i32
        %dma_start3A_213 = tpu.memref_slice %arg7[%dma_start3A_211, %dma_start3A_212] : memref<10240x128xf32, #tpu.memory_space<vmem_shared>> -> memref<10240x128xf32, #tpu.memory_space<vmem_shared>>
        tpu.enqueue_indirect_dma source(%arg12 : memref<80x128xf32, #tpu.memory_space<vmem>>) target(%dma_start3A_213 : memref<10240x128xf32, #tpu.memory_space<vmem_shared>>) offsets(%dma_start3A_210 : memref<80xi32, #tpu.memory_space<vmem>>) semaphore(%run_scoped3A_207 : memref<!tpu.dma_semaphore, #tpu.memory_space<semaphore_mem>>) {add = true}
        %dma_wait3A_214 = arith.constant 0 : i32
        %dma_wait3A_215 = tpu.memref_slice %arg10[%mul3A_192, %dma_wait3A_214] : memref<25x80xi32, #tpu.memory_space<vmem>> -> memref<1x80xi32, #tpu.memory_space<vmem>>
        %dma_wait3A_216 = tpu.memref_squeeze %dma_wait3A_215 : memref<1x80xi32, #tpu.memory_space<vmem>> -> memref<80xi32, #tpu.memory_space<vmem>>
        %dma_wait3A_217 = arith.constant 0 : i32
        %dma_wait3A_218 = arith.constant 0 : i32
        %dma_wait3A_219 = tpu.memref_slice %arg7[%dma_wait3A_217, %dma_wait3A_218] : memref<10240x128xf32, #tpu.memory_space<vmem_shared>> -> memref<10240x128xf32, #tpu.memory_space<vmem_shared>>
        tpu.wait_indirect_dma semaphore(%run_scoped3A_207 : memref<!tpu.dma_semaphore, #tpu.memory_space<semaphore_mem>>) src(%arg12 : memref<80x128xf32, #tpu.memory_space<vmem>>) dst(%dma_wait3A_219 : memref<10240x128xf32, #tpu.memory_space<vmem_shared>>)
        tpu.yield
      }) : () -> ()
      %add3A_193 = arith.constant 1 : i32
      %add3A_194 = arith.addi %add3A_176, %add3A_193 : i32
      %dma_start3A_195 = arith.constant 0 : i32
      %dma_start3A_196 = tpu.memref_slice %arg8[%add3A_194, %dma_start3A_195] : memref<25x80xi32, #tpu.memory_space<vmem>> -> memref<1x80xi32, #tpu.memory_space<vmem>>
      %dma_start3A_197 = tpu.memref_squeeze %dma_start3A_196 : memref<1x80xi32, #tpu.memory_space<vmem>> -> memref<80xi32, #tpu.memory_space<vmem>>
      %dma_start3A_198 = arith.constant 0 : i32
      %dma_start3A_199 = arith.constant 0 : i32
      %dma_start3A_200 = tpu.memref_slice %arg2[%dma_start3A_198, %dma_start3A_199] : memref<10000x128xf32, #tpu.memory_space<hbm>> -> memref<10000x128xf32, #tpu.memory_space<hbm>>
      tpu.enqueue_indirect_dma source(%dma_start3A_200 : memref<10000x128xf32, #tpu.memory_space<hbm>>) target(%arg12 : memref<80x128xf32, #tpu.memory_space<vmem>>) offsets(%dma_start3A_197 : memref<80xi32, #tpu.memory_space<vmem>>) semaphore(%arg14 : memref<!tpu.dma_semaphore, #tpu.memory_space<semaphore_mem>>)
      %dma_wait3A_201 = arith.constant 0 : i32
      %dma_wait3A_202 = tpu.memref_slice %arg8[%add3A_176, %dma_wait3A_201] : memref<25x80xi32, #tpu.memory_space<vmem>> -> memref<1x80xi32, #tpu.memory_space<vmem>>
      %dma_wait3A_203 = tpu.memref_squeeze %dma_wait3A_202 : memref<1x80xi32, #tpu.memory_space<vmem>> -> memref<80xi32, #tpu.memory_space<vmem>>
      %dma_wait3A_204 = arith.constant 0 : i32
      %dma_wait3A_205 = arith.constant 0 : i32
      %dma_wait3A_206 = tpu.memref_slice %arg2[%dma_wait3A_204, %dma_wait3A_205] : memref<10000x128xf32, #tpu.memory_space<hbm>> -> memref<10000x128xf32, #tpu.memory_space<hbm>>
      tpu.wait_indirect_dma semaphore(%arg15 : memref<!tpu.dma_semaphore, #tpu.memory_space<semaphore_mem>>) src(%dma_wait3A_206 : memref<10000x128xf32, #tpu.memory_space<hbm>>) dst(%arg13 : memref<80x128xf32, #tpu.memory_space<vmem>>)
      "tpu.region"() ({
        %run_scoped3A_207 = tpu.sem_alloc : memref<!tpu.dma_semaphore, #tpu.memory_space<semaphore_mem>>
        %dma_start3A_208 = arith.constant 0 : i32
        %dma_start3A_209 = tpu.memref_slice %arg10[%add3A_176, %dma_start3A_208] : memref<25x80xi32, #tpu.memory_space<vmem>> -> memref<1x80xi32, #tpu.memory_space<vmem>>
        %dma_start3A_210 = tpu.memref_squeeze %dma_start3A_209 : memref<1x80xi32, #tpu.memory_space<vmem>> -> memref<80xi32, #tpu.memory_space<vmem>>
        %dma_start3A_211 = arith.constant 0 : i32
        %dma_start3A_212 = arith.constant 0 : i32
        %dma_start3A_213 = tpu.memref_slice %arg7[%dma_start3A_211, %dma_start3A_212] : memref<10240x128xf32, #tpu.memory_space<vmem_shared>> -> memref<10240x128xf32, #tpu.memory_space<vmem_shared>>
        tpu.enqueue_indirect_dma source(%arg13 : memref<80x128xf32, #tpu.memory_space<vmem>>) target(%dma_start3A_213 : memref<10240x128xf32, #tpu.memory_space<vmem_shared>>) offsets(%dma_start3A_210 : memref<80xi32, #tpu.memory_space<vmem>>) semaphore(%run_scoped3A_207 : memref<!tpu.dma_semaphore, #tpu.memory_space<semaphore_mem>>) {add = true}
        %dma_wait3A_214 = arith.constant 0 : i32
        %dma_wait3A_215 = tpu.memref_slice %arg10[%add3A_176, %dma_wait3A_214] : memref<25x80xi32, #tpu.memory_space<vmem>> -> memref<1x80xi32, #tpu.memory_space<vmem>>
        %dma_wait3A_216 = tpu.memref_squeeze %dma_wait3A_215 : memref<1x80xi32, #tpu.memory_space<vmem>> -> memref<80xi32, #tpu.memory_space<vmem>>
        %dma_wait3A_217 = arith.constant 0 : i32
        %dma_wait3A_218 = arith.constant 0 : i32
        %dma_wait3A_219 = tpu.memref_slice %arg7[%dma_wait3A_217, %dma_wait3A_218] : memref<10240x128xf32, #tpu.memory_space<vmem_shared>> -> memref<10240x128xf32, #tpu.memory_space<vmem_shared>>
        tpu.wait_indirect_dma semaphore(%run_scoped3A_207 : memref<!tpu.dma_semaphore, #tpu.memory_space<semaphore_mem>>) src(%arg13 : memref<80x128xf32, #tpu.memory_space<vmem>>) dst(%dma_wait3A_219 : memref<10240x128xf32, #tpu.memory_space<vmem_shared>>)
        tpu.yield
      }) : () -> ()
    }
    %scan3A_43 = arith.constant 12 : i32
    %dma_wait3A = arith.constant 24 : i32
    %dma_wait3A_44 = arith.constant 0 : i32
    %dma_wait3A_45 = tpu.memref_slice %arg8[%dma_wait3A, %dma_wait3A_44] : memref<25x80xi32, #tpu.memory_space<vmem>> -> memref<1x80xi32, #tpu.memory_space<vmem>>
    %dma_wait3A_46 = tpu.memref_squeeze %dma_wait3A_45 : memref<1x80xi32, #tpu.memory_space<vmem>> -> memref<80xi32, #tpu.memory_space<vmem>>
    %dma_wait3A_47 = arith.constant 0 : i32
    %dma_wait3A_48 = arith.constant 0 : i32
    %dma_wait3A_49 = tpu.memref_slice %arg2[%dma_wait3A_47, %dma_wait3A_48] : memref<10000x128xf32, #tpu.memory_space<hbm>> -> memref<10000x128xf32, #tpu.memory_space<hbm>>
    tpu.wait_indirect_dma semaphore(%arg14 : memref<!tpu.dma_semaphore, #tpu.memory_space<semaphore_mem>>) src(%dma_wait3A_49 : memref<10000x128xf32, #tpu.memory_space<hbm>>) dst(%arg12 : memref<80x128xf32, #tpu.memory_space<vmem>>)
    %run_scoped3A_50 = arith.constant 24 : i32
    "tpu.region"() ({
      %run_scoped3A_172 = tpu.sem_alloc : memref<!tpu.dma_semaphore, #tpu.memory_space<semaphore_mem>>
      %dma_start3A_173 = arith.constant 0 : i32
      %dma_start3A_174 = tpu.memref_slice %arg10[%run_scoped3A_50, %dma_start3A_173] : memref<25x80xi32, #tpu.memory_space<vmem>> -> memref<1x80xi32, #tpu.memory_space<vmem>>
      %dma_start3A_175 = tpu.memref_squeeze %dma_start3A_174 : memref<1x80xi32, #tpu.memory_space<vmem>> -> memref<80xi32, #tpu.memory_space<vmem>>
      %dma_start3A_176 = arith.constant 0 : i32
      %dma_start3A_177 = arith.constant 0 : i32
      %dma_start3A_178 = tpu.memref_slice %arg7[%dma_start3A_176, %dma_start3A_177] : memref<10240x128xf32, #tpu.memory_space<vmem_shared>> -> memref<10240x128xf32, #tpu.memory_space<vmem_shared>>
      tpu.enqueue_indirect_dma source(%arg12 : memref<80x128xf32, #tpu.memory_space<vmem>>) target(%dma_start3A_178 : memref<10240x128xf32, #tpu.memory_space<vmem_shared>>) offsets(%dma_start3A_175 : memref<80xi32, #tpu.memory_space<vmem>>) semaphore(%run_scoped3A_172 : memref<!tpu.dma_semaphore, #tpu.memory_space<semaphore_mem>>) {add = true}
      %dma_wait3A_179 = arith.constant 0 : i32
      %dma_wait3A_180 = tpu.memref_slice %arg10[%run_scoped3A_50, %dma_wait3A_179] : memref<25x80xi32, #tpu.memory_space<vmem>> -> memref<1x80xi32, #tpu.memory_space<vmem>>
      %dma_wait3A_181 = tpu.memref_squeeze %dma_wait3A_180 : memref<1x80xi32, #tpu.memory_space<vmem>> -> memref<80xi32, #tpu.memory_space<vmem>>
      %dma_wait3A_182 = arith.constant 0 : i32
      %dma_wait3A_183 = arith.constant 0 : i32
      %dma_wait3A_184 = tpu.memref_slice %arg7[%dma_wait3A_182, %dma_wait3A_183] : memref<10240x128xf32, #tpu.memory_space<vmem_shared>> -> memref<10240x128xf32, #tpu.memory_space<vmem_shared>>
      tpu.wait_indirect_dma semaphore(%run_scoped3A_172 : memref<!tpu.dma_semaphore, #tpu.memory_space<semaphore_mem>>) src(%arg12 : memref<80x128xf32, #tpu.memory_space<vmem>>) dst(%dma_wait3A_184 : memref<10240x128xf32, #tpu.memory_space<vmem_shared>>)
      tpu.yield
    }) : () -> ()
    %run_scoped3A_51 = arith.constant 1 : i32
    "tpu.region"() ({
      %run_scoped3A_172 = tpu.sem_alloc : memref<!tpu.dma_semaphore, #tpu.memory_space<semaphore_mem>>
      %dma_start3A_173 = arith.constant 0 : i32
      %dma_start3A_174 = arith.constant 0 : i32
      %dma_start3A_175 = tpu.memref_slice %arg3[%add3A, %run_scoped3A_51, %dma_start3A_173, %dma_start3A_174] : memref<32x5x25x80xi32, #tpu.memory_space<hbm>> -> memref<1x1x25x80xi32, #tpu.memory_space<hbm>>
      %dma_start3A_176 = tpu.memref_squeeze %dma_start3A_175 : memref<1x1x25x80xi32, #tpu.memory_space<hbm>> -> memref<25x80xi32, #tpu.memory_space<hbm>>
      %dma_start3A_177 = arith.constant 0 : i32
      %dma_start3A_178 = arith.constant 0 : i32
      %dma_start3A_179 = tpu.memref_slice %arg3[%add3A, %run_scoped3A_51, %dma_start3A_177, %dma_start3A_178] : memref<32x5x25x80xi32, #tpu.memory_space<hbm>> -> memref<1x1x25x80xi32, #tpu.memory_space<hbm>>
      %dma_start3A_180 = tpu.memref_squeeze %dma_start3A_179 : memref<1x1x25x80xi32, #tpu.memory_space<hbm>> -> memref<25x80xi32, #tpu.memory_space<hbm>>
      tpu.enqueue_dma source(%dma_start3A_180 : memref<25x80xi32, #tpu.memory_space<hbm>>) target(%arg9 : memref<25x80xi32, #tpu.memory_space<vmem>>) target_semaphore(%run_scoped3A_172 : memref<!tpu.dma_semaphore, #tpu.memory_space<semaphore_mem>>)
      %dma_wait3A_181 = arith.constant 0 : i32
      %dma_wait3A_182 = arith.constant 0 : i32
      %dma_wait3A_183 = tpu.memref_slice %arg3[%add3A, %run_scoped3A_51, %dma_wait3A_181, %dma_wait3A_182] : memref<32x5x25x80xi32, #tpu.memory_space<hbm>> -> memref<1x1x25x80xi32, #tpu.memory_space<hbm>>
      %dma_wait3A_184 = tpu.memref_squeeze %dma_wait3A_183 : memref<1x1x25x80xi32, #tpu.memory_space<hbm>> -> memref<25x80xi32, #tpu.memory_space<hbm>>
      %dma_wait3A_185 = arith.constant 0 : i32
      %dma_wait3A_186 = arith.constant 0 : i32
      %dma_wait3A_187 = tpu.memref_slice %arg3[%add3A, %run_scoped3A_51, %dma_wait3A_185, %dma_wait3A_186] : memref<32x5x25x80xi32, #tpu.memory_space<hbm>> -> memref<1x1x25x80xi32, #tpu.memory_space<hbm>>
      %dma_wait3A_188 = tpu.memref_squeeze %dma_wait3A_187 : memref<1x1x25x80xi32, #tpu.memory_space<hbm>> -> memref<25x80xi32, #tpu.memory_space<hbm>>
      tpu.wait_dma2 semaphore(%run_scoped3A_172 : memref<!tpu.dma_semaphore, #tpu.memory_space<semaphore_mem>>) src(%dma_wait3A_188 : memref<25x80xi32, #tpu.memory_space<hbm>>) dst(%arg9 : memref<25x80xi32, #tpu.memory_space<vmem>>)
      tpu.yield
    }) : () -> ()
    %run_scoped3A_52 = arith.constant 1 : i32
    "tpu.region"() ({
      %run_scoped3A_172 = tpu.sem_alloc : memref<!tpu.dma_semaphore, #tpu.memory_space<semaphore_mem>>
      %dma_start3A_173 = arith.constant 0 : i32
      %dma_start3A_174 = arith.constant 0 : i32
      %dma_start3A_175 = tpu.memref_slice %arg4[%add3A, %run_scoped3A_52, %dma_start3A_173, %dma_start3A_174] : memref<32x5x25x80xi32, #tpu.memory_space<hbm>> -> memref<1x1x25x80xi32, #tpu.memory_space<hbm>>
      %dma_start3A_176 = tpu.memref_squeeze %dma_start3A_175 : memref<1x1x25x80xi32, #tpu.memory_space<hbm>> -> memref<25x80xi32, #tpu.memory_space<hbm>>
      %dma_start3A_177 = arith.constant 0 : i32
      %dma_start3A_178 = arith.constant 0 : i32
      %dma_start3A_179 = tpu.memref_slice %arg4[%add3A, %run_scoped3A_52, %dma_start3A_177, %dma_start3A_178] : memref<32x5x25x80xi32, #tpu.memory_space<hbm>> -> memref<1x1x25x80xi32, #tpu.memory_space<hbm>>
      %dma_start3A_180 = tpu.memref_squeeze %dma_start3A_179 : memref<1x1x25x80xi32, #tpu.memory_space<hbm>> -> memref<25x80xi32, #tpu.memory_space<hbm>>
      tpu.enqueue_dma source(%dma_start3A_180 : memref<25x80xi32, #tpu.memory_space<hbm>>) target(%arg11 : memref<25x80xi32, #tpu.memory_space<vmem>>) target_semaphore(%run_scoped3A_172 : memref<!tpu.dma_semaphore, #tpu.memory_space<semaphore_mem>>)
      %dma_wait3A_181 = arith.constant 0 : i32
      %dma_wait3A_182 = arith.constant 0 : i32
      %dma_wait3A_183 = tpu.memref_slice %arg4[%add3A, %run_scoped3A_52, %dma_wait3A_181, %dma_wait3A_182] : memref<32x5x25x80xi32, #tpu.memory_space<hbm>> -> memref<1x1x25x80xi32, #tpu.memory_space<hbm>>
      %dma_wait3A_184 = tpu.memref_squeeze %dma_wait3A_183 : memref<1x1x25x80xi32, #tpu.memory_space<hbm>> -> memref<25x80xi32, #tpu.memory_space<hbm>>
      %dma_wait3A_185 = arith.constant 0 : i32
      %dma_wait3A_186 = arith.constant 0 : i32
      %dma_wait3A_187 = tpu.memref_slice %arg4[%add3A, %run_scoped3A_52, %dma_wait3A_185, %dma_wait3A_186] : memref<32x5x25x80xi32, #tpu.memory_space<hbm>> -> memref<1x1x25x80xi32, #tpu.memory_space<hbm>>
      %dma_wait3A_188 = tpu.memref_squeeze %dma_wait3A_187 : memref<1x1x25x80xi32, #tpu.memory_space<hbm>> -> memref<25x80xi32, #tpu.memory_space<hbm>>
      tpu.wait_dma2 semaphore(%run_scoped3A_172 : memref<!tpu.dma_semaphore, #tpu.memory_space<semaphore_mem>>) src(%dma_wait3A_188 : memref<25x80xi32, #tpu.memory_space<hbm>>) dst(%arg11 : memref<25x80xi32, #tpu.memory_space<vmem>>)
      tpu.yield
    }) : () -> ()
    %dma_start3A_53 = arith.constant 0 : i32
    %dma_start3A_54 = arith.constant 0 : i32
    %dma_start3A_55 = tpu.memref_slice %arg9[%dma_start3A_53, %dma_start3A_54] : memref<25x80xi32, #tpu.memory_space<vmem>> -> memref<1x80xi32, #tpu.memory_space<vmem>>
    %dma_start3A_56 = tpu.memref_squeeze %dma_start3A_55 : memref<1x80xi32, #tpu.memory_space<vmem>> -> memref<80xi32, #tpu.memory_space<vmem>>
    %dma_start3A_57 = arith.constant 0 : i32
    %dma_start3A_58 = arith.constant 0 : i32
    %dma_start3A_59 = tpu.memref_slice %arg2[%dma_start3A_57, %dma_start3A_58] : memref<10000x128xf32, #tpu.memory_space<hbm>> -> memref<10000x128xf32, #tpu.memory_space<hbm>>
    tpu.enqueue_indirect_dma source(%dma_start3A_59 : memref<10000x128xf32, #tpu.memory_space<hbm>>) target(%arg12 : memref<80x128xf32, #tpu.memory_space<vmem>>) offsets(%dma_start3A_56 : memref<80xi32, #tpu.memory_space<vmem>>) semaphore(%arg14 : memref<!tpu.dma_semaphore, #tpu.memory_space<semaphore_mem>>)
    %scan3A_60 = arith.constant 0 : i32
    %scan3A_61 = arith.constant 12 : i32
    %scan3A_62 = arith.addi %scan3A_60, %scan3A_61 : i32
    %scan3A_63 = arith.constant 1 : i32
    scf.for %scan3A_172 = %scan3A_60 to %scan3A_62 step %scan3A_63  : i32 {
      %mul3A_173 = arith.constant 2 : i32
      %mul3A_174 = arith.muli %mul3A_173, %scan3A_172 : i32
      %add3A_175 = arith.constant 1 : i32
      %add3A_176 = arith.addi %mul3A_174, %add3A_175 : i32
      %dma_start3A_177 = arith.constant 0 : i32
      %dma_start3A_178 = tpu.memref_slice %arg9[%add3A_176, %dma_start3A_177] : memref<25x80xi32, #tpu.memory_space<vmem>> -> memref<1x80xi32, #tpu.memory_space<vmem>>
      %dma_start3A_179 = tpu.memref_squeeze %dma_start3A_178 : memref<1x80xi32, #tpu.memory_space<vmem>> -> memref<80xi32, #tpu.memory_space<vmem>>
      %dma_start3A_180 = arith.constant 0 : i32
      %dma_start3A_181 = arith.constant 0 : i32
      %dma_start3A_182 = tpu.memref_slice %arg2[%dma_start3A_180, %dma_start3A_181] : memref<10000x128xf32, #tpu.memory_space<hbm>> -> memref<10000x128xf32, #tpu.memory_space<hbm>>
      tpu.enqueue_indirect_dma source(%dma_start3A_182 : memref<10000x128xf32, #tpu.memory_space<hbm>>) target(%arg13 : memref<80x128xf32, #tpu.memory_space<vmem>>) offsets(%dma_start3A_179 : memref<80xi32, #tpu.memory_space<vmem>>) semaphore(%arg15 : memref<!tpu.dma_semaphore, #tpu.memory_space<semaphore_mem>>)
      %mul3A_183 = arith.constant 2 : i32
      %mul3A_184 = arith.muli %mul3A_183, %scan3A_172 : i32
      %dma_wait3A_185 = arith.constant 0 : i32
      %dma_wait3A_186 = tpu.memref_slice %arg9[%mul3A_184, %dma_wait3A_185] : memref<25x80xi32, #tpu.memory_space<vmem>> -> memref<1x80xi32, #tpu.memory_space<vmem>>
      %dma_wait3A_187 = tpu.memref_squeeze %dma_wait3A_186 : memref<1x80xi32, #tpu.memory_space<vmem>> -> memref<80xi32, #tpu.memory_space<vmem>>
      %dma_wait3A_188 = arith.constant 0 : i32
      %dma_wait3A_189 = arith.constant 0 : i32
      %dma_wait3A_190 = tpu.memref_slice %arg2[%dma_wait3A_188, %dma_wait3A_189] : memref<10000x128xf32, #tpu.memory_space<hbm>> -> memref<10000x128xf32, #tpu.memory_space<hbm>>
      tpu.wait_indirect_dma semaphore(%arg14 : memref<!tpu.dma_semaphore, #tpu.memory_space<semaphore_mem>>) src(%dma_wait3A_190 : memref<10000x128xf32, #tpu.memory_space<hbm>>) dst(%arg12 : memref<80x128xf32, #tpu.memory_space<vmem>>)
      %mul3A_191 = arith.constant 2 : i32
      %mul3A_192 = arith.muli %mul3A_191, %scan3A_172 : i32
      "tpu.region"() ({
        %run_scoped3A_207 = tpu.sem_alloc : memref<!tpu.dma_semaphore, #tpu.memory_space<semaphore_mem>>
        %dma_start3A_208 = arith.constant 0 : i32
        %dma_start3A_209 = tpu.memref_slice %arg11[%mul3A_192, %dma_start3A_208] : memref<25x80xi32, #tpu.memory_space<vmem>> -> memref<1x80xi32, #tpu.memory_space<vmem>>
        %dma_start3A_210 = tpu.memref_squeeze %dma_start3A_209 : memref<1x80xi32, #tpu.memory_space<vmem>> -> memref<80xi32, #tpu.memory_space<vmem>>
        %dma_start3A_211 = arith.constant 0 : i32
        %dma_start3A_212 = arith.constant 0 : i32
        %dma_start3A_213 = tpu.memref_slice %arg7[%dma_start3A_211, %dma_start3A_212] : memref<10240x128xf32, #tpu.memory_space<vmem_shared>> -> memref<10240x128xf32, #tpu.memory_space<vmem_shared>>
        tpu.enqueue_indirect_dma source(%arg12 : memref<80x128xf32, #tpu.memory_space<vmem>>) target(%dma_start3A_213 : memref<10240x128xf32, #tpu.memory_space<vmem_shared>>) offsets(%dma_start3A_210 : memref<80xi32, #tpu.memory_space<vmem>>) semaphore(%run_scoped3A_207 : memref<!tpu.dma_semaphore, #tpu.memory_space<semaphore_mem>>) {add = true}
        %dma_wait3A_214 = arith.constant 0 : i32
        %dma_wait3A_215 = tpu.memref_slice %arg11[%mul3A_192, %dma_wait3A_214] : memref<25x80xi32, #tpu.memory_space<vmem>> -> memref<1x80xi32, #tpu.memory_space<vmem>>
        %dma_wait3A_216 = tpu.memref_squeeze %dma_wait3A_215 : memref<1x80xi32, #tpu.memory_space<vmem>> -> memref<80xi32, #tpu.memory_space<vmem>>
        %dma_wait3A_217 = arith.constant 0 : i32
        %dma_wait3A_218 = arith.constant 0 : i32
        %dma_wait3A_219 = tpu.memref_slice %arg7[%dma_wait3A_217, %dma_wait3A_218] : memref<10240x128xf32, #tpu.memory_space<vmem_shared>> -> memref<10240x128xf32, #tpu.memory_space<vmem_shared>>
        tpu.wait_indirect_dma semaphore(%run_scoped3A_207 : memref<!tpu.dma_semaphore, #tpu.memory_space<semaphore_mem>>) src(%arg12 : memref<80x128xf32, #tpu.memory_space<vmem>>) dst(%dma_wait3A_219 : memref<10240x128xf32, #tpu.memory_space<vmem_shared>>)
        tpu.yield
      }) : () -> ()
      %add3A_193 = arith.constant 1 : i32
      %add3A_194 = arith.addi %add3A_176, %add3A_193 : i32
      %dma_start3A_195 = arith.constant 0 : i32
      %dma_start3A_196 = tpu.memref_slice %arg9[%add3A_194, %dma_start3A_195] : memref<25x80xi32, #tpu.memory_space<vmem>> -> memref<1x80xi32, #tpu.memory_space<vmem>>
      %dma_start3A_197 = tpu.memref_squeeze %dma_start3A_196 : memref<1x80xi32, #tpu.memory_space<vmem>> -> memref<80xi32, #tpu.memory_space<vmem>>
      %dma_start3A_198 = arith.constant 0 : i32
      %dma_start3A_199 = arith.constant 0 : i32
      %dma_start3A_200 = tpu.memref_slice %arg2[%dma_start3A_198, %dma_start3A_199] : memref<10000x128xf32, #tpu.memory_space<hbm>> -> memref<10000x128xf32, #tpu.memory_space<hbm>>
      tpu.enqueue_indirect_dma source(%dma_start3A_200 : memref<10000x128xf32, #tpu.memory_space<hbm>>) target(%arg12 : memref<80x128xf32, #tpu.memory_space<vmem>>) offsets(%dma_start3A_197 : memref<80xi32, #tpu.memory_space<vmem>>) semaphore(%arg14 : memref<!tpu.dma_semaphore, #tpu.memory_space<semaphore_mem>>)
      %dma_wait3A_201 = arith.constant 0 : i32
      %dma_wait3A_202 = tpu.memref_slice %arg9[%add3A_176, %dma_wait3A_201] : memref<25x80xi32, #tpu.memory_space<vmem>> -> memref<1x80xi32, #tpu.memory_space<vmem>>
      %dma_wait3A_203 = tpu.memref_squeeze %dma_wait3A_202 : memref<1x80xi32, #tpu.memory_space<vmem>> -> memref<80xi32, #tpu.memory_space<vmem>>
      %dma_wait3A_204 = arith.constant 0 : i32
      %dma_wait3A_205 = arith.constant 0 : i32
      %dma_wait3A_206 = tpu.memref_slice %arg2[%dma_wait3A_204, %dma_wait3A_205] : memref<10000x128xf32, #tpu.memory_space<hbm>> -> memref<10000x128xf32, #tpu.memory_space<hbm>>
      tpu.wait_indirect_dma semaphore(%arg15 : memref<!tpu.dma_semaphore, #tpu.memory_space<semaphore_mem>>) src(%dma_wait3A_206 : memref<10000x128xf32, #tpu.memory_space<hbm>>) dst(%arg13 : memref<80x128xf32, #tpu.memory_space<vmem>>)
      "tpu.region"() ({
        %run_scoped3A_207 = tpu.sem_alloc : memref<!tpu.dma_semaphore, #tpu.memory_space<semaphore_mem>>
        %dma_start3A_208 = arith.constant 0 : i32
        %dma_start3A_209 = tpu.memref_slice %arg11[%add3A_176, %dma_start3A_208] : memref<25x80xi32, #tpu.memory_space<vmem>> -> memref<1x80xi32, #tpu.memory_space<vmem>>
        %dma_start3A_210 = tpu.memref_squeeze %dma_start3A_209 : memref<1x80xi32, #tpu.memory_space<vmem>> -> memref<80xi32, #tpu.memory_space<vmem>>
        %dma_start3A_211 = arith.constant 0 : i32
        %dma_start3A_212 = arith.constant 0 : i32
        %dma_start3A_213 = tpu.memref_slice %arg7[%dma_start3A_211, %dma_start3A_212] : memref<10240x128xf32, #tpu.memory_space<vmem_shared>> -> memref<10240x128xf32, #tpu.memory_space<vmem_shared>>
        tpu.enqueue_indirect_dma source(%arg13 : memref<80x128xf32, #tpu.memory_space<vmem>>) target(%dma_start3A_213 : memref<10240x128xf32, #tpu.memory_space<vmem_shared>>) offsets(%dma_start3A_210 : memref<80xi32, #tpu.memory_space<vmem>>) semaphore(%run_scoped3A_207 : memref<!tpu.dma_semaphore, #tpu.memory_space<semaphore_mem>>) {add = true}
        %dma_wait3A_214 = arith.constant 0 : i32
        %dma_wait3A_215 = tpu.memref_slice %arg11[%add3A_176, %dma_wait3A_214] : memref<25x80xi32, #tpu.memory_space<vmem>> -> memref<1x80xi32, #tpu.memory_space<vmem>>
        %dma_wait3A_216 = tpu.memref_squeeze %dma_wait3A_215 : memref<1x80xi32, #tpu.memory_space<vmem>> -> memref<80xi32, #tpu.memory_space<vmem>>
        %dma_wait3A_217 = arith.constant 0 : i32
        %dma_wait3A_218 = arith.constant 0 : i32
        %dma_wait3A_219 = tpu.memref_slice %arg7[%dma_wait3A_217, %dma_wait3A_218] : memref<10240x128xf32, #tpu.memory_space<vmem_shared>> -> memref<10240x128xf32, #tpu.memory_space<vmem_shared>>
        tpu.wait_indirect_dma semaphore(%run_scoped3A_207 : memref<!tpu.dma_semaphore, #tpu.memory_space<semaphore_mem>>) src(%arg13 : memref<80x128xf32, #tpu.memory_space<vmem>>) dst(%dma_wait3A_219 : memref<10240x128xf32, #tpu.memory_space<vmem_shared>>)
        tpu.yield
      }) : () -> ()
    }
    %scan3A_64 = arith.constant 12 : i32
    %dma_wait3A_65 = arith.constant 24 : i32
    %dma_wait3A_66 = arith.constant 0 : i32
    %dma_wait3A_67 = tpu.memref_slice %arg9[%dma_wait3A_65, %dma_wait3A_66] : memref<25x80xi32, #tpu.memory_space<vmem>> -> memref<1x80xi32, #tpu.memory_space<vmem>>
    %dma_wait3A_68 = tpu.memref_squeeze %dma_wait3A_67 : memref<1x80xi32, #tpu.memory_space<vmem>> -> memref<80xi32, #tpu.memory_space<vmem>>
    %dma_wait3A_69 = arith.constant 0 : i32
    %dma_wait3A_70 = arith.constant 0 : i32
    %dma_wait3A_71 = tpu.memref_slice %arg2[%dma_wait3A_69, %dma_wait3A_70] : memref<10000x128xf32, #tpu.memory_space<hbm>> -> memref<10000x128xf32, #tpu.memory_space<hbm>>
    tpu.wait_indirect_dma semaphore(%arg14 : memref<!tpu.dma_semaphore, #tpu.memory_space<semaphore_mem>>) src(%dma_wait3A_71 : memref<10000x128xf32, #tpu.memory_space<hbm>>) dst(%arg12 : memref<80x128xf32, #tpu.memory_space<vmem>>)
    %run_scoped3A_72 = arith.constant 24 : i32
    "tpu.region"() ({
      %run_scoped3A_172 = tpu.sem_alloc : memref<!tpu.dma_semaphore, #tpu.memory_space<semaphore_mem>>
      %dma_start3A_173 = arith.constant 0 : i32
      %dma_start3A_174 = tpu.memref_slice %arg11[%run_scoped3A_72, %dma_start3A_173] : memref<25x80xi32, #tpu.memory_space<vmem>> -> memref<1x80xi32, #tpu.memory_space<vmem>>
      %dma_start3A_175 = tpu.memref_squeeze %dma_start3A_174 : memref<1x80xi32, #tpu.memory_space<vmem>> -> memref<80xi32, #tpu.memory_space<vmem>>
      %dma_start3A_176 = arith.constant 0 : i32
      %dma_start3A_177 = arith.constant 0 : i32
      %dma_start3A_178 = tpu.memref_slice %arg7[%dma_start3A_176, %dma_start3A_177] : memref<10240x128xf32, #tpu.memory_space<vmem_shared>> -> memref<10240x128xf32, #tpu.memory_space<vmem_shared>>
      tpu.enqueue_indirect_dma source(%arg12 : memref<80x128xf32, #tpu.memory_space<vmem>>) target(%dma_start3A_178 : memref<10240x128xf32, #tpu.memory_space<vmem_shared>>) offsets(%dma_start3A_175 : memref<80xi32, #tpu.memory_space<vmem>>) semaphore(%run_scoped3A_172 : memref<!tpu.dma_semaphore, #tpu.memory_space<semaphore_mem>>) {add = true}
      %dma_wait3A_179 = arith.constant 0 : i32
      %dma_wait3A_180 = tpu.memref_slice %arg11[%run_scoped3A_72, %dma_wait3A_179] : memref<25x80xi32, #tpu.memory_space<vmem>> -> memref<1x80xi32, #tpu.memory_space<vmem>>
      %dma_wait3A_181 = tpu.memref_squeeze %dma_wait3A_180 : memref<1x80xi32, #tpu.memory_space<vmem>> -> memref<80xi32, #tpu.memory_space<vmem>>
      %dma_wait3A_182 = arith.constant 0 : i32
      %dma_wait3A_183 = arith.constant 0 : i32
      %dma_wait3A_184 = tpu.memref_slice %arg7[%dma_wait3A_182, %dma_wait3A_183] : memref<10240x128xf32, #tpu.memory_space<vmem_shared>> -> memref<10240x128xf32, #tpu.memory_space<vmem_shared>>
      tpu.wait_indirect_dma semaphore(%run_scoped3A_172 : memref<!tpu.dma_semaphore, #tpu.memory_space<semaphore_mem>>) src(%arg12 : memref<80x128xf32, #tpu.memory_space<vmem>>) dst(%dma_wait3A_184 : memref<10240x128xf32, #tpu.memory_space<vmem_shared>>)
      tpu.yield
    }) : () -> ()
    %run_scoped3A_73 = arith.constant 2 : i32
    "tpu.region"() ({
      %run_scoped3A_172 = tpu.sem_alloc : memref<!tpu.dma_semaphore, #tpu.memory_space<semaphore_mem>>
      %dma_start3A_173 = arith.constant 0 : i32
      %dma_start3A_174 = arith.constant 0 : i32
      %dma_start3A_175 = tpu.memref_slice %arg3[%add3A, %run_scoped3A_73, %dma_start3A_173, %dma_start3A_174] : memref<32x5x25x80xi32, #tpu.memory_space<hbm>> -> memref<1x1x25x80xi32, #tpu.memory_space<hbm>>
      %dma_start3A_176 = tpu.memref_squeeze %dma_start3A_175 : memref<1x1x25x80xi32, #tpu.memory_space<hbm>> -> memref<25x80xi32, #tpu.memory_space<hbm>>
      %dma_start3A_177 = arith.constant 0 : i32
      %dma_start3A_178 = arith.constant 0 : i32
      %dma_start3A_179 = tpu.memref_slice %arg3[%add3A, %run_scoped3A_73, %dma_start3A_177, %dma_start3A_178] : memref<32x5x25x80xi32, #tpu.memory_space<hbm>> -> memref<1x1x25x80xi32, #tpu.memory_space<hbm>>
      %dma_start3A_180 = tpu.memref_squeeze %dma_start3A_179 : memref<1x1x25x80xi32, #tpu.memory_space<hbm>> -> memref<25x80xi32, #tpu.memory_space<hbm>>
      tpu.enqueue_dma source(%dma_start3A_180 : memref<25x80xi32, #tpu.memory_space<hbm>>) target(%arg8 : memref<25x80xi32, #tpu.memory_space<vmem>>) target_semaphore(%run_scoped3A_172 : memref<!tpu.dma_semaphore, #tpu.memory_space<semaphore_mem>>)
      %dma_wait3A_181 = arith.constant 0 : i32
      %dma_wait3A_182 = arith.constant 0 : i32
      %dma_wait3A_183 = tpu.memref_slice %arg3[%add3A, %run_scoped3A_73, %dma_wait3A_181, %dma_wait3A_182] : memref<32x5x25x80xi32, #tpu.memory_space<hbm>> -> memref<1x1x25x80xi32, #tpu.memory_space<hbm>>
      %dma_wait3A_184 = tpu.memref_squeeze %dma_wait3A_183 : memref<1x1x25x80xi32, #tpu.memory_space<hbm>> -> memref<25x80xi32, #tpu.memory_space<hbm>>
      %dma_wait3A_185 = arith.constant 0 : i32
      %dma_wait3A_186 = arith.constant 0 : i32
      %dma_wait3A_187 = tpu.memref_slice %arg3[%add3A, %run_scoped3A_73, %dma_wait3A_185, %dma_wait3A_186] : memref<32x5x25x80xi32, #tpu.memory_space<hbm>> -> memref<1x1x25x80xi32, #tpu.memory_space<hbm>>
      %dma_wait3A_188 = tpu.memref_squeeze %dma_wait3A_187 : memref<1x1x25x80xi32, #tpu.memory_space<hbm>> -> memref<25x80xi32, #tpu.memory_space<hbm>>
      tpu.wait_dma2 semaphore(%run_scoped3A_172 : memref<!tpu.dma_semaphore, #tpu.memory_space<semaphore_mem>>) src(%dma_wait3A_188 : memref<25x80xi32, #tpu.memory_space<hbm>>) dst(%arg8 : memref<25x80xi32, #tpu.memory_space<vmem>>)
      tpu.yield
    }) : () -> ()
    %run_scoped3A_74 = arith.constant 2 : i32
    "tpu.region"() ({
      %run_scoped3A_172 = tpu.sem_alloc : memref<!tpu.dma_semaphore, #tpu.memory_space<semaphore_mem>>
      %dma_start3A_173 = arith.constant 0 : i32
      %dma_start3A_174 = arith.constant 0 : i32
      %dma_start3A_175 = tpu.memref_slice %arg4[%add3A, %run_scoped3A_74, %dma_start3A_173, %dma_start3A_174] : memref<32x5x25x80xi32, #tpu.memory_space<hbm>> -> memref<1x1x25x80xi32, #tpu.memory_space<hbm>>
      %dma_start3A_176 = tpu.memref_squeeze %dma_start3A_175 : memref<1x1x25x80xi32, #tpu.memory_space<hbm>> -> memref<25x80xi32, #tpu.memory_space<hbm>>
      %dma_start3A_177 = arith.constant 0 : i32
      %dma_start3A_178 = arith.constant 0 : i32
      %dma_start3A_179 = tpu.memref_slice %arg4[%add3A, %run_scoped3A_74, %dma_start3A_177, %dma_start3A_178] : memref<32x5x25x80xi32, #tpu.memory_space<hbm>> -> memref<1x1x25x80xi32, #tpu.memory_space<hbm>>
      %dma_start3A_180 = tpu.memref_squeeze %dma_start3A_179 : memref<1x1x25x80xi32, #tpu.memory_space<hbm>> -> memref<25x80xi32, #tpu.memory_space<hbm>>
      tpu.enqueue_dma source(%dma_start3A_180 : memref<25x80xi32, #tpu.memory_space<hbm>>) target(%arg10 : memref<25x80xi32, #tpu.memory_space<vmem>>) target_semaphore(%run_scoped3A_172 : memref<!tpu.dma_semaphore, #tpu.memory_space<semaphore_mem>>)
      %dma_wait3A_181 = arith.constant 0 : i32
      %dma_wait3A_182 = arith.constant 0 : i32
      %dma_wait3A_183 = tpu.memref_slice %arg4[%add3A, %run_scoped3A_74, %dma_wait3A_181, %dma_wait3A_182] : memref<32x5x25x80xi32, #tpu.memory_space<hbm>> -> memref<1x1x25x80xi32, #tpu.memory_space<hbm>>
      %dma_wait3A_184 = tpu.memref_squeeze %dma_wait3A_183 : memref<1x1x25x80xi32, #tpu.memory_space<hbm>> -> memref<25x80xi32, #tpu.memory_space<hbm>>
      %dma_wait3A_185 = arith.constant 0 : i32
      %dma_wait3A_186 = arith.constant 0 : i32
      %dma_wait3A_187 = tpu.memref_slice %arg4[%add3A, %run_scoped3A_74, %dma_wait3A_185, %dma_wait3A_186] : memref<32x5x25x80xi32, #tpu.memory_space<hbm>> -> memref<1x1x25x80xi32, #tpu.memory_space<hbm>>
      %dma_wait3A_188 = tpu.memref_squeeze %dma_wait3A_187 : memref<1x1x25x80xi32, #tpu.memory_space<hbm>> -> memref<25x80xi32, #tpu.memory_space<hbm>>
      tpu.wait_dma2 semaphore(%run_scoped3A_172 : memref<!tpu.dma_semaphore, #tpu.memory_space<semaphore_mem>>) src(%dma_wait3A_188 : memref<25x80xi32, #tpu.memory_space<hbm>>) dst(%arg10 : memref<25x80xi32, #tpu.memory_space<vmem>>)
      tpu.yield
    }) : () -> ()
    %dma_start3A_75 = arith.constant 0 : i32
    %dma_start3A_76 = arith.constant 0 : i32
    %dma_start3A_77 = tpu.memref_slice %arg8[%dma_start3A_75, %dma_start3A_76] : memref<25x80xi32, #tpu.memory_space<vmem>> -> memref<1x80xi32, #tpu.memory_space<vmem>>
    %dma_start3A_78 = tpu.memref_squeeze %dma_start3A_77 : memref<1x80xi32, #tpu.memory_space<vmem>> -> memref<80xi32, #tpu.memory_space<vmem>>
    %dma_start3A_79 = arith.constant 0 : i32
    %dma_start3A_80 = arith.constant 0 : i32
    %dma_start3A_81 = tpu.memref_slice %arg2[%dma_start3A_79, %dma_start3A_80] : memref<10000x128xf32, #tpu.memory_space<hbm>> -> memref<10000x128xf32, #tpu.memory_space<hbm>>
    tpu.enqueue_indirect_dma source(%dma_start3A_81 : memref<10000x128xf32, #tpu.memory_space<hbm>>) target(%arg12 : memref<80x128xf32, #tpu.memory_space<vmem>>) offsets(%dma_start3A_78 : memref<80xi32, #tpu.memory_space<vmem>>) semaphore(%arg14 : memref<!tpu.dma_semaphore, #tpu.memory_space<semaphore_mem>>)
    %scan3A_82 = arith.constant 0 : i32
    %scan3A_83 = arith.constant 12 : i32
    %scan3A_84 = arith.addi %scan3A_82, %scan3A_83 : i32
    %scan3A_85 = arith.constant 1 : i32
    scf.for %scan3A_172 = %scan3A_82 to %scan3A_84 step %scan3A_85  : i32 {
      %mul3A_173 = arith.constant 2 : i32
      %mul3A_174 = arith.muli %mul3A_173, %scan3A_172 : i32
      %add3A_175 = arith.constant 1 : i32
      %add3A_176 = arith.addi %mul3A_174, %add3A_175 : i32
      %dma_start3A_177 = arith.constant 0 : i32
      %dma_start3A_178 = tpu.memref_slice %arg8[%add3A_176, %dma_start3A_177] : memref<25x80xi32, #tpu.memory_space<vmem>> -> memref<1x80xi32, #tpu.memory_space<vmem>>
      %dma_start3A_179 = tpu.memref_squeeze %dma_start3A_178 : memref<1x80xi32, #tpu.memory_space<vmem>> -> memref<80xi32, #tpu.memory_space<vmem>>
      %dma_start3A_180 = arith.constant 0 : i32
      %dma_start3A_181 = arith.constant 0 : i32
      %dma_start3A_182 = tpu.memref_slice %arg2[%dma_start3A_180, %dma_start3A_181] : memref<10000x128xf32, #tpu.memory_space<hbm>> -> memref<10000x128xf32, #tpu.memory_space<hbm>>
      tpu.enqueue_indirect_dma source(%dma_start3A_182 : memref<10000x128xf32, #tpu.memory_space<hbm>>) target(%arg13 : memref<80x128xf32, #tpu.memory_space<vmem>>) offsets(%dma_start3A_179 : memref<80xi32, #tpu.memory_space<vmem>>) semaphore(%arg15 : memref<!tpu.dma_semaphore, #tpu.memory_space<semaphore_mem>>)
      %mul3A_183 = arith.constant 2 : i32
      %mul3A_184 = arith.muli %mul3A_183, %scan3A_172 : i32
      %dma_wait3A_185 = arith.constant 0 : i32
      %dma_wait3A_186 = tpu.memref_slice %arg8[%mul3A_184, %dma_wait3A_185] : memref<25x80xi32, #tpu.memory_space<vmem>> -> memref<1x80xi32, #tpu.memory_space<vmem>>
      %dma_wait3A_187 = tpu.memref_squeeze %dma_wait3A_186 : memref<1x80xi32, #tpu.memory_space<vmem>> -> memref<80xi32, #tpu.memory_space<vmem>>
      %dma_wait3A_188 = arith.constant 0 : i32
      %dma_wait3A_189 = arith.constant 0 : i32
      %dma_wait3A_190 = tpu.memref_slice %arg2[%dma_wait3A_188, %dma_wait3A_189] : memref<10000x128xf32, #tpu.memory_space<hbm>> -> memref<10000x128xf32, #tpu.memory_space<hbm>>
      tpu.wait_indirect_dma semaphore(%arg14 : memref<!tpu.dma_semaphore, #tpu.memory_space<semaphore_mem>>) src(%dma_wait3A_190 : memref<10000x128xf32, #tpu.memory_space<hbm>>) dst(%arg12 : memref<80x128xf32, #tpu.memory_space<vmem>>)
      %mul3A_191 = arith.constant 2 : i32
      %mul3A_192 = arith.muli %mul3A_191, %scan3A_172 : i32
      "tpu.region"() ({
        %run_scoped3A_207 = tpu.sem_alloc : memref<!tpu.dma_semaphore, #tpu.memory_space<semaphore_mem>>
        %dma_start3A_208 = arith.constant 0 : i32
        %dma_start3A_209 = tpu.memref_slice %arg10[%mul3A_192, %dma_start3A_208] : memref<25x80xi32, #tpu.memory_space<vmem>> -> memref<1x80xi32, #tpu.memory_space<vmem>>
        %dma_start3A_210 = tpu.memref_squeeze %dma_start3A_209 : memref<1x80xi32, #tpu.memory_space<vmem>> -> memref<80xi32, #tpu.memory_space<vmem>>
        %dma_start3A_211 = arith.constant 0 : i32
        %dma_start3A_212 = arith.constant 0 : i32
        %dma_start3A_213 = tpu.memref_slice %arg7[%dma_start3A_211, %dma_start3A_212] : memref<10240x128xf32, #tpu.memory_space<vmem_shared>> -> memref<10240x128xf32, #tpu.memory_space<vmem_shared>>
        tpu.enqueue_indirect_dma source(%arg12 : memref<80x128xf32, #tpu.memory_space<vmem>>) target(%dma_start3A_213 : memref<10240x128xf32, #tpu.memory_space<vmem_shared>>) offsets(%dma_start3A_210 : memref<80xi32, #tpu.memory_space<vmem>>) semaphore(%run_scoped3A_207 : memref<!tpu.dma_semaphore, #tpu.memory_space<semaphore_mem>>) {add = true}
        %dma_wait3A_214 = arith.constant 0 : i32
        %dma_wait3A_215 = tpu.memref_slice %arg10[%mul3A_192, %dma_wait3A_214] : memref<25x80xi32, #tpu.memory_space<vmem>> -> memref<1x80xi32, #tpu.memory_space<vmem>>
        %dma_wait3A_216 = tpu.memref_squeeze %dma_wait3A_215 : memref<1x80xi32, #tpu.memory_space<vmem>> -> memref<80xi32, #tpu.memory_space<vmem>>
        %dma_wait3A_217 = arith.constant 0 : i32
        %dma_wait3A_218 = arith.constant 0 : i32
        %dma_wait3A_219 = tpu.memref_slice %arg7[%dma_wait3A_217, %dma_wait3A_218] : memref<10240x128xf32, #tpu.memory_space<vmem_shared>> -> memref<10240x128xf32, #tpu.memory_space<vmem_shared>>
        tpu.wait_indirect_dma semaphore(%run_scoped3A_207 : memref<!tpu.dma_semaphore, #tpu.memory_space<semaphore_mem>>) src(%arg12 : memref<80x128xf32, #tpu.memory_space<vmem>>) dst(%dma_wait3A_219 : memref<10240x128xf32, #tpu.memory_space<vmem_shared>>)
        tpu.yield
      }) : () -> ()
      %add3A_193 = arith.constant 1 : i32
      %add3A_194 = arith.addi %add3A_176, %add3A_193 : i32
      %dma_start3A_195 = arith.constant 0 : i32
      %dma_start3A_196 = tpu.memref_slice %arg8[%add3A_194, %dma_start3A_195] : memref<25x80xi32, #tpu.memory_space<vmem>> -> memref<1x80xi32, #tpu.memory_space<vmem>>
      %dma_start3A_197 = tpu.memref_squeeze %dma_start3A_196 : memref<1x80xi32, #tpu.memory_space<vmem>> -> memref<80xi32, #tpu.memory_space<vmem>>
      %dma_start3A_198 = arith.constant 0 : i32
      %dma_start3A_199 = arith.constant 0 : i32
      %dma_start3A_200 = tpu.memref_slice %arg2[%dma_start3A_198, %dma_start3A_199] : memref<10000x128xf32, #tpu.memory_space<hbm>> -> memref<10000x128xf32, #tpu.memory_space<hbm>>
      tpu.enqueue_indirect_dma source(%dma_start3A_200 : memref<10000x128xf32, #tpu.memory_space<hbm>>) target(%arg12 : memref<80x128xf32, #tpu.memory_space<vmem>>) offsets(%dma_start3A_197 : memref<80xi32, #tpu.memory_space<vmem>>) semaphore(%arg14 : memref<!tpu.dma_semaphore, #tpu.memory_space<semaphore_mem>>)
      %dma_wait3A_201 = arith.constant 0 : i32
      %dma_wait3A_202 = tpu.memref_slice %arg8[%add3A_176, %dma_wait3A_201] : memref<25x80xi32, #tpu.memory_space<vmem>> -> memref<1x80xi32, #tpu.memory_space<vmem>>
      %dma_wait3A_203 = tpu.memref_squeeze %dma_wait3A_202 : memref<1x80xi32, #tpu.memory_space<vmem>> -> memref<80xi32, #tpu.memory_space<vmem>>
      %dma_wait3A_204 = arith.constant 0 : i32
      %dma_wait3A_205 = arith.constant 0 : i32
      %dma_wait3A_206 = tpu.memref_slice %arg2[%dma_wait3A_204, %dma_wait3A_205] : memref<10000x128xf32, #tpu.memory_space<hbm>> -> memref<10000x128xf32, #tpu.memory_space<hbm>>
      tpu.wait_indirect_dma semaphore(%arg15 : memref<!tpu.dma_semaphore, #tpu.memory_space<semaphore_mem>>) src(%dma_wait3A_206 : memref<10000x128xf32, #tpu.memory_space<hbm>>) dst(%arg13 : memref<80x128xf32, #tpu.memory_space<vmem>>)
      "tpu.region"() ({
        %run_scoped3A_207 = tpu.sem_alloc : memref<!tpu.dma_semaphore, #tpu.memory_space<semaphore_mem>>
        %dma_start3A_208 = arith.constant 0 : i32
        %dma_start3A_209 = tpu.memref_slice %arg10[%add3A_176, %dma_start3A_208] : memref<25x80xi32, #tpu.memory_space<vmem>> -> memref<1x80xi32, #tpu.memory_space<vmem>>
        %dma_start3A_210 = tpu.memref_squeeze %dma_start3A_209 : memref<1x80xi32, #tpu.memory_space<vmem>> -> memref<80xi32, #tpu.memory_space<vmem>>
        %dma_start3A_211 = arith.constant 0 : i32
        %dma_start3A_212 = arith.constant 0 : i32
        %dma_start3A_213 = tpu.memref_slice %arg7[%dma_start3A_211, %dma_start3A_212] : memref<10240x128xf32, #tpu.memory_space<vmem_shared>> -> memref<10240x128xf32, #tpu.memory_space<vmem_shared>>
        tpu.enqueue_indirect_dma source(%arg13 : memref<80x128xf32, #tpu.memory_space<vmem>>) target(%dma_start3A_213 : memref<10240x128xf32, #tpu.memory_space<vmem_shared>>) offsets(%dma_start3A_210 : memref<80xi32, #tpu.memory_space<vmem>>) semaphore(%run_scoped3A_207 : memref<!tpu.dma_semaphore, #tpu.memory_space<semaphore_mem>>) {add = true}
        %dma_wait3A_214 = arith.constant 0 : i32
        %dma_wait3A_215 = tpu.memref_slice %arg10[%add3A_176, %dma_wait3A_214] : memref<25x80xi32, #tpu.memory_space<vmem>> -> memref<1x80xi32, #tpu.memory_space<vmem>>
        %dma_wait3A_216 = tpu.memref_squeeze %dma_wait3A_215 : memref<1x80xi32, #tpu.memory_space<vmem>> -> memref<80xi32, #tpu.memory_space<vmem>>
        %dma_wait3A_217 = arith.constant 0 : i32
        %dma_wait3A_218 = arith.constant 0 : i32
        %dma_wait3A_219 = tpu.memref_slice %arg7[%dma_wait3A_217, %dma_wait3A_218] : memref<10240x128xf32, #tpu.memory_space<vmem_shared>> -> memref<10240x128xf32, #tpu.memory_space<vmem_shared>>
        tpu.wait_indirect_dma semaphore(%run_scoped3A_207 : memref<!tpu.dma_semaphore, #tpu.memory_space<semaphore_mem>>) src(%arg13 : memref<80x128xf32, #tpu.memory_space<vmem>>) dst(%dma_wait3A_219 : memref<10240x128xf32, #tpu.memory_space<vmem_shared>>)
        tpu.yield
      }) : () -> ()
    }
    %scan3A_86 = arith.constant 12 : i32
    %dma_wait3A_87 = arith.constant 24 : i32
    %dma_wait3A_88 = arith.constant 0 : i32
    %dma_wait3A_89 = tpu.memref_slice %arg8[%dma_wait3A_87, %dma_wait3A_88] : memref<25x80xi32, #tpu.memory_space<vmem>> -> memref<1x80xi32, #tpu.memory_space<vmem>>
    %dma_wait3A_90 = tpu.memref_squeeze %dma_wait3A_89 : memref<1x80xi32, #tpu.memory_space<vmem>> -> memref<80xi32, #tpu.memory_space<vmem>>
    %dma_wait3A_91 = arith.constant 0 : i32
    %dma_wait3A_92 = arith.constant 0 : i32
    %dma_wait3A_93 = tpu.memref_slice %arg2[%dma_wait3A_91, %dma_wait3A_92] : memref<10000x128xf32, #tpu.memory_space<hbm>> -> memref<10000x128xf32, #tpu.memory_space<hbm>>
    tpu.wait_indirect_dma semaphore(%arg14 : memref<!tpu.dma_semaphore, #tpu.memory_space<semaphore_mem>>) src(%dma_wait3A_93 : memref<10000x128xf32, #tpu.memory_space<hbm>>) dst(%arg12 : memref<80x128xf32, #tpu.memory_space<vmem>>)
    %run_scoped3A_94 = arith.constant 24 : i32
    "tpu.region"() ({
      %run_scoped3A_172 = tpu.sem_alloc : memref<!tpu.dma_semaphore, #tpu.memory_space<semaphore_mem>>
      %dma_start3A_173 = arith.constant 0 : i32
      %dma_start3A_174 = tpu.memref_slice %arg10[%run_scoped3A_94, %dma_start3A_173] : memref<25x80xi32, #tpu.memory_space<vmem>> -> memref<1x80xi32, #tpu.memory_space<vmem>>
      %dma_start3A_175 = tpu.memref_squeeze %dma_start3A_174 : memref<1x80xi32, #tpu.memory_space<vmem>> -> memref<80xi32, #tpu.memory_space<vmem>>
      %dma_start3A_176 = arith.constant 0 : i32
      %dma_start3A_177 = arith.constant 0 : i32
      %dma_start3A_178 = tpu.memref_slice %arg7[%dma_start3A_176, %dma_start3A_177] : memref<10240x128xf32, #tpu.memory_space<vmem_shared>> -> memref<10240x128xf32, #tpu.memory_space<vmem_shared>>
      tpu.enqueue_indirect_dma source(%arg12 : memref<80x128xf32, #tpu.memory_space<vmem>>) target(%dma_start3A_178 : memref<10240x128xf32, #tpu.memory_space<vmem_shared>>) offsets(%dma_start3A_175 : memref<80xi32, #tpu.memory_space<vmem>>) semaphore(%run_scoped3A_172 : memref<!tpu.dma_semaphore, #tpu.memory_space<semaphore_mem>>) {add = true}
      %dma_wait3A_179 = arith.constant 0 : i32
      %dma_wait3A_180 = tpu.memref_slice %arg10[%run_scoped3A_94, %dma_wait3A_179] : memref<25x80xi32, #tpu.memory_space<vmem>> -> memref<1x80xi32, #tpu.memory_space<vmem>>
      %dma_wait3A_181 = tpu.memref_squeeze %dma_wait3A_180 : memref<1x80xi32, #tpu.memory_space<vmem>> -> memref<80xi32, #tpu.memory_space<vmem>>
      %dma_wait3A_182 = arith.constant 0 : i32
      %dma_wait3A_183 = arith.constant 0 : i32
      %dma_wait3A_184 = tpu.memref_slice %arg7[%dma_wait3A_182, %dma_wait3A_183] : memref<10240x128xf32, #tpu.memory_space<vmem_shared>> -> memref<10240x128xf32, #tpu.memory_space<vmem_shared>>
      tpu.wait_indirect_dma semaphore(%run_scoped3A_172 : memref<!tpu.dma_semaphore, #tpu.memory_space<semaphore_mem>>) src(%arg12 : memref<80x128xf32, #tpu.memory_space<vmem>>) dst(%dma_wait3A_184 : memref<10240x128xf32, #tpu.memory_space<vmem_shared>>)
      tpu.yield
    }) : () -> ()
    %run_scoped3A_95 = arith.constant 3 : i32
    "tpu.region"() ({
      %run_scoped3A_172 = tpu.sem_alloc : memref<!tpu.dma_semaphore, #tpu.memory_space<semaphore_mem>>
      %dma_start3A_173 = arith.constant 0 : i32
      %dma_start3A_174 = arith.constant 0 : i32
      %dma_start3A_175 = tpu.memref_slice %arg3[%add3A, %run_scoped3A_95, %dma_start3A_173, %dma_start3A_174] : memref<32x5x25x80xi32, #tpu.memory_space<hbm>> -> memref<1x1x25x80xi32, #tpu.memory_space<hbm>>
      %dma_start3A_176 = tpu.memref_squeeze %dma_start3A_175 : memref<1x1x25x80xi32, #tpu.memory_space<hbm>> -> memref<25x80xi32, #tpu.memory_space<hbm>>
      %dma_start3A_177 = arith.constant 0 : i32
      %dma_start3A_178 = arith.constant 0 : i32
      %dma_start3A_179 = tpu.memref_slice %arg3[%add3A, %run_scoped3A_95, %dma_start3A_177, %dma_start3A_178] : memref<32x5x25x80xi32, #tpu.memory_space<hbm>> -> memref<1x1x25x80xi32, #tpu.memory_space<hbm>>
      %dma_start3A_180 = tpu.memref_squeeze %dma_start3A_179 : memref<1x1x25x80xi32, #tpu.memory_space<hbm>> -> memref<25x80xi32, #tpu.memory_space<hbm>>
      tpu.enqueue_dma source(%dma_start3A_180 : memref<25x80xi32, #tpu.memory_space<hbm>>) target(%arg9 : memref<25x80xi32, #tpu.memory_space<vmem>>) target_semaphore(%run_scoped3A_172 : memref<!tpu.dma_semaphore, #tpu.memory_space<semaphore_mem>>)
      %dma_wait3A_181 = arith.constant 0 : i32
      %dma_wait3A_182 = arith.constant 0 : i32
      %dma_wait3A_183 = tpu.memref_slice %arg3[%add3A, %run_scoped3A_95, %dma_wait3A_181, %dma_wait3A_182] : memref<32x5x25x80xi32, #tpu.memory_space<hbm>> -> memref<1x1x25x80xi32, #tpu.memory_space<hbm>>
      %dma_wait3A_184 = tpu.memref_squeeze %dma_wait3A_183 : memref<1x1x25x80xi32, #tpu.memory_space<hbm>> -> memref<25x80xi32, #tpu.memory_space<hbm>>
      %dma_wait3A_185 = arith.constant 0 : i32
      %dma_wait3A_186 = arith.constant 0 : i32
      %dma_wait3A_187 = tpu.memref_slice %arg3[%add3A, %run_scoped3A_95, %dma_wait3A_185, %dma_wait3A_186] : memref<32x5x25x80xi32, #tpu.memory_space<hbm>> -> memref<1x1x25x80xi32, #tpu.memory_space<hbm>>
      %dma_wait3A_188 = tpu.memref_squeeze %dma_wait3A_187 : memref<1x1x25x80xi32, #tpu.memory_space<hbm>> -> memref<25x80xi32, #tpu.memory_space<hbm>>
      tpu.wait_dma2 semaphore(%run_scoped3A_172 : memref<!tpu.dma_semaphore, #tpu.memory_space<semaphore_mem>>) src(%dma_wait3A_188 : memref<25x80xi32, #tpu.memory_space<hbm>>) dst(%arg9 : memref<25x80xi32, #tpu.memory_space<vmem>>)
      tpu.yield
    }) : () -> ()
    %run_scoped3A_96 = arith.constant 3 : i32
    "tpu.region"() ({
      %run_scoped3A_172 = tpu.sem_alloc : memref<!tpu.dma_semaphore, #tpu.memory_space<semaphore_mem>>
      %dma_start3A_173 = arith.constant 0 : i32
      %dma_start3A_174 = arith.constant 0 : i32
      %dma_start3A_175 = tpu.memref_slice %arg4[%add3A, %run_scoped3A_96, %dma_start3A_173, %dma_start3A_174] : memref<32x5x25x80xi32, #tpu.memory_space<hbm>> -> memref<1x1x25x80xi32, #tpu.memory_space<hbm>>
      %dma_start3A_176 = tpu.memref_squeeze %dma_start3A_175 : memref<1x1x25x80xi32, #tpu.memory_space<hbm>> -> memref<25x80xi32, #tpu.memory_space<hbm>>
      %dma_start3A_177 = arith.constant 0 : i32
      %dma_start3A_178 = arith.constant 0 : i32
      %dma_start3A_179 = tpu.memref_slice %arg4[%add3A, %run_scoped3A_96, %dma_start3A_177, %dma_start3A_178] : memref<32x5x25x80xi32, #tpu.memory_space<hbm>> -> memref<1x1x25x80xi32, #tpu.memory_space<hbm>>
      %dma_start3A_180 = tpu.memref_squeeze %dma_start3A_179 : memref<1x1x25x80xi32, #tpu.memory_space<hbm>> -> memref<25x80xi32, #tpu.memory_space<hbm>>
      tpu.enqueue_dma source(%dma_start3A_180 : memref<25x80xi32, #tpu.memory_space<hbm>>) target(%arg11 : memref<25x80xi32, #tpu.memory_space<vmem>>) target_semaphore(%run_scoped3A_172 : memref<!tpu.dma_semaphore, #tpu.memory_space<semaphore_mem>>)
      %dma_wait3A_181 = arith.constant 0 : i32
      %dma_wait3A_182 = arith.constant 0 : i32
      %dma_wait3A_183 = tpu.memref_slice %arg4[%add3A, %run_scoped3A_96, %dma_wait3A_181, %dma_wait3A_182] : memref<32x5x25x80xi32, #tpu.memory_space<hbm>> -> memref<1x1x25x80xi32, #tpu.memory_space<hbm>>
      %dma_wait3A_184 = tpu.memref_squeeze %dma_wait3A_183 : memref<1x1x25x80xi32, #tpu.memory_space<hbm>> -> memref<25x80xi32, #tpu.memory_space<hbm>>
      %dma_wait3A_185 = arith.constant 0 : i32
      %dma_wait3A_186 = arith.constant 0 : i32
      %dma_wait3A_187 = tpu.memref_slice %arg4[%add3A, %run_scoped3A_96, %dma_wait3A_185, %dma_wait3A_186] : memref<32x5x25x80xi32, #tpu.memory_space<hbm>> -> memref<1x1x25x80xi32, #tpu.memory_space<hbm>>
      %dma_wait3A_188 = tpu.memref_squeeze %dma_wait3A_187 : memref<1x1x25x80xi32, #tpu.memory_space<hbm>> -> memref<25x80xi32, #tpu.memory_space<hbm>>
      tpu.wait_dma2 semaphore(%run_scoped3A_172 : memref<!tpu.dma_semaphore, #tpu.memory_space<semaphore_mem>>) src(%dma_wait3A_188 : memref<25x80xi32, #tpu.memory_space<hbm>>) dst(%arg11 : memref<25x80xi32, #tpu.memory_space<vmem>>)
      tpu.yield
    }) : () -> ()
    %dma_start3A_97 = arith.constant 0 : i32
    %dma_start3A_98 = arith.constant 0 : i32
    %dma_start3A_99 = tpu.memref_slice %arg9[%dma_start3A_97, %dma_start3A_98] : memref<25x80xi32, #tpu.memory_space<vmem>> -> memref<1x80xi32, #tpu.memory_space<vmem>>
    %dma_start3A_100 = tpu.memref_squeeze %dma_start3A_99 : memref<1x80xi32, #tpu.memory_space<vmem>> -> memref<80xi32, #tpu.memory_space<vmem>>
    %dma_start3A_101 = arith.constant 0 : i32
    %dma_start3A_102 = arith.constant 0 : i32
    %dma_start3A_103 = tpu.memref_slice %arg2[%dma_start3A_101, %dma_start3A_102] : memref<10000x128xf32, #tpu.memory_space<hbm>> -> memref<10000x128xf32, #tpu.memory_space<hbm>>
    tpu.enqueue_indirect_dma source(%dma_start3A_103 : memref<10000x128xf32, #tpu.memory_space<hbm>>) target(%arg12 : memref<80x128xf32, #tpu.memory_space<vmem>>) offsets(%dma_start3A_100 : memref<80xi32, #tpu.memory_space<vmem>>) semaphore(%arg14 : memref<!tpu.dma_semaphore, #tpu.memory_space<semaphore_mem>>)
    %scan3A_104 = arith.constant 0 : i32
    %scan3A_105 = arith.constant 12 : i32
    %scan3A_106 = arith.addi %scan3A_104, %scan3A_105 : i32
    %scan3A_107 = arith.constant 1 : i32
    scf.for %scan3A_172 = %scan3A_104 to %scan3A_106 step %scan3A_107  : i32 {
      %mul3A_173 = arith.constant 2 : i32
      %mul3A_174 = arith.muli %mul3A_173, %scan3A_172 : i32
      %add3A_175 = arith.constant 1 : i32
      %add3A_176 = arith.addi %mul3A_174, %add3A_175 : i32
      %dma_start3A_177 = arith.constant 0 : i32
      %dma_start3A_178 = tpu.memref_slice %arg9[%add3A_176, %dma_start3A_177] : memref<25x80xi32, #tpu.memory_space<vmem>> -> memref<1x80xi32, #tpu.memory_space<vmem>>
      %dma_start3A_179 = tpu.memref_squeeze %dma_start3A_178 : memref<1x80xi32, #tpu.memory_space<vmem>> -> memref<80xi32, #tpu.memory_space<vmem>>
      %dma_start3A_180 = arith.constant 0 : i32
      %dma_start3A_181 = arith.constant 0 : i32
      %dma_start3A_182 = tpu.memref_slice %arg2[%dma_start3A_180, %dma_start3A_181] : memref<10000x128xf32, #tpu.memory_space<hbm>> -> memref<10000x128xf32, #tpu.memory_space<hbm>>
      tpu.enqueue_indirect_dma source(%dma_start3A_182 : memref<10000x128xf32, #tpu.memory_space<hbm>>) target(%arg13 : memref<80x128xf32, #tpu.memory_space<vmem>>) offsets(%dma_start3A_179 : memref<80xi32, #tpu.memory_space<vmem>>) semaphore(%arg15 : memref<!tpu.dma_semaphore, #tpu.memory_space<semaphore_mem>>)
      %mul3A_183 = arith.constant 2 : i32
      %mul3A_184 = arith.muli %mul3A_183, %scan3A_172 : i32
      %dma_wait3A_185 = arith.constant 0 : i32
      %dma_wait3A_186 = tpu.memref_slice %arg9[%mul3A_184, %dma_wait3A_185] : memref<25x80xi32, #tpu.memory_space<vmem>> -> memref<1x80xi32, #tpu.memory_space<vmem>>
      %dma_wait3A_187 = tpu.memref_squeeze %dma_wait3A_186 : memref<1x80xi32, #tpu.memory_space<vmem>> -> memref<80xi32, #tpu.memory_space<vmem>>
      %dma_wait3A_188 = arith.constant 0 : i32
      %dma_wait3A_189 = arith.constant 0 : i32
      %dma_wait3A_190 = tpu.memref_slice %arg2[%dma_wait3A_188, %dma_wait3A_189] : memref<10000x128xf32, #tpu.memory_space<hbm>> -> memref<10000x128xf32, #tpu.memory_space<hbm>>
      tpu.wait_indirect_dma semaphore(%arg14 : memref<!tpu.dma_semaphore, #tpu.memory_space<semaphore_mem>>) src(%dma_wait3A_190 : memref<10000x128xf32, #tpu.memory_space<hbm>>) dst(%arg12 : memref<80x128xf32, #tpu.memory_space<vmem>>)
      %mul3A_191 = arith.constant 2 : i32
      %mul3A_192 = arith.muli %mul3A_191, %scan3A_172 : i32
      "tpu.region"() ({
        %run_scoped3A_207 = tpu.sem_alloc : memref<!tpu.dma_semaphore, #tpu.memory_space<semaphore_mem>>
        %dma_start3A_208 = arith.constant 0 : i32
        %dma_start3A_209 = tpu.memref_slice %arg11[%mul3A_192, %dma_start3A_208] : memref<25x80xi32, #tpu.memory_space<vmem>> -> memref<1x80xi32, #tpu.memory_space<vmem>>
        %dma_start3A_210 = tpu.memref_squeeze %dma_start3A_209 : memref<1x80xi32, #tpu.memory_space<vmem>> -> memref<80xi32, #tpu.memory_space<vmem>>
        %dma_start3A_211 = arith.constant 0 : i32
        %dma_start3A_212 = arith.constant 0 : i32
        %dma_start3A_213 = tpu.memref_slice %arg7[%dma_start3A_211, %dma_start3A_212] : memref<10240x128xf32, #tpu.memory_space<vmem_shared>> -> memref<10240x128xf32, #tpu.memory_space<vmem_shared>>
        tpu.enqueue_indirect_dma source(%arg12 : memref<80x128xf32, #tpu.memory_space<vmem>>) target(%dma_start3A_213 : memref<10240x128xf32, #tpu.memory_space<vmem_shared>>) offsets(%dma_start3A_210 : memref<80xi32, #tpu.memory_space<vmem>>) semaphore(%run_scoped3A_207 : memref<!tpu.dma_semaphore, #tpu.memory_space<semaphore_mem>>) {add = true}
        %dma_wait3A_214 = arith.constant 0 : i32
        %dma_wait3A_215 = tpu.memref_slice %arg11[%mul3A_192, %dma_wait3A_214] : memref<25x80xi32, #tpu.memory_space<vmem>> -> memref<1x80xi32, #tpu.memory_space<vmem>>
        %dma_wait3A_216 = tpu.memref_squeeze %dma_wait3A_215 : memref<1x80xi32, #tpu.memory_space<vmem>> -> memref<80xi32, #tpu.memory_space<vmem>>
        %dma_wait3A_217 = arith.constant 0 : i32
        %dma_wait3A_218 = arith.constant 0 : i32
        %dma_wait3A_219 = tpu.memref_slice %arg7[%dma_wait3A_217, %dma_wait3A_218] : memref<10240x128xf32, #tpu.memory_space<vmem_shared>> -> memref<10240x128xf32, #tpu.memory_space<vmem_shared>>
        tpu.wait_indirect_dma semaphore(%run_scoped3A_207 : memref<!tpu.dma_semaphore, #tpu.memory_space<semaphore_mem>>) src(%arg12 : memref<80x128xf32, #tpu.memory_space<vmem>>) dst(%dma_wait3A_219 : memref<10240x128xf32, #tpu.memory_space<vmem_shared>>)
        tpu.yield
      }) : () -> ()
      %add3A_193 = arith.constant 1 : i32
      %add3A_194 = arith.addi %add3A_176, %add3A_193 : i32
      %dma_start3A_195 = arith.constant 0 : i32
      %dma_start3A_196 = tpu.memref_slice %arg9[%add3A_194, %dma_start3A_195] : memref<25x80xi32, #tpu.memory_space<vmem>> -> memref<1x80xi32, #tpu.memory_space<vmem>>
      %dma_start3A_197 = tpu.memref_squeeze %dma_start3A_196 : memref<1x80xi32, #tpu.memory_space<vmem>> -> memref<80xi32, #tpu.memory_space<vmem>>
      %dma_start3A_198 = arith.constant 0 : i32
      %dma_start3A_199 = arith.constant 0 : i32
      %dma_start3A_200 = tpu.memref_slice %arg2[%dma_start3A_198, %dma_start3A_199] : memref<10000x128xf32, #tpu.memory_space<hbm>> -> memref<10000x128xf32, #tpu.memory_space<hbm>>
      tpu.enqueue_indirect_dma source(%dma_start3A_200 : memref<10000x128xf32, #tpu.memory_space<hbm>>) target(%arg12 : memref<80x128xf32, #tpu.memory_space<vmem>>) offsets(%dma_start3A_197 : memref<80xi32, #tpu.memory_space<vmem>>) semaphore(%arg14 : memref<!tpu.dma_semaphore, #tpu.memory_space<semaphore_mem>>)
      %dma_wait3A_201 = arith.constant 0 : i32
      %dma_wait3A_202 = tpu.memref_slice %arg9[%add3A_176, %dma_wait3A_201] : memref<25x80xi32, #tpu.memory_space<vmem>> -> memref<1x80xi32, #tpu.memory_space<vmem>>
      %dma_wait3A_203 = tpu.memref_squeeze %dma_wait3A_202 : memref<1x80xi32, #tpu.memory_space<vmem>> -> memref<80xi32, #tpu.memory_space<vmem>>
      %dma_wait3A_204 = arith.constant 0 : i32
      %dma_wait3A_205 = arith.constant 0 : i32
      %dma_wait3A_206 = tpu.memref_slice %arg2[%dma_wait3A_204, %dma_wait3A_205] : memref<10000x128xf32, #tpu.memory_space<hbm>> -> memref<10000x128xf32, #tpu.memory_space<hbm>>
      tpu.wait_indirect_dma semaphore(%arg15 : memref<!tpu.dma_semaphore, #tpu.memory_space<semaphore_mem>>) src(%dma_wait3A_206 : memref<10000x128xf32, #tpu.memory_space<hbm>>) dst(%arg13 : memref<80x128xf32, #tpu.memory_space<vmem>>)
      "tpu.region"() ({
        %run_scoped3A_207 = tpu.sem_alloc : memref<!tpu.dma_semaphore, #tpu.memory_space<semaphore_mem>>
        %dma_start3A_208 = arith.constant 0 : i32
        %dma_start3A_209 = tpu.memref_slice %arg11[%add3A_176, %dma_start3A_208] : memref<25x80xi32, #tpu.memory_space<vmem>> -> memref<1x80xi32, #tpu.memory_space<vmem>>
        %dma_start3A_210 = tpu.memref_squeeze %dma_start3A_209 : memref<1x80xi32, #tpu.memory_space<vmem>> -> memref<80xi32, #tpu.memory_space<vmem>>
        %dma_start3A_211 = arith.constant 0 : i32
        %dma_start3A_212 = arith.constant 0 : i32
        %dma_start3A_213 = tpu.memref_slice %arg7[%dma_start3A_211, %dma_start3A_212] : memref<10240x128xf32, #tpu.memory_space<vmem_shared>> -> memref<10240x128xf32, #tpu.memory_space<vmem_shared>>
        tpu.enqueue_indirect_dma source(%arg13 : memref<80x128xf32, #tpu.memory_space<vmem>>) target(%dma_start3A_213 : memref<10240x128xf32, #tpu.memory_space<vmem_shared>>) offsets(%dma_start3A_210 : memref<80xi32, #tpu.memory_space<vmem>>) semaphore(%run_scoped3A_207 : memref<!tpu.dma_semaphore, #tpu.memory_space<semaphore_mem>>) {add = true}
        %dma_wait3A_214 = arith.constant 0 : i32
        %dma_wait3A_215 = tpu.memref_slice %arg11[%add3A_176, %dma_wait3A_214] : memref<25x80xi32, #tpu.memory_space<vmem>> -> memref<1x80xi32, #tpu.memory_space<vmem>>
        %dma_wait3A_216 = tpu.memref_squeeze %dma_wait3A_215 : memref<1x80xi32, #tpu.memory_space<vmem>> -> memref<80xi32, #tpu.memory_space<vmem>>
        %dma_wait3A_217 = arith.constant 0 : i32
        %dma_wait3A_218 = arith.constant 0 : i32
        %dma_wait3A_219 = tpu.memref_slice %arg7[%dma_wait3A_217, %dma_wait3A_218] : memref<10240x128xf32, #tpu.memory_space<vmem_shared>> -> memref<10240x128xf32, #tpu.memory_space<vmem_shared>>
        tpu.wait_indirect_dma semaphore(%run_scoped3A_207 : memref<!tpu.dma_semaphore, #tpu.memory_space<semaphore_mem>>) src(%arg13 : memref<80x128xf32, #tpu.memory_space<vmem>>) dst(%dma_wait3A_219 : memref<10240x128xf32, #tpu.memory_space<vmem_shared>>)
        tpu.yield
      }) : () -> ()
    }
    %scan3A_108 = arith.constant 12 : i32
    %dma_wait3A_109 = arith.constant 24 : i32
    %dma_wait3A_110 = arith.constant 0 : i32
    %dma_wait3A_111 = tpu.memref_slice %arg9[%dma_wait3A_109, %dma_wait3A_110] : memref<25x80xi32, #tpu.memory_space<vmem>> -> memref<1x80xi32, #tpu.memory_space<vmem>>
    %dma_wait3A_112 = tpu.memref_squeeze %dma_wait3A_111 : memref<1x80xi32, #tpu.memory_space<vmem>> -> memref<80xi32, #tpu.memory_space<vmem>>
    %dma_wait3A_113 = arith.constant 0 : i32
    %dma_wait3A_114 = arith.constant 0 : i32
    %dma_wait3A_115 = tpu.memref_slice %arg2[%dma_wait3A_113, %dma_wait3A_114] : memref<10000x128xf32, #tpu.memory_space<hbm>> -> memref<10000x128xf32, #tpu.memory_space<hbm>>
    tpu.wait_indirect_dma semaphore(%arg14 : memref<!tpu.dma_semaphore, #tpu.memory_space<semaphore_mem>>) src(%dma_wait3A_115 : memref<10000x128xf32, #tpu.memory_space<hbm>>) dst(%arg12 : memref<80x128xf32, #tpu.memory_space<vmem>>)
    %run_scoped3A_116 = arith.constant 24 : i32
    "tpu.region"() ({
      %run_scoped3A_172 = tpu.sem_alloc : memref<!tpu.dma_semaphore, #tpu.memory_space<semaphore_mem>>
      %dma_start3A_173 = arith.constant 0 : i32
      %dma_start3A_174 = tpu.memref_slice %arg11[%run_scoped3A_116, %dma_start3A_173] : memref<25x80xi32, #tpu.memory_space<vmem>> -> memref<1x80xi32, #tpu.memory_space<vmem>>
      %dma_start3A_175 = tpu.memref_squeeze %dma_start3A_174 : memref<1x80xi32, #tpu.memory_space<vmem>> -> memref<80xi32, #tpu.memory_space<vmem>>
      %dma_start3A_176 = arith.constant 0 : i32
      %dma_start3A_177 = arith.constant 0 : i32
      %dma_start3A_178 = tpu.memref_slice %arg7[%dma_start3A_176, %dma_start3A_177] : memref<10240x128xf32, #tpu.memory_space<vmem_shared>> -> memref<10240x128xf32, #tpu.memory_space<vmem_shared>>
      tpu.enqueue_indirect_dma source(%arg12 : memref<80x128xf32, #tpu.memory_space<vmem>>) target(%dma_start3A_178 : memref<10240x128xf32, #tpu.memory_space<vmem_shared>>) offsets(%dma_start3A_175 : memref<80xi32, #tpu.memory_space<vmem>>) semaphore(%run_scoped3A_172 : memref<!tpu.dma_semaphore, #tpu.memory_space<semaphore_mem>>) {add = true}
      %dma_wait3A_179 = arith.constant 0 : i32
      %dma_wait3A_180 = tpu.memref_slice %arg11[%run_scoped3A_116, %dma_wait3A_179] : memref<25x80xi32, #tpu.memory_space<vmem>> -> memref<1x80xi32, #tpu.memory_space<vmem>>
      %dma_wait3A_181 = tpu.memref_squeeze %dma_wait3A_180 : memref<1x80xi32, #tpu.memory_space<vmem>> -> memref<80xi32, #tpu.memory_space<vmem>>
      %dma_wait3A_182 = arith.constant 0 : i32
      %dma_wait3A_183 = arith.constant 0 : i32
      %dma_wait3A_184 = tpu.memref_slice %arg7[%dma_wait3A_182, %dma_wait3A_183] : memref<10240x128xf32, #tpu.memory_space<vmem_shared>> -> memref<10240x128xf32, #tpu.memory_space<vmem_shared>>
      tpu.wait_indirect_dma semaphore(%run_scoped3A_172 : memref<!tpu.dma_semaphore, #tpu.memory_space<semaphore_mem>>) src(%arg12 : memref<80x128xf32, #tpu.memory_space<vmem>>) dst(%dma_wait3A_184 : memref<10240x128xf32, #tpu.memory_space<vmem_shared>>)
      tpu.yield
    }) : () -> ()
    %run_scoped3A_117 = arith.constant 4 : i32
    "tpu.region"() ({
      %run_scoped3A_172 = tpu.sem_alloc : memref<!tpu.dma_semaphore, #tpu.memory_space<semaphore_mem>>
      %dma_start3A_173 = arith.constant 0 : i32
      %dma_start3A_174 = arith.constant 0 : i32
      %dma_start3A_175 = tpu.memref_slice %arg3[%add3A, %run_scoped3A_117, %dma_start3A_173, %dma_start3A_174] : memref<32x5x25x80xi32, #tpu.memory_space<hbm>> -> memref<1x1x25x80xi32, #tpu.memory_space<hbm>>
      %dma_start3A_176 = tpu.memref_squeeze %dma_start3A_175 : memref<1x1x25x80xi32, #tpu.memory_space<hbm>> -> memref<25x80xi32, #tpu.memory_space<hbm>>
      %dma_start3A_177 = arith.constant 0 : i32
      %dma_start3A_178 = arith.constant 0 : i32
      %dma_start3A_179 = tpu.memref_slice %arg3[%add3A, %run_scoped3A_117, %dma_start3A_177, %dma_start3A_178] : memref<32x5x25x80xi32, #tpu.memory_space<hbm>> -> memref<1x1x25x80xi32, #tpu.memory_space<hbm>>
      %dma_start3A_180 = tpu.memref_squeeze %dma_start3A_179 : memref<1x1x25x80xi32, #tpu.memory_space<hbm>> -> memref<25x80xi32, #tpu.memory_space<hbm>>
      tpu.enqueue_dma source(%dma_start3A_180 : memref<25x80xi32, #tpu.memory_space<hbm>>) target(%arg8 : memref<25x80xi32, #tpu.memory_space<vmem>>) target_semaphore(%run_scoped3A_172 : memref<!tpu.dma_semaphore, #tpu.memory_space<semaphore_mem>>)
      %dma_wait3A_181 = arith.constant 0 : i32
      %dma_wait3A_182 = arith.constant 0 : i32
      %dma_wait3A_183 = tpu.memref_slice %arg3[%add3A, %run_scoped3A_117, %dma_wait3A_181, %dma_wait3A_182] : memref<32x5x25x80xi32, #tpu.memory_space<hbm>> -> memref<1x1x25x80xi32, #tpu.memory_space<hbm>>
      %dma_wait3A_184 = tpu.memref_squeeze %dma_wait3A_183 : memref<1x1x25x80xi32, #tpu.memory_space<hbm>> -> memref<25x80xi32, #tpu.memory_space<hbm>>
      %dma_wait3A_185 = arith.constant 0 : i32
      %dma_wait3A_186 = arith.constant 0 : i32
      %dma_wait3A_187 = tpu.memref_slice %arg3[%add3A, %run_scoped3A_117, %dma_wait3A_185, %dma_wait3A_186] : memref<32x5x25x80xi32, #tpu.memory_space<hbm>> -> memref<1x1x25x80xi32, #tpu.memory_space<hbm>>
      %dma_wait3A_188 = tpu.memref_squeeze %dma_wait3A_187 : memref<1x1x25x80xi32, #tpu.memory_space<hbm>> -> memref<25x80xi32, #tpu.memory_space<hbm>>
      tpu.wait_dma2 semaphore(%run_scoped3A_172 : memref<!tpu.dma_semaphore, #tpu.memory_space<semaphore_mem>>) src(%dma_wait3A_188 : memref<25x80xi32, #tpu.memory_space<hbm>>) dst(%arg8 : memref<25x80xi32, #tpu.memory_space<vmem>>)
      tpu.yield
    }) : () -> ()
    %run_scoped3A_118 = arith.constant 4 : i32
    "tpu.region"() ({
      %run_scoped3A_172 = tpu.sem_alloc : memref<!tpu.dma_semaphore, #tpu.memory_space<semaphore_mem>>
      %dma_start3A_173 = arith.constant 0 : i32
      %dma_start3A_174 = arith.constant 0 : i32
      %dma_start3A_175 = tpu.memref_slice %arg4[%add3A, %run_scoped3A_118, %dma_start3A_173, %dma_start3A_174] : memref<32x5x25x80xi32, #tpu.memory_space<hbm>> -> memref<1x1x25x80xi32, #tpu.memory_space<hbm>>
      %dma_start3A_176 = tpu.memref_squeeze %dma_start3A_175 : memref<1x1x25x80xi32, #tpu.memory_space<hbm>> -> memref<25x80xi32, #tpu.memory_space<hbm>>
      %dma_start3A_177 = arith.constant 0 : i32
      %dma_start3A_178 = arith.constant 0 : i32
      %dma_start3A_179 = tpu.memref_slice %arg4[%add3A, %run_scoped3A_118, %dma_start3A_177, %dma_start3A_178] : memref<32x5x25x80xi32, #tpu.memory_space<hbm>> -> memref<1x1x25x80xi32, #tpu.memory_space<hbm>>
      %dma_start3A_180 = tpu.memref_squeeze %dma_start3A_179 : memref<1x1x25x80xi32, #tpu.memory_space<hbm>> -> memref<25x80xi32, #tpu.memory_space<hbm>>
      tpu.enqueue_dma source(%dma_start3A_180 : memref<25x80xi32, #tpu.memory_space<hbm>>) target(%arg10 : memref<25x80xi32, #tpu.memory_space<vmem>>) target_semaphore(%run_scoped3A_172 : memref<!tpu.dma_semaphore, #tpu.memory_space<semaphore_mem>>)
      %dma_wait3A_181 = arith.constant 0 : i32
      %dma_wait3A_182 = arith.constant 0 : i32
      %dma_wait3A_183 = tpu.memref_slice %arg4[%add3A, %run_scoped3A_118, %dma_wait3A_181, %dma_wait3A_182] : memref<32x5x25x80xi32, #tpu.memory_space<hbm>> -> memref<1x1x25x80xi32, #tpu.memory_space<hbm>>
      %dma_wait3A_184 = tpu.memref_squeeze %dma_wait3A_183 : memref<1x1x25x80xi32, #tpu.memory_space<hbm>> -> memref<25x80xi32, #tpu.memory_space<hbm>>
      %dma_wait3A_185 = arith.constant 0 : i32
      %dma_wait3A_186 = arith.constant 0 : i32
      %dma_wait3A_187 = tpu.memref_slice %arg4[%add3A, %run_scoped3A_118, %dma_wait3A_185, %dma_wait3A_186] : memref<32x5x25x80xi32, #tpu.memory_space<hbm>> -> memref<1x1x25x80xi32, #tpu.memory_space<hbm>>
      %dma_wait3A_188 = tpu.memref_squeeze %dma_wait3A_187 : memref<1x1x25x80xi32, #tpu.memory_space<hbm>> -> memref<25x80xi32, #tpu.memory_space<hbm>>
      tpu.wait_dma2 semaphore(%run_scoped3A_172 : memref<!tpu.dma_semaphore, #tpu.memory_space<semaphore_mem>>) src(%dma_wait3A_188 : memref<25x80xi32, #tpu.memory_space<hbm>>) dst(%arg10 : memref<25x80xi32, #tpu.memory_space<vmem>>)
      tpu.yield
    }) : () -> ()
    %dma_start3A_119 = arith.constant 0 : i32
    %dma_start3A_120 = arith.constant 0 : i32
    %dma_start3A_121 = tpu.memref_slice %arg8[%dma_start3A_119, %dma_start3A_120] : memref<25x80xi32, #tpu.memory_space<vmem>> -> memref<1x80xi32, #tpu.memory_space<vmem>>
    %dma_start3A_122 = tpu.memref_squeeze %dma_start3A_121 : memref<1x80xi32, #tpu.memory_space<vmem>> -> memref<80xi32, #tpu.memory_space<vmem>>
    %dma_start3A_123 = arith.constant 0 : i32
    %dma_start3A_124 = arith.constant 0 : i32
    %dma_start3A_125 = tpu.memref_slice %arg2[%dma_start3A_123, %dma_start3A_124] : memref<10000x128xf32, #tpu.memory_space<hbm>> -> memref<10000x128xf32, #tpu.memory_space<hbm>>
    tpu.enqueue_indirect_dma source(%dma_start3A_125 : memref<10000x128xf32, #tpu.memory_space<hbm>>) target(%arg12 : memref<80x128xf32, #tpu.memory_space<vmem>>) offsets(%dma_start3A_122 : memref<80xi32, #tpu.memory_space<vmem>>) semaphore(%arg14 : memref<!tpu.dma_semaphore, #tpu.memory_space<semaphore_mem>>)
    %scan3A_126 = arith.constant 0 : i32
    %scan3A_127 = arith.constant 12 : i32
    %scan3A_128 = arith.addi %scan3A_126, %scan3A_127 : i32
    %scan3A_129 = arith.constant 1 : i32
    scf.for %scan3A_172 = %scan3A_126 to %scan3A_128 step %scan3A_129  : i32 {
      %mul3A_173 = arith.constant 2 : i32
      %mul3A_174 = arith.muli %mul3A_173, %scan3A_172 : i32
      %add3A_175 = arith.constant 1 : i32
      %add3A_176 = arith.addi %mul3A_174, %add3A_175 : i32
      %dma_start3A_177 = arith.constant 0 : i32
      %dma_start3A_178 = tpu.memref_slice %arg8[%add3A_176, %dma_start3A_177] : memref<25x80xi32, #tpu.memory_space<vmem>> -> memref<1x80xi32, #tpu.memory_space<vmem>>
      %dma_start3A_179 = tpu.memref_squeeze %dma_start3A_178 : memref<1x80xi32, #tpu.memory_space<vmem>> -> memref<80xi32, #tpu.memory_space<vmem>>
      %dma_start3A_180 = arith.constant 0 : i32
      %dma_start3A_181 = arith.constant 0 : i32
      %dma_start3A_182 = tpu.memref_slice %arg2[%dma_start3A_180, %dma_start3A_181] : memref<10000x128xf32, #tpu.memory_space<hbm>> -> memref<10000x128xf32, #tpu.memory_space<hbm>>
      tpu.enqueue_indirect_dma source(%dma_start3A_182 : memref<10000x128xf32, #tpu.memory_space<hbm>>) target(%arg13 : memref<80x128xf32, #tpu.memory_space<vmem>>) offsets(%dma_start3A_179 : memref<80xi32, #tpu.memory_space<vmem>>) semaphore(%arg15 : memref<!tpu.dma_semaphore, #tpu.memory_space<semaphore_mem>>)
      %mul3A_183 = arith.constant 2 : i32
      %mul3A_184 = arith.muli %mul3A_183, %scan3A_172 : i32
      %dma_wait3A_185 = arith.constant 0 : i32
      %dma_wait3A_186 = tpu.memref_slice %arg8[%mul3A_184, %dma_wait3A_185] : memref<25x80xi32, #tpu.memory_space<vmem>> -> memref<1x80xi32, #tpu.memory_space<vmem>>
      %dma_wait3A_187 = tpu.memref_squeeze %dma_wait3A_186 : memref<1x80xi32, #tpu.memory_space<vmem>> -> memref<80xi32, #tpu.memory_space<vmem>>
      %dma_wait3A_188 = arith.constant 0 : i32
      %dma_wait3A_189 = arith.constant 0 : i32
      %dma_wait3A_190 = tpu.memref_slice %arg2[%dma_wait3A_188, %dma_wait3A_189] : memref<10000x128xf32, #tpu.memory_space<hbm>> -> memref<10000x128xf32, #tpu.memory_space<hbm>>
      tpu.wait_indirect_dma semaphore(%arg14 : memref<!tpu.dma_semaphore, #tpu.memory_space<semaphore_mem>>) src(%dma_wait3A_190 : memref<10000x128xf32, #tpu.memory_space<hbm>>) dst(%arg12 : memref<80x128xf32, #tpu.memory_space<vmem>>)
      %mul3A_191 = arith.constant 2 : i32
      %mul3A_192 = arith.muli %mul3A_191, %scan3A_172 : i32
      "tpu.region"() ({
        %run_scoped3A_207 = tpu.sem_alloc : memref<!tpu.dma_semaphore, #tpu.memory_space<semaphore_mem>>
        %dma_start3A_208 = arith.constant 0 : i32
        %dma_start3A_209 = tpu.memref_slice %arg10[%mul3A_192, %dma_start3A_208] : memref<25x80xi32, #tpu.memory_space<vmem>> -> memref<1x80xi32, #tpu.memory_space<vmem>>
        %dma_start3A_210 = tpu.memref_squeeze %dma_start3A_209 : memref<1x80xi32, #tpu.memory_space<vmem>> -> memref<80xi32, #tpu.memory_space<vmem>>
        %dma_start3A_211 = arith.constant 0 : i32
        %dma_start3A_212 = arith.constant 0 : i32
        %dma_start3A_213 = tpu.memref_slice %arg7[%dma_start3A_211, %dma_start3A_212] : memref<10240x128xf32, #tpu.memory_space<vmem_shared>> -> memref<10240x128xf32, #tpu.memory_space<vmem_shared>>
        tpu.enqueue_indirect_dma source(%arg12 : memref<80x128xf32, #tpu.memory_space<vmem>>) target(%dma_start3A_213 : memref<10240x128xf32, #tpu.memory_space<vmem_shared>>) offsets(%dma_start3A_210 : memref<80xi32, #tpu.memory_space<vmem>>) semaphore(%run_scoped3A_207 : memref<!tpu.dma_semaphore, #tpu.memory_space<semaphore_mem>>) {add = true}
        %dma_wait3A_214 = arith.constant 0 : i32
        %dma_wait3A_215 = tpu.memref_slice %arg10[%mul3A_192, %dma_wait3A_214] : memref<25x80xi32, #tpu.memory_space<vmem>> -> memref<1x80xi32, #tpu.memory_space<vmem>>
        %dma_wait3A_216 = tpu.memref_squeeze %dma_wait3A_215 : memref<1x80xi32, #tpu.memory_space<vmem>> -> memref<80xi32, #tpu.memory_space<vmem>>
        %dma_wait3A_217 = arith.constant 0 : i32
        %dma_wait3A_218 = arith.constant 0 : i32
        %dma_wait3A_219 = tpu.memref_slice %arg7[%dma_wait3A_217, %dma_wait3A_218] : memref<10240x128xf32, #tpu.memory_space<vmem_shared>> -> memref<10240x128xf32, #tpu.memory_space<vmem_shared>>
        tpu.wait_indirect_dma semaphore(%run_scoped3A_207 : memref<!tpu.dma_semaphore, #tpu.memory_space<semaphore_mem>>) src(%arg12 : memref<80x128xf32, #tpu.memory_space<vmem>>) dst(%dma_wait3A_219 : memref<10240x128xf32, #tpu.memory_space<vmem_shared>>)
        tpu.yield
      }) : () -> ()
      %add3A_193 = arith.constant 1 : i32
      %add3A_194 = arith.addi %add3A_176, %add3A_193 : i32
      %dma_start3A_195 = arith.constant 0 : i32
      %dma_start3A_196 = tpu.memref_slice %arg8[%add3A_194, %dma_start3A_195] : memref<25x80xi32, #tpu.memory_space<vmem>> -> memref<1x80xi32, #tpu.memory_space<vmem>>
      %dma_start3A_197 = tpu.memref_squeeze %dma_start3A_196 : memref<1x80xi32, #tpu.memory_space<vmem>> -> memref<80xi32, #tpu.memory_space<vmem>>
      %dma_start3A_198 = arith.constant 0 : i32
      %dma_start3A_199 = arith.constant 0 : i32
      %dma_start3A_200 = tpu.memref_slice %arg2[%dma_start3A_198, %dma_start3A_199] : memref<10000x128xf32, #tpu.memory_space<hbm>> -> memref<10000x128xf32, #tpu.memory_space<hbm>>
      tpu.enqueue_indirect_dma source(%dma_start3A_200 : memref<10000x128xf32, #tpu.memory_space<hbm>>) target(%arg12 : memref<80x128xf32, #tpu.memory_space<vmem>>) offsets(%dma_start3A_197 : memref<80xi32, #tpu.memory_space<vmem>>) semaphore(%arg14 : memref<!tpu.dma_semaphore, #tpu.memory_space<semaphore_mem>>)
      %dma_wait3A_201 = arith.constant 0 : i32
      %dma_wait3A_202 = tpu.memref_slice %arg8[%add3A_176, %dma_wait3A_201] : memref<25x80xi32, #tpu.memory_space<vmem>> -> memref<1x80xi32, #tpu.memory_space<vmem>>
      %dma_wait3A_203 = tpu.memref_squeeze %dma_wait3A_202 : memref<1x80xi32, #tpu.memory_space<vmem>> -> memref<80xi32, #tpu.memory_space<vmem>>
      %dma_wait3A_204 = arith.constant 0 : i32
      %dma_wait3A_205 = arith.constant 0 : i32
      %dma_wait3A_206 = tpu.memref_slice %arg2[%dma_wait3A_204, %dma_wait3A_205] : memref<10000x128xf32, #tpu.memory_space<hbm>> -> memref<10000x128xf32, #tpu.memory_space<hbm>>
      tpu.wait_indirect_dma semaphore(%arg15 : memref<!tpu.dma_semaphore, #tpu.memory_space<semaphore_mem>>) src(%dma_wait3A_206 : memref<10000x128xf32, #tpu.memory_space<hbm>>) dst(%arg13 : memref<80x128xf32, #tpu.memory_space<vmem>>)
      "tpu.region"() ({
        %run_scoped3A_207 = tpu.sem_alloc : memref<!tpu.dma_semaphore, #tpu.memory_space<semaphore_mem>>
        %dma_start3A_208 = arith.constant 0 : i32
        %dma_start3A_209 = tpu.memref_slice %arg10[%add3A_176, %dma_start3A_208] : memref<25x80xi32, #tpu.memory_space<vmem>> -> memref<1x80xi32, #tpu.memory_space<vmem>>
        %dma_start3A_210 = tpu.memref_squeeze %dma_start3A_209 : memref<1x80xi32, #tpu.memory_space<vmem>> -> memref<80xi32, #tpu.memory_space<vmem>>
        %dma_start3A_211 = arith.constant 0 : i32
        %dma_start3A_212 = arith.constant 0 : i32
        %dma_start3A_213 = tpu.memref_slice %arg7[%dma_start3A_211, %dma_start3A_212] : memref<10240x128xf32, #tpu.memory_space<vmem_shared>> -> memref<10240x128xf32, #tpu.memory_space<vmem_shared>>
        tpu.enqueue_indirect_dma source(%arg13 : memref<80x128xf32, #tpu.memory_space<vmem>>) target(%dma_start3A_213 : memref<10240x128xf32, #tpu.memory_space<vmem_shared>>) offsets(%dma_start3A_210 : memref<80xi32, #tpu.memory_space<vmem>>) semaphore(%run_scoped3A_207 : memref<!tpu.dma_semaphore, #tpu.memory_space<semaphore_mem>>) {add = true}
        %dma_wait3A_214 = arith.constant 0 : i32
        %dma_wait3A_215 = tpu.memref_slice %arg10[%add3A_176, %dma_wait3A_214] : memref<25x80xi32, #tpu.memory_space<vmem>> -> memref<1x80xi32, #tpu.memory_space<vmem>>
        %dma_wait3A_216 = tpu.memref_squeeze %dma_wait3A_215 : memref<1x80xi32, #tpu.memory_space<vmem>> -> memref<80xi32, #tpu.memory_space<vmem>>
        %dma_wait3A_217 = arith.constant 0 : i32
        %dma_wait3A_218 = arith.constant 0 : i32
        %dma_wait3A_219 = tpu.memref_slice %arg7[%dma_wait3A_217, %dma_wait3A_218] : memref<10240x128xf32, #tpu.memory_space<vmem_shared>> -> memref<10240x128xf32, #tpu.memory_space<vmem_shared>>
        tpu.wait_indirect_dma semaphore(%run_scoped3A_207 : memref<!tpu.dma_semaphore, #tpu.memory_space<semaphore_mem>>) src(%arg13 : memref<80x128xf32, #tpu.memory_space<vmem>>) dst(%dma_wait3A_219 : memref<10240x128xf32, #tpu.memory_space<vmem_shared>>)
        tpu.yield
      }) : () -> ()
    }
    %scan3A_130 = arith.constant 12 : i32
    %dma_wait3A_131 = arith.constant 24 : i32
    %dma_wait3A_132 = arith.constant 0 : i32
    %dma_wait3A_133 = tpu.memref_slice %arg8[%dma_wait3A_131, %dma_wait3A_132] : memref<25x80xi32, #tpu.memory_space<vmem>> -> memref<1x80xi32, #tpu.memory_space<vmem>>
    %dma_wait3A_134 = tpu.memref_squeeze %dma_wait3A_133 : memref<1x80xi32, #tpu.memory_space<vmem>> -> memref<80xi32, #tpu.memory_space<vmem>>
    %dma_wait3A_135 = arith.constant 0 : i32
    %dma_wait3A_136 = arith.constant 0 : i32
    %dma_wait3A_137 = tpu.memref_slice %arg2[%dma_wait3A_135, %dma_wait3A_136] : memref<10000x128xf32, #tpu.memory_space<hbm>> -> memref<10000x128xf32, #tpu.memory_space<hbm>>
    tpu.wait_indirect_dma semaphore(%arg14 : memref<!tpu.dma_semaphore, #tpu.memory_space<semaphore_mem>>) src(%dma_wait3A_137 : memref<10000x128xf32, #tpu.memory_space<hbm>>) dst(%arg12 : memref<80x128xf32, #tpu.memory_space<vmem>>)
    %run_scoped3A_138 = arith.constant 24 : i32
    "tpu.region"() ({
      %run_scoped3A_172 = tpu.sem_alloc : memref<!tpu.dma_semaphore, #tpu.memory_space<semaphore_mem>>
      %dma_start3A_173 = arith.constant 0 : i32
      %dma_start3A_174 = tpu.memref_slice %arg10[%run_scoped3A_138, %dma_start3A_173] : memref<25x80xi32, #tpu.memory_space<vmem>> -> memref<1x80xi32, #tpu.memory_space<vmem>>
      %dma_start3A_175 = tpu.memref_squeeze %dma_start3A_174 : memref<1x80xi32, #tpu.memory_space<vmem>> -> memref<80xi32, #tpu.memory_space<vmem>>
      %dma_start3A_176 = arith.constant 0 : i32
      %dma_start3A_177 = arith.constant 0 : i32
      %dma_start3A_178 = tpu.memref_slice %arg7[%dma_start3A_176, %dma_start3A_177] : memref<10240x128xf32, #tpu.memory_space<vmem_shared>> -> memref<10240x128xf32, #tpu.memory_space<vmem_shared>>
      tpu.enqueue_indirect_dma source(%arg12 : memref<80x128xf32, #tpu.memory_space<vmem>>) target(%dma_start3A_178 : memref<10240x128xf32, #tpu.memory_space<vmem_shared>>) offsets(%dma_start3A_175 : memref<80xi32, #tpu.memory_space<vmem>>) semaphore(%run_scoped3A_172 : memref<!tpu.dma_semaphore, #tpu.memory_space<semaphore_mem>>) {add = true}
      %dma_wait3A_179 = arith.constant 0 : i32
      %dma_wait3A_180 = tpu.memref_slice %arg10[%run_scoped3A_138, %dma_wait3A_179] : memref<25x80xi32, #tpu.memory_space<vmem>> -> memref<1x80xi32, #tpu.memory_space<vmem>>
      %dma_wait3A_181 = tpu.memref_squeeze %dma_wait3A_180 : memref<1x80xi32, #tpu.memory_space<vmem>> -> memref<80xi32, #tpu.memory_space<vmem>>
      %dma_wait3A_182 = arith.constant 0 : i32
      %dma_wait3A_183 = arith.constant 0 : i32
      %dma_wait3A_184 = tpu.memref_slice %arg7[%dma_wait3A_182, %dma_wait3A_183] : memref<10240x128xf32, #tpu.memory_space<vmem_shared>> -> memref<10240x128xf32, #tpu.memory_space<vmem_shared>>
      tpu.wait_indirect_dma semaphore(%run_scoped3A_172 : memref<!tpu.dma_semaphore, #tpu.memory_space<semaphore_mem>>) src(%arg12 : memref<80x128xf32, #tpu.memory_space<vmem>>) dst(%dma_wait3A_184 : memref<10240x128xf32, #tpu.memory_space<vmem_shared>>)
      tpu.yield
    }) : () -> ()
    %barrier3A_139 = arith.constant 0 : index
    tpu.barrier barrier_id(%barrier3A_139)
    %mul3A_140 = arith.constant 640 : i32
    %mul3A_141 = arith.muli %arg1, %mul3A_140 : i32
    %add3A_142 = arith.constant 0 : i32
    %add3A_143 = arith.addi %mul3A_141, %add3A_142 : i32
    "tpu.region"() ({
      %run_scoped3A_172 = tpu.sem_alloc : memref<!tpu.dma_semaphore, #tpu.memory_space<semaphore_mem>>
      %dma_start3A_173 = arith.constant 0 : i32
      %dma_start3A_174 = tpu.memref_slice %arg7[%add3A_143, %dma_start3A_173] : memref<10240x128xf32, #tpu.memory_space<vmem_shared>> -> memref<80x128xf32, #tpu.memory_space<vmem_shared>>
      %dma_start3A_175 = arith.constant 0 : i32
      %dma_start3A_176 = tpu.memref_slice %arg7[%add3A_143, %dma_start3A_175] : memref<10240x128xf32, #tpu.memory_space<vmem_shared>> -> memref<80x128xf32, #tpu.memory_space<vmem_shared>>
      tpu.enqueue_dma source(%dma_start3A_176 : memref<80x128xf32, #tpu.memory_space<vmem_shared>>) target(%arg12 : memref<80x128xf32, #tpu.memory_space<vmem>>) target_semaphore(%run_scoped3A_172 : memref<!tpu.dma_semaphore, #tpu.memory_space<semaphore_mem>>)
      %dma_wait3A_177 = arith.constant 0 : i32
      %dma_wait3A_178 = tpu.memref_slice %arg7[%add3A_143, %dma_wait3A_177] : memref<10240x128xf32, #tpu.memory_space<vmem_shared>> -> memref<80x128xf32, #tpu.memory_space<vmem_shared>>
      %dma_wait3A_179 = arith.constant 0 : i32
      %dma_wait3A_180 = tpu.memref_slice %arg7[%add3A_143, %dma_wait3A_179] : memref<10240x128xf32, #tpu.memory_space<vmem_shared>> -> memref<80x128xf32, #tpu.memory_space<vmem_shared>>
      tpu.wait_dma2 semaphore(%run_scoped3A_172 : memref<!tpu.dma_semaphore, #tpu.memory_space<semaphore_mem>>) src(%dma_wait3A_180 : memref<80x128xf32, #tpu.memory_space<vmem_shared>>) dst(%arg12 : memref<80x128xf32, #tpu.memory_space<vmem>>)
      tpu.yield
    }) : () -> ()
    "tpu.region"() ({
      %run_scoped3A_172 = tpu.sem_alloc : memref<!tpu.dma_semaphore, #tpu.memory_space<semaphore_mem>>
      %dma_start3A_173 = arith.constant 0 : i32
      %dma_start3A_174 = tpu.memref_slice %arg6[%arg0, %add3A_143, %dma_start3A_173] : memref<2x10240x128xf32, #tpu.memory_space<hbm>> -> memref<1x80x128xf32, #tpu.memory_space<hbm>>
      %dma_start3A_175 = tpu.memref_squeeze %dma_start3A_174 : memref<1x80x128xf32, #tpu.memory_space<hbm>> -> memref<80x128xf32, #tpu.memory_space<hbm>>
      %dma_start3A_176 = arith.constant 0 : i32
      %dma_start3A_177 = tpu.memref_slice %arg6[%arg0, %add3A_143, %dma_start3A_176] : memref<2x10240x128xf32, #tpu.memory_space<hbm>> -> memref<1x80x128xf32, #tpu.memory_space<hbm>>
      %dma_start3A_178 = tpu.memref_squeeze %dma_start3A_177 : memref<1x80x128xf32, #tpu.memory_space<hbm>> -> memref<80x128xf32, #tpu.memory_space<hbm>>
      tpu.enqueue_dma source(%arg12 : memref<80x128xf32, #tpu.memory_space<vmem>>) target(%dma_start3A_178 : memref<80x128xf32, #tpu.memory_space<hbm>>) target_semaphore(%run_scoped3A_172 : memref<!tpu.dma_semaphore, #tpu.memory_space<semaphore_mem>>)
      %dma_wait3A_179 = arith.constant 0 : i32
      %dma_wait3A_180 = tpu.memref_slice %arg6[%arg0, %add3A_143, %dma_wait3A_179] : memref<2x10240x128xf32, #tpu.memory_space<hbm>> -> memref<1x80x128xf32, #tpu.memory_space<hbm>>
      %dma_wait3A_181 = tpu.memref_squeeze %dma_wait3A_180 : memref<1x80x128xf32, #tpu.memory_space<hbm>> -> memref<80x128xf32, #tpu.memory_space<hbm>>
      %dma_wait3A_182 = arith.constant 0 : i32
      %dma_wait3A_183 = tpu.memref_slice %arg6[%arg0, %add3A_143, %dma_wait3A_182] : memref<2x10240x128xf32, #tpu.memory_space<hbm>> -> memref<1x80x128xf32, #tpu.memory_space<hbm>>
      %dma_wait3A_184 = tpu.memref_squeeze %dma_wait3A_183 : memref<1x80x128xf32, #tpu.memory_space<hbm>> -> memref<80x128xf32, #tpu.memory_space<hbm>>
      tpu.wait_dma2 semaphore(%run_scoped3A_172 : memref<!tpu.dma_semaphore, #tpu.memory_space<semaphore_mem>>) src(%arg12 : memref<80x128xf32, #tpu.memory_space<vmem>>) dst(%dma_wait3A_184 : memref<80x128xf32, #tpu.memory_space<hbm>>)
      tpu.yield
    }) : () -> ()
    %mul3A_144 = arith.constant 640 : i32
    %mul3A_145 = arith.muli %arg1, %mul3A_144 : i32
    %add3A_146 = arith.constant 80 : i32
    %add3A_147 = arith.addi %mul3A_145, %add3A_146 : i32
    "tpu.region"() ({
      %run_scoped3A_172 = tpu.sem_alloc : memref<!tpu.dma_semaphore, #tpu.memory_space<semaphore_mem>>
      %dma_start3A_173 = arith.constant 0 : i32
      %dma_start3A_174 = tpu.memref_slice %arg7[%add3A_147, %dma_start3A_173] : memref<10240x128xf32, #tpu.memory_space<vmem_shared>> -> memref<80x128xf32, #tpu.memory_space<vmem_shared>>
      %dma_start3A_175 = arith.constant 0 : i32
      %dma_start3A_176 = tpu.memref_slice %arg7[%add3A_147, %dma_start3A_175] : memref<10240x128xf32, #tpu.memory_space<vmem_shared>> -> memref<80x128xf32, #tpu.memory_space<vmem_shared>>
      tpu.enqueue_dma source(%dma_start3A_176 : memref<80x128xf32, #tpu.memory_space<vmem_shared>>) target(%arg12 : memref<80x128xf32, #tpu.memory_space<vmem>>) target_semaphore(%run_scoped3A_172 : memref<!tpu.dma_semaphore, #tpu.memory_space<semaphore_mem>>)
      %dma_wait3A_177 = arith.constant 0 : i32
      %dma_wait3A_178 = tpu.memref_slice %arg7[%add3A_147, %dma_wait3A_177] : memref<10240x128xf32, #tpu.memory_space<vmem_shared>> -> memref<80x128xf32, #tpu.memory_space<vmem_shared>>
      %dma_wait3A_179 = arith.constant 0 : i32
      %dma_wait3A_180 = tpu.memref_slice %arg7[%add3A_147, %dma_wait3A_179] : memref<10240x128xf32, #tpu.memory_space<vmem_shared>> -> memref<80x128xf32, #tpu.memory_space<vmem_shared>>
      tpu.wait_dma2 semaphore(%run_scoped3A_172 : memref<!tpu.dma_semaphore, #tpu.memory_space<semaphore_mem>>) src(%dma_wait3A_180 : memref<80x128xf32, #tpu.memory_space<vmem_shared>>) dst(%arg12 : memref<80x128xf32, #tpu.memory_space<vmem>>)
      tpu.yield
    }) : () -> ()
    "tpu.region"() ({
      %run_scoped3A_172 = tpu.sem_alloc : memref<!tpu.dma_semaphore, #tpu.memory_space<semaphore_mem>>
      %dma_start3A_173 = arith.constant 0 : i32
      %dma_start3A_174 = tpu.memref_slice %arg6[%arg0, %add3A_147, %dma_start3A_173] : memref<2x10240x128xf32, #tpu.memory_space<hbm>> -> memref<1x80x128xf32, #tpu.memory_space<hbm>>
      %dma_start3A_175 = tpu.memref_squeeze %dma_start3A_174 : memref<1x80x128xf32, #tpu.memory_space<hbm>> -> memref<80x128xf32, #tpu.memory_space<hbm>>
      %dma_start3A_176 = arith.constant 0 : i32
      %dma_start3A_177 = tpu.memref_slice %arg6[%arg0, %add3A_147, %dma_start3A_176] : memref<2x10240x128xf32, #tpu.memory_space<hbm>> -> memref<1x80x128xf32, #tpu.memory_space<hbm>>
      %dma_start3A_178 = tpu.memref_squeeze %dma_start3A_177 : memref<1x80x128xf32, #tpu.memory_space<hbm>> -> memref<80x128xf32, #tpu.memory_space<hbm>>
      tpu.enqueue_dma source(%arg12 : memref<80x128xf32, #tpu.memory_space<vmem>>) target(%dma_start3A_178 : memref<80x128xf32, #tpu.memory_space<hbm>>) target_semaphore(%run_scoped3A_172 : memref<!tpu.dma_semaphore, #tpu.memory_space<semaphore_mem>>)
      %dma_wait3A_179 = arith.constant 0 : i32
      %dma_wait3A_180 = tpu.memref_slice %arg6[%arg0, %add3A_147, %dma_wait3A_179] : memref<2x10240x128xf32, #tpu.memory_space<hbm>> -> memref<1x80x128xf32, #tpu.memory_space<hbm>>
      %dma_wait3A_181 = tpu.memref_squeeze %dma_wait3A_180 : memref<1x80x128xf32, #tpu.memory_space<hbm>> -> memref<80x128xf32, #tpu.memory_space<hbm>>
      %dma_wait3A_182 = arith.constant 0 : i32
      %dma_wait3A_183 = tpu.memref_slice %arg6[%arg0, %add3A_147, %dma_wait3A_182] : memref<2x10240x128xf32, #tpu.memory_space<hbm>> -> memref<1x80x128xf32, #tpu.memory_space<hbm>>
      %dma_wait3A_184 = tpu.memref_squeeze %dma_wait3A_183 : memref<1x80x128xf32, #tpu.memory_space<hbm>> -> memref<80x128xf32, #tpu.memory_space<hbm>>
      tpu.wait_dma2 semaphore(%run_scoped3A_172 : memref<!tpu.dma_semaphore, #tpu.memory_space<semaphore_mem>>) src(%arg12 : memref<80x128xf32, #tpu.memory_space<vmem>>) dst(%dma_wait3A_184 : memref<80x128xf32, #tpu.memory_space<hbm>>)
      tpu.yield
    }) : () -> ()
    %mul3A_148 = arith.constant 640 : i32
    %mul3A_149 = arith.muli %arg1, %mul3A_148 : i32
    %add3A_150 = arith.constant 160 : i32
    %add3A_151 = arith.addi %mul3A_149, %add3A_150 : i32
    "tpu.region"() ({
      %run_scoped3A_172 = tpu.sem_alloc : memref<!tpu.dma_semaphore, #tpu.memory_space<semaphore_mem>>
      %dma_start3A_173 = arith.constant 0 : i32
      %dma_start3A_174 = tpu.memref_slice %arg7[%add3A_151, %dma_start3A_173] : memref<10240x128xf32, #tpu.memory_space<vmem_shared>> -> memref<80x128xf32, #tpu.memory_space<vmem_shared>>
      %dma_start3A_175 = arith.constant 0 : i32
      %dma_start3A_176 = tpu.memref_slice %arg7[%add3A_151, %dma_start3A_175] : memref<10240x128xf32, #tpu.memory_space<vmem_shared>> -> memref<80x128xf32, #tpu.memory_space<vmem_shared>>
      tpu.enqueue_dma source(%dma_start3A_176 : memref<80x128xf32, #tpu.memory_space<vmem_shared>>) target(%arg12 : memref<80x128xf32, #tpu.memory_space<vmem>>) target_semaphore(%run_scoped3A_172 : memref<!tpu.dma_semaphore, #tpu.memory_space<semaphore_mem>>)
      %dma_wait3A_177 = arith.constant 0 : i32
      %dma_wait3A_178 = tpu.memref_slice %arg7[%add3A_151, %dma_wait3A_177] : memref<10240x128xf32, #tpu.memory_space<vmem_shared>> -> memref<80x128xf32, #tpu.memory_space<vmem_shared>>
      %dma_wait3A_179 = arith.constant 0 : i32
      %dma_wait3A_180 = tpu.memref_slice %arg7[%add3A_151, %dma_wait3A_179] : memref<10240x128xf32, #tpu.memory_space<vmem_shared>> -> memref<80x128xf32, #tpu.memory_space<vmem_shared>>
      tpu.wait_dma2 semaphore(%run_scoped3A_172 : memref<!tpu.dma_semaphore, #tpu.memory_space<semaphore_mem>>) src(%dma_wait3A_180 : memref<80x128xf32, #tpu.memory_space<vmem_shared>>) dst(%arg12 : memref<80x128xf32, #tpu.memory_space<vmem>>)
      tpu.yield
    }) : () -> ()
    "tpu.region"() ({
      %run_scoped3A_172 = tpu.sem_alloc : memref<!tpu.dma_semaphore, #tpu.memory_space<semaphore_mem>>
      %dma_start3A_173 = arith.constant 0 : i32
      %dma_start3A_174 = tpu.memref_slice %arg6[%arg0, %add3A_151, %dma_start3A_173] : memref<2x10240x128xf32, #tpu.memory_space<hbm>> -> memref<1x80x128xf32, #tpu.memory_space<hbm>>
      %dma_start3A_175 = tpu.memref_squeeze %dma_start3A_174 : memref<1x80x128xf32, #tpu.memory_space<hbm>> -> memref<80x128xf32, #tpu.memory_space<hbm>>
      %dma_start3A_176 = arith.constant 0 : i32
      %dma_start3A_177 = tpu.memref_slice %arg6[%arg0, %add3A_151, %dma_start3A_176] : memref<2x10240x128xf32, #tpu.memory_space<hbm>> -> memref<1x80x128xf32, #tpu.memory_space<hbm>>
      %dma_start3A_178 = tpu.memref_squeeze %dma_start3A_177 : memref<1x80x128xf32, #tpu.memory_space<hbm>> -> memref<80x128xf32, #tpu.memory_space<hbm>>
      tpu.enqueue_dma source(%arg12 : memref<80x128xf32, #tpu.memory_space<vmem>>) target(%dma_start3A_178 : memref<80x128xf32, #tpu.memory_space<hbm>>) target_semaphore(%run_scoped3A_172 : memref<!tpu.dma_semaphore, #tpu.memory_space<semaphore_mem>>)
      %dma_wait3A_179 = arith.constant 0 : i32
      %dma_wait3A_180 = tpu.memref_slice %arg6[%arg0, %add3A_151, %dma_wait3A_179] : memref<2x10240x128xf32, #tpu.memory_space<hbm>> -> memref<1x80x128xf32, #tpu.memory_space<hbm>>
      %dma_wait3A_181 = tpu.memref_squeeze %dma_wait3A_180 : memref<1x80x128xf32, #tpu.memory_space<hbm>> -> memref<80x128xf32, #tpu.memory_space<hbm>>
      %dma_wait3A_182 = arith.constant 0 : i32
      %dma_wait3A_183 = tpu.memref_slice %arg6[%arg0, %add3A_151, %dma_wait3A_182] : memref<2x10240x128xf32, #tpu.memory_space<hbm>> -> memref<1x80x128xf32, #tpu.memory_space<hbm>>
      %dma_wait3A_184 = tpu.memref_squeeze %dma_wait3A_183 : memref<1x80x128xf32, #tpu.memory_space<hbm>> -> memref<80x128xf32, #tpu.memory_space<hbm>>
      tpu.wait_dma2 semaphore(%run_scoped3A_172 : memref<!tpu.dma_semaphore, #tpu.memory_space<semaphore_mem>>) src(%arg12 : memref<80x128xf32, #tpu.memory_space<vmem>>) dst(%dma_wait3A_184 : memref<80x128xf32, #tpu.memory_space<hbm>>)
      tpu.yield
    }) : () -> ()
    %mul3A_152 = arith.constant 640 : i32
    %mul3A_153 = arith.muli %arg1, %mul3A_152 : i32
    %add3A_154 = arith.constant 240 : i32
    %add3A_155 = arith.addi %mul3A_153, %add3A_154 : i32
    "tpu.region"() ({
      %run_scoped3A_172 = tpu.sem_alloc : memref<!tpu.dma_semaphore, #tpu.memory_space<semaphore_mem>>
      %dma_start3A_173 = arith.constant 0 : i32
      %dma_start3A_174 = tpu.memref_slice %arg7[%add3A_155, %dma_start3A_173] : memref<10240x128xf32, #tpu.memory_space<vmem_shared>> -> memref<80x128xf32, #tpu.memory_space<vmem_shared>>
      %dma_start3A_175 = arith.constant 0 : i32
      %dma_start3A_176 = tpu.memref_slice %arg7[%add3A_155, %dma_start3A_175] : memref<10240x128xf32, #tpu.memory_space<vmem_shared>> -> memref<80x128xf32, #tpu.memory_space<vmem_shared>>
      tpu.enqueue_dma source(%dma_start3A_176 : memref<80x128xf32, #tpu.memory_space<vmem_shared>>) target(%arg12 : memref<80x128xf32, #tpu.memory_space<vmem>>) target_semaphore(%run_scoped3A_172 : memref<!tpu.dma_semaphore, #tpu.memory_space<semaphore_mem>>)
      %dma_wait3A_177 = arith.constant 0 : i32
      %dma_wait3A_178 = tpu.memref_slice %arg7[%add3A_155, %dma_wait3A_177] : memref<10240x128xf32, #tpu.memory_space<vmem_shared>> -> memref<80x128xf32, #tpu.memory_space<vmem_shared>>
      %dma_wait3A_179 = arith.constant 0 : i32
      %dma_wait3A_180 = tpu.memref_slice %arg7[%add3A_155, %dma_wait3A_179] : memref<10240x128xf32, #tpu.memory_space<vmem_shared>> -> memref<80x128xf32, #tpu.memory_space<vmem_shared>>
      tpu.wait_dma2 semaphore(%run_scoped3A_172 : memref<!tpu.dma_semaphore, #tpu.memory_space<semaphore_mem>>) src(%dma_wait3A_180 : memref<80x128xf32, #tpu.memory_space<vmem_shared>>) dst(%arg12 : memref<80x128xf32, #tpu.memory_space<vmem>>)
      tpu.yield
    }) : () -> ()
    "tpu.region"() ({
      %run_scoped3A_172 = tpu.sem_alloc : memref<!tpu.dma_semaphore, #tpu.memory_space<semaphore_mem>>
      %dma_start3A_173 = arith.constant 0 : i32
      %dma_start3A_174 = tpu.memref_slice %arg6[%arg0, %add3A_155, %dma_start3A_173] : memref<2x10240x128xf32, #tpu.memory_space<hbm>> -> memref<1x80x128xf32, #tpu.memory_space<hbm>>
      %dma_start3A_175 = tpu.memref_squeeze %dma_start3A_174 : memref<1x80x128xf32, #tpu.memory_space<hbm>> -> memref<80x128xf32, #tpu.memory_space<hbm>>
      %dma_start3A_176 = arith.constant 0 : i32
      %dma_start3A_177 = tpu.memref_slice %arg6[%arg0, %add3A_155, %dma_start3A_176] : memref<2x10240x128xf32, #tpu.memory_space<hbm>> -> memref<1x80x128xf32, #tpu.memory_space<hbm>>
      %dma_start3A_178 = tpu.memref_squeeze %dma_start3A_177 : memref<1x80x128xf32, #tpu.memory_space<hbm>> -> memref<80x128xf32, #tpu.memory_space<hbm>>
      tpu.enqueue_dma source(%arg12 : memref<80x128xf32, #tpu.memory_space<vmem>>) target(%dma_start3A_178 : memref<80x128xf32, #tpu.memory_space<hbm>>) target_semaphore(%run_scoped3A_172 : memref<!tpu.dma_semaphore, #tpu.memory_space<semaphore_mem>>)
      %dma_wait3A_179 = arith.constant 0 : i32
      %dma_wait3A_180 = tpu.memref_slice %arg6[%arg0, %add3A_155, %dma_wait3A_179] : memref<2x10240x128xf32, #tpu.memory_space<hbm>> -> memref<1x80x128xf32, #tpu.memory_space<hbm>>
      %dma_wait3A_181 = tpu.memref_squeeze %dma_wait3A_180 : memref<1x80x128xf32, #tpu.memory_space<hbm>> -> memref<80x128xf32, #tpu.memory_space<hbm>>
      %dma_wait3A_182 = arith.constant 0 : i32
      %dma_wait3A_183 = tpu.memref_slice %arg6[%arg0, %add3A_155, %dma_wait3A_182] : memref<2x10240x128xf32, #tpu.memory_space<hbm>> -> memref<1x80x128xf32, #tpu.memory_space<hbm>>
      %dma_wait3A_184 = tpu.memref_squeeze %dma_wait3A_183 : memref<1x80x128xf32, #tpu.memory_space<hbm>> -> memref<80x128xf32, #tpu.memory_space<hbm>>
      tpu.wait_dma2 semaphore(%run_scoped3A_172 : memref<!tpu.dma_semaphore, #tpu.memory_space<semaphore_mem>>) src(%arg12 : memref<80x128xf32, #tpu.memory_space<vmem>>) dst(%dma_wait3A_184 : memref<80x128xf32, #tpu.memory_space<hbm>>)
      tpu.yield
    }) : () -> ()
    %mul3A_156 = arith.constant 640 : i32
    %mul3A_157 = arith.muli %arg1, %mul3A_156 : i32
    %add3A_158 = arith.constant 320 : i32
    %add3A_159 = arith.addi %mul3A_157, %add3A_158 : i32
    "tpu.region"() ({
      %run_scoped3A_172 = tpu.sem_alloc : memref<!tpu.dma_semaphore, #tpu.memory_space<semaphore_mem>>
      %dma_start3A_173 = arith.constant 0 : i32
      %dma_start3A_174 = tpu.memref_slice %arg7[%add3A_159, %dma_start3A_173] : memref<10240x128xf32, #tpu.memory_space<vmem_shared>> -> memref<80x128xf32, #tpu.memory_space<vmem_shared>>
      %dma_start3A_175 = arith.constant 0 : i32
      %dma_start3A_176 = tpu.memref_slice %arg7[%add3A_159, %dma_start3A_175] : memref<10240x128xf32, #tpu.memory_space<vmem_shared>> -> memref<80x128xf32, #tpu.memory_space<vmem_shared>>
      tpu.enqueue_dma source(%dma_start3A_176 : memref<80x128xf32, #tpu.memory_space<vmem_shared>>) target(%arg12 : memref<80x128xf32, #tpu.memory_space<vmem>>) target_semaphore(%run_scoped3A_172 : memref<!tpu.dma_semaphore, #tpu.memory_space<semaphore_mem>>)
      %dma_wait3A_177 = arith.constant 0 : i32
      %dma_wait3A_178 = tpu.memref_slice %arg7[%add3A_159, %dma_wait3A_177] : memref<10240x128xf32, #tpu.memory_space<vmem_shared>> -> memref<80x128xf32, #tpu.memory_space<vmem_shared>>
      %dma_wait3A_179 = arith.constant 0 : i32
      %dma_wait3A_180 = tpu.memref_slice %arg7[%add3A_159, %dma_wait3A_179] : memref<10240x128xf32, #tpu.memory_space<vmem_shared>> -> memref<80x128xf32, #tpu.memory_space<vmem_shared>>
      tpu.wait_dma2 semaphore(%run_scoped3A_172 : memref<!tpu.dma_semaphore, #tpu.memory_space<semaphore_mem>>) src(%dma_wait3A_180 : memref<80x128xf32, #tpu.memory_space<vmem_shared>>) dst(%arg12 : memref<80x128xf32, #tpu.memory_space<vmem>>)
      tpu.yield
    }) : () -> ()
    "tpu.region"() ({
      %run_scoped3A_172 = tpu.sem_alloc : memref<!tpu.dma_semaphore, #tpu.memory_space<semaphore_mem>>
      %dma_start3A_173 = arith.constant 0 : i32
      %dma_start3A_174 = tpu.memref_slice %arg6[%arg0, %add3A_159, %dma_start3A_173] : memref<2x10240x128xf32, #tpu.memory_space<hbm>> -> memref<1x80x128xf32, #tpu.memory_space<hbm>>
      %dma_start3A_175 = tpu.memref_squeeze %dma_start3A_174 : memref<1x80x128xf32, #tpu.memory_space<hbm>> -> memref<80x128xf32, #tpu.memory_space<hbm>>
      %dma_start3A_176 = arith.constant 0 : i32
      %dma_start3A_177 = tpu.memref_slice %arg6[%arg0, %add3A_159, %dma_start3A_176] : memref<2x10240x128xf32, #tpu.memory_space<hbm>> -> memref<1x80x128xf32, #tpu.memory_space<hbm>>
      %dma_start3A_178 = tpu.memref_squeeze %dma_start3A_177 : memref<1x80x128xf32, #tpu.memory_space<hbm>> -> memref<80x128xf32, #tpu.memory_space<hbm>>
      tpu.enqueue_dma source(%arg12 : memref<80x128xf32, #tpu.memory_space<vmem>>) target(%dma_start3A_178 : memref<80x128xf32, #tpu.memory_space<hbm>>) target_semaphore(%run_scoped3A_172 : memref<!tpu.dma_semaphore, #tpu.memory_space<semaphore_mem>>)
      %dma_wait3A_179 = arith.constant 0 : i32
      %dma_wait3A_180 = tpu.memref_slice %arg6[%arg0, %add3A_159, %dma_wait3A_179] : memref<2x10240x128xf32, #tpu.memory_space<hbm>> -> memref<1x80x128xf32, #tpu.memory_space<hbm>>
      %dma_wait3A_181 = tpu.memref_squeeze %dma_wait3A_180 : memref<1x80x128xf32, #tpu.memory_space<hbm>> -> memref<80x128xf32, #tpu.memory_space<hbm>>
      %dma_wait3A_182 = arith.constant 0 : i32
      %dma_wait3A_183 = tpu.memref_slice %arg6[%arg0, %add3A_159, %dma_wait3A_182] : memref<2x10240x128xf32, #tpu.memory_space<hbm>> -> memref<1x80x128xf32, #tpu.memory_space<hbm>>
      %dma_wait3A_184 = tpu.memref_squeeze %dma_wait3A_183 : memref<1x80x128xf32, #tpu.memory_space<hbm>> -> memref<80x128xf32, #tpu.memory_space<hbm>>
      tpu.wait_dma2 semaphore(%run_scoped3A_172 : memref<!tpu.dma_semaphore, #tpu.memory_space<semaphore_mem>>) src(%arg12 : memref<80x128xf32, #tpu.memory_space<vmem>>) dst(%dma_wait3A_184 : memref<80x128xf32, #tpu.memory_space<hbm>>)
      tpu.yield
    }) : () -> ()
    %mul3A_160 = arith.constant 640 : i32
    %mul3A_161 = arith.muli %arg1, %mul3A_160 : i32
    %add3A_162 = arith.constant 400 : i32
    %add3A_163 = arith.addi %mul3A_161, %add3A_162 : i32
    "tpu.region"() ({
      %run_scoped3A_172 = tpu.sem_alloc : memref<!tpu.dma_semaphore, #tpu.memory_space<semaphore_mem>>
      %dma_start3A_173 = arith.constant 0 : i32
      %dma_start3A_174 = tpu.memref_slice %arg7[%add3A_163, %dma_start3A_173] : memref<10240x128xf32, #tpu.memory_space<vmem_shared>> -> memref<80x128xf32, #tpu.memory_space<vmem_shared>>
      %dma_start3A_175 = arith.constant 0 : i32
      %dma_start3A_176 = tpu.memref_slice %arg7[%add3A_163, %dma_start3A_175] : memref<10240x128xf32, #tpu.memory_space<vmem_shared>> -> memref<80x128xf32, #tpu.memory_space<vmem_shared>>
      tpu.enqueue_dma source(%dma_start3A_176 : memref<80x128xf32, #tpu.memory_space<vmem_shared>>) target(%arg12 : memref<80x128xf32, #tpu.memory_space<vmem>>) target_semaphore(%run_scoped3A_172 : memref<!tpu.dma_semaphore, #tpu.memory_space<semaphore_mem>>)
      %dma_wait3A_177 = arith.constant 0 : i32
      %dma_wait3A_178 = tpu.memref_slice %arg7[%add3A_163, %dma_wait3A_177] : memref<10240x128xf32, #tpu.memory_space<vmem_shared>> -> memref<80x128xf32, #tpu.memory_space<vmem_shared>>
      %dma_wait3A_179 = arith.constant 0 : i32
      %dma_wait3A_180 = tpu.memref_slice %arg7[%add3A_163, %dma_wait3A_179] : memref<10240x128xf32, #tpu.memory_space<vmem_shared>> -> memref<80x128xf32, #tpu.memory_space<vmem_shared>>
      tpu.wait_dma2 semaphore(%run_scoped3A_172 : memref<!tpu.dma_semaphore, #tpu.memory_space<semaphore_mem>>) src(%dma_wait3A_180 : memref<80x128xf32, #tpu.memory_space<vmem_shared>>) dst(%arg12 : memref<80x128xf32, #tpu.memory_space<vmem>>)
      tpu.yield
    }) : () -> ()
    "tpu.region"() ({
      %run_scoped3A_172 = tpu.sem_alloc : memref<!tpu.dma_semaphore, #tpu.memory_space<semaphore_mem>>
      %dma_start3A_173 = arith.constant 0 : i32
      %dma_start3A_174 = tpu.memref_slice %arg6[%arg0, %add3A_163, %dma_start3A_173] : memref<2x10240x128xf32, #tpu.memory_space<hbm>> -> memref<1x80x128xf32, #tpu.memory_space<hbm>>
      %dma_start3A_175 = tpu.memref_squeeze %dma_start3A_174 : memref<1x80x128xf32, #tpu.memory_space<hbm>> -> memref<80x128xf32, #tpu.memory_space<hbm>>
      %dma_start3A_176 = arith.constant 0 : i32
      %dma_start3A_177 = tpu.memref_slice %arg6[%arg0, %add3A_163, %dma_start3A_176] : memref<2x10240x128xf32, #tpu.memory_space<hbm>> -> memref<1x80x128xf32, #tpu.memory_space<hbm>>
      %dma_start3A_178 = tpu.memref_squeeze %dma_start3A_177 : memref<1x80x128xf32, #tpu.memory_space<hbm>> -> memref<80x128xf32, #tpu.memory_space<hbm>>
      tpu.enqueue_dma source(%arg12 : memref<80x128xf32, #tpu.memory_space<vmem>>) target(%dma_start3A_178 : memref<80x128xf32, #tpu.memory_space<hbm>>) target_semaphore(%run_scoped3A_172 : memref<!tpu.dma_semaphore, #tpu.memory_space<semaphore_mem>>)
      %dma_wait3A_179 = arith.constant 0 : i32
      %dma_wait3A_180 = tpu.memref_slice %arg6[%arg0, %add3A_163, %dma_wait3A_179] : memref<2x10240x128xf32, #tpu.memory_space<hbm>> -> memref<1x80x128xf32, #tpu.memory_space<hbm>>
      %dma_wait3A_181 = tpu.memref_squeeze %dma_wait3A_180 : memref<1x80x128xf32, #tpu.memory_space<hbm>> -> memref<80x128xf32, #tpu.memory_space<hbm>>
      %dma_wait3A_182 = arith.constant 0 : i32
      %dma_wait3A_183 = tpu.memref_slice %arg6[%arg0, %add3A_163, %dma_wait3A_182] : memref<2x10240x128xf32, #tpu.memory_space<hbm>> -> memref<1x80x128xf32, #tpu.memory_space<hbm>>
      %dma_wait3A_184 = tpu.memref_squeeze %dma_wait3A_183 : memref<1x80x128xf32, #tpu.memory_space<hbm>> -> memref<80x128xf32, #tpu.memory_space<hbm>>
      tpu.wait_dma2 semaphore(%run_scoped3A_172 : memref<!tpu.dma_semaphore, #tpu.memory_space<semaphore_mem>>) src(%arg12 : memref<80x128xf32, #tpu.memory_space<vmem>>) dst(%dma_wait3A_184 : memref<80x128xf32, #tpu.memory_space<hbm>>)
      tpu.yield
    }) : () -> ()
    %mul3A_164 = arith.constant 640 : i32
    %mul3A_165 = arith.muli %arg1, %mul3A_164 : i32
    %add3A_166 = arith.constant 480 : i32
    %add3A_167 = arith.addi %mul3A_165, %add3A_166 : i32
    "tpu.region"() ({
      %run_scoped3A_172 = tpu.sem_alloc : memref<!tpu.dma_semaphore, #tpu.memory_space<semaphore_mem>>
      %dma_start3A_173 = arith.constant 0 : i32
      %dma_start3A_174 = tpu.memref_slice %arg7[%add3A_167, %dma_start3A_173] : memref<10240x128xf32, #tpu.memory_space<vmem_shared>> -> memref<80x128xf32, #tpu.memory_space<vmem_shared>>
      %dma_start3A_175 = arith.constant 0 : i32
      %dma_start3A_176 = tpu.memref_slice %arg7[%add3A_167, %dma_start3A_175] : memref<10240x128xf32, #tpu.memory_space<vmem_shared>> -> memref<80x128xf32, #tpu.memory_space<vmem_shared>>
      tpu.enqueue_dma source(%dma_start3A_176 : memref<80x128xf32, #tpu.memory_space<vmem_shared>>) target(%arg12 : memref<80x128xf32, #tpu.memory_space<vmem>>) target_semaphore(%run_scoped3A_172 : memref<!tpu.dma_semaphore, #tpu.memory_space<semaphore_mem>>)
      %dma_wait3A_177 = arith.constant 0 : i32
      %dma_wait3A_178 = tpu.memref_slice %arg7[%add3A_167, %dma_wait3A_177] : memref<10240x128xf32, #tpu.memory_space<vmem_shared>> -> memref<80x128xf32, #tpu.memory_space<vmem_shared>>
      %dma_wait3A_179 = arith.constant 0 : i32
      %dma_wait3A_180 = tpu.memref_slice %arg7[%add3A_167, %dma_wait3A_179] : memref<10240x128xf32, #tpu.memory_space<vmem_shared>> -> memref<80x128xf32, #tpu.memory_space<vmem_shared>>
      tpu.wait_dma2 semaphore(%run_scoped3A_172 : memref<!tpu.dma_semaphore, #tpu.memory_space<semaphore_mem>>) src(%dma_wait3A_180 : memref<80x128xf32, #tpu.memory_space<vmem_shared>>) dst(%arg12 : memref<80x128xf32, #tpu.memory_space<vmem>>)
      tpu.yield
    }) : () -> ()
    "tpu.region"() ({
      %run_scoped3A_172 = tpu.sem_alloc : memref<!tpu.dma_semaphore, #tpu.memory_space<semaphore_mem>>
      %dma_start3A_173 = arith.constant 0 : i32
      %dma_start3A_174 = tpu.memref_slice %arg6[%arg0, %add3A_167, %dma_start3A_173] : memref<2x10240x128xf32, #tpu.memory_space<hbm>> -> memref<1x80x128xf32, #tpu.memory_space<hbm>>
      %dma_start3A_175 = tpu.memref_squeeze %dma_start3A_174 : memref<1x80x128xf32, #tpu.memory_space<hbm>> -> memref<80x128xf32, #tpu.memory_space<hbm>>
      %dma_start3A_176 = arith.constant 0 : i32
      %dma_start3A_177 = tpu.memref_slice %arg6[%arg0, %add3A_167, %dma_start3A_176] : memref<2x10240x128xf32, #tpu.memory_space<hbm>> -> memref<1x80x128xf32, #tpu.memory_space<hbm>>
      %dma_start3A_178 = tpu.memref_squeeze %dma_start3A_177 : memref<1x80x128xf32, #tpu.memory_space<hbm>> -> memref<80x128xf32, #tpu.memory_space<hbm>>
      tpu.enqueue_dma source(%arg12 : memref<80x128xf32, #tpu.memory_space<vmem>>) target(%dma_start3A_178 : memref<80x128xf32, #tpu.memory_space<hbm>>) target_semaphore(%run_scoped3A_172 : memref<!tpu.dma_semaphore, #tpu.memory_space<semaphore_mem>>)
      %dma_wait3A_179 = arith.constant 0 : i32
      %dma_wait3A_180 = tpu.memref_slice %arg6[%arg0, %add3A_167, %dma_wait3A_179] : memref<2x10240x128xf32, #tpu.memory_space<hbm>> -> memref<1x80x128xf32, #tpu.memory_space<hbm>>
      %dma_wait3A_181 = tpu.memref_squeeze %dma_wait3A_180 : memref<1x80x128xf32, #tpu.memory_space<hbm>> -> memref<80x128xf32, #tpu.memory_space<hbm>>
      %dma_wait3A_182 = arith.constant 0 : i32
      %dma_wait3A_183 = tpu.memref_slice %arg6[%arg0, %add3A_167, %dma_wait3A_182] : memref<2x10240x128xf32, #tpu.memory_space<hbm>> -> memref<1x80x128xf32, #tpu.memory_space<hbm>>
      %dma_wait3A_184 = tpu.memref_squeeze %dma_wait3A_183 : memref<1x80x128xf32, #tpu.memory_space<hbm>> -> memref<80x128xf32, #tpu.memory_space<hbm>>
      tpu.wait_dma2 semaphore(%run_scoped3A_172 : memref<!tpu.dma_semaphore, #tpu.memory_space<semaphore_mem>>) src(%arg12 : memref<80x128xf32, #tpu.memory_space<vmem>>) dst(%dma_wait3A_184 : memref<80x128xf32, #tpu.memory_space<hbm>>)
      tpu.yield
    }) : () -> ()
    %mul3A_168 = arith.constant 640 : i32
    %mul3A_169 = arith.muli %arg1, %mul3A_168 : i32
    %add3A_170 = arith.constant 560 : i32
    %add3A_171 = arith.addi %mul3A_169, %add3A_170 : i32
    "tpu.region"() ({
      %run_scoped3A_172 = tpu.sem_alloc : memref<!tpu.dma_semaphore, #tpu.memory_space<semaphore_mem>>
      %dma_start3A_173 = arith.constant 0 : i32
      %dma_start3A_174 = tpu.memref_slice %arg7[%add3A_171, %dma_start3A_173] : memref<10240x128xf32, #tpu.memory_space<vmem_shared>> -> memref<80x128xf32, #tpu.memory_space<vmem_shared>>
      %dma_start3A_175 = arith.constant 0 : i32
      %dma_start3A_176 = tpu.memref_slice %arg7[%add3A_171, %dma_start3A_175] : memref<10240x128xf32, #tpu.memory_space<vmem_shared>> -> memref<80x128xf32, #tpu.memory_space<vmem_shared>>
      tpu.enqueue_dma source(%dma_start3A_176 : memref<80x128xf32, #tpu.memory_space<vmem_shared>>) target(%arg12 : memref<80x128xf32, #tpu.memory_space<vmem>>) target_semaphore(%run_scoped3A_172 : memref<!tpu.dma_semaphore, #tpu.memory_space<semaphore_mem>>)
      %dma_wait3A_177 = arith.constant 0 : i32
      %dma_wait3A_178 = tpu.memref_slice %arg7[%add3A_171, %dma_wait3A_177] : memref<10240x128xf32, #tpu.memory_space<vmem_shared>> -> memref<80x128xf32, #tpu.memory_space<vmem_shared>>
      %dma_wait3A_179 = arith.constant 0 : i32
      %dma_wait3A_180 = tpu.memref_slice %arg7[%add3A_171, %dma_wait3A_179] : memref<10240x128xf32, #tpu.memory_space<vmem_shared>> -> memref<80x128xf32, #tpu.memory_space<vmem_shared>>
      tpu.wait_dma2 semaphore(%run_scoped3A_172 : memref<!tpu.dma_semaphore, #tpu.memory_space<semaphore_mem>>) src(%dma_wait3A_180 : memref<80x128xf32, #tpu.memory_space<vmem_shared>>) dst(%arg12 : memref<80x128xf32, #tpu.memory_space<vmem>>)
      tpu.yield
    }) : () -> ()
    "tpu.region"() ({
      %run_scoped3A_172 = tpu.sem_alloc : memref<!tpu.dma_semaphore, #tpu.memory_space<semaphore_mem>>
      %dma_start3A_173 = arith.constant 0 : i32
      %dma_start3A_174 = tpu.memref_slice %arg6[%arg0, %add3A_171, %dma_start3A_173] : memref<2x10240x128xf32, #tpu.memory_space<hbm>> -> memref<1x80x128xf32, #tpu.memory_space<hbm>>
      %dma_start3A_175 = tpu.memref_squeeze %dma_start3A_174 : memref<1x80x128xf32, #tpu.memory_space<hbm>> -> memref<80x128xf32, #tpu.memory_space<hbm>>
      %dma_start3A_176 = arith.constant 0 : i32
      %dma_start3A_177 = tpu.memref_slice %arg6[%arg0, %add3A_171, %dma_start3A_176] : memref<2x10240x128xf32, #tpu.memory_space<hbm>> -> memref<1x80x128xf32, #tpu.memory_space<hbm>>
      %dma_start3A_178 = tpu.memref_squeeze %dma_start3A_177 : memref<1x80x128xf32, #tpu.memory_space<hbm>> -> memref<80x128xf32, #tpu.memory_space<hbm>>
      tpu.enqueue_dma source(%arg12 : memref<80x128xf32, #tpu.memory_space<vmem>>) target(%dma_start3A_178 : memref<80x128xf32, #tpu.memory_space<hbm>>) target_semaphore(%run_scoped3A_172 : memref<!tpu.dma_semaphore, #tpu.memory_space<semaphore_mem>>)
      %dma_wait3A_179 = arith.constant 0 : i32
      %dma_wait3A_180 = tpu.memref_slice %arg6[%arg0, %add3A_171, %dma_wait3A_179] : memref<2x10240x128xf32, #tpu.memory_space<hbm>> -> memref<1x80x128xf32, #tpu.memory_space<hbm>>
      %dma_wait3A_181 = tpu.memref_squeeze %dma_wait3A_180 : memref<1x80x128xf32, #tpu.memory_space<hbm>> -> memref<80x128xf32, #tpu.memory_space<hbm>>
      %dma_wait3A_182 = arith.constant 0 : i32
      %dma_wait3A_183 = tpu.memref_slice %arg6[%arg0, %add3A_171, %dma_wait3A_182] : memref<2x10240x128xf32, #tpu.memory_space<hbm>> -> memref<1x80x128xf32, #tpu.memory_space<hbm>>
      %dma_wait3A_184 = tpu.memref_squeeze %dma_wait3A_183 : memref<1x80x128xf32, #tpu.memory_space<hbm>> -> memref<80x128xf32, #tpu.memory_space<hbm>>
      tpu.wait_dma2 semaphore(%run_scoped3A_172 : memref<!tpu.dma_semaphore, #tpu.memory_space<semaphore_mem>>) src(%arg12 : memref<80x128xf32, #tpu.memory_space<vmem>>) dst(%dma_wait3A_184 : memref<80x128xf32, #tpu.memory_space<hbm>>)
      tpu.yield
    }) : () -> ()
    return
  }
}

#map = affine_map<(d0, d1) -> (0, 0, 0)>
#map1 = affine_map<(d0, d1) -> (0, 0)>
module attributes {stable_mosaic.version = 14 : i64} {
  func.func @_deg_body(%arg0: i32, %arg1: i32, %arg2: memref<32x125x80xi32, #tpu.memory_space<hbm>>, %arg3: memref<80x128xf32, #tpu.memory_space<hbm>>, %arg4: memref<32x80x128xf32, #tpu.memory_space<hbm>>, %arg5: memref<125x80xi32, #tpu.memory_space<vmem>>, %arg6: memref<80x128xf32, #tpu.memory_space<vmem>>) attributes {dimension_semantics = [#tpu.dimension_semantics<core_parallel>, #tpu.dimension_semantics<subcore_parallel>], iteration_bounds = array<i64: 2, 16>, scalar_prefetch = 0 : i64, scratch_operands = 2 : i64, tpu.core_type = #tpu.core_type<sc_vector_subcore>, window_params = [{transform_indices = #map}, {transform_indices = #map1}, {transform_indices = #map}]} {
    %mul3A = arith.constant 16 : i32
    %mul3A_0 = arith.muli %arg0, %mul3A : i32
    %add3A = arith.addi %mul3A_0, %arg1 : i32
    "tpu.region"() ({
      %run_scoped3A = tpu.sem_alloc : memref<!tpu.dma_semaphore, #tpu.memory_space<semaphore_mem>>
      %dma_start3A = arith.constant 0 : i32
      %dma_start3A_6 = arith.constant 0 : i32
      %dma_start3A_7 = tpu.memref_slice %arg2[%add3A, %dma_start3A, %dma_start3A_6] : memref<32x125x80xi32, #tpu.memory_space<hbm>> -> memref<1x125x80xi32, #tpu.memory_space<hbm>>
      %dma_start3A_8 = tpu.memref_squeeze %dma_start3A_7 : memref<1x125x80xi32, #tpu.memory_space<hbm>> -> memref<125x80xi32, #tpu.memory_space<hbm>>
      %dma_start3A_9 = arith.constant 0 : i32
      %dma_start3A_10 = arith.constant 0 : i32
      %dma_start3A_11 = tpu.memref_slice %arg2[%add3A, %dma_start3A_9, %dma_start3A_10] : memref<32x125x80xi32, #tpu.memory_space<hbm>> -> memref<1x125x80xi32, #tpu.memory_space<hbm>>
      %dma_start3A_12 = tpu.memref_squeeze %dma_start3A_11 : memref<1x125x80xi32, #tpu.memory_space<hbm>> -> memref<125x80xi32, #tpu.memory_space<hbm>>
      tpu.enqueue_dma source(%dma_start3A_12 : memref<125x80xi32, #tpu.memory_space<hbm>>) target(%arg5 : memref<125x80xi32, #tpu.memory_space<vmem>>) target_semaphore(%run_scoped3A : memref<!tpu.dma_semaphore, #tpu.memory_space<semaphore_mem>>)
      %dma_wait3A = arith.constant 0 : i32
      %dma_wait3A_13 = arith.constant 0 : i32
      %dma_wait3A_14 = tpu.memref_slice %arg2[%add3A, %dma_wait3A, %dma_wait3A_13] : memref<32x125x80xi32, #tpu.memory_space<hbm>> -> memref<1x125x80xi32, #tpu.memory_space<hbm>>
      %dma_wait3A_15 = tpu.memref_squeeze %dma_wait3A_14 : memref<1x125x80xi32, #tpu.memory_space<hbm>> -> memref<125x80xi32, #tpu.memory_space<hbm>>
      %dma_wait3A_16 = arith.constant 0 : i32
      %dma_wait3A_17 = arith.constant 0 : i32
      %dma_wait3A_18 = tpu.memref_slice %arg2[%add3A, %dma_wait3A_16, %dma_wait3A_17] : memref<32x125x80xi32, #tpu.memory_space<hbm>> -> memref<1x125x80xi32, #tpu.memory_space<hbm>>
      %dma_wait3A_19 = tpu.memref_squeeze %dma_wait3A_18 : memref<1x125x80xi32, #tpu.memory_space<hbm>> -> memref<125x80xi32, #tpu.memory_space<hbm>>
      tpu.wait_dma2 semaphore(%run_scoped3A : memref<!tpu.dma_semaphore, #tpu.memory_space<semaphore_mem>>) src(%dma_wait3A_19 : memref<125x80xi32, #tpu.memory_space<hbm>>) dst(%arg5 : memref<125x80xi32, #tpu.memory_space<vmem>>)
      tpu.yield
    }) : () -> ()
    "tpu.region"() ({
      %run_scoped3A = tpu.sem_alloc : memref<!tpu.dma_semaphore, #tpu.memory_space<semaphore_mem>>
      %dma_start3A = arith.constant 0 : i32
      %dma_start3A_6 = arith.constant 0 : i32
      %dma_start3A_7 = tpu.memref_slice %arg3[%dma_start3A, %dma_start3A_6] : memref<80x128xf32, #tpu.memory_space<hbm>> -> memref<80x128xf32, #tpu.memory_space<hbm>>
      %dma_start3A_8 = arith.constant 0 : i32
      %dma_start3A_9 = arith.constant 0 : i32
      %dma_start3A_10 = tpu.memref_slice %arg3[%dma_start3A_8, %dma_start3A_9] : memref<80x128xf32, #tpu.memory_space<hbm>> -> memref<80x128xf32, #tpu.memory_space<hbm>>
      tpu.enqueue_dma source(%dma_start3A_10 : memref<80x128xf32, #tpu.memory_space<hbm>>) target(%arg6 : memref<80x128xf32, #tpu.memory_space<vmem>>) target_semaphore(%run_scoped3A : memref<!tpu.dma_semaphore, #tpu.memory_space<semaphore_mem>>)
      %dma_wait3A = arith.constant 0 : i32
      %dma_wait3A_11 = arith.constant 0 : i32
      %dma_wait3A_12 = tpu.memref_slice %arg3[%dma_wait3A, %dma_wait3A_11] : memref<80x128xf32, #tpu.memory_space<hbm>> -> memref<80x128xf32, #tpu.memory_space<hbm>>
      %dma_wait3A_13 = arith.constant 0 : i32
      %dma_wait3A_14 = arith.constant 0 : i32
      %dma_wait3A_15 = tpu.memref_slice %arg3[%dma_wait3A_13, %dma_wait3A_14] : memref<80x128xf32, #tpu.memory_space<hbm>> -> memref<80x128xf32, #tpu.memory_space<hbm>>
      tpu.wait_dma2 semaphore(%run_scoped3A : memref<!tpu.dma_semaphore, #tpu.memory_space<semaphore_mem>>) src(%dma_wait3A_15 : memref<80x128xf32, #tpu.memory_space<hbm>>) dst(%arg6 : memref<80x128xf32, #tpu.memory_space<vmem>>)
      tpu.yield
    }) : () -> ()
    %broadcast_in_dim3A = arith.constant 1.000000e+00 : f32
    %broadcast_in_dim3A_1 = vector.broadcast %broadcast_in_dim3A : f32 to vector<16xf32>
    %scan3A = arith.constant 0 : i32
    %scan3A_2 = arith.constant 125 : i32
    %scan3A_3 = arith.addi %scan3A, %scan3A_2 : i32
    %scan3A_4 = arith.constant 1 : i32
    scf.for %scan3A_6 = %scan3A to %scan3A_3 step %scan3A_4  : i32 {
      %get3A = arith.index_cast %scan3A_6 : i32 to index
      %get3A_7 = arith.constant 0 : index
      %get3A_8 = tpu.vector_load %arg5[%get3A, %get3A_7] {strides = array<i32>} : memref<125x80xi32, #tpu.memory_space<vmem>>, vector<16xi32>,
      %shift_right_logical3A = arith.constant 7 : i32
      %shift_right_logical3A_9 = vector.broadcast %shift_right_logical3A : i32 to vector<16xi32>
      %shift_right_logical3A_10 = arith.shrui %get3A_8, %shift_right_logical3A_9 : vector<16xi32>
      %and3A = arith.constant 127 : i32
      %and3A_11 = vector.broadcast %and3A : i32 to vector<16xi32>
      %and3A_12 = arith.andi %get3A_8, %and3A_11 : vector<16xi32>
      tpu.vector_store_idx %arg6[%shift_right_logical3A_10, %and3A_12], %broadcast_in_dim3A_1 {add = true} : memref<80x128xf32, #tpu.memory_space<vmem>>[vector<16xi32>, vector<16xi32>], vector<16xf32>,
      %get3A_13 = arith.index_cast %scan3A_6 : i32 to index
      %get3A_14 = arith.constant 16 : index
      %get3A_15 = tpu.vector_load %arg5[%get3A_13, %get3A_14] {strides = array<i32>} : memref<125x80xi32, #tpu.memory_space<vmem>>, vector<16xi32>,
      %shift_right_logical3A_16 = arith.constant 7 : i32
      %shift_right_logical3A_17 = vector.broadcast %shift_right_logical3A_16 : i32 to vector<16xi32>
      %shift_right_logical3A_18 = arith.shrui %get3A_15, %shift_right_logical3A_17 : vector<16xi32>
      %and3A_19 = arith.constant 127 : i32
      %and3A_20 = vector.broadcast %and3A_19 : i32 to vector<16xi32>
      %and3A_21 = arith.andi %get3A_15, %and3A_20 : vector<16xi32>
      tpu.vector_store_idx %arg6[%shift_right_logical3A_18, %and3A_21], %broadcast_in_dim3A_1 {add = true} : memref<80x128xf32, #tpu.memory_space<vmem>>[vector<16xi32>, vector<16xi32>], vector<16xf32>,
      %get3A_22 = arith.index_cast %scan3A_6 : i32 to index
      %get3A_23 = arith.constant 32 : index
      %get3A_24 = tpu.vector_load %arg5[%get3A_22, %get3A_23] {strides = array<i32>} : memref<125x80xi32, #tpu.memory_space<vmem>>, vector<16xi32>,
      %shift_right_logical3A_25 = arith.constant 7 : i32
      %shift_right_logical3A_26 = vector.broadcast %shift_right_logical3A_25 : i32 to vector<16xi32>
      %shift_right_logical3A_27 = arith.shrui %get3A_24, %shift_right_logical3A_26 : vector<16xi32>
      %and3A_28 = arith.constant 127 : i32
      %and3A_29 = vector.broadcast %and3A_28 : i32 to vector<16xi32>
      %and3A_30 = arith.andi %get3A_24, %and3A_29 : vector<16xi32>
      tpu.vector_store_idx %arg6[%shift_right_logical3A_27, %and3A_30], %broadcast_in_dim3A_1 {add = true} : memref<80x128xf32, #tpu.memory_space<vmem>>[vector<16xi32>, vector<16xi32>], vector<16xf32>,
      %get3A_31 = arith.index_cast %scan3A_6 : i32 to index
      %get3A_32 = arith.constant 48 : index
      %get3A_33 = tpu.vector_load %arg5[%get3A_31, %get3A_32] {strides = array<i32>} : memref<125x80xi32, #tpu.memory_space<vmem>>, vector<16xi32>,
      %shift_right_logical3A_34 = arith.constant 7 : i32
      %shift_right_logical3A_35 = vector.broadcast %shift_right_logical3A_34 : i32 to vector<16xi32>
      %shift_right_logical3A_36 = arith.shrui %get3A_33, %shift_right_logical3A_35 : vector<16xi32>
      %and3A_37 = arith.constant 127 : i32
      %and3A_38 = vector.broadcast %and3A_37 : i32 to vector<16xi32>
      %and3A_39 = arith.andi %get3A_33, %and3A_38 : vector<16xi32>
      tpu.vector_store_idx %arg6[%shift_right_logical3A_36, %and3A_39], %broadcast_in_dim3A_1 {add = true} : memref<80x128xf32, #tpu.memory_space<vmem>>[vector<16xi32>, vector<16xi32>], vector<16xf32>,
      %get3A_40 = arith.index_cast %scan3A_6 : i32 to index
      %get3A_41 = arith.constant 64 : index
      %get3A_42 = tpu.vector_load %arg5[%get3A_40, %get3A_41] {strides = array<i32>} : memref<125x80xi32, #tpu.memory_space<vmem>>, vector<16xi32>,
      %shift_right_logical3A_43 = arith.constant 7 : i32
      %shift_right_logical3A_44 = vector.broadcast %shift_right_logical3A_43 : i32 to vector<16xi32>
      %shift_right_logical3A_45 = arith.shrui %get3A_42, %shift_right_logical3A_44 : vector<16xi32>
      %and3A_46 = arith.constant 127 : i32
      %and3A_47 = vector.broadcast %and3A_46 : i32 to vector<16xi32>
      %and3A_48 = arith.andi %get3A_42, %and3A_47 : vector<16xi32>
      tpu.vector_store_idx %arg6[%shift_right_logical3A_45, %and3A_48], %broadcast_in_dim3A_1 {add = true} : memref<80x128xf32, #tpu.memory_space<vmem>>[vector<16xi32>, vector<16xi32>], vector<16xf32>,
    }
    %scan3A_5 = arith.constant 125 : i32
    "tpu.region"() ({
      %run_scoped3A = tpu.sem_alloc : memref<!tpu.dma_semaphore, #tpu.memory_space<semaphore_mem>>
      %dma_start3A = arith.constant 0 : i32
      %dma_start3A_6 = arith.constant 0 : i32
      %dma_start3A_7 = tpu.memref_slice %arg4[%add3A, %dma_start3A, %dma_start3A_6] : memref<32x80x128xf32, #tpu.memory_space<hbm>> -> memref<1x80x128xf32, #tpu.memory_space<hbm>>
      %dma_start3A_8 = tpu.memref_squeeze %dma_start3A_7 : memref<1x80x128xf32, #tpu.memory_space<hbm>> -> memref<80x128xf32, #tpu.memory_space<hbm>>
      %dma_start3A_9 = arith.constant 0 : i32
      %dma_start3A_10 = arith.constant 0 : i32
      %dma_start3A_11 = tpu.memref_slice %arg4[%add3A, %dma_start3A_9, %dma_start3A_10] : memref<32x80x128xf32, #tpu.memory_space<hbm>> -> memref<1x80x128xf32, #tpu.memory_space<hbm>>
      %dma_start3A_12 = tpu.memref_squeeze %dma_start3A_11 : memref<1x80x128xf32, #tpu.memory_space<hbm>> -> memref<80x128xf32, #tpu.memory_space<hbm>>
      tpu.enqueue_dma source(%arg6 : memref<80x128xf32, #tpu.memory_space<vmem>>) target(%dma_start3A_12 : memref<80x128xf32, #tpu.memory_space<hbm>>) target_semaphore(%run_scoped3A : memref<!tpu.dma_semaphore, #tpu.memory_space<semaphore_mem>>)
      %dma_wait3A = arith.constant 0 : i32
      %dma_wait3A_13 = arith.constant 0 : i32
      %dma_wait3A_14 = tpu.memref_slice %arg4[%add3A, %dma_wait3A, %dma_wait3A_13] : memref<32x80x128xf32, #tpu.memory_space<hbm>> -> memref<1x80x128xf32, #tpu.memory_space<hbm>>
      %dma_wait3A_15 = tpu.memref_squeeze %dma_wait3A_14 : memref<1x80x128xf32, #tpu.memory_space<hbm>> -> memref<80x128xf32, #tpu.memory_space<hbm>>
      %dma_wait3A_16 = arith.constant 0 : i32
      %dma_wait3A_17 = arith.constant 0 : i32
      %dma_wait3A_18 = tpu.memref_slice %arg4[%add3A, %dma_wait3A_16, %dma_wait3A_17] : memref<32x80x128xf32, #tpu.memory_space<hbm>> -> memref<1x80x128xf32, #tpu.memory_space<hbm>>
      %dma_wait3A_19 = tpu.memref_squeeze %dma_wait3A_18 : memref<1x80x128xf32, #tpu.memory_space<hbm>> -> memref<80x128xf32, #tpu.memory_space<hbm>>
      tpu.wait_dma2 semaphore(%run_scoped3A : memref<!tpu.dma_semaphore, #tpu.memory_space<semaphore_mem>>) src(%arg6 : memref<80x128xf32, #tpu.memory_space<vmem>>) dst(%dma_wait3A_19 : memref<80x128xf32, #tpu.memory_space<hbm>>)
      tpu.yield
    }) : () -> ()
    return
  }
}

module attributes {stable_mosaic.version = 14 : i64} {
  func.func @_tc_body(%arg0: i32, %arg1: memref<1000x128xf32, #tpu.memory_space<vmem>>, %arg2: memref<2x1000x128xf32, #tpu.memory_space<vmem>>, %arg3: memref<1000x32xf32, #tpu.memory_space<vmem>>, %arg4: memref<128x128xf32, #tpu.memory_space<vmem>>, %arg5: memref<128x128xf32, #tpu.memory_space<vmem>>, %arg6: memref<1x128xf32, #tpu.memory_space<vmem>>, %arg7: memref<1000x128xf32, #tpu.memory_space<vmem>>) attributes {dimension_semantics = [#tpu.dimension_semantics<arbitrary>], iteration_bounds = array<i64: 10>, scalar_prefetch = 0 : i64, scratch_operands = 0 : i64, tpu.core_type = #tpu.core_type<tc>, window_params = [{transform_indices = @transform_0, window_bounds = array<i64: 1000, 128>}, {transform_indices = @transform_1, window_bounds = array<i64: 2, 1000, 128>}, {transform_indices = @transform_2, window_bounds = array<i64: 1000, 32>}, {pipeline_mode = #tpu.pipeline_mode<synchronous>, transform_indices = @transform_3, window_bounds = array<i64: 128, 128>}, {pipeline_mode = #tpu.pipeline_mode<synchronous>, transform_indices = @transform_4, window_bounds = array<i64: 128, 128>}, {pipeline_mode = #tpu.pipeline_mode<synchronous>, transform_indices = @transform_5, window_bounds = array<i64: 1, 128>}, {transform_indices = @transform_6, window_bounds = array<i64: 1000, 128>}]} {
    %get3A = arith.constant 0 : index
    %get3A_0 = arith.constant 0 : index
    %get3A_1 = arith.constant 0 : index
    %get3A_2 = vector.load %arg2[%get3A, %get3A_0, %get3A_1] : memref<2x1000x128xf32, #tpu.memory_space<vmem>>, vector<1x1000x128xf32>
    %get3A_3 = vector.shape_cast %get3A_2 : vector<1x1000x128xf32> to vector<1000x128xf32>
    %get3A_4 = arith.constant 1 : index
    %get3A_5 = arith.constant 0 : index
    %get3A_6 = arith.constant 0 : index
    %get3A_7 = vector.load %arg2[%get3A_4, %get3A_5, %get3A_6] : memref<2x1000x128xf32, #tpu.memory_space<vmem>>, vector<1x1000x128xf32>
    %get3A_8 = vector.shape_cast %get3A_7 : vector<1x1000x128xf32> to vector<1000x128xf32>
    %add3A = arith.addf %get3A_3, %get3A_8 : vector<1000x128xf32>
    %get3A_9 = arith.constant 0 : index
    %get3A_10 = arith.constant 0 : index
    %get3A_11 = vector.load %arg3[%get3A_9, %get3A_10] : memref<1000x32xf32, #tpu.memory_space<vmem>>, vector<1000x32xf32>
    %reduce_sum3A = arith.constant dense<0.000000e+00> : vector<1000xf32>
    %reduce_sum3A_12 = vector.multi_reduction <add>, %get3A_11, %reduce_sum3A [1] : vector<1000x32xf32> to vector<1000xf32>
    %max3A = arith.constant 1.000000e+00 : f32
    %max3A_13 = vector.broadcast %max3A : f32 to vector<1000xf32>
    %max3A_14 = arith.maximumf %reduce_sum3A_12, %max3A_13 : vector<1000xf32>
    %broadcast_in_dim3A = vector.shape_cast %max3A_14 : vector<1000xf32> to vector<1000x1xf32>
    %div3A = vector.broadcast %broadcast_in_dim3A : vector<1000x1xf32> to vector<1000x128xf32>
    %div3A_15 = arith.divf %add3A, %div3A : vector<1000x128xf32>
    %get3A_16 = arith.constant 0 : index
    %get3A_17 = arith.constant 0 : index
    %get3A_18 = vector.load %arg1[%get3A_16, %get3A_17] : memref<1000x128xf32, #tpu.memory_space<vmem>>, vector<1000x128xf32>
    %get3A_19 = arith.constant 0 : index
    %get3A_20 = arith.constant 0 : index
    %get3A_21 = vector.load %arg4[%get3A_19, %get3A_20] : memref<128x128xf32, #tpu.memory_space<vmem>>, vector<128x128xf32>
    %dot_general3A = arith.constant dense<0.000000e+00> : vector<1000x128xf32>
    %dot_general3A_22 = tpu.matmul %get3A_18, %get3A_21, %dot_general3A {dimension_numbers = #tpu.dot_dimension_numbers<[1], [0], [0], [1], [0, 0, 1, 1], [], []>, transpose_lhs_hint = false} : vector<1000x128xf32>, vector<128x128xf32>, vector<1000x128xf32> -> vector<1000x128xf32>
    %get3A_23 = arith.constant 0 : index
    %get3A_24 = arith.constant 0 : index
    %get3A_25 = vector.load %arg5[%get3A_23, %get3A_24] : memref<128x128xf32, #tpu.memory_space<vmem>>, vector<128x128xf32>
    %dot_general3A_26 = arith.constant dense<0.000000e+00> : vector<1000x128xf32>
    %dot_general3A_27 = tpu.matmul %div3A_15, %get3A_25, %dot_general3A_26 {dimension_numbers = #tpu.dot_dimension_numbers<[1], [0], [0], [1], [0, 0, 1, 1], [], []>, transpose_lhs_hint = false} : vector<1000x128xf32>, vector<128x128xf32>, vector<1000x128xf32> -> vector<1000x128xf32>
    %add3A_28 = arith.addf %dot_general3A_22, %dot_general3A_27 : vector<1000x128xf32>
    %get3A_29 = arith.constant 0 : index
    %get3A_30 = arith.constant 0 : index
    %get3A_31 = vector.load %arg6[%get3A_29, %get3A_30] : memref<1x128xf32, #tpu.memory_space<vmem>>, vector<1x128xf32>
    %add3A_32 = vector.broadcast %get3A_31 : vector<1x128xf32> to vector<1000x128xf32>
    %add3A_33 = arith.addf %add3A_28, %add3A_32 : vector<1000x128xf32>
    %max3A_34 = arith.constant 0.000000e+00 : f32
    %max3A_35 = vector.broadcast %max3A_34 : f32 to vector<1000x128xf32>
    %max3A_36 = arith.maximumf %add3A_33, %max3A_35 : vector<1000x128xf32>
    %swap3A = arith.constant 0 : index
    %swap3A_37 = arith.constant 0 : index
    %swap3A_38 = vector.load %arg7[%swap3A, %swap3A_37] : memref<1000x128xf32, #tpu.memory_space<vmem>>, vector<1000x128xf32>
    tpu.vector_store %arg7[%swap3A, %swap3A_37], %max3A_36 {strides = array<i32>} : memref<1000x128xf32, #tpu.memory_space<vmem>>, vector<1000x128xf32>,
    return
  }
  func.func @transform_0(%arg0: i32) -> (i32, i32) {
    %c0_i32 = arith.constant 0 : i32
    %c0_i32_0 = arith.constant 0 : i32
    return %arg0, %c0_i32 : i32, i32
  }
  func.func @transform_1(%arg0: i32) -> (i32, i32, i32) {
    %c0_i32 = arith.constant 0 : i32
    %c0_i32_0 = arith.constant 0 : i32
    %c0_i32_1 = arith.constant 0 : i32
    return %c0_i32, %arg0, %c0_i32_0 : i32, i32, i32
  }
  func.func @transform_2(%arg0: i32) -> (i32, i32) {
    %c0_i32 = arith.constant 0 : i32
    %c0_i32_0 = arith.constant 0 : i32
    return %arg0, %c0_i32 : i32, i32
  }
  func.func @transform_3(%arg0: i32) -> (i32, i32) {
    %c0_i32 = arith.constant 0 : i32
    %c0_i32_0 = arith.constant 0 : i32
    %c0_i32_1 = arith.constant 0 : i32
    return %c0_i32, %c0_i32_0 : i32, i32
  }
  func.func @transform_4(%arg0: i32) -> (i32, i32) {
    %c0_i32 = arith.constant 0 : i32
    %c0_i32_0 = arith.constant 0 : i32
    %c0_i32_1 = arith.constant 0 : i32
    return %c0_i32, %c0_i32_0 : i32, i32
  }
  func.func @transform_5(%arg0: i32) -> (i32, i32) {
    %c0_i32 = arith.constant 0 : i32
    %c0_i32_0 = arith.constant 0 : i32
    %c0_i32_1 = arith.constant 0 : i32
    return %c0_i32, %c0_i32_0 : i32, i32
  }
  func.func @transform_6(%arg0: i32) -> (i32, i32) {
    %c0_i32 = arith.constant 0 : i32
    %c0_i32_0 = arith.constant 0 : i32
    return %arg0, %c0_i32 : i32, i32
  }
}

module attributes {stable_mosaic.version = 14 : i64} {
  func.func @_tc_body(%arg0: i32, %arg1: memref<1000x128xf32, #tpu.memory_space<vmem>>, %arg2: memref<2x1000x128xf32, #tpu.memory_space<vmem>>, %arg3: memref<1000x32xf32, #tpu.memory_space<vmem>>, %arg4: memref<128x128xf32, #tpu.memory_space<vmem>>, %arg5: memref<128x128xf32, #tpu.memory_space<vmem>>, %arg6: memref<1x128xf32, #tpu.memory_space<vmem>>, %arg7: memref<1000x128xf32, #tpu.memory_space<vmem>>) attributes {dimension_semantics = [#tpu.dimension_semantics<arbitrary>], iteration_bounds = array<i64: 10>, scalar_prefetch = 0 : i64, scratch_operands = 0 : i64, tpu.core_type = #tpu.core_type<tc>, window_params = [{transform_indices = @transform_0, window_bounds = array<i64: 1000, 128>}, {transform_indices = @transform_1, window_bounds = array<i64: 2, 1000, 128>}, {transform_indices = @transform_2, window_bounds = array<i64: 1000, 32>}, {pipeline_mode = #tpu.pipeline_mode<synchronous>, transform_indices = @transform_3, window_bounds = array<i64: 128, 128>}, {pipeline_mode = #tpu.pipeline_mode<synchronous>, transform_indices = @transform_4, window_bounds = array<i64: 128, 128>}, {pipeline_mode = #tpu.pipeline_mode<synchronous>, transform_indices = @transform_5, window_bounds = array<i64: 1, 128>}, {transform_indices = @transform_6, window_bounds = array<i64: 1000, 128>}]} {
    %get3A = arith.constant 0 : index
    %get3A_0 = arith.constant 0 : index
    %get3A_1 = arith.constant 0 : index
    %get3A_2 = vector.load %arg2[%get3A, %get3A_0, %get3A_1] : memref<2x1000x128xf32, #tpu.memory_space<vmem>>, vector<1x1000x128xf32>
    %get3A_3 = vector.shape_cast %get3A_2 : vector<1x1000x128xf32> to vector<1000x128xf32>
    %get3A_4 = arith.constant 1 : index
    %get3A_5 = arith.constant 0 : index
    %get3A_6 = arith.constant 0 : index
    %get3A_7 = vector.load %arg2[%get3A_4, %get3A_5, %get3A_6] : memref<2x1000x128xf32, #tpu.memory_space<vmem>>, vector<1x1000x128xf32>
    %get3A_8 = vector.shape_cast %get3A_7 : vector<1x1000x128xf32> to vector<1000x128xf32>
    %add3A = arith.addf %get3A_3, %get3A_8 : vector<1000x128xf32>
    %get3A_9 = arith.constant 0 : index
    %get3A_10 = arith.constant 0 : index
    %get3A_11 = vector.load %arg3[%get3A_9, %get3A_10] : memref<1000x32xf32, #tpu.memory_space<vmem>>, vector<1000x32xf32>
    %reduce_sum3A = arith.constant dense<0.000000e+00> : vector<1000xf32>
    %reduce_sum3A_12 = vector.multi_reduction <add>, %get3A_11, %reduce_sum3A [1] : vector<1000x32xf32> to vector<1000xf32>
    %max3A = arith.constant 1.000000e+00 : f32
    %max3A_13 = vector.broadcast %max3A : f32 to vector<1000xf32>
    %max3A_14 = arith.maximumf %reduce_sum3A_12, %max3A_13 : vector<1000xf32>
    %broadcast_in_dim3A = vector.shape_cast %max3A_14 : vector<1000xf32> to vector<1000x1xf32>
    %div3A = vector.broadcast %broadcast_in_dim3A : vector<1000x1xf32> to vector<1000x128xf32>
    %div3A_15 = arith.divf %add3A, %div3A : vector<1000x128xf32>
    %get3A_16 = arith.constant 0 : index
    %get3A_17 = arith.constant 0 : index
    %get3A_18 = vector.load %arg1[%get3A_16, %get3A_17] : memref<1000x128xf32, #tpu.memory_space<vmem>>, vector<1000x128xf32>
    %get3A_19 = arith.constant 0 : index
    %get3A_20 = arith.constant 0 : index
    %get3A_21 = vector.load %arg4[%get3A_19, %get3A_20] : memref<128x128xf32, #tpu.memory_space<vmem>>, vector<128x128xf32>
    %dot_general3A = arith.constant dense<0.000000e+00> : vector<1000x128xf32>
    %dot_general3A_22 = tpu.matmul %get3A_18, %get3A_21, %dot_general3A {dimension_numbers = #tpu.dot_dimension_numbers<[1], [0], [0], [1], [0, 0, 1, 1], [], []>, transpose_lhs_hint = false} : vector<1000x128xf32>, vector<128x128xf32>, vector<1000x128xf32> -> vector<1000x128xf32>
    %get3A_23 = arith.constant 0 : index
    %get3A_24 = arith.constant 0 : index
    %get3A_25 = vector.load %arg5[%get3A_23, %get3A_24] : memref<128x128xf32, #tpu.memory_space<vmem>>, vector<128x128xf32>
    %dot_general3A_26 = arith.constant dense<0.000000e+00> : vector<1000x128xf32>
    %dot_general3A_27 = tpu.matmul %div3A_15, %get3A_25, %dot_general3A_26 {dimension_numbers = #tpu.dot_dimension_numbers<[1], [0], [0], [1], [0, 0, 1, 1], [], []>, transpose_lhs_hint = false} : vector<1000x128xf32>, vector<128x128xf32>, vector<1000x128xf32> -> vector<1000x128xf32>
    %add3A_28 = arith.addf %dot_general3A_22, %dot_general3A_27 : vector<1000x128xf32>
    %get3A_29 = arith.constant 0 : index
    %get3A_30 = arith.constant 0 : index
    %get3A_31 = vector.load %arg6[%get3A_29, %get3A_30] : memref<1x128xf32, #tpu.memory_space<vmem>>, vector<1x128xf32>
    %add3A_32 = vector.broadcast %get3A_31 : vector<1x128xf32> to vector<1000x128xf32>
    %add3A_33 = arith.addf %add3A_28, %add3A_32 : vector<1000x128xf32>
    %swap3A = arith.constant 0 : index
    %swap3A_34 = arith.constant 0 : index
    %swap3A_35 = vector.load %arg7[%swap3A, %swap3A_34] : memref<1000x128xf32, #tpu.memory_space<vmem>>, vector<1000x128xf32>
    tpu.vector_store %arg7[%swap3A, %swap3A_34], %add3A_33 {strides = array<i32>} : memref<1000x128xf32, #tpu.memory_space<vmem>>, vector<1000x128xf32>,
    return
  }
  func.func @transform_0(%arg0: i32) -> (i32, i32) {
    %c0_i32 = arith.constant 0 : i32
    %c0_i32_0 = arith.constant 0 : i32
    return %arg0, %c0_i32 : i32, i32
  }
  func.func @transform_1(%arg0: i32) -> (i32, i32, i32) {
    %c0_i32 = arith.constant 0 : i32
    %c0_i32_0 = arith.constant 0 : i32
    %c0_i32_1 = arith.constant 0 : i32
    return %c0_i32, %arg0, %c0_i32_0 : i32, i32, i32
  }
  func.func @transform_2(%arg0: i32) -> (i32, i32) {
    %c0_i32 = arith.constant 0 : i32
    %c0_i32_0 = arith.constant 0 : i32
    return %arg0, %c0_i32 : i32, i32
  }
  func.func @transform_3(%arg0: i32) -> (i32, i32) {
    %c0_i32 = arith.constant 0 : i32
    %c0_i32_0 = arith.constant 0 : i32
    %c0_i32_1 = arith.constant 0 : i32
    return %c0_i32, %c0_i32_0 : i32, i32
  }
  func.func @transform_4(%arg0: i32) -> (i32, i32) {
    %c0_i32 = arith.constant 0 : i32
    %c0_i32_0 = arith.constant 0 : i32
    %c0_i32_1 = arith.constant 0 : i32
    return %c0_i32, %c0_i32_0 : i32, i32
  }
  func.func @transform_5(%arg0: i32) -> (i32, i32) {
    %c0_i32 = arith.constant 0 : i32
    %c0_i32_0 = arith.constant 0 : i32
    %c0_i32_1 = arith.constant 0 : i32
    return %c0_i32, %c0_i32_0 : i32, i32
  }
  func.func @transform_6(%arg0: i32) -> (i32, i32) {
    %c0_i32 = arith.constant 0 : i32
    %c0_i32_0 = arith.constant 0 : i32
    return %arg0, %c0_i32 : i32, i32
  }
}

</mosaic_0001>

<sc_bundles>
// kernel: kernel.10.cloned.1.call-start
scs
__scs_entry_jumppad:
0x0: {  	(pc) =	sbr.rel $0x88, $3  }
0x1: {  	(tag) =	ssettag $0x0;
	lr =	simm.s32 $0x1  }
0x2: {  	[smem:$0x3F99] =	sst lr;
	_ =	strace $0xD0000000  }
0x3: {  	_ = 	snop  }
0x4: {  	_ = 	snop  }
0x5: {  	_ = 	snop  }
0x6: {  	_ = 	snop  }
0x7: {  	_ = 	snop  }
__scs_overlays_trampoline_lowered:
0x8: {  	[smem:$0x3FA8] =	sst s0  }
0x9: {  	[smem:$0x3FA9] =	sst s1  }
0xa: {  	[smem:$0x3FAA] =	sst s2  }
0xb: {  	[smem:$0x3FAB] =	sst s3  }
0xc: {  	[smem:$0x3FAC] =	sst s4  }
0xd: {  	[smem:$0x3FAD] =	sst s5  }
0xe: {  	[smem:$0x3FAE] =	sst s6  }
0xf: {  	[smem:$0x3FAF] =	sst s7  }
0x10: {  	[smem:$0x3FB0] =	sst s8  }
0x11: {  	[smem:$0x3FB1] =	sst s9;
	s0 =	simm.s32 @!p0 $0x0  }
0x12: {  	s1 =	sld [smem:$0x3F97];
	s0 =	simm.s32 @p0 $0x1  }
0x13: {  	[smem:$0x3FB2] =	sst s0;
	s0 =	simm.s32 @!p1 $0x0  }
0x14: {  	s2 =	sld [smem:$0x3F96];
	s0 =	simm.s32 @p1 $0x1  }
0x15: {  	[smem:$0x3FB3] =	sst s0;
	s0 =	simm.s32 @!p2 $0x0  }
0x16: {  	s3 =	sld [smem:$0x3FDB];
	s0 =	simm.s32 @p2 $0x1  }
0x17: {  	s4 =	simm.s32 $0x1BF5;
	[smem:$0x3FB5] =	sst s0  }
0x18: {  	s0 =	sld [smem:$0x3F98];
	_ =	swait.ge [sflag:s4], $0x0  }
0x19: {  	s7 =	sld [smem:$0x3F99]  }
0x1a: {  	s8 =	sadd.s32 $0xFFFFE003, lr  }
0x1b: {  	s9 =	sadd.s32 $0xFFFFFEF7, lr;
	s5 =	simm.s32 $0xFFFFFFFF;
	p2 =	slt.u32 s8, $0xFFFFF086  }
0x1c: {  	p1 =	slt.u32 s9, $0xF7A;
	s5 =	simm.s32 @!p2 $0x0  }
0x1d: {  	s5 =	simm.s32 @p1 $0x1;
	p0 =	seq.s32 s7, s2  }
0x1e: {  	s7 =	smul.u32 @!p0 $0xF7A, s2;
	p2 =	seq.s32 @!p0 s5, $0x0  }
0x1f: {  	s9 =	smul.u32 $0xF7A, s1;
	s8 =	simm.s32 @!p0 $0x1BF5;
	p2 =	por !p2, p0  }
0x20: {  	[sflag:s8] =	ssyncset.s32 @!p0 $0xFFFFF086;
	s6 =	sadd.s32 @!p0 s3, s7;
	s7 =	simm.s32 @!p0 $0x108  }
0x21: {  	s3 =	sadd.s32 s3, s9;
	s6 =	sadd.s32 @!p0 $0x88, s6;
	s7 =	simm.s32 @p2 $0x1082  }
0x22: {  	[simem:s7], [sflag:s8] =	dma.local @!p0 [hbm:s6], $0xF7A  }
0x23: {  	s9 =	sor.u32 $0xD0000000, s2;
	s6 =	simm.s32 $0x108;
	_ =	swait.ge @!p0 [sflag:s8], $0x0  }
0x24: {  	s3 =	sadd.s32 $0x88, s3;
	s6 =	simm.s32 @!p1 $0x1082;
	[sflag:s4] =	ssyncset.s32 $0xFFFFF086  }
0x25: {  	[simem:s6], [sflag:s4] =	dma.local [hbm:s3], $0xF7A  }
0x26: {  	[smem:$0x3F99] =	sst s1;
	(tag) =	ssettag s2;
	_ =	strace s9  }
0x27: {  	s1 =	sld [smem:$0x3FA9]  }
0x28: {  	s2 =	sld [smem:$0x3FAA]  }
0x29: {  	s4 =	sld [smem:$0x3FAC]  }
0x2a: {  	p0 =	seq.s32 s5, $0x0;
	s5 =	sld [smem:$0x3FAD]  }
0x2b: {  	s6 =	sld [smem:$0x3FAE]  }
0x2c: {  	s7 =	sld [smem:$0x3FAF]  }
0x2d: {  	s3 =	simm.s32 $0x108;
	s8 =	sld [smem:$0x3FB0]  }
0x2e: {  	s3 =	simm.s32 @!p0 $0x1082;
	s9 =	sld [smem:$0x3FB1]  }
0x2f: {  	lr =	sadd.s32 s0, s3;
	s0 =	sld [smem:$0x3FA8]  }
0x30: {  	s3 =	sld [smem:$0x3FAB]  }
0x31: {  	[smem:$0x3FB4] =	sst s10  }
0x32: {  	s10 =	sld [smem:$0x3FB2];
	_ =	sdelay $0x3  }
0x33: {  	p0 =	seq.s32 s10, $0x1;
	s10 =	sld [smem:$0x3FB4];
	_ =	sdelay $0x3  }
0x34: {  	[smem:$0x3FB4] =	sst s10  }
0x35: {  	s10 =	sld [smem:$0x3FB3];
	_ =	sdelay $0x3  }
0x36: {  	p1 =	seq.s32 s10, $0x1;
	s10 =	sld [smem:$0x3FB4];
	_ =	sdelay $0x3  }
0x37: {  	[smem:$0x3FB4] =	sst s10  }
0x38: {  	s10 =	sld [smem:$0x3FB5]  }
0x39: {  	_ = 	snop;
	(pc) =	sbr.ind lr, $3  }
0x3a: {  	_ = 	snop  }
0x3b: {  	_ = 	snop  }
0x3c: {  	p2 =	seq.s32 s10, $0x1;
	s10 =	sld [smem:$0x3FB4]  }
0x3d: {  	_ =	shalt  }
0x3e: {  	_ =	shalt  }
0x3f: {  	_ =	shalt  }
0x40: {  	_ =	shalt  }
0x41: {  	_ =	shalt  }
0x42: {  	_ =	shalt  }
0x43: {  	_ =	shalt  }
0x44: {  	_ =	shalt  }
0x45: {  	_ =	shalt  }
0x46: {  	_ =	shalt  }
0x47: {  	_ =	shalt  }
0x48: {  	_ =	shalt  }
0x49: {  	_ =	shalt  }
0x4a: {  	_ =	shalt  }
0x4b: {  	_ =	shalt  }
0x4c: {  	_ =	shalt  }
0x4d: {  	_ =	shalt  }
0x4e: {  	_ =	shalt  }
0x4f: {  	_ =	shalt  }
0x50: {  	_ =	shalt  }
0x51: {  	_ =	shalt  }
0x52: {  	_ =	shalt  }
0x53: {  	_ =	shalt  }
0x54: {  	_ =	shalt  }
0x55: {  	_ =	shalt  }
0x56: {  	_ =	shalt  }
0x57: {  	_ =	shalt  }
0x58: {  	_ =	shalt  }
0x59: {  	_ =	shalt  }
0x5a: {  	_ =	shalt  }
0x5b: {  	_ =	shalt  }
0x5c: {  	_ =	shalt  }
0x5d: {  	_ =	shalt  }
0x5e: {  	_ =	shalt  }
0x5f: {  	_ =	shalt  }
0x60: {  	_ =	shalt  }
0x61: {  	_ =	shalt  }
0x62: {  	_ =	shalt  }
0x63: {  	_ =	shalt  }
0x64: {  	_ =	shalt  }
0x65: {  	_ =	shalt  }
0x66: {  	_ =	shalt  }
0x67: {  	_ =	shalt  }
0x68: {  	_ =	shalt  }
0x69: {  	_ =	shalt  }
0x6a: {  	_ =	shalt  }
0x6b: {  	_ =	shalt  }
0x6c: {  	_ =	shalt  }
0x6d: {  	_ =	shalt  }
0x6e: {  	_ =	shalt  }
0x6f: {  	_ =	shalt  }
0x70: {  	_ =	shalt  }
0x71: {  	_ =	shalt  }
0x72: {  	_ =	shalt  }
0x73: {  	_ =	shalt  }
0x74: {  	_ =	shalt  }
0x75: {  	_ =	shalt  }
0x76: {  	_ =	shalt  }
0x77: {  	_ =	shalt  }
0x78: {  	_ =	shalt  }
0x79: {  	_ =	shalt  }
0x7a: {  	_ =	shalt  }
0x7b: {  	_ =	shalt  }
0x7c: {  	_ =	shalt  }
0x7d: {  	_ =	shalt  }
0x7e: {  	_ =	shalt  }
0x7f: {  	_ =	shalt  }
0x80: {  	_ =	shalt  }
0x81: {  	_ =	shalt  }
0x82: {  	_ =	shalt  }
0x83: {  	_ =	shalt  }
0x84: {  	_ =	shalt  }
0x85: {  	_ =	shalt  }
0x86: {  	_ =	shalt  }
0x87: {  	_ =	shalt  }
.Lfunc_end0:
.L_simem_size_0:
called_computation.1_lowered:
.L_overlay_start_0:
0x88: {  	s2 =	sld [smem:$0x3FD9]  }
0x89: {  	s3 =	sld [smem:$0x3FFE];
	_ =	sdelay $0x1  }
0x8a: {  	s1 =	srdreg.scid  }
0x8b: {  	s0 =	sand.u32 $0x1, s1  }
0x8c: {  	s17 =	sshll.u32 s0, $0xA;
	s2 =	sadd.s32 s3, s2  }
0x8d: {  	s2 =	sadd.s32 s2, s17  }
0x8e: {  	[smem:$0x3FC0] =	sst s2  }
0x8f: {  	_ = 	snop  }
0x90: {  	s18 =	sld [smem:$0x3FC9];
	(tm) =	ssettm $0x1  }
0x91: {  	s19 =	sld [smem:$0x3FFB];
	_ =	sdelay $0x3  }
0x92: {  	_ =	strace s19  }
0x93: {  	s2 =	sld [smem:$0x3FFC];
	_ =	sdelay $0x3  }
0x94: {  	_ =	strace s2  }
0x95: {  	s2 =	sld [smem:$0x3FFD];
	_ =	sdelay $0x3  }
0x96: {  	_ =	strace s2  }
0x97: {  	_ =	strace $0x8FFFFFFF  }
0x98: {  	s20 =	sld [smem:$0x3FDB];
	_ =	sdelay $0x1  }
0x99: {  	s4 =	simm.s32 $_scs_section_size  }
0x9a: {  	s5 =	simm.s32 $_size__tile_overlayer_lowered;
	s6 =	simm.s32 $_tile_overlayer_lowered  }
0x9b: {  	s7 =	simm.s32 $0x1BFF;
	s21 =	sshll.u32 s6, $0x1;
	s4 =	sadd.s32 s4, s20  }
0x9c: {  	s22 =	simm.s32 $0x0;
	s5 =	sshll.u32 s5, $0x1;
	s6 =	sadd.s32 s21, s4  }
0x9d: {  	[timem:s22], [sflag:s7] =	dma.local [hbm:s6], s5  }
0x9e: {  	_ =	swait.ge [sflag:s7], s5  }
0x9f: {  	s5 =	ssub.s32 $0x0, s5;
	[sflag:s7] =	ssyncset.done $0x0  }
0xa0: {  	[sflag:s7] =	ssyncadd.s32 s5;
	_ =	sdelay $0x1  }
0xa1: {  	s23 =	simm.s32 $0x1B8B  }
0xa2: {  	_ =	swait.ge [sflag:s23], $0x1  }
0xa3: {  	[sflag:s23] =	ssyncset.done $0x0  }
0xa4: {  	[sflag:s23] =	ssyncadd.s32 $0xFFFFFFFF  }
0xa5: {  	s5 =	sld [smem:$0x0]  }
0xa6: {  	s6 =	sand.u32 $0xFFFFFFFE, s1  }
0xa7: {  	p0 =	sne.s32 s1, s6  }
0xa8: {  	s6 =	sshll.u32 @p0 s6, $0xE  }
0xa9: {  	s6 =	sadd.s32 @p0 $0x11B8D, s6;
	s7 =	sshll.u32 @p0 s5, $0x11  }
0xaa: {  	s6 =	sor.u32 @p0 s7, s6  }
0xab: {  	[sflag:s6] =	ssyncadd.remote.s32 @p0 $0x1;
	_ =	sdelay $0x1  }
0xac: {  	s6 =	simm.s32 @p0 $0x1B8D  }
0xad: {  	_ =	swait.eq @p0 [sflag:s6], $0x1  }
0xae: {  	[sflag:s6] =	ssyncadd.s32 @p0 $0xFFFFFFFF  }
0xaf: {  	s7 =	sshll.u32 @!p0 s1, $0xE  }
0xb0: {  	s7 =	sor.u32 @!p0 $0x4000, s7;
	s6 =	simm.s32 @!p0 $0x1B8D  }
0xb1: {  	s5 =	sshll.u32 @!p0 s5, $0x11;
	s7 =	sadd.s32 @!p0 $0x11B8D, s7;
	_ =	swait.eq @!p0 [sflag:s6], $0x1  }
0xb2: {  	s5 =	sor.u32 @!p0 s5, s7;
	[sflag:s6] =	ssyncadd.s32 @!p0 $0xFFFFFFFF  }
0xb3: {  	s25 =	simm.s32 $0x1B8E;
	s24 =	sld [smem:$0x3FFE];
	[sflag:s5] =	ssyncadd.remote.s32 @!p0 $0x1  }
0xb4: {  	s26 =	simm.s32 $execute0_lowered;
	[smem:$0x3FD2] =	sst s25  }
0xb5: {  	s6 =	sshll.u32 s26, $0x1;
	_ =	strace $0x80000049;
	[dreg:$0x1] =	wrdreg $0xFFFFFFFF  }
0xb6: {  	s28 =	simm.s32 $_size_execute0_lowered;
	s4 =	sadd.s32 s4, s6;
	[dreg:$0x0] =	wrdreg $0x0  }
0xb7: {  	s6 =	sshll.u32 s28, $0x1;
	[dreg:$0x2] =	wrdreg s4  }
0xb8: {  	[dreg:$0x3] =	wrdreg s6  }
0xb9: {  	[dreg:$0x4] =	wrdreg $0xC0  }
0xba: {  	_ =	task [dreg:s22], $0x5FFFF  }
0xbb: {  	[dreg:$0x1] =	wrdreg $0xFFFFFFFF  }
0xbc: {  	[dreg:$0x0] =	wrdreg $0x60  }
0xbd: {  	[dreg:$0x2] =	wrdreg s18  }
0xbe: {  	[dreg:$0x3] =	wrdreg s24  }
0xbf: {  	[dreg:$0x4] =	wrdreg $0x0  }
0xc0: {  	[dreg:$0x5] =	wrdreg $0xA  }
0xc1: {  	_ =	task.clear_ibuf [dreg:s22], $0x6FFFF;
	_ =	strace $0x90000049  }
0xc2: {  	s29 =	simm.s32 $0xA;
	_ =	strace $0x8000004B  }
0xc3: {  	_ =	swait.ge [sflag:s29], $0x1  }
0xc4: {  	[sflag:s29] =	ssyncadd.s32 $0xFFFFFFFF  }
0xc5: {  	_ =	strace $0x9000004B  }
0xc6: {  	_ =	sfence  }
0xc7: {  	s30 =	sld [smem:$0x0];
	_ =	sdelay $0x2  }
0xc8: {  	s31 =	sshll.u32 s1, $0xD;
	s1 =	sshrl.u32 s1, $0x2  }
0xc9: {  	s4 =	sand.u32 $0x4000, s31;
	s1 =	sadd.s32 s1, s30  }
0xca: {  	s0 =	sor.u32 s4, s0;
	s1 =	sshll.u32 s1, $0x11  }
0xcb: {  	s0 =	sor.u32 s1, s0  }
0xcc: {  	s0 =	sadd.s32 $0x8F2B, s0  }
0xcd: {  	[sflag:s0] =	ssyncadd.remote.s32 $0x1  }
0xce: {  	_ =	sfence.sel $0xFFFF  }
0xcf: {  	[dreg:$0x0] =	wrdreg $0xFFFFFFFF;
	(pc) =	sbr.abs _section_cstart, $3  }
0xd0: {  	[dreg:$0x1] =	wrdreg $0xFFFFFFFF  }
0xd1: {  	_ =	task.clear_ibuf [dreg:s22], $0x2FFFF;
	_ =	strace $0x9FFFFFFF  }
0xd2: {  	(tm) =	ssettm $0x7FFFFFFF  }
0xd3: {  	_ =	shalt  }
tec
execute0_lowered:
.L_overlay_start_1:
0x0: {  	(tag) =	ssettag $0x1  }
0x1: {  	s1 =	rddreg [dreg:$0x1]  }
0x2: {  	s0 =	simm.s32 $0x0;
	s2 =	srdreg.scid;
	s19 =	stileid.u32  }
0x3: {  	[smem:$0x7FF] =	sst s0;
	s3 =	sadd.s32 $0x20400, s1;
	s4 =	sadd.s32 $0xC400, s1  }
0x4: {  	s5 =	sand.u32 $0x1, s2;
	s7 =	smul.u32 $0x14000, s19;
	s8 =	sadd.s32 $0x34400, s1  }
0x5: {  	s2 =	ssub.s32 $0x2, s5;
	s6 =	sshll.u32 s5, $0x4;
	s5 =	smul.u32 $0x140000, s5  }
0x6: {  	s9 =	sshrl.u32 s2, $0x1;
	s6 =	sor.u32 s19, s6;
	s10 =	sadd.s32 $0x5000, s7  }
0x7: {  	s11 =	sadd.s32 $0x7800, s7;
	s12 =	sadd.s32 $0xA000, s7;
	s6 =	smul.u32 $0x5000, s6  }
0x8: {  	s13 =	sadd.s32 $0xC800, s7;
	s14 =	sadd.s32 $0xF000, s7;
	s15 =	sadd.s32 $0x11800, s7  }
0x9: {  	s2 =	ssub.s32 s2, s9;
	s9 =	sor.u32 $0x2800, s7;
	s6 =	sshrl.u32 s6, $0x3  }
0xa: {  	s7 =	sadd.s32 s7, s5;
	s16 =	sadd.s32 s3, s6;
	s23 =	sadd.s32 $0x200, s6  }
0xb: {  	s17 =	sadd.s32 s4, s6;
	s25 =	sadd.s32 $0x400, s6;
	[dreg:$0x4] =	wrdreg s16  }
0xc: {  	s26 =	sadd.s32 $0x600, s6;
	[dreg:$0x5] =	wrdreg s17;
	s24 =	sadd.s32 s3, s23  }
0xd: {  	s6 =	sadd.s32 $0x800, s6;
	s16 =	sadd.s32 s4, s23;
	[dreg:$0x6] =	wrdreg s24  }
0xe: {  	s18 =	sadd.s32 s3, s25;
	s20 =	sadd.s32 s3, s26;
	[dreg:$0x7] =	wrdreg s16  }
0xf: {  	s21 =	sadd.s32 s4, s26;
	s3 =	sadd.s32 s3, s6;
	[dreg:$0x8] =	wrdreg s18  }
0x10: {  	s22 =	sadd.s32 s4, s6;
	s23 =	sshrl.u32 s7, $0x3;
	[dreg:$0xa] =	wrdreg s20  }
0x11: {  	s26 =	sadd.s32 s5, s11;
	s17 =	sadd.s32 s5, s12;
	[dreg:$0xb] =	wrdreg s21  }
0x12: {  	s6 =	simm.s32 $0x50;
	s16 =	sadd.s32 s4, s25;
	[dreg:$0xc] =	wrdreg s3  }
0x13: {  	[dreg:$0xd] =	wrdreg s22;
	s3 =	sadd.s32 s8, s23;
	s24 =	sadd.s32 s5, s9  }
0x14: {  	s25 =	sadd.s32 s5, s10;
	s18 =	sadd.s32 s5, s13;
	s20 =	sadd.s32 s5, s14  }
0x15: {  	s23 =	sadd.s32 s5, s15;
	s5 =	simm.s32 $0x16000;
	[dreg:$0x9] =	wrdreg s16  }
0x16: {  	[dreg:$0xe] =	wrdreg s3;
	s3 =	sshrl.u32 s24, $0x3;
	s4 =	sshrl.u32 s25, $0x3  }
0x17: {  	s16 =	sshrl.u32 s26, $0x3;
	s22 =	sshrl.u32 s20, $0x3;
	s3 =	sadd.s32 s8, s3  }
0x18: {  	s7 =	sadd.s32 s8, s4;
	s4 =	sshrl.u32 s18, $0x3;
	s18 =	rddreg [dreg:$0x0]  }
0x19: {  	s24 =	smul.u32 $0x50000, s19;
	s25 =	sshrl.u32 s23, $0x3;
	[dreg:$0xf] =	wrdreg s3  }
0x1a: {  	s23 =	sadd.s32 $0x1E00, s1;
	[dreg:$0x10] =	wrdreg s7;
	s3 =	sadd.s32 s8, s16  }
0x1b: {  	s1 =	smax.u32 s2, $0x1;
	s21 =	sadd.s32 s8, s4;
	[dreg:$0x11] =	wrdreg s3  }
0x1c: {  	s2 =	simm.s32 $0x18000;
	s26 =	sshrl.u32 s24, $0x2;
	[dreg:$0x13] =	wrdreg s21  }
0x1d: {  	s4 =	simm.s32 $0x14000;
	s3 =	sshrl.u32 s17, $0x3;
	s21 =	rddreg [dreg:$0x2]  }
0x1e: {  	s7 =	simm.s32 $0x1A800;
	s3 =	sadd.s32 s8, s3;
	s24 =	sadd.s32 s26, s21  }
0x1f: {  	s26 =	sadd.s32 s10, s21;
	s28 =	sadd.s32 s11, s21;
	s29 =	sadd.s32 s12, s21  }
0x20: {  	s30 =	sadd.s32 s13, s21;
	s31 =	sadd.s32 s14, s21;
	s19 =	sadd.s32 s15, s21  }
0x21: {  	s10 =	simm.s32 $0x16C00;
	s11 =	simm.s32 $0x15000;
	s12 =	simm.s32 $0x17000  }
0x22: {  	s13 =	simm.s32 $0x17C00;
	[dreg:$0x12] =	wrdreg s3;
	s3 =	sadd.s32 s8, s22  }
0x23: {  	s14 =	simm.s32 $0x0;
	[dreg:$0x14] =	wrdreg s3;
	s3 =	sadd.s32 s8, s25  }
0x24: {  	s25 =	sadd.s32 s9, s21;
	s8 =	simm.s32 $0x1;
	[dreg:$0x15] =	wrdreg s3  }
0x25: {  	s9 =	simm.s32 $0x2;
	s3 =	simm.s32 $0x3;
	_ =	strace $0x8000004A  }
.LBB2_1:
0x26: {  	[tilespmem:s2], [sflag:$0x3] =	stream.linear.gather [hbm4b:s23+s0], $0x2800, $0x38;
	[tilespmem:$0x1D000] =	vst v63  }
0x27: {  	_ =	swait.ge [sflag:s3], $0x2800  }
0x28: {  	[sflag:s3] =	ssyncset.done $0x0  }
0x29: {  	[sflag:s3] =	ssyncadd.s32 $0xFFFFD800  }
0x2a: {  	[spmem:s24] =	stream.linear.scatter [tilespmem:s2], [sflag:$0x3], $0x2800, $0x38;
	[tilespmem:$0x1D000] =	vst v63  }
0x2b: {  	_ =	swait.ge [sflag:s3], $0x2800  }
0x2c: {  	[sflag:s3] =	ssyncset.done $0x0  }
0x2d: {  	[sflag:s3] =	ssyncadd.s32 $0xFFFFD800  }
0x2e: {  	[spmem:s25] =	stream.linear.scatter [tilespmem:s2], [sflag:$0x3], $0x2800, $0x38;
	[tilespmem:$0x1D000] =	vst v63  }
0x2f: {  	_ =	swait.ge [sflag:s3], $0x2800  }
0x30: {  	[sflag:s3] =	ssyncset.done $0x0  }
0x31: {  	[sflag:s3] =	ssyncadd.s32 $0xFFFFD800  }
0x32: {  	[spmem:s26] =	stream.linear.scatter [tilespmem:s2], [sflag:$0x3], $0x2800, $0x38;
	[tilespmem:$0x1D000] =	vst v63  }
0x33: {  	_ =	swait.ge [sflag:s3], $0x2800  }
0x34: {  	[sflag:s3] =	ssyncset.done $0x0  }
0x35: {  	[sflag:s3] =	ssyncadd.s32 $0xFFFFD800  }
0x36: {  	[spmem:s28] =	stream.linear.scatter [tilespmem:s2], [sflag:$0x3], $0x2800, $0x38;
	[tilespmem:$0x1D000] =	vst v63  }
0x37: {  	_ =	swait.ge [sflag:s3], $0x2800  }
0x38: {  	[sflag:s3] =	ssyncset.done $0x0  }
0x39: {  	[sflag:s3] =	ssyncadd.s32 $0xFFFFD800  }
0x3a: {  	[spmem:s29] =	stream.linear.scatter [tilespmem:s2], [sflag:$0x3], $0x2800, $0x38;
	[tilespmem:$0x1D000] =	vst v63  }
0x3b: {  	_ =	swait.ge [sflag:s3], $0x2800  }
0x3c: {  	[sflag:s3] =	ssyncset.done $0x0  }
0x3d: {  	[sflag:s3] =	ssyncadd.s32 $0xFFFFD800  }
0x3e: {  	[spmem:s30] =	stream.linear.scatter [tilespmem:s2], [sflag:$0x3], $0x2800, $0x38;
	[tilespmem:$0x1D000] =	vst v63  }
0x3f: {  	_ =	swait.ge [sflag:s3], $0x2800  }
0x40: {  	[sflag:s3] =	ssyncset.done $0x0  }
0x41: {  	[sflag:s3] =	ssyncadd.s32 $0xFFFFD800  }
0x42: {  	[spmem:s31] =	stream.linear.scatter [tilespmem:s2], [sflag:$0x3], $0x2800, $0x38;
	[tilespmem:$0x1D000] =	vst v63  }
0x43: {  	_ =	swait.ge [sflag:s3], $0x2800  }
0x44: {  	[sflag:s3] =	ssyncset.done $0x0  }
0x45: {  	[sflag:s3] =	ssyncadd.s32 $0xFFFFD800  }
0x46: {  	[spmem:s19] =	stream.linear.scatter [tilespmem:s2], [sflag:$0x3], $0x2800, $0x38;
	[tilespmem:$0x1D000] =	vst v63  }
0x47: {  	_ =	swait.ge [sflag:s3], $0x2800  }
0x48: {  	[sflag:s3] =	ssyncset.done $0x0  }
0x49: {  	[sflag:s3] =	ssyncadd.s32 $0xFFFFD800  }
0x4a: {  	[bflag:$0x0] =	sbarrier.arrive $0xFFFF  }
0x4b: {  	s15 =	rddreg [dreg:$0x4]  }
0x4c: {  	[tilespmem:s4], [sflag:$0x3] =	stream.linear.gather [hbm4b:s15+s0], $0xC80, $0x38;
	[tilespmem:$0x1D000] =	vst v63  }
0x4d: {  	_ =	swait.ge [sflag:s3], $0xC80  }
0x4e: {  	[sflag:s3] =	ssyncset.done $0x0  }
0x4f: {  	s22 =	rddreg [dreg:$0x5];
	[sflag:s3] =	ssyncadd.s32 $0xFFFFF380  }
0x50: {  	[tilespmem:s5], [sflag:$0x3] =	stream.linear.gather [hbm4b:s22+s0], $0xC80, $0x38;
	[tilespmem:$0x1D000] =	vst v63  }
0x51: {  	_ =	swait.ge [sflag:s3], $0xC80  }
0x52: {  	[sflag:s3] =	ssyncset.done $0x0  }
0x53: {  	[sflag:s3] =	ssyncadd.s32 $0xFFFFF380  }
0x54: {  	[tilespmem:s2], [sflag:$0x1] =	stream.indirect.gather [hbm4b:s18+s6], $0x80, s4, s6, $0xb8;
	[tilespmem:$0x1D000] =	vst v63  }
0x55: {  	s16 =	simm.s32 $0x14080  }
0x56: {  	[tilespmem:s7], [sflag:$0x2] =	stream.indirect.gather [hbm4b:s18+s6], $0x80, s16, s6, $0xb8;
	[tilespmem:$0x1D000] =	vst v63  }
0x57: {  	_ =	swait.ge [sflag:s8], $0x2800  }
0x58: {  	[sflag:s8] =	ssyncset.done $0x0  }
0x59: {  	s17 =	simm.s32 $0x16000;
	[sflag:s8] =	ssyncadd.s32 $0xFFFFD800  }
0x5a: {  	[spmem:s21] =	stream.indirect.scatter.add.f32 [tilespmem:s2], [sflag:$0x3], $0x80, s17, s6, $0xb8;
	[tilespmem:$0x1D000] =	vst v63  }
0x5b: {  	_ =	swait.ge [sflag:s3], $0x2800  }
0x5c: {  	[sflag:s3] =	ssyncset.done $0x0  }
0x5d: {  	s20 =	simm.s32 $0x14100;
	[sflag:s3] =	ssyncadd.s32 $0xFFFFD800  }
0x5e: {  	[tilespmem:s2], [sflag:$0x1] =	stream.indirect.gather [hbm4b:s18+s6], $0x80, s20, s6, $0xb8;
	[tilespmem:$0x1D000] =	vst v63  }
0x5f: {  	_ =	swait.ge [sflag:s9], $0x2800  }
0x60: {  	[sflag:s9] =	ssyncset.done $0x0  }
0x61: {  	s22 =	simm.s32 $0x16080;
	[sflag:s9] =	ssyncadd.s32 $0xFFFFD800  }
0x62: {  	[spmem:s21] =	stream.indirect.scatter.add.f32 [tilespmem:s7], [sflag:$0x3], $0x80, s22, s6, $0xb8;
	[tilespmem:$0x1D000] =	vst v63  }
0x63: {  	_ =	swait.ge [sflag:s3], $0x2800  }
0x64: {  	s15 =	simm.s32 $0x100;
	s16 =	simm.s32 $0x800;
	[sflag:s3] =	ssyncset.done $0x0  }
.LBB2_2:
0x65: {  	s17 =	sadd.s32 $0x14080, s15  }
0x66: {  	[sflag:s3] =	ssyncadd.s32 $0xFFFFD800;
	s20 =	smov.u32 s16;
	s22 =	sadd.s32 $0x400, s16  }
0x67: {  	[tilespmem:s7], [sflag:$0x2] =	stream.indirect.gather [hbm4b:s18+s6], $0x80, s17, s6, $0xb8;
	[tilespmem:$0x1D000] =	vst v63  }
0x68: {  	p0 =	sne.s32 s16, $0x2C00;
	_ =	swait.ge [sflag:s8], $0x2800  }
0x69: {  	[sflag:s8] =	ssyncset.done $0x0  }
0x6a: {  	s16 =	sadd.s32 $0x16000, s15;
	[sflag:s8] =	ssyncadd.s32 $0xFFFFD800  }
0x6b: {  	[spmem:s21] =	stream.indirect.scatter.add.f32 [tilespmem:s2], [sflag:$0x3], $0x80, s16, s6, $0xb8;
	[tilespmem:$0x1D000] =	vst v63  }
0x6c: {  	_ =	swait.ge [sflag:s3], $0x2800  }
0x6d: {  	[sflag:s3] =	ssyncset.done $0x0  }
0x6e: {  	s16 =	sadd.s32 $0x14100, s15;
	[sflag:s3] =	ssyncadd.s32 $0xFFFFD800  }
0x6f: {  	[tilespmem:s2], [sflag:$0x1] =	stream.indirect.gather [hbm4b:s18+s6], $0x80, s16, s6, $0xb8;
	[tilespmem:$0x1D000] =	vst v63  }
0x70: {  	_ =	swait.ge [sflag:s9], $0x2800  }
.Ltmp0:
0x71: {  	[sflag:s9] =	ssyncset.done $0x0;
	(pc) =	sbr.rel @p0 .LBB2_2-.Ltmp0, $4  }
0x72: {  	s15 =	sadd.s32 $0x16080, s15;
	[sflag:s9] =	ssyncadd.s32 $0xFFFFD800  }
0x73: {  	[spmem:s21] =	stream.indirect.scatter.add.f32 [tilespmem:s7], [sflag:$0x3], $0x80, s15, s6, $0xb8;
	[tilespmem:$0x1D000] =	vst v63  }
0x74: {  	_ =	swait.ge [sflag:s3], $0x2800  }
0x75: {  	s16 =	smov.u32 s22;
	s15 =	sshra.s32 s20, $0x2;
	[sflag:s3] =	ssyncset.done $0x0  }
0x76: {  	s16 =	sadd.s32 $0x14080, s15;
	[sflag:s3] =	ssyncadd.s32 $0xFFFFD800  }
0x77: {  	[tilespmem:s7], [sflag:$0x2] =	stream.indirect.gather [hbm4b:s18+s6], $0x80, s16, s6, $0xb8;
	[tilespmem:$0x1D000] =	vst v63  }
0x78: {  	_ =	swait.ge [sflag:s8], $0x2800  }
0x79: {  	[sflag:s8] =	ssyncset.done $0x0  }
0x7a: {  	s20 =	sadd.s32 $0x16000, s15;
	[sflag:s8] =	ssyncadd.s32 $0xFFFFD800  }
0x7b: {  	[spmem:s21] =	stream.indirect.scatter.add.f32 [tilespmem:s2], [sflag:$0x3], $0x80, s20, s6, $0xb8;
	[tilespmem:$0x1D000] =	vst v63  }
0x7c: {  	_ =	swait.ge [sflag:s3], $0x2800  }
0x7d: {  	[sflag:s3] =	ssyncset.done $0x0  }
0x7e: {  	s22 =	sadd.s32 $0x14100, s15;
	[sflag:s3] =	ssyncadd.s32 $0xFFFFD800  }
0x7f: {  	[tilespmem:s2], [sflag:$0x1] =	stream.indirect.gather [hbm4b:s18+s6], $0x80, s22, s6, $0xb8;
	[tilespmem:$0x1D000] =	vst v63  }
0x80: {  	_ =	swait.ge [sflag:s9], $0x2800  }
0x81: {  	[sflag:s9] =	ssyncset.done $0x0  }
0x82: {  	s16 =	sadd.s32 $0x16080, s15;
	[sflag:s9] =	ssyncadd.s32 $0xFFFFD800  }
0x83: {  	[spmem:s21] =	stream.indirect.scatter.add.f32 [tilespmem:s7], [sflag:$0x3], $0x80, s16, s6, $0xb8;
	[tilespmem:$0x1D000] =	vst v63  }
0x84: {  	_ =	swait.ge [sflag:s3], $0x2800  }
0x85: {  	[sflag:s3] =	ssyncset.done $0x0  }
0x86: {  	[sflag:s3] =	ssyncadd.s32 $0xFFFFD800  }
0x87: {  	_ =	swait.ge [sflag:s8], $0x2800  }
0x88: {  	[sflag:s8] =	ssyncset.done $0x0  }
0x89: {  	[sflag:s8] =	ssyncadd.s32 $0xFFFFD800  }
0x8a: {  	[spmem:s21] =	stream.indirect.scatter.add.f32 [tilespmem:s2], [sflag:$0x3], $0x80, s10, s6, $0xb8;
	[tilespmem:$0x1D000] =	vst v63  }
0x8b: {  	_ =	swait.ge [sflag:s3], $0x2800  }
0x8c: {  	[sflag:s3] =	ssyncset.done $0x0  }
0x8d: {  	s17 =	simm.s32 $0x0;
	s20 =	rddreg [dreg:$0x6];
	[sflag:s3] =	ssyncadd.s32 $0xFFFFD800  }
0x8e: {  	[tilespmem:s11], [sflag:$0x3] =	stream.linear.gather [hbm4b:s20+s17], $0xC80, $0x38;
	[tilespmem:$0x1D000] =	vst v63  }
0x8f: {  	_ =	swait.ge [sflag:s3], $0xC80  }
0x90: {  	[sflag:s3] =	ssyncset.done $0x0  }
0x91: {  	s22 =	rddreg [dreg:$0x7];
	[sflag:s3] =	ssyncadd.s32 $0xFFFFF380  }
0x92: {  	[tilespmem:s12], [sflag:$0x3] =	stream.linear.gather [hbm4b:s22+s17], $0xC80, $0x38;
	[tilespmem:$0x1D000] =	vst v63  }
0x93: {  	_ =	swait.ge [sflag:s3], $0xC80  }
0x94: {  	[sflag:s3] =	ssyncset.done $0x0  }
0x95: {  	[sflag:s3] =	ssyncadd.s32 $0xFFFFF380  }
0x96: {  	[tilespmem:s2], [sflag:$0x1] =	stream.indirect.gather [hbm4b:s18+s6], $0x80, s11, s6, $0xb8;
	[tilespmem:$0x1D000] =	vst v63  }
0x97: {  	s16 =	simm.s32 $0x15080  }
0x98: {  	[tilespmem:s7], [sflag:$0x2] =	stream.indirect.gather [hbm4b:s18+s6], $0x80, s16, s6, $0xb8;
	[tilespmem:$0x1D000] =	vst v63  }
0x99: {  	_ =	swait.ge [sflag:s8], $0x2800  }
0x9a: {  	[sflag:s8] =	ssyncset.done $0x0  }
0x9b: {  	s17 =	simm.s32 $0x17000;
	[sflag:s8] =	ssyncadd.s32 $0xFFFFD800  }
0x9c: {  	[spmem:s21] =	stream.indirect.scatter.add.f32 [tilespmem:s2], [sflag:$0x3], $0x80, s17, s6, $0xb8;
	[tilespmem:$0x1D000] =	vst v63  }
0x9d: {  	_ =	swait.ge [sflag:s3], $0x2800  }
0x9e: {  	[sflag:s3] =	ssyncset.done $0x0  }
0x9f: {  	s20 =	simm.s32 $0x15100;
	[sflag:s3] =	ssyncadd.s32 $0xFFFFD800  }
0xa0: {  	[tilespmem:s2], [sflag:$0x1] =	stream.indirect.gather [hbm4b:s18+s6], $0x80, s20, s6, $0xb8;
	[tilespmem:$0x1D000] =	vst v63  }
0xa1: {  	_ =	swait.ge [sflag:s9], $0x2800  }
0xa2: {  	[sflag:s9] =	ssyncset.done $0x0  }
0xa3: {  	s22 =	simm.s32 $0x17080;
	[sflag:s9] =	ssyncadd.s32 $0xFFFFD800  }
0xa4: {  	[spmem:s21] =	stream.indirect.scatter.add.f32 [tilespmem:s7], [sflag:$0x3], $0x80, s22, s6, $0xb8;
	[tilespmem:$0x1D000] =	vst v63  }
0xa5: {  	_ =	swait.ge [sflag:s3], $0x2800  }
0xa6: {  	s15 =	simm.s32 $0x100;
	s16 =	simm.s32 $0x800;
	[sflag:s3] =	ssyncset.done $0x0  }
.LBB2_4:
0xa7: {  	s17 =	sadd.s32 $0x15080, s15  }
0xa8: {  	[sflag:s3] =	ssyncadd.s32 $0xFFFFD800;
	s20 =	smov.u32 s16;
	s22 =	sadd.s32 $0x400, s16  }
0xa9: {  	[tilespmem:s7], [sflag:$0x2] =	stream.indirect.gather [hbm4b:s18+s6], $0x80, s17, s6, $0xb8;
	[tilespmem:$0x1D000] =	vst v63  }
0xaa: {  	p0 =	sne.s32 s16, $0x2C00;
	_ =	swait.ge [sflag:s8], $0x2800  }
0xab: {  	[sflag:s8] =	ssyncset.done $0x0  }
0xac: {  	s16 =	sadd.s32 $0x17000, s15;
	[sflag:s8] =	ssyncadd.s32 $0xFFFFD800  }
0xad: {  	[spmem:s21] =	stream.indirect.scatter.add.f32 [tilespmem:s2], [sflag:$0x3], $0x80, s16, s6, $0xb8;
	[tilespmem:$0x1D000] =	vst v63  }
0xae: {  	_ =	swait.ge [sflag:s3], $0x2800  }
0xaf: {  	[sflag:s3] =	ssyncset.done $0x0  }
0xb0: {  	s16 =	sadd.s32 $0x15100, s15;
	[sflag:s3] =	ssyncadd.s32 $0xFFFFD800  }
0xb1: {  	[tilespmem:s2], [sflag:$0x1] =	stream.indirect.gather [hbm4b:s18+s6], $0x80, s16, s6, $0xb8;
	[tilespmem:$0x1D000] =	vst v63  }
0xb2: {  	_ =	swait.ge [sflag:s9], $0x2800  }
.Ltmp1:
0xb3: {  	[sflag:s9] =	ssyncset.done $0x0;
	(pc) =	sbr.rel @p0 .LBB2_4-.Ltmp1, $4  }
0xb4: {  	s15 =	sadd.s32 $0x17080, s15;
	[sflag:s9] =	ssyncadd.s32 $0xFFFFD800  }
0xb5: {  	[spmem:s21] =	stream.indirect.scatter.add.f32 [tilespmem:s7], [sflag:$0x3], $0x80, s15, s6, $0xb8;
	[tilespmem:$0x1D000] =	vst v63  }
0xb6: {  	_ =	swait.ge [sflag:s3], $0x2800  }
0xb7: {  	s16 =	smov.u32 s22;
	s15 =	sshra.s32 s20, $0x2;
	[sflag:s3] =	ssyncset.done $0x0  }
0xb8: {  	s16 =	sadd.s32 $0x15080, s15;
	[sflag:s3] =	ssyncadd.s32 $0xFFFFD800  }
0xb9: {  	[tilespmem:s7], [sflag:$0x2] =	stream.indirect.gather [hbm4b:s18+s6], $0x80, s16, s6, $0xb8;
	[tilespmem:$0x1D000] =	vst v63  }
0xba: {  	_ =	swait.ge [sflag:s8], $0x2800  }
0xbb: {  	[sflag:s8] =	ssyncset.done $0x0  }
0xbc: {  	s20 =	sadd.s32 $0x17000, s15;
	[sflag:s8] =	ssyncadd.s32 $0xFFFFD800  }
0xbd: {  	[spmem:s21] =	stream.indirect.scatter.add.f32 [tilespmem:s2], [sflag:$0x3], $0x80, s20, s6, $0xb8;
	[tilespmem:$0x1D000] =	vst v63  }
0xbe: {  	_ =	swait.ge [sflag:s3], $0x2800  }
0xbf: {  	[sflag:s3] =	ssyncset.done $0x0  }
0xc0: {  	s22 =	sadd.s32 $0x15100, s15;
	[sflag:s3] =	ssyncadd.s32 $0xFFFFD800  }
0xc1: {  	[tilespmem:s2], [sflag:$0x1] =	stream.indirect.gather [hbm4b:s18+s6], $0x80, s22, s6, $0xb8;
	[tilespmem:$0x1D000] =	vst v63  }
0xc2: {  	_ =	swait.ge [sflag:s9], $0x2800  }
0xc3: {  	[sflag:s9] =	ssyncset.done $0x0  }
0xc4: {  	s16 =	sadd.s32 $0x17080, s15;
	[sflag:s9] =	ssyncadd.s32 $0xFFFFD800  }
0xc5: {  	[spmem:s21] =	stream.indirect.scatter.add.f32 [tilespmem:s7], [sflag:$0x3], $0x80, s16, s6, $0xb8;
	[tilespmem:$0x1D000] =	vst v63  }
0xc6: {  	_ =	swait.ge [sflag:s3], $0x2800  }
0xc7: {  	[sflag:s3] =	ssyncset.done $0x0  }
0xc8: {  	[sflag:s3] =	ssyncadd.s32 $0xFFFFD800  }
0xc9: {  	_ =	swait.ge [sflag:s8], $0x2800  }
0xca: {  	[sflag:s8] =	ssyncset.done $0x0  }
0xcb: {  	[sflag:s8] =	ssyncadd.s32 $0xFFFFD800  }
0xcc: {  	[spmem:s21] =	stream.indirect.scatter.add.f32 [tilespmem:s2], [sflag:$0x3], $0x80, s13, s6, $0xb8;
	[tilespmem:$0x1D000] =	vst v63  }
0xcd: {  	_ =	swait.ge [sflag:s3], $0x2800  }
0xce: {  	[sflag:s3] =	ssyncset.done $0x0  }
0xcf: {  	s17 =	simm.s32 $0x0;
	s20 =	rddreg [dreg:$0x8];
	[sflag:s3] =	ssyncadd.s32 $0xFFFFD800  }
0xd0: {  	[tilespmem:s4], [sflag:$0x3] =	stream.linear.gather [hbm4b:s20+s17], $0xC80, $0x38;
	[tilespmem:$0x1D000] =	vst v63  }
0xd1: {  	_ =	swait.ge [sflag:s3], $0xC80  }
0xd2: {  	[sflag:s3] =	ssyncset.done $0x0  }
0xd3: {  	s22 =	rddreg [dreg:$0x9];
	[sflag:s3] =	ssyncadd.s32 $0xFFFFF380  }
0xd4: {  	[tilespmem:s5], [sflag:$0x3] =	stream.linear.gather [hbm4b:s22+s17], $0xC80, $0x38;
	[tilespmem:$0x1D000] =	vst v63  }
0xd5: {  	_ =	swait.ge [sflag:s3], $0xC80  }
0xd6: {  	[sflag:s3] =	ssyncset.done $0x0  }
0xd7: {  	[sflag:s3] =	ssyncadd.s32 $0xFFFFF380  }
0xd8: {  	[tilespmem:s2], [sflag:$0x1] =	stream.indirect.gather [hbm4b:s18+s6], $0x80, s4, s6, $0xb8;
	[tilespmem:$0x1D000] =	vst v63  }
0xd9: {  	s16 =	simm.s32 $0x14080  }
0xda: {  	[tilespmem:s7], [sflag:$0x2] =	stream.indirect.gather [hbm4b:s18+s6], $0x80, s16, s6, $0xb8;
	[tilespmem:$0x1D000] =	vst v63  }
0xdb: {  	_ =	swait.ge [sflag:s8], $0x2800  }
0xdc: {  	[sflag:s8] =	ssyncset.done $0x0  }
0xdd: {  	s17 =	simm.s32 $0x16000;
	[sflag:s8] =	ssyncadd.s32 $0xFFFFD800  }
0xde: {  	[spmem:s21] =	stream.indirect.scatter.add.f32 [tilespmem:s2], [sflag:$0x3], $0x80, s17, s6, $0xb8;
	[tilespmem:$0x1D000] =	vst v63  }
0xdf: {  	_ =	swait.ge [sflag:s3], $0x2800  }
0xe0: {  	[sflag:s3] =	ssyncset.done $0x0  }
0xe1: {  	s20 =	simm.s32 $0x14100;
	[sflag:s3] =	ssyncadd.s32 $0xFFFFD800  }
0xe2: {  	[tilespmem:s2], [sflag:$0x1] =	stream.indirect.gather [hbm4b:s18+s6], $0x80, s20, s6, $0xb8;
	[tilespmem:$0x1D000] =	vst v63  }
0xe3: {  	_ =	swait.ge [sflag:s9], $0x2800  }
0xe4: {  	[sflag:s9] =	ssyncset.done $0x0  }
0xe5: {  	s22 =	simm.s32 $0x16080;
	[sflag:s9] =	ssyncadd.s32 $0xFFFFD800  }
0xe6: {  	[spmem:s21] =	stream.indirect.scatter.add.f32 [tilespmem:s7], [sflag:$0x3], $0x80, s22, s6, $0xb8;
	[tilespmem:$0x1D000] =	vst v63  }
0xe7: {  	_ =	swait.ge [sflag:s3], $0x2800  }
0xe8: {  	s15 =	simm.s32 $0x100;
	s16 =	simm.s32 $0x800;
	[sflag:s3] =	ssyncset.done $0x0  }
.LBB2_6:
0xe9: {  	s17 =	sadd.s32 $0x14080, s15  }
0xea: {  	[sflag:s3] =	ssyncadd.s32 $0xFFFFD800;
	s20 =	smov.u32 s16;
	s22 =	sadd.s32 $0x400, s16  }
0xeb: {  	[tilespmem:s7], [sflag:$0x2] =	stream.indirect.gather [hbm4b:s18+s6], $0x80, s17, s6, $0xb8;
	[tilespmem:$0x1D000] =	vst v63  }
0xec: {  	p0 =	sne.s32 s16, $0x2C00;
	_ =	swait.ge [sflag:s8], $0x2800  }
0xed: {  	[sflag:s8] =	ssyncset.done $0x0  }
0xee: {  	s16 =	sadd.s32 $0x16000, s15;
	[sflag:s8] =	ssyncadd.s32 $0xFFFFD800  }
0xef: {  	[spmem:s21] =	stream.indirect.scatter.add.f32 [tilespmem:s2], [sflag:$0x3], $0x80, s16, s6, $0xb8;
	[tilespmem:$0x1D000] =	vst v63  }
0xf0: {  	_ =	swait.ge [sflag:s3], $0x2800  }
0xf1: {  	[sflag:s3] =	ssyncset.done $0x0  }
0xf2: {  	s16 =	sadd.s32 $0x14100, s15;
	[sflag:s3] =	ssyncadd.s32 $0xFFFFD800  }
0xf3: {  	[tilespmem:s2], [sflag:$0x1] =	stream.indirect.gather [hbm4b:s18+s6], $0x80, s16, s6, $0xb8;
	[tilespmem:$0x1D000] =	vst v63  }
0xf4: {  	_ =	swait.ge [sflag:s9], $0x2800  }
.Ltmp2:
0xf5: {  	[sflag:s9] =	ssyncset.done $0x0;
	(pc) =	sbr.rel @p0 .LBB2_6-.Ltmp2, $4  }
0xf6: {  	s15 =	sadd.s32 $0x16080, s15;
	[sflag:s9] =	ssyncadd.s32 $0xFFFFD800  }
0xf7: {  	[spmem:s21] =	stream.indirect.scatter.add.f32 [tilespmem:s7], [sflag:$0x3], $0x80, s15, s6, $0xb8;
	[tilespmem:$0x1D000] =	vst v63  }
0xf8: {  	_ =	swait.ge [sflag:s3], $0x2800  }
0xf9: {  	s16 =	smov.u32 s22;
	s15 =	sshra.s32 s20, $0x2;
	[sflag:s3] =	ssyncset.done $0x0  }
0xfa: {  	s16 =	sadd.s32 $0x14080, s15;
	[sflag:s3] =	ssyncadd.s32 $0xFFFFD800  }
0xfb: {  	[tilespmem:s7], [sflag:$0x2] =	stream.indirect.gather [hbm4b:s18+s6], $0x80, s16, s6, $0xb8;
	[tilespmem:$0x1D000] =	vst v63  }
0xfc: {  	_ =	swait.ge [sflag:s8], $0x2800  }
0xfd: {  	[sflag:s8] =	ssyncset.done $0x0  }
0xfe: {  	s20 =	sadd.s32 $0x16000, s15;
	[sflag:s8] =	ssyncadd.s32 $0xFFFFD800  }
0xff: {  	[spmem:s21] =	stream.indirect.scatter.add.f32 [tilespmem:s2], [sflag:$0x3], $0x80, s20, s6, $0xb8;
	[tilespmem:$0x1D000] =	vst v63  }
0x100: {  	_ =	swait.ge [sflag:s3], $0x2800  }
0x101: {  	[sflag:s3] =	ssyncset.done $0x0  }
0x102: {  	s22 =	sadd.s32 $0x14100, s15;
	[sflag:s3] =	ssyncadd.s32 $0xFFFFD800  }
0x103: {  	[tilespmem:s2], [sflag:$0x1] =	stream.indirect.gather [hbm4b:s18+s6], $0x80, s22, s6, $0xb8;
	[tilespmem:$0x1D000] =	vst v63  }
0x104: {  	_ =	swait.ge [sflag:s9], $0x2800  }
0x105: {  	[sflag:s9] =	ssyncset.done $0x0  }
0x106: {  	s16 =	sadd.s32 $0x16080, s15;
	[sflag:s9] =	ssyncadd.s32 $0xFFFFD800  }
0x107: {  	[spmem:s21] =	stream.indirect.scatter.add.f32 [tilespmem:s7], [sflag:$0x3], $0x80, s16, s6, $0xb8;
	[tilespmem:$0x1D000] =	vst v63  }
0x108: {  	_ =	swait.ge [sflag:s3], $0x2800  }
0x109: {  	[sflag:s3] =	ssyncset.done $0x0  }
0x10a: {  	[sflag:s3] =	ssyncadd.s32 $0xFFFFD800  }
0x10b: {  	_ =	swait.ge [sflag:s8], $0x2800  }
0x10c: {  	[sflag:s8] =	ssyncset.done $0x0  }
0x10d: {  	[sflag:s8] =	ssyncadd.s32 $0xFFFFD800  }
0x10e: {  	[spmem:s21] =	stream.indirect.scatter.add.f32 [tilespmem:s2], [sflag:$0x3], $0x80, s10, s6, $0xb8;
	[tilespmem:$0x1D000] =	vst v63  }
0x10f: {  	_ =	swait.ge [sflag:s3], $0x2800  }
0x110: {  	[sflag:s3] =	ssyncset.done $0x0  }
0x111: {  	s17 =	simm.s32 $0x0;
	s20 =	rddreg [dreg:$0xa];
	[sflag:s3] =	ssyncadd.s32 $0xFFFFD800  }
0x112: {  	[tilespmem:s11], [sflag:$0x3] =	stream.linear.gather [hbm4b:s20+s17], $0xC80, $0x38;
	[tilespmem:$0x1D000] =	vst v63  }
0x113: {  	_ =	swait.ge [sflag:s3], $0xC80  }
0x114: {  	[sflag:s3] =	ssyncset.done $0x0  }
0x115: {  	s22 =	rddreg [dreg:$0xb];
	[sflag:s3] =	ssyncadd.s32 $0xFFFFF380  }
0x116: {  	[tilespmem:s12], [sflag:$0x3] =	stream.linear.gather [hbm4b:s22+s17], $0xC80, $0x38;
	[tilespmem:$0x1D000] =	vst v63  }
0x117: {  	_ =	swait.ge [sflag:s3], $0xC80  }
0x118: {  	[sflag:s3] =	ssyncset.done $0x0  }
0x119: {  	[sflag:s3] =	ssyncadd.s32 $0xFFFFF380  }
0x11a: {  	[tilespmem:s2], [sflag:$0x1] =	stream.indirect.gather [hbm4b:s18+s6], $0x80, s11, s6, $0xb8;
	[tilespmem:$0x1D000] =	vst v63  }
0x11b: {  	s16 =	simm.s32 $0x15080  }
0x11c: {  	[tilespmem:s7], [sflag:$0x2] =	stream.indirect.gather [hbm4b:s18+s6], $0x80, s16, s6, $0xb8;
	[tilespmem:$0x1D000] =	vst v63  }
0x11d: {  	_ =	swait.ge [sflag:s8], $0x2800  }
0x11e: {  	[sflag:s8] =	ssyncset.done $0x0  }
0x11f: {  	s17 =	simm.s32 $0x17000;
	[sflag:s8] =	ssyncadd.s32 $0xFFFFD800  }
0x120: {  	[spmem:s21] =	stream.indirect.scatter.add.f32 [tilespmem:s2], [sflag:$0x3], $0x80, s17, s6, $0xb8;
	[tilespmem:$0x1D000] =	vst v63  }
0x121: {  	_ =	swait.ge [sflag:s3], $0x2800  }
0x122: {  	[sflag:s3] =	ssyncset.done $0x0  }
0x123: {  	s20 =	simm.s32 $0x15100;
	[sflag:s3] =	ssyncadd.s32 $0xFFFFD800  }
0x124: {  	[tilespmem:s2], [sflag:$0x1] =	stream.indirect.gather [hbm4b:s18+s6], $0x80, s20, s6, $0xb8;
	[tilespmem:$0x1D000] =	vst v63  }
0x125: {  	_ =	swait.ge [sflag:s9], $0x2800  }
0x126: {  	[sflag:s9] =	ssyncset.done $0x0  }
0x127: {  	s22 =	simm.s32 $0x17080;
	[sflag:s9] =	ssyncadd.s32 $0xFFFFD800  }
0x128: {  	[spmem:s21] =	stream.indirect.scatter.add.f32 [tilespmem:s7], [sflag:$0x3], $0x80, s22, s6, $0xb8;
	[tilespmem:$0x1D000] =	vst v63  }
0x129: {  	_ =	swait.ge [sflag:s3], $0x2800  }
0x12a: {  	s15 =	simm.s32 $0x100;
	s16 =	simm.s32 $0x800;
	[sflag:s3] =	ssyncset.done $0x0  }
.LBB2_8:
0x12b: {  	s17 =	sadd.s32 $0x15080, s15  }
0x12c: {  	[sflag:s3] =	ssyncadd.s32 $0xFFFFD800;
	s20 =	smov.u32 s16;
	s22 =	sadd.s32 $0x400, s16  }
0x12d: {  	[tilespmem:s7], [sflag:$0x2] =	stream.indirect.gather [hbm4b:s18+s6], $0x80, s17, s6, $0xb8;
	[tilespmem:$0x1D000] =	vst v63  }
0x12e: {  	p0 =	sne.s32 s16, $0x2C00;
	_ =	swait.ge [sflag:s8], $0x2800  }
0x12f: {  	[sflag:s8] =	ssyncset.done $0x0  }
0x130: {  	s16 =	sadd.s32 $0x17000, s15;
	[sflag:s8] =	ssyncadd.s32 $0xFFFFD800  }
0x131: {  	[spmem:s21] =	stream.indirect.scatter.add.f32 [tilespmem:s2], [sflag:$0x3], $0x80, s16, s6, $0xb8;
	[tilespmem:$0x1D000] =	vst v63  }
0x132: {  	_ =	swait.ge [sflag:s3], $0x2800  }
0x133: {  	[sflag:s3] =	ssyncset.done $0x0  }
0x134: {  	s16 =	sadd.s32 $0x15100, s15;
	[sflag:s3] =	ssyncadd.s32 $0xFFFFD800  }
0x135: {  	[tilespmem:s2], [sflag:$0x1] =	stream.indirect.gather [hbm4b:s18+s6], $0x80, s16, s6, $0xb8;
	[tilespmem:$0x1D000] =	vst v63  }
0x136: {  	_ =	swait.ge [sflag:s9], $0x2800  }
.Ltmp3:
0x137: {  	[sflag:s9] =	ssyncset.done $0x0;
	(pc) =	sbr.rel @p0 .LBB2_8-.Ltmp3, $4  }
0x138: {  	s15 =	sadd.s32 $0x17080, s15;
	[sflag:s9] =	ssyncadd.s32 $0xFFFFD800  }
0x139: {  	[spmem:s21] =	stream.indirect.scatter.add.f32 [tilespmem:s7], [sflag:$0x3], $0x80, s15, s6, $0xb8;
	[tilespmem:$0x1D000] =	vst v63  }
0x13a: {  	_ =	swait.ge [sflag:s3], $0x2800  }
0x13b: {  	s16 =	smov.u32 s22;
	s15 =	sshra.s32 s20, $0x2;
	[sflag:s3] =	ssyncset.done $0x0  }
0x13c: {  	s16 =	sadd.s32 $0x15080, s15;
	[sflag:s3] =	ssyncadd.s32 $0xFFFFD800  }
0x13d: {  	[tilespmem:s7], [sflag:$0x2] =	stream.indirect.gather [hbm4b:s18+s6], $0x80, s16, s6, $0xb8;
	[tilespmem:$0x1D000] =	vst v63  }
0x13e: {  	_ =	swait.ge [sflag:s8], $0x2800  }
0x13f: {  	[sflag:s8] =	ssyncset.done $0x0  }
0x140: {  	s20 =	sadd.s32 $0x17000, s15;
	[sflag:s8] =	ssyncadd.s32 $0xFFFFD800  }
0x141: {  	[spmem:s21] =	stream.indirect.scatter.add.f32 [tilespmem:s2], [sflag:$0x3], $0x80, s20, s6, $0xb8;
	[tilespmem:$0x1D000] =	vst v63  }
0x142: {  	_ =	swait.ge [sflag:s3], $0x2800  }
0x143: {  	[sflag:s3] =	ssyncset.done $0x0  }
0x144: {  	s22 =	sadd.s32 $0x15100, s15;
	[sflag:s3] =	ssyncadd.s32 $0xFFFFD800  }
0x145: {  	[tilespmem:s2], [sflag:$0x1] =	stream.indirect.gather [hbm4b:s18+s6], $0x80, s22, s6, $0xb8;
	[tilespmem:$0x1D000] =	vst v63  }
0x146: {  	_ =	swait.ge [sflag:s9], $0x2800  }
0x147: {  	[sflag:s9] =	ssyncset.done $0x0  }
0x148: {  	s16 =	sadd.s32 $0x17080, s15;
	[sflag:s9] =	ssyncadd.s32 $0xFFFFD800  }
0x149: {  	[spmem:s21] =	stream.indirect.scatter.add.f32 [tilespmem:s7], [sflag:$0x3], $0x80, s16, s6, $0xb8;
	[tilespmem:$0x1D000] =	vst v63  }
0x14a: {  	_ =	swait.ge [sflag:s3], $0x2800  }
0x14b: {  	[sflag:s3] =	ssyncset.done $0x0  }
0x14c: {  	[sflag:s3] =	ssyncadd.s32 $0xFFFFD800  }
0x14d: {  	_ =	swait.ge [sflag:s8], $0x2800  }
0x14e: {  	[sflag:s8] =	ssyncset.done $0x0  }
0x14f: {  	[sflag:s8] =	ssyncadd.s32 $0xFFFFD800  }
0x150: {  	[spmem:s21] =	stream.indirect.scatter.add.f32 [tilespmem:s2], [sflag:$0x3], $0x80, s13, s6, $0xb8;
	[tilespmem:$0x1D000] =	vst v63  }
0x151: {  	_ =	swait.ge [sflag:s3], $0x2800  }
0x152: {  	[sflag:s3] =	ssyncset.done $0x0  }
0x153: {  	s17 =	simm.s32 $0x0;
	s20 =	rddreg [dreg:$0xc];
	[sflag:s3] =	ssyncadd.s32 $0xFFFFD800  }
0x154: {  	[tilespmem:s4], [sflag:$0x3] =	stream.linear.gather [hbm4b:s20+s17], $0xC80, $0x38;
	[tilespmem:$0x1D000] =	vst v63  }
0x155: {  	_ =	swait.ge [sflag:s3], $0xC80  }
0x156: {  	[sflag:s3] =	ssyncset.done $0x0  }
0x157: {  	s22 =	rddreg [dreg:$0xd];
	[sflag:s3] =	ssyncadd.s32 $0xFFFFF380  }
0x158: {  	[tilespmem:s5], [sflag:$0x3] =	stream.linear.gather [hbm4b:s22+s17], $0xC80, $0x38;
	[tilespmem:$0x1D000] =	vst v63  }
0x159: {  	_ =	swait.ge [sflag:s3], $0xC80  }
0x15a: {  	[sflag:s3] =	ssyncset.done $0x0  }
0x15b: {  	[sflag:s3] =	ssyncadd.s32 $0xFFFFF380  }
0x15c: {  	[tilespmem:s2], [sflag:$0x1] =	stream.indirect.gather [hbm4b:s18+s6], $0x80, s4, s6, $0xb8;
	[tilespmem:$0x1D000] =	vst v63  }
0x15d: {  	s16 =	simm.s32 $0x14080  }
0x15e: {  	[tilespmem:s7], [sflag:$0x2] =	stream.indirect.gather [hbm4b:s18+s6], $0x80, s16, s6, $0xb8;
	[tilespmem:$0x1D000] =	vst v63  }
0x15f: {  	_ =	swait.ge [sflag:s8], $0x2800  }
0x160: {  	[sflag:s8] =	ssyncset.done $0x0  }
0x161: {  	s17 =	simm.s32 $0x16000;
	[sflag:s8] =	ssyncadd.s32 $0xFFFFD800  }
0x162: {  	[spmem:s21] =	stream.indirect.scatter.add.f32 [tilespmem:s2], [sflag:$0x3], $0x80, s17, s6, $0xb8;
	[tilespmem:$0x1D000] =	vst v63  }
0x163: {  	_ =	swait.ge [sflag:s3], $0x2800  }
0x164: {  	[sflag:s3] =	ssyncset.done $0x0  }
0x165: {  	s20 =	simm.s32 $0x14100;
	[sflag:s3] =	ssyncadd.s32 $0xFFFFD800  }
0x166: {  	[tilespmem:s2], [sflag:$0x1] =	stream.indirect.gather [hbm4b:s18+s6], $0x80, s20, s6, $0xb8;
	[tilespmem:$0x1D000] =	vst v63  }
0x167: {  	_ =	swait.ge [sflag:s9], $0x2800  }
0x168: {  	[sflag:s9] =	ssyncset.done $0x0  }
0x169: {  	s22 =	simm.s32 $0x16080;
	[sflag:s9] =	ssyncadd.s32 $0xFFFFD800  }
0x16a: {  	[spmem:s21] =	stream.indirect.scatter.add.f32 [tilespmem:s7], [sflag:$0x3], $0x80, s22, s6, $0xb8;
	[tilespmem:$0x1D000] =	vst v63  }
0x16b: {  	_ =	swait.ge [sflag:s3], $0x2800  }
0x16c: {  	s15 =	simm.s32 $0x100;
	s16 =	simm.s32 $0x800;
	[sflag:s3] =	ssyncset.done $0x0  }
.LBB2_10:
0x16d: {  	s17 =	sadd.s32 $0x14080, s15  }
0x16e: {  	[sflag:s3] =	ssyncadd.s32 $0xFFFFD800;
	s20 =	smov.u32 s16;
	s22 =	sadd.s32 $0x400, s16  }
0x16f: {  	[tilespmem:s7], [sflag:$0x2] =	stream.indirect.gather [hbm4b:s18+s6], $0x80, s17, s6, $0xb8;
	[tilespmem:$0x1D000] =	vst v63  }
0x170: {  	p0 =	sne.s32 s16, $0x2C00;
	_ =	swait.ge [sflag:s8], $0x2800  }
0x171: {  	[sflag:s8] =	ssyncset.done $0x0  }
0x172: {  	s16 =	sadd.s32 $0x16000, s15;
	[sflag:s8] =	ssyncadd.s32 $0xFFFFD800  }
0x173: {  	[spmem:s21] =	stream.indirect.scatter.add.f32 [tilespmem:s2], [sflag:$0x3], $0x80, s16, s6, $0xb8;
	[tilespmem:$0x1D000] =	vst v63  }
0x174: {  	_ =	swait.ge [sflag:s3], $0x2800  }
0x175: {  	[sflag:s3] =	ssyncset.done $0x0  }
0x176: {  	s16 =	sadd.s32 $0x14100, s15;
	[sflag:s3] =	ssyncadd.s32 $0xFFFFD800  }
0x177: {  	[tilespmem:s2], [sflag:$0x1] =	stream.indirect.gather [hbm4b:s18+s6], $0x80, s16, s6, $0xb8;
	[tilespmem:$0x1D000] =	vst v63  }
0x178: {  	_ =	swait.ge [sflag:s9], $0x2800  }
.Ltmp4:
0x179: {  	[sflag:s9] =	ssyncset.done $0x0;
	(pc) =	sbr.rel @p0 .LBB2_10-.Ltmp4, $4  }
0x17a: {  	s15 =	sadd.s32 $0x16080, s15;
	[sflag:s9] =	ssyncadd.s32 $0xFFFFD800  }
0x17b: {  	[spmem:s21] =	stream.indirect.scatter.add.f32 [tilespmem:s7], [sflag:$0x3], $0x80, s15, s6, $0xb8;
	[tilespmem:$0x1D000] =	vst v63  }
0x17c: {  	_ =	swait.ge [sflag:s3], $0x2800  }
0x17d: {  	s16 =	smov.u32 s22;
	s15 =	sshra.s32 s20, $0x2;
	[sflag:s3] =	ssyncset.done $0x0  }
0x17e: {  	s16 =	sadd.s32 $0x14080, s15;
	[sflag:s3] =	ssyncadd.s32 $0xFFFFD800  }
0x17f: {  	[tilespmem:s7], [sflag:$0x2] =	stream.indirect.gather [hbm4b:s18+s6], $0x80, s16, s6, $0xb8;
	[tilespmem:$0x1D000] =	vst v63  }
0x180: {  	_ =	swait.ge [sflag:s8], $0x2800  }
0x181: {  	[sflag:s8] =	ssyncset.done $0x0  }
0x182: {  	s17 =	sadd.s32 $0x16000, s15;
	[sflag:s8] =	ssyncadd.s32 $0xFFFFD800  }
0x183: {  	[spmem:s21] =	stream.indirect.scatter.add.f32 [tilespmem:s2], [sflag:$0x3], $0x80, s17, s6, $0xb8;
	[tilespmem:$0x1D000] =	vst v63  }
0x184: {  	_ =	swait.ge [sflag:s3], $0x2800  }
0x185: {  	[sflag:s3] =	ssyncset.done $0x0  }
0x186: {  	s20 =	sadd.s32 $0x14100, s15;
	[sflag:s3] =	ssyncadd.s32 $0xFFFFD800  }
0x187: {  	[tilespmem:s2], [sflag:$0x1] =	stream.indirect.gather [hbm4b:s18+s6], $0x80, s20, s6, $0xb8;
	[tilespmem:$0x1D000] =	vst v63  }
0x188: {  	_ =	swait.ge [sflag:s9], $0x2800  }
0x189: {  	[sflag:s9] =	ssyncset.done $0x0  }
0x18a: {  	s22 =	sadd.s32 $0x16080, s15;
	[sflag:s9] =	ssyncadd.s32 $0xFFFFD800  }
0x18b: {  	[spmem:s21] =	stream.indirect.scatter.add.f32 [tilespmem:s7], [sflag:$0x3], $0x80, s22, s6, $0xb8;
	[tilespmem:$0x1D000] =	vst v63  }
0x18c: {  	_ =	swait.ge [sflag:s3], $0x2800  }
0x18d: {  	[sflag:s3] =	ssyncset.done $0x0  }
0x18e: {  	[sflag:s3] =	ssyncadd.s32 $0xFFFFD800  }
0x18f: {  	_ =	swait.ge [sflag:s8], $0x2800  }
0x190: {  	[sflag:s8] =	ssyncset.done $0x0  }
0x191: {  	[sflag:s8] =	ssyncadd.s32 $0xFFFFD800  }
0x192: {  	[spmem:s21] =	stream.indirect.scatter.add.f32 [tilespmem:s2], [sflag:$0x3], $0x80, s10, s6, $0xb8;
	[tilespmem:$0x1D000] =	vst v63  }
0x193: {  	_ =	swait.ge [sflag:s3], $0x2800  }
0x194: {  	[sflag:s3] =	ssyncset.done $0x0  }
0x195: {  	[sflag:s3] =	ssyncadd.s32 $0xFFFFD800  }
0x196: {  	[bflag:$0x0] =	sbarrier.arrive $0xFFFF  }
0x197: {  	[tilespmem:s2], [sflag:$0x3] =	stream.linear.gather [spmem:s24], $0x2800, $0x38;
	[tilespmem:$0x1D000] =	vst v63  }
0x198: {  	_ =	swait.ge [sflag:s3], $0x2800  }
0x199: {  	[sflag:s3] =	ssyncset.done $0x0  }
0x19a: {  	s16 =	rddreg [dreg:$0xe];
	[sflag:s3] =	ssyncadd.s32 $0xFFFFD800  }
0x19b: {  	[hbm4b:s16+s0] =	stream.linear.scatter [tilespmem:s2], [sflag:$0x3], $0x2800, $0x38;
	[tilespmem:$0x1D000] =	vst v63  }
0x19c: {  	_ =	swait.ge [sflag:s3], $0x2800  }
0x19d: {  	[sflag:s3] =	ssyncset.done $0x0  }
0x19e: {  	[sflag:s3] =	ssyncadd.s32 $0xFFFFD800  }
0x19f: {  	[tilespmem:s2], [sflag:$0x3] =	stream.linear.gather [spmem:s25], $0x2800, $0x38;
	[tilespmem:$0x1D000] =	vst v63  }
0x1a0: {  	_ =	swait.ge [sflag:s3], $0x2800  }
0x1a1: {  	[sflag:s3] =	ssyncset.done $0x0  }
0x1a2: {  	s17 =	rddreg [dreg:$0xf];
	[sflag:s3] =	ssyncadd.s32 $0xFFFFD800  }
0x1a3: {  	[hbm4b:s17+s0] =	stream.linear.scatter [tilespmem:s2], [sflag:$0x3], $0x2800, $0x38;
	[tilespmem:$0x1D000] =	vst v63  }
0x1a4: {  	_ =	swait.ge [sflag:s3], $0x2800  }
0x1a5: {  	[sflag:s3] =	ssyncset.done $0x0  }
0x1a6: {  	[sflag:s3] =	ssyncadd.s32 $0xFFFFD800  }
0x1a7: {  	[tilespmem:s2], [sflag:$0x3] =	stream.linear.gather [spmem:s26], $0x2800, $0x38;
	[tilespmem:$0x1D000] =	vst v63  }
0x1a8: {  	_ =	swait.ge [sflag:s3], $0x2800  }
0x1a9: {  	[sflag:s3] =	ssyncset.done $0x0  }
0x1aa: {  	s20 =	rddreg [dreg:$0x10];
	[sflag:s3] =	ssyncadd.s32 $0xFFFFD800  }
0x1ab: {  	[hbm4b:s20+s0] =	stream.linear.scatter [tilespmem:s2], [sflag:$0x3], $0x2800, $0x38;
	[tilespmem:$0x1D000] =	vst v63  }
0x1ac: {  	_ =	swait.ge [sflag:s3], $0x2800  }
0x1ad: {  	[sflag:s3] =	ssyncset.done $0x0  }
0x1ae: {  	[sflag:s3] =	ssyncadd.s32 $0xFFFFD800  }
0x1af: {  	[tilespmem:s2], [sflag:$0x3] =	stream.linear.gather [spmem:s28], $0x2800, $0x38;
	[tilespmem:$0x1D000] =	vst v63  }
0x1b0: {  	_ =	swait.ge [sflag:s3], $0x2800  }
0x1b1: {  	[sflag:s3] =	ssyncset.done $0x0  }
0x1b2: {  	s22 =	rddreg [dreg:$0x11];
	[sflag:s3] =	ssyncadd.s32 $0xFFFFD800  }
0x1b3: {  	[hbm4b:s22+s0] =	stream.linear.scatter [tilespmem:s2], [sflag:$0x3], $0x2800, $0x38;
	[tilespmem:$0x1D000] =	vst v63  }
0x1b4: {  	_ =	swait.ge [sflag:s3], $0x2800  }
0x1b5: {  	[sflag:s3] =	ssyncset.done $0x0  }
0x1b6: {  	[sflag:s3] =	ssyncadd.s32 $0xFFFFD800  }
0x1b7: {  	[tilespmem:s2], [sflag:$0x3] =	stream.linear.gather [spmem:s29], $0x2800, $0x38;
	[tilespmem:$0x1D000] =	vst v63  }
0x1b8: {  	_ =	swait.ge [sflag:s3], $0x2800  }
0x1b9: {  	[sflag:s3] =	ssyncset.done $0x0  }
0x1ba: {  	s16 =	rddreg [dreg:$0x12];
	[sflag:s3] =	ssyncadd.s32 $0xFFFFD800  }
0x1bb: {  	[hbm4b:s16+s0] =	stream.linear.scatter [tilespmem:s2], [sflag:$0x3], $0x2800, $0x38;
	[tilespmem:$0x1D000] =	vst v63  }
0x1bc: {  	_ =	swait.ge [sflag:s3], $0x2800  }
0x1bd: {  	[sflag:s3] =	ssyncset.done $0x0  }
0x1be: {  	[sflag:s3] =	ssyncadd.s32 $0xFFFFD800  }
0x1bf: {  	[tilespmem:s2], [sflag:$0x3] =	stream.linear.gather [spmem:s30], $0x2800, $0x38;
	[tilespmem:$0x1D000] =	vst v63  }
0x1c0: {  	_ =	swait.ge [sflag:s3], $0x2800  }
0x1c1: {  	[sflag:s3] =	ssyncset.done $0x0  }
0x1c2: {  	s17 =	rddreg [dreg:$0x13];
	[sflag:s3] =	ssyncadd.s32 $0xFFFFD800  }
0x1c3: {  	[hbm4b:s17+s0] =	stream.linear.scatter [tilespmem:s2], [sflag:$0x3], $0x2800, $0x38;
	[tilespmem:$0x1D000] =	vst v63  }
0x1c4: {  	_ =	swait.ge [sflag:s3], $0x2800  }
0x1c5: {  	[sflag:s3] =	ssyncset.done $0x0  }
0x1c6: {  	[sflag:s3] =	ssyncadd.s32 $0xFFFFD800  }
0x1c7: {  	[tilespmem:s2], [sflag:$0x3] =	stream.linear.gather [spmem:s31], $0x2800, $0x38;
	[tilespmem:$0x1D000] =	vst v63  }
0x1c8: {  	_ =	swait.ge [sflag:s3], $0x2800  }
0x1c9: {  	[sflag:s3] =	ssyncset.done $0x0  }
0x1ca: {  	s20 =	rddreg [dreg:$0x14];
	[sflag:s3] =	ssyncadd.s32 $0xFFFFD800  }
0x1cb: {  	[hbm4b:s20+s0] =	stream.linear.scatter [tilespmem:s2], [sflag:$0x3], $0x2800, $0x38;
	[tilespmem:$0x1D000] =	vst v63  }
0x1cc: {  	_ =	swait.ge [sflag:s3], $0x2800  }
0x1cd: {  	[sflag:s3] =	ssyncset.done $0x0  }
0x1ce: {  	[sflag:s3] =	ssyncadd.s32 $0xFFFFD800  }
0x1cf: {  	[tilespmem:s2], [sflag:$0x3] =	stream.linear.gather [spmem:s19], $0x2800, $0x38;
	[tilespmem:$0x1D000] =	vst v63  }
0x1d0: {  	s14 =	sadd.s32 $0x1, s14;
	_ =	swait.ge [sflag:s3], $0x2800  }
0x1d1: {  	p0 =	sne.s32 s14, s1;
	[sflag:s3] =	ssyncset.done $0x0  }
.Ltmp5:
0x1d2: {  	s22 =	rddreg [dreg:$0x15];
	[sflag:s3] =	ssyncadd.s32 $0xFFFFD800;
	(pc) =	sbr.rel @p0 .LBB2_1-.Ltmp5, $4  }
0x1d3: {  	[hbm4b:s22+s0] =	stream.linear.scatter [tilespmem:s2], [sflag:$0x3], $0x2800, $0x38;
	[tilespmem:$0x1D000] =	vst v63  }
0x1d4: {  	_ =	swait.ge [sflag:s3], $0x2800  }
0x1d5: {  	[sflag:s3] =	ssyncset.done $0x0  }
0x1d6: {  	[sflag:s3] =	ssyncadd.s32 $0xFFFFD800  }
0x1d7: {  	_ =	sfence.sel $0x180000  }
0x1d8: {  	[bflag:$0x0] =	sbarrier.arrive $0xFFFF  }
0x1d9: {  	_ =	strace $0x9000004A  }
0x1da: {  	s0 =	stileid.u32;
	[bflag:$0x2] =	sbarrier.arrive $0xFFFF  }
0x1db: {  	p0 =	sne.s32 s0, $0x0;
	s0 =	rddreg [dreg:$0x3]  }
0x1dc: {  	s0 =	sadd.s32 @!p0 $0x100000, s0  }
0x1dd: {  	[sflag:s0] =	ssyncadd.tile.s32 @!p0 $0x1;
	_ =	shalt  }
.Lfunc_end2:
_tile_overlayer_lowered:
.L_overlay_start_2:
0x1de: {  	(tag) =	ssettag $0x2  }
0x1df: {  	s0 =	rddreg [dreg:$0x0];
	s2 =	stileid.u32  }
0x1e0: {  	s1 =	rddreg [dreg:$0x1];
	p0 =	sne.s32 s2, $0x0  }
0x1e1: {  	s3 =	rddreg [dreg:$0x2];
	[bflag:$0x3] =	sbarrier.arrive $0xFFFF;
	s2 =	simm.s32 @!p0 $0x1C03  }
0x1e2: {  	[timem:s3], [sflag:s2] =	dma.local @!p0 [hbm:s0], s1  }
0x1e3: {  	s0 =	simm.s32 @!p0 $0x3  }
0x1e4: {  	_ =	swait.ge @!p0 [sflag:s0], s1  }
0x1e5: {  	s1 =	ssub.s32 @!p0 $0x0, s1;
	[sflag:s0] =	ssyncset.done @!p0 $0x0  }
0x1e6: {  	[sflag:s0] =	ssyncadd.s32 @!p0 s1  }
0x1e7: {  	[bflag:$0x3] =	sbarrier.arrive $0xFFFF  }
0x1e8: {  	_ =	shalt  }

// kernel: kernel.13.cloned.1.call-start
scs
__scs_entry_jumppad:
0x0: {  	(pc) =	sbr.rel $0x88, $3  }
0x1: {  	(tag) =	ssettag $0x0;
	lr =	simm.s32 $0x1  }
0x2: {  	[smem:$0x3F99] =	sst lr;
	_ =	strace $0xD0000000  }
0x3: {  	_ = 	snop  }
0x4: {  	_ = 	snop  }
0x5: {  	_ = 	snop  }
0x6: {  	_ = 	snop  }
0x7: {  	_ = 	snop  }
__scs_overlays_trampoline_lowered:
0x8: {  	[smem:$0x3FA8] =	sst s0  }
0x9: {  	[smem:$0x3FA9] =	sst s1  }
0xa: {  	[smem:$0x3FAA] =	sst s2  }
0xb: {  	[smem:$0x3FAB] =	sst s3  }
0xc: {  	[smem:$0x3FAC] =	sst s4  }
0xd: {  	[smem:$0x3FAD] =	sst s5  }
0xe: {  	[smem:$0x3FAE] =	sst s6  }
0xf: {  	[smem:$0x3FAF] =	sst s7  }
0x10: {  	[smem:$0x3FB0] =	sst s8  }
0x11: {  	[smem:$0x3FB1] =	sst s9;
	s0 =	simm.s32 @!p0 $0x0  }
0x12: {  	s1 =	sld [smem:$0x3F97];
	s0 =	simm.s32 @p0 $0x1  }
0x13: {  	[smem:$0x3FB2] =	sst s0;
	s0 =	simm.s32 @!p1 $0x0  }
0x14: {  	s2 =	sld [smem:$0x3F96];
	s0 =	simm.s32 @p1 $0x1  }
0x15: {  	[smem:$0x3FB3] =	sst s0;
	s0 =	simm.s32 @!p2 $0x0  }
0x16: {  	s3 =	sld [smem:$0x3FDB];
	s0 =	simm.s32 @p2 $0x1  }
0x17: {  	s4 =	simm.s32 $0x1BF5;
	[smem:$0x3FB5] =	sst s0  }
0x18: {  	s0 =	sld [smem:$0x3F98];
	_ =	swait.ge [sflag:s4], $0x0  }
0x19: {  	s7 =	sld [smem:$0x3F99]  }
0x1a: {  	s8 =	sadd.s32 $0xFFFFE003, lr  }
0x1b: {  	s9 =	sadd.s32 $0xFFFFFEF7, lr;
	s5 =	simm.s32 $0xFFFFFFFF;
	p2 =	slt.u32 s8, $0xFFFFF086  }
0x1c: {  	p1 =	slt.u32 s9, $0xF7A;
	s5 =	simm.s32 @!p2 $0x0  }
0x1d: {  	s5 =	simm.s32 @p1 $0x1;
	p0 =	seq.s32 s7, s2  }
0x1e: {  	s7 =	smul.u32 @!p0 $0xF7A, s2;
	p2 =	seq.s32 @!p0 s5, $0x0  }
0x1f: {  	s9 =	smul.u32 $0xF7A, s1;
	s8 =	simm.s32 @!p0 $0x1BF5;
	p2 =	por !p2, p0  }
0x20: {  	[sflag:s8] =	ssyncset.s32 @!p0 $0xFFFFF086;
	s6 =	sadd.s32 @!p0 s3, s7;
	s7 =	simm.s32 @!p0 $0x108  }
0x21: {  	s3 =	sadd.s32 s3, s9;
	s6 =	sadd.s32 @!p0 $0x88, s6;
	s7 =	simm.s32 @p2 $0x1082  }
0x22: {  	[simem:s7], [sflag:s8] =	dma.local @!p0 [hbm:s6], $0xF7A  }
0x23: {  	s9 =	sor.u32 $0xD0000000, s2;
	s6 =	simm.s32 $0x108;
	_ =	swait.ge @!p0 [sflag:s8], $0x0  }
0x24: {  	s3 =	sadd.s32 $0x88, s3;
	s6 =	simm.s32 @!p1 $0x1082;
	[sflag:s4] =	ssyncset.s32 $0xFFFFF086  }
0x25: {  	[simem:s6], [sflag:s4] =	dma.local [hbm:s3], $0xF7A  }
0x26: {  	[smem:$0x3F99] =	sst s1;
	(tag) =	ssettag s2;
	_ =	strace s9  }
0x27: {  	s1 =	sld [smem:$0x3FA9]  }
0x28: {  	s2 =	sld [smem:$0x3FAA]  }
0x29: {  	s4 =	sld [smem:$0x3FAC]  }
0x2a: {  	p0 =	seq.s32 s5, $0x0;
	s5 =	sld [smem:$0x3FAD]  }
0x2b: {  	s6 =	sld [smem:$0x3FAE]  }
0x2c: {  	s7 =	sld [smem:$0x3FAF]  }
0x2d: {  	s3 =	simm.s32 $0x108;
	s8 =	sld [smem:$0x3FB0]  }
0x2e: {  	s3 =	simm.s32 @!p0 $0x1082;
	s9 =	sld [smem:$0x3FB1]  }
0x2f: {  	lr =	sadd.s32 s0, s3;
	s0 =	sld [smem:$0x3FA8]  }
0x30: {  	s3 =	sld [smem:$0x3FAB]  }
0x31: {  	[smem:$0x3FB4] =	sst s10  }
0x32: {  	s10 =	sld [smem:$0x3FB2];
	_ =	sdelay $0x3  }
0x33: {  	p0 =	seq.s32 s10, $0x1;
	s10 =	sld [smem:$0x3FB4];
	_ =	sdelay $0x3  }
0x34: {  	[smem:$0x3FB4] =	sst s10  }
0x35: {  	s10 =	sld [smem:$0x3FB3];
	_ =	sdelay $0x3  }
0x36: {  	p1 =	seq.s32 s10, $0x1;
	s10 =	sld [smem:$0x3FB4];
	_ =	sdelay $0x3  }
0x37: {  	[smem:$0x3FB4] =	sst s10  }
0x38: {  	s10 =	sld [smem:$0x3FB5]  }
0x39: {  	_ = 	snop;
	(pc) =	sbr.ind lr, $3  }
0x3a: {  	_ = 	snop  }
0x3b: {  	_ = 	snop  }
0x3c: {  	p2 =	seq.s32 s10, $0x1;
	s10 =	sld [smem:$0x3FB4]  }
0x3d: {  	_ =	shalt  }
0x3e: {  	_ =	shalt  }
0x3f: {  	_ =	shalt  }
0x40: {  	_ =	shalt  }
0x41: {  	_ =	shalt  }
0x42: {  	_ =	shalt  }
0x43: {  	_ =	shalt  }
0x44: {  	_ =	shalt  }
0x45: {  	_ =	shalt  }
0x46: {  	_ =	shalt  }
0x47: {  	_ =	shalt  }
0x48: {  	_ =	shalt  }
0x49: {  	_ =	shalt  }
0x4a: {  	_ =	shalt  }
0x4b: {  	_ =	shalt  }
0x4c: {  	_ =	shalt  }
0x4d: {  	_ =	shalt  }
0x4e: {  	_ =	shalt  }
0x4f: {  	_ =	shalt  }
0x50: {  	_ =	shalt  }
0x51: {  	_ =	shalt  }
0x52: {  	_ =	shalt  }
0x53: {  	_ =	shalt  }
0x54: {  	_ =	shalt  }
0x55: {  	_ =	shalt  }
0x56: {  	_ =	shalt  }
0x57: {  	_ =	shalt  }
0x58: {  	_ =	shalt  }
0x59: {  	_ =	shalt  }
0x5a: {  	_ =	shalt  }
0x5b: {  	_ =	shalt  }
0x5c: {  	_ =	shalt  }
0x5d: {  	_ =	shalt  }
0x5e: {  	_ =	shalt  }
0x5f: {  	_ =	shalt  }
0x60: {  	_ =	shalt  }
0x61: {  	_ =	shalt  }
0x62: {  	_ =	shalt  }
0x63: {  	_ =	shalt  }
0x64: {  	_ =	shalt  }
0x65: {  	_ =	shalt  }
0x66: {  	_ =	shalt  }
0x67: {  	_ =	shalt  }
0x68: {  	_ =	shalt  }
0x69: {  	_ =	shalt  }
0x6a: {  	_ =	shalt  }
0x6b: {  	_ =	shalt  }
0x6c: {  	_ =	shalt  }
0x6d: {  	_ =	shalt  }
0x6e: {  	_ =	shalt  }
0x6f: {  	_ =	shalt  }
0x70: {  	_ =	shalt  }
0x71: {  	_ =	shalt  }
0x72: {  	_ =	shalt  }
0x73: {  	_ =	shalt  }
0x74: {  	_ =	shalt  }
0x75: {  	_ =	shalt  }
0x76: {  	_ =	shalt  }
0x77: {  	_ =	shalt  }
0x78: {  	_ =	shalt  }
0x79: {  	_ =	shalt  }
0x7a: {  	_ =	shalt  }
0x7b: {  	_ =	shalt  }
0x7c: {  	_ =	shalt  }
0x7d: {  	_ =	shalt  }
0x7e: {  	_ =	shalt  }
0x7f: {  	_ =	shalt  }
0x80: {  	_ =	shalt  }
0x81: {  	_ =	shalt  }
0x82: {  	_ =	shalt  }
0x83: {  	_ =	shalt  }
0x84: {  	_ =	shalt  }
0x85: {  	_ =	shalt  }
0x86: {  	_ =	shalt  }
0x87: {  	_ =	shalt  }
.Lfunc_end0:
.L_simem_size_0:
called_computation.2_lowered:
.L_overlay_start_0:
0x88: {  	s2 =	sld [smem:$0x3FD9]  }
0x89: {  	s3 =	sld [smem:$0x3FFE];
	_ =	sdelay $0x1  }
0x8a: {  	s1 =	srdreg.scid  }
0x8b: {  	s0 =	sand.u32 $0x1, s1  }
0x8c: {  	s17 =	sshll.u32 s0, $0xA;
	s2 =	sadd.s32 s3, s2  }
0x8d: {  	s2 =	sadd.s32 s2, s17  }
0x8e: {  	[smem:$0x3FC0] =	sst s2  }
0x8f: {  	_ = 	snop  }
0x90: {  	s2 =	sld [smem:$0x3FD0];
	(tm) =	ssettm $0x1  }
0x91: {  	s18 =	sld [smem:$0x3FFB];
	_ =	sdelay $0x3  }
0x92: {  	_ =	strace s18  }
0x93: {  	s3 =	sld [smem:$0x3FFC];
	_ =	sdelay $0x3  }
0x94: {  	_ =	strace s3  }
0x95: {  	s3 =	sld [smem:$0x3FFD];
	_ =	sdelay $0x3  }
0x96: {  	_ =	strace s3  }
0x97: {  	_ =	strace $0x8FFFFFFF  }
0x98: {  	s19 =	sld [smem:$0x3FDB];
	_ =	sdelay $0x1  }
0x99: {  	s4 =	simm.s32 $_scs_section_size  }
0x9a: {  	s5 =	simm.s32 $_size__tile_overlayer_lowered;
	s6 =	simm.s32 $_tile_overlayer_lowered  }
0x9b: {  	s22 =	simm.s32 $0x1BFF;
	s21 =	sshll.u32 s6, $0x1;
	s3 =	sadd.s32 s4, s19  }
0x9c: {  	s7 =	simm.s32 $0x0;
	s20 =	sshll.u32 s5, $0x1;
	s5 =	sadd.s32 s21, s3  }
0x9d: {  	[timem:s7], [sflag:s22] =	dma.local [hbm:s5], s20  }
0x9e: {  	_ =	swait.ge [sflag:s22], s20  }
0x9f: {  	s4 =	ssub.s32 $0x0, s20;
	[sflag:s22] =	ssyncset.done $0x0  }
0xa0: {  	[sflag:s22] =	ssyncadd.s32 s4;
	_ =	sdelay $0x1  }
0xa1: {  	s23 =	simm.s32 $0x1B8B  }
0xa2: {  	_ =	swait.ge [sflag:s23], $0x1  }
0xa3: {  	[sflag:s23] =	ssyncset.done $0x0  }
0xa4: {  	s25 =	simm.s32 $0x1B8E;
	s24 =	sld [smem:$0x3FFE];
	[sflag:s23] =	ssyncadd.s32 $0xFFFFFFFF  }
0xa5: {  	s26 =	simm.s32 $execute0_lowered;
	[smem:$0x3FD2] =	sst s25  }
0xa6: {  	s5 =	sshll.u32 s26, $0x1;
	_ =	strace $0x8000004C;
	[dreg:$0x1] =	wrdreg $0xFFFFFFFF  }
0xa7: {  	s28 =	simm.s32 $_size_execute0_lowered;
	s3 =	sadd.s32 s3, s5;
	[dreg:$0x0] =	wrdreg $0x0  }
0xa8: {  	s5 =	sshll.u32 s28, $0x1;
	[dreg:$0x2] =	wrdreg s3  }
0xa9: {  	[dreg:$0x3] =	wrdreg s5  }
0xaa: {  	[dreg:$0x4] =	wrdreg $0xC0  }
0xab: {  	_ =	task [dreg:s7], $0x5FFFF  }
0xac: {  	[dreg:$0x1] =	wrdreg $0xFFFFFFFF  }
0xad: {  	[dreg:$0x0] =	wrdreg $0x60  }
0xae: {  	[dreg:$0x2] =	wrdreg s2  }
0xaf: {  	[dreg:$0x3] =	wrdreg s24  }
0xb0: {  	[dreg:$0x4] =	wrdreg $0x0  }
0xb1: {  	[dreg:$0x5] =	wrdreg $0x9  }
0xb2: {  	_ =	task.clear_ibuf [dreg:s7], $0x6FFFF;
	_ =	strace $0x9000004C  }
0xb3: {  	s29 =	simm.s32 $0x9;
	_ =	strace $0x8000004E  }
0xb4: {  	_ =	swait.ge [sflag:s29], $0x1  }
0xb5: {  	[sflag:s29] =	ssyncadd.s32 $0xFFFFFFFF  }
0xb6: {  	_ =	strace $0x9000004E  }
0xb7: {  	_ =	sfence  }
0xb8: {  	s30 =	sld [smem:$0x0];
	_ =	sdelay $0x2  }
0xb9: {  	s31 =	sshll.u32 s1, $0xD;
	s1 =	sshrl.u32 s1, $0x2  }
0xba: {  	s3 =	sand.u32 $0x4000, s31;
	s1 =	sadd.s32 s1, s30  }
0xbb: {  	s0 =	sor.u32 s3, s0;
	s1 =	sshll.u32 s1, $0x11  }
0xbc: {  	s0 =	sor.u32 s1, s0  }
0xbd: {  	s0 =	sadd.s32 $0x8F2B, s0  }
0xbe: {  	[sflag:s0] =	ssyncadd.remote.s32 $0x1  }
0xbf: {  	_ =	sfence.sel $0xFFFF  }
0xc0: {  	[dreg:$0x0] =	wrdreg $0xFFFFFFFF;
	(pc) =	sbr.abs _section_cstart, $3  }
0xc1: {  	[dreg:$0x1] =	wrdreg $0xFFFFFFFF  }
0xc2: {  	_ =	task.clear_ibuf [dreg:s7], $0x2FFFF;
	_ =	strace $0x9FFFFFFF  }
0xc3: {  	(tm) =	ssettm $0x7FFFFFFF  }
tec
execute0_lowered:
.L_overlay_start_1:
0x0: {  	(tag) =	ssettag $0x1  }
0x1: {  	s1 =	rddreg [dreg:$0x1]  }
0x2: {  	s0 =	simm.s32 $0x0;
	s2 =	srdreg.scid;
	s19 =	stileid.u32  }
0x3: {  	[smem:$0x7FF] =	sst s0;
	s3 =	sadd.s32 $0x20400, s1;
	s4 =	sadd.s32 $0xC400, s1  }
0x4: {  	s5 =	sand.u32 $0x1, s2;
	s7 =	smul.u32 $0x14000, s19;
	s8 =	sadd.s32 $0x34400, s1  }
0x5: {  	s2 =	ssub.s32 $0x2, s5;
	s6 =	sshll.u32 s5, $0x4;
	s5 =	smul.u32 $0x140000, s5  }
0x6: {  	s9 =	sshrl.u32 s2, $0x1;
	s6 =	sor.u32 s19, s6;
	s10 =	sadd.s32 $0x5000, s7  }
0x7: {  	s11 =	sadd.s32 $0x7800, s7;
	s12 =	sadd.s32 $0xA000, s7;
	s6 =	smul.u32 $0x5000, s6  }
0x8: {  	s13 =	sadd.s32 $0xC800, s7;
	s14 =	sadd.s32 $0xF000, s7;
	s15 =	sadd.s32 $0x11800, s7  }
0x9: {  	s2 =	ssub.s32 s2, s9;
	s9 =	sor.u32 $0x2800, s7;
	s6 =	sshrl.u32 s6, $0x3  }
0xa: {  	s7 =	sadd.s32 s7, s5;
	s16 =	sadd.s32 s3, s6;
	s23 =	sadd.s32 $0x200, s6  }
0xb: {  	s17 =	sadd.s32 s4, s6;
	s25 =	sadd.s32 $0x400, s6;
	[dreg:$0x4] =	wrdreg s16  }
0xc: {  	s26 =	sadd.s32 $0x600, s6;
	[dreg:$0x5] =	wrdreg s17;
	s24 =	sadd.s32 s3, s23  }
0xd: {  	s6 =	sadd.s32 $0x800, s6;
	s16 =	sadd.s32 s4, s23;
	[dreg:$0x6] =	wrdreg s24  }
0xe: {  	s18 =	sadd.s32 s3, s25;
	s20 =	sadd.s32 s3, s26;
	[dreg:$0x7] =	wrdreg s16  }
0xf: {  	s21 =	sadd.s32 s4, s26;
	s3 =	sadd.s32 s3, s6;
	[dreg:$0x8] =	wrdreg s18  }
0x10: {  	s22 =	sadd.s32 s4, s6;
	s23 =	sshrl.u32 s7, $0x3;
	[dreg:$0xa] =	wrdreg s20  }
0x11: {  	s26 =	sadd.s32 s5, s11;
	s17 =	sadd.s32 s5, s12;
	[dreg:$0xb] =	wrdreg s21  }
0x12: {  	s6 =	simm.s32 $0x50;
	s16 =	sadd.s32 s4, s25;
	[dreg:$0xc] =	wrdreg s3  }
0x13: {  	[dreg:$0xd] =	wrdreg s22;
	s3 =	sadd.s32 s8, s23;
	s24 =	sadd.s32 s5, s9  }
0x14: {  	s25 =	sadd.s32 s5, s10;
	s18 =	sadd.s32 s5, s13;
	s20 =	sadd.s32 s5, s14  }
0x15: {  	s23 =	sadd.s32 s5, s15;
	s5 =	simm.s32 $0x16000;
	[dreg:$0x9] =	wrdreg s16  }
0x16: {  	[dreg:$0xe] =	wrdreg s3;
	s3 =	sshrl.u32 s24, $0x3;
	s4 =	sshrl.u32 s25, $0x3  }
0x17: {  	s16 =	sshrl.u32 s26, $0x3;
	s22 =	sshrl.u32 s20, $0x3;
	s3 =	sadd.s32 s8, s3  }
0x18: {  	s7 =	sadd.s32 s8, s4;
	s4 =	sshrl.u32 s18, $0x3;
	s18 =	rddreg [dreg:$0x0]  }
0x19: {  	s24 =	smul.u32 $0x50000, s19;
	s25 =	sshrl.u32 s23, $0x3;
	[dreg:$0xf] =	wrdreg s3  }
0x1a: {  	s23 =	sadd.s32 $0x1E00, s1;
	[dreg:$0x10] =	wrdreg s7;
	s3 =	sadd.s32 s8, s16  }
0x1b: {  	s1 =	smax.u32 s2, $0x1;
	s21 =	sadd.s32 s8, s4;
	[dreg:$0x11] =	wrdreg s3  }
0x1c: {  	s2 =	simm.s32 $0x18000;
	s26 =	sshrl.u32 s24, $0x2;
	[dreg:$0x13] =	wrdreg s21  }
0x1d: {  	s4 =	simm.s32 $0x14000;
	s3 =	sshrl.u32 s17, $0x3;
	s21 =	rddreg [dreg:$0x2]  }
0x1e: {  	s7 =	simm.s32 $0x1A800;
	s3 =	sadd.s32 s8, s3;
	s24 =	sadd.s32 s26, s21  }
0x1f: {  	s26 =	sadd.s32 s10, s21;
	s28 =	sadd.s32 s11, s21;
	s29 =	sadd.s32 s12, s21  }
0x20: {  	s30 =	sadd.s32 s13, s21;
	s31 =	sadd.s32 s14, s21;
	s19 =	sadd.s32 s15, s21  }
0x21: {  	s10 =	simm.s32 $0x16C00;
	s11 =	simm.s32 $0x15000;
	s12 =	simm.s32 $0x17000  }
0x22: {  	s13 =	simm.s32 $0x17C00;
	[dreg:$0x12] =	wrdreg s3;
	s3 =	sadd.s32 s8, s22  }
0x23: {  	s14 =	simm.s32 $0x0;
	[dreg:$0x14] =	wrdreg s3;
	s3 =	sadd.s32 s8, s25  }
0x24: {  	s25 =	sadd.s32 s9, s21;
	s8 =	simm.s32 $0x1;
	[dreg:$0x15] =	wrdreg s3  }
0x25: {  	s9 =	simm.s32 $0x2;
	s3 =	simm.s32 $0x3;
	_ =	strace $0x8000004D  }
.LBB2_1:
0x26: {  	[tilespmem:s2], [sflag:$0x3] =	stream.linear.gather [hbm4b:s23+s0], $0x2800, $0x38;
	[tilespmem:$0x1D000] =	vst v63  }
0x27: {  	_ =	swait.ge [sflag:s3], $0x2800  }
0x28: {  	[sflag:s3] =	ssyncset.done $0x0  }
0x29: {  	[sflag:s3] =	ssyncadd.s32 $0xFFFFD800  }
0x2a: {  	[spmem:s24] =	stream.linear.scatter [tilespmem:s2], [sflag:$0x3], $0x2800, $0x38;
	[tilespmem:$0x1D000] =	vst v63  }
0x2b: {  	_ =	swait.ge [sflag:s3], $0x2800  }
0x2c: {  	[sflag:s3] =	ssyncset.done $0x0  }
0x2d: {  	[sflag:s3] =	ssyncadd.s32 $0xFFFFD800  }
0x2e: {  	[spmem:s25] =	stream.linear.scatter [tilespmem:s2], [sflag:$0x3], $0x2800, $0x38;
	[tilespmem:$0x1D000] =	vst v63  }
0x2f: {  	_ =	swait.ge [sflag:s3], $0x2800  }
0x30: {  	[sflag:s3] =	ssyncset.done $0x0  }
0x31: {  	[sflag:s3] =	ssyncadd.s32 $0xFFFFD800  }
0x32: {  	[spmem:s26] =	stream.linear.scatter [tilespmem:s2], [sflag:$0x3], $0x2800, $0x38;
	[tilespmem:$0x1D000] =	vst v63  }
0x33: {  	_ =	swait.ge [sflag:s3], $0x2800  }
0x34: {  	[sflag:s3] =	ssyncset.done $0x0  }
0x35: {  	[sflag:s3] =	ssyncadd.s32 $0xFFFFD800  }
0x36: {  	[spmem:s28] =	stream.linear.scatter [tilespmem:s2], [sflag:$0x3], $0x2800, $0x38;
	[tilespmem:$0x1D000] =	vst v63  }
0x37: {  	_ =	swait.ge [sflag:s3], $0x2800  }
0x38: {  	[sflag:s3] =	ssyncset.done $0x0  }
0x39: {  	[sflag:s3] =	ssyncadd.s32 $0xFFFFD800  }
0x3a: {  	[spmem:s29] =	stream.linear.scatter [tilespmem:s2], [sflag:$0x3], $0x2800, $0x38;
	[tilespmem:$0x1D000] =	vst v63  }
0x3b: {  	_ =	swait.ge [sflag:s3], $0x2800  }
0x3c: {  	[sflag:s3] =	ssyncset.done $0x0  }
0x3d: {  	[sflag:s3] =	ssyncadd.s32 $0xFFFFD800  }
0x3e: {  	[spmem:s30] =	stream.linear.scatter [tilespmem:s2], [sflag:$0x3], $0x2800, $0x38;
	[tilespmem:$0x1D000] =	vst v63  }
0x3f: {  	_ =	swait.ge [sflag:s3], $0x2800  }
0x40: {  	[sflag:s3] =	ssyncset.done $0x0  }
0x41: {  	[sflag:s3] =	ssyncadd.s32 $0xFFFFD800  }
0x42: {  	[spmem:s31] =	stream.linear.scatter [tilespmem:s2], [sflag:$0x3], $0x2800, $0x38;
	[tilespmem:$0x1D000] =	vst v63  }
0x43: {  	_ =	swait.ge [sflag:s3], $0x2800  }
0x44: {  	[sflag:s3] =	ssyncset.done $0x0  }
0x45: {  	[sflag:s3] =	ssyncadd.s32 $0xFFFFD800  }
0x46: {  	[spmem:s19] =	stream.linear.scatter [tilespmem:s2], [sflag:$0x3], $0x2800, $0x38;
	[tilespmem:$0x1D000] =	vst v63  }
0x47: {  	_ =	swait.ge [sflag:s3], $0x2800  }
0x48: {  	[sflag:s3] =	ssyncset.done $0x0  }
0x49: {  	[sflag:s3] =	ssyncadd.s32 $0xFFFFD800  }
0x4a: {  	[bflag:$0x0] =	sbarrier.arrive $0xFFFF  }
0x4b: {  	s15 =	rddreg [dreg:$0x4]  }
0x4c: {  	[tilespmem:s4], [sflag:$0x3] =	stream.linear.gather [hbm4b:s15+s0], $0xC80, $0x38;
	[tilespmem:$0x1D000] =	vst v63  }
0x4d: {  	_ =	swait.ge [sflag:s3], $0xC80  }
0x4e: {  	[sflag:s3] =	ssyncset.done $0x0  }
0x4f: {  	s22 =	rddreg [dreg:$0x5];
	[sflag:s3] =	ssyncadd.s32 $0xFFFFF380  }
0x50: {  	[tilespmem:s5], [sflag:$0x3] =	stream.linear.gather [hbm4b:s22+s0], $0xC80, $0x38;
	[tilespmem:$0x1D000] =	vst v63  }
0x51: {  	_ =	swait.ge [sflag:s3], $0xC80  }
0x52: {  	[sflag:s3] =	ssyncset.done $0x0  }
0x53: {  	[sflag:s3] =	ssyncadd.s32 $0xFFFFF380  }
0x54: {  	[tilespmem:s2], [sflag:$0x1] =	stream.indirect.gather [hbm4b:s18+s6], $0x80, s4, s6, $0xb8;
	[tilespmem:$0x1D000] =	vst v63  }
0x55: {  	s16 =	simm.s32 $0x14080  }
0x56: {  	[tilespmem:s7], [sflag:$0x2] =	stream.indirect.gather [hbm4b:s18+s6], $0x80, s16, s6, $0xb8;
	[tilespmem:$0x1D000] =	vst v63  }
0x57: {  	_ =	swait.ge [sflag:s8], $0x2800  }
0x58: {  	[sflag:s8] =	ssyncset.done $0x0  }
0x59: {  	s17 =	simm.s32 $0x16000;
	[sflag:s8] =	ssyncadd.s32 $0xFFFFD800  }
0x5a: {  	[spmem:s21] =	stream.indirect.scatter.add.f32 [tilespmem:s2], [sflag:$0x3], $0x80, s17, s6, $0xb8;
	[tilespmem:$0x1D000] =	vst v63  }
0x5b: {  	_ =	swait.ge [sflag:s3], $0x2800  }
0x5c: {  	[sflag:s3] =	ssyncset.done $0x0  }
0x5d: {  	s20 =	simm.s32 $0x14100;
	[sflag:s3] =	ssyncadd.s32 $0xFFFFD800  }
0x5e: {  	[tilespmem:s2], [sflag:$0x1] =	stream.indirect.gather [hbm4b:s18+s6], $0x80, s20, s6, $0xb8;
	[tilespmem:$0x1D000] =	vst v63  }
0x5f: {  	_ =	swait.ge [sflag:s9], $0x2800  }
0x60: {  	[sflag:s9] =	ssyncset.done $0x0  }
0x61: {  	s22 =	simm.s32 $0x16080;
	[sflag:s9] =	ssyncadd.s32 $0xFFFFD800  }
0x62: {  	[spmem:s21] =	stream.indirect.scatter.add.f32 [tilespmem:s7], [sflag:$0x3], $0x80, s22, s6, $0xb8;
	[tilespmem:$0x1D000] =	vst v63  }
0x63: {  	_ =	swait.ge [sflag:s3], $0x2800  }
0x64: {  	s15 =	simm.s32 $0x100;
	s16 =	simm.s32 $0x800;
	[sflag:s3] =	ssyncset.done $0x0  }
.LBB2_2:
0x65: {  	s17 =	sadd.s32 $0x14080, s15  }
0x66: {  	[sflag:s3] =	ssyncadd.s32 $0xFFFFD800;
	s20 =	smov.u32 s16;
	s22 =	sadd.s32 $0x400, s16  }
0x67: {  	[tilespmem:s7], [sflag:$0x2] =	stream.indirect.gather [hbm4b:s18+s6], $0x80, s17, s6, $0xb8;
	[tilespmem:$0x1D000] =	vst v63  }
0x68: {  	p0 =	sne.s32 s16, $0x2C00;
	_ =	swait.ge [sflag:s8], $0x2800  }
0x69: {  	[sflag:s8] =	ssyncset.done $0x0  }
0x6a: {  	s16 =	sadd.s32 $0x16000, s15;
	[sflag:s8] =	ssyncadd.s32 $0xFFFFD800  }
0x6b: {  	[spmem:s21] =	stream.indirect.scatter.add.f32 [tilespmem:s2], [sflag:$0x3], $0x80, s16, s6, $0xb8;
	[tilespmem:$0x1D000] =	vst v63  }
0x6c: {  	_ =	swait.ge [sflag:s3], $0x2800  }
0x6d: {  	[sflag:s3] =	ssyncset.done $0x0  }
0x6e: {  	s16 =	sadd.s32 $0x14100, s15;
	[sflag:s3] =	ssyncadd.s32 $0xFFFFD800  }
0x6f: {  	[tilespmem:s2], [sflag:$0x1] =	stream.indirect.gather [hbm4b:s18+s6], $0x80, s16, s6, $0xb8;
	[tilespmem:$0x1D000] =	vst v63  }
0x70: {  	_ =	swait.ge [sflag:s9], $0x2800  }
.Ltmp0:
0x71: {  	[sflag:s9] =	ssyncset.done $0x0;
	(pc) =	sbr.rel @p0 .LBB2_2-.Ltmp0, $4  }
0x72: {  	s15 =	sadd.s32 $0x16080, s15;
	[sflag:s9] =	ssyncadd.s32 $0xFFFFD800  }
0x73: {  	[spmem:s21] =	stream.indirect.scatter.add.f32 [tilespmem:s7], [sflag:$0x3], $0x80, s15, s6, $0xb8;
	[tilespmem:$0x1D000] =	vst v63  }
0x74: {  	_ =	swait.ge [sflag:s3], $0x2800  }
0x75: {  	s16 =	smov.u32 s22;
	s15 =	sshra.s32 s20, $0x2;
	[sflag:s3] =	ssyncset.done $0x0  }
0x76: {  	s16 =	sadd.s32 $0x14080, s15;
	[sflag:s3] =	ssyncadd.s32 $0xFFFFD800  }
0x77: {  	[tilespmem:s7], [sflag:$0x2] =	stream.indirect.gather [hbm4b:s18+s6], $0x80, s16, s6, $0xb8;
	[tilespmem:$0x1D000] =	vst v63  }
0x78: {  	_ =	swait.ge [sflag:s8], $0x2800  }
0x79: {  	[sflag:s8] =	ssyncset.done $0x0  }
0x7a: {  	s20 =	sadd.s32 $0x16000, s15;
	[sflag:s8] =	ssyncadd.s32 $0xFFFFD800  }
0x7b: {  	[spmem:s21] =	stream.indirect.scatter.add.f32 [tilespmem:s2], [sflag:$0x3], $0x80, s20, s6, $0xb8;
	[tilespmem:$0x1D000] =	vst v63  }
0x7c: {  	_ =	swait.ge [sflag:s3], $0x2800  }
0x7d: {  	[sflag:s3] =	ssyncset.done $0x0  }
0x7e: {  	s22 =	sadd.s32 $0x14100, s15;
	[sflag:s3] =	ssyncadd.s32 $0xFFFFD800  }
0x7f: {  	[tilespmem:s2], [sflag:$0x1] =	stream.indirect.gather [hbm4b:s18+s6], $0x80, s22, s6, $0xb8;
	[tilespmem:$0x1D000] =	vst v63  }
0x80: {  	_ =	swait.ge [sflag:s9], $0x2800  }
0x81: {  	[sflag:s9] =	ssyncset.done $0x0  }
0x82: {  	s16 =	sadd.s32 $0x16080, s15;
	[sflag:s9] =	ssyncadd.s32 $0xFFFFD800  }
0x83: {  	[spmem:s21] =	stream.indirect.scatter.add.f32 [tilespmem:s7], [sflag:$0x3], $0x80, s16, s6, $0xb8;
	[tilespmem:$0x1D000] =	vst v63  }
0x84: {  	_ =	swait.ge [sflag:s3], $0x2800  }
0x85: {  	[sflag:s3] =	ssyncset.done $0x0  }
0x86: {  	[sflag:s3] =	ssyncadd.s32 $0xFFFFD800  }
0x87: {  	_ =	swait.ge [sflag:s8], $0x2800  }
0x88: {  	[sflag:s8] =	ssyncset.done $0x0  }
0x89: {  	[sflag:s8] =	ssyncadd.s32 $0xFFFFD800  }
0x8a: {  	[spmem:s21] =	stream.indirect.scatter.add.f32 [tilespmem:s2], [sflag:$0x3], $0x80, s10, s6, $0xb8;
	[tilespmem:$0x1D000] =	vst v63  }
0x8b: {  	_ =	swait.ge [sflag:s3], $0x2800  }
0x8c: {  	[sflag:s3] =	ssyncset.done $0x0  }
0x8d: {  	s17 =	simm.s32 $0x0;
	s20 =	rddreg [dreg:$0x6];
	[sflag:s3] =	ssyncadd.s32 $0xFFFFD800  }
0x8e: {  	[tilespmem:s11], [sflag:$0x3] =	stream.linear.gather [hbm4b:s20+s17], $0xC80, $0x38;
	[tilespmem:$0x1D000] =	vst v63  }
0x8f: {  	_ =	swait.ge [sflag:s3], $0xC80  }
0x90: {  	[sflag:s3] =	ssyncset.done $0x0  }
0x91: {  	s22 =	rddreg [dreg:$0x7];
	[sflag:s3] =	ssyncadd.s32 $0xFFFFF380  }
0x92: {  	[tilespmem:s12], [sflag:$0x3] =	stream.linear.gather [hbm4b:s22+s17], $0xC80, $0x38;
	[tilespmem:$0x1D000] =	vst v63  }
0x93: {  	_ =	swait.ge [sflag:s3], $0xC80  }
0x94: {  	[sflag:s3] =	ssyncset.done $0x0  }
0x95: {  	[sflag:s3] =	ssyncadd.s32 $0xFFFFF380  }
0x96: {  	[tilespmem:s2], [sflag:$0x1] =	stream.indirect.gather [hbm4b:s18+s6], $0x80, s11, s6, $0xb8;
	[tilespmem:$0x1D000] =	vst v63  }
0x97: {  	s16 =	simm.s32 $0x15080  }
0x98: {  	[tilespmem:s7], [sflag:$0x2] =	stream.indirect.gather [hbm4b:s18+s6], $0x80, s16, s6, $0xb8;
	[tilespmem:$0x1D000] =	vst v63  }
0x99: {  	_ =	swait.ge [sflag:s8], $0x2800  }
0x9a: {  	[sflag:s8] =	ssyncset.done $0x0  }
0x9b: {  	s17 =	simm.s32 $0x17000;
	[sflag:s8] =	ssyncadd.s32 $0xFFFFD800  }
0x9c: {  	[spmem:s21] =	stream.indirect.scatter.add.f32 [tilespmem:s2], [sflag:$0x3], $0x80, s17, s6, $0xb8;
	[tilespmem:$0x1D000] =	vst v63  }
0x9d: {  	_ =	swait.ge [sflag:s3], $0x2800  }
0x9e: {  	[sflag:s3] =	ssyncset.done $0x0  }
0x9f: {  	s20 =	simm.s32 $0x15100;
	[sflag:s3] =	ssyncadd.s32 $0xFFFFD800  }
0xa0: {  	[tilespmem:s2], [sflag:$0x1] =	stream.indirect.gather [hbm4b:s18+s6], $0x80, s20, s6, $0xb8;
	[tilespmem:$0x1D000] =	vst v63  }
0xa1: {  	_ =	swait.ge [sflag:s9], $0x2800  }
0xa2: {  	[sflag:s9] =	ssyncset.done $0x0  }
0xa3: {  	s22 =	simm.s32 $0x17080;
	[sflag:s9] =	ssyncadd.s32 $0xFFFFD800  }
0xa4: {  	[spmem:s21] =	stream.indirect.scatter.add.f32 [tilespmem:s7], [sflag:$0x3], $0x80, s22, s6, $0xb8;
	[tilespmem:$0x1D000] =	vst v63  }
0xa5: {  	_ =	swait.ge [sflag:s3], $0x2800  }
0xa6: {  	s15 =	simm.s32 $0x100;
	s16 =	simm.s32 $0x800;
	[sflag:s3] =	ssyncset.done $0x0  }
.LBB2_4:
0xa7: {  	s17 =	sadd.s32 $0x15080, s15  }
0xa8: {  	[sflag:s3] =	ssyncadd.s32 $0xFFFFD800;
	s20 =	smov.u32 s16;
	s22 =	sadd.s32 $0x400, s16  }
0xa9: {  	[tilespmem:s7], [sflag:$0x2] =	stream.indirect.gather [hbm4b:s18+s6], $0x80, s17, s6, $0xb8;
	[tilespmem:$0x1D000] =	vst v63  }
0xaa: {  	p0 =	sne.s32 s16, $0x2C00;
	_ =	swait.ge [sflag:s8], $0x2800  }
0xab: {  	[sflag:s8] =	ssyncset.done $0x0  }
0xac: {  	s16 =	sadd.s32 $0x17000, s15;
	[sflag:s8] =	ssyncadd.s32 $0xFFFFD800  }
0xad: {  	[spmem:s21] =	stream.indirect.scatter.add.f32 [tilespmem:s2], [sflag:$0x3], $0x80, s16, s6, $0xb8;
	[tilespmem:$0x1D000] =	vst v63  }
0xae: {  	_ =	swait.ge [sflag:s3], $0x2800  }
0xaf: {  	[sflag:s3] =	ssyncset.done $0x0  }
0xb0: {  	s16 =	sadd.s32 $0x15100, s15;
	[sflag:s3] =	ssyncadd.s32 $0xFFFFD800  }
0xb1: {  	[tilespmem:s2], [sflag:$0x1] =	stream.indirect.gather [hbm4b:s18+s6], $0x80, s16, s6, $0xb8;
	[tilespmem:$0x1D000] =	vst v63  }
0xb2: {  	_ =	swait.ge [sflag:s9], $0x2800  }
.Ltmp1:
0xb3: {  	[sflag:s9] =	ssyncset.done $0x0;
	(pc) =	sbr.rel @p0 .LBB2_4-.Ltmp1, $4  }
0xb4: {  	s15 =	sadd.s32 $0x17080, s15;
	[sflag:s9] =	ssyncadd.s32 $0xFFFFD800  }
0xb5: {  	[spmem:s21] =	stream.indirect.scatter.add.f32 [tilespmem:s7], [sflag:$0x3], $0x80, s15, s6, $0xb8;
	[tilespmem:$0x1D000] =	vst v63  }
0xb6: {  	_ =	swait.ge [sflag:s3], $0x2800  }
0xb7: {  	s16 =	smov.u32 s22;
	s15 =	sshra.s32 s20, $0x2;
	[sflag:s3] =	ssyncset.done $0x0  }
0xb8: {  	s16 =	sadd.s32 $0x15080, s15;
	[sflag:s3] =	ssyncadd.s32 $0xFFFFD800  }
0xb9: {  	[tilespmem:s7], [sflag:$0x2] =	stream.indirect.gather [hbm4b:s18+s6], $0x80, s16, s6, $0xb8;
	[tilespmem:$0x1D000] =	vst v63  }
0xba: {  	_ =	swait.ge [sflag:s8], $0x2800  }
0xbb: {  	[sflag:s8] =	ssyncset.done $0x0  }
0xbc: {  	s20 =	sadd.s32 $0x17000, s15;
	[sflag:s8] =	ssyncadd.s32 $0xFFFFD800  }
0xbd: {  	[spmem:s21] =	stream.indirect.scatter.add.f32 [tilespmem:s2], [sflag:$0x3], $0x80, s20, s6, $0xb8;
	[tilespmem:$0x1D000] =	vst v63  }
0xbe: {  	_ =	swait.ge [sflag:s3], $0x2800  }
0xbf: {  	[sflag:s3] =	ssyncset.done $0x0  }
0xc0: {  	s22 =	sadd.s32 $0x15100, s15;
	[sflag:s3] =	ssyncadd.s32 $0xFFFFD800  }
0xc1: {  	[tilespmem:s2], [sflag:$0x1] =	stream.indirect.gather [hbm4b:s18+s6], $0x80, s22, s6, $0xb8;
	[tilespmem:$0x1D000] =	vst v63  }
0xc2: {  	_ =	swait.ge [sflag:s9], $0x2800  }
0xc3: {  	[sflag:s9] =	ssyncset.done $0x0  }
0xc4: {  	s16 =	sadd.s32 $0x17080, s15;
	[sflag:s9] =	ssyncadd.s32 $0xFFFFD800  }
0xc5: {  	[spmem:s21] =	stream.indirect.scatter.add.f32 [tilespmem:s7], [sflag:$0x3], $0x80, s16, s6, $0xb8;
	[tilespmem:$0x1D000] =	vst v63  }
0xc6: {  	_ =	swait.ge [sflag:s3], $0x2800  }
0xc7: {  	[sflag:s3] =	ssyncset.done $0x0  }
0xc8: {  	[sflag:s3] =	ssyncadd.s32 $0xFFFFD800  }
0xc9: {  	_ =	swait.ge [sflag:s8], $0x2800  }
0xca: {  	[sflag:s8] =	ssyncset.done $0x0  }
0xcb: {  	[sflag:s8] =	ssyncadd.s32 $0xFFFFD800  }
0xcc: {  	[spmem:s21] =	stream.indirect.scatter.add.f32 [tilespmem:s2], [sflag:$0x3], $0x80, s13, s6, $0xb8;
	[tilespmem:$0x1D000] =	vst v63  }
0xcd: {  	_ =	swait.ge [sflag:s3], $0x2800  }
0xce: {  	[sflag:s3] =	ssyncset.done $0x0  }
0xcf: {  	s17 =	simm.s32 $0x0;
	s20 =	rddreg [dreg:$0x8];
	[sflag:s3] =	ssyncadd.s32 $0xFFFFD800  }
0xd0: {  	[tilespmem:s4], [sflag:$0x3] =	stream.linear.gather [hbm4b:s20+s17], $0xC80, $0x38;
	[tilespmem:$0x1D000] =	vst v63  }
0xd1: {  	_ =	swait.ge [sflag:s3], $0xC80  }
0xd2: {  	[sflag:s3] =	ssyncset.done $0x0  }
0xd3: {  	s22 =	rddreg [dreg:$0x9];
	[sflag:s3] =	ssyncadd.s32 $0xFFFFF380  }
0xd4: {  	[tilespmem:s5], [sflag:$0x3] =	stream.linear.gather [hbm4b:s22+s17], $0xC80, $0x38;
	[tilespmem:$0x1D000] =	vst v63  }
0xd5: {  	_ =	swait.ge [sflag:s3], $0xC80  }
0xd6: {  	[sflag:s3] =	ssyncset.done $0x0  }
0xd7: {  	[sflag:s3] =	ssyncadd.s32 $0xFFFFF380  }
0xd8: {  	[tilespmem:s2], [sflag:$0x1] =	stream.indirect.gather [hbm4b:s18+s6], $0x80, s4, s6, $0xb8;
	[tilespmem:$0x1D000] =	vst v63  }
0xd9: {  	s16 =	simm.s32 $0x14080  }
0xda: {  	[tilespmem:s7], [sflag:$0x2] =	stream.indirect.gather [hbm4b:s18+s6], $0x80, s16, s6, $0xb8;
	[tilespmem:$0x1D000] =	vst v63  }
0xdb: {  	_ =	swait.ge [sflag:s8], $0x2800  }
0xdc: {  	[sflag:s8] =	ssyncset.done $0x0  }
0xdd: {  	s17 =	simm.s32 $0x16000;
	[sflag:s8] =	ssyncadd.s32 $0xFFFFD800  }
0xde: {  	[spmem:s21] =	stream.indirect.scatter.add.f32 [tilespmem:s2], [sflag:$0x3], $0x80, s17, s6, $0xb8;
	[tilespmem:$0x1D000] =	vst v63  }
0xdf: {  	_ =	swait.ge [sflag:s3], $0x2800  }
0xe0: {  	[sflag:s3] =	ssyncset.done $0x0  }
0xe1: {  	s20 =	simm.s32 $0x14100;
	[sflag:s3] =	ssyncadd.s32 $0xFFFFD800  }
0xe2: {  	[tilespmem:s2], [sflag:$0x1] =	stream.indirect.gather [hbm4b:s18+s6], $0x80, s20, s6, $0xb8;
	[tilespmem:$0x1D000] =	vst v63  }
0xe3: {  	_ =	swait.ge [sflag:s9], $0x2800  }
0xe4: {  	[sflag:s9] =	ssyncset.done $0x0  }
0xe5: {  	s22 =	simm.s32 $0x16080;
	[sflag:s9] =	ssyncadd.s32 $0xFFFFD800  }
0xe6: {  	[spmem:s21] =	stream.indirect.scatter.add.f32 [tilespmem:s7], [sflag:$0x3], $0x80, s22, s6, $0xb8;
	[tilespmem:$0x1D000] =	vst v63  }
0xe7: {  	_ =	swait.ge [sflag:s3], $0x2800  }
0xe8: {  	s15 =	simm.s32 $0x100;
	s16 =	simm.s32 $0x800;
	[sflag:s3] =	ssyncset.done $0x0  }
.LBB2_6:
0xe9: {  	s17 =	sadd.s32 $0x14080, s15  }
0xea: {  	[sflag:s3] =	ssyncadd.s32 $0xFFFFD800;
	s20 =	smov.u32 s16;
	s22 =	sadd.s32 $0x400, s16  }
0xeb: {  	[tilespmem:s7], [sflag:$0x2] =	stream.indirect.gather [hbm4b:s18+s6], $0x80, s17, s6, $0xb8;
	[tilespmem:$0x1D000] =	vst v63  }
0xec: {  	p0 =	sne.s32 s16, $0x2C00;
	_ =	swait.ge [sflag:s8], $0x2800  }
0xed: {  	[sflag:s8] =	ssyncset.done $0x0  }
0xee: {  	s16 =	sadd.s32 $0x16000, s15;
	[sflag:s8] =	ssyncadd.s32 $0xFFFFD800  }
0xef: {  	[spmem:s21] =	stream.indirect.scatter.add.f32 [tilespmem:s2], [sflag:$0x3], $0x80, s16, s6, $0xb8;
	[tilespmem:$0x1D000] =	vst v63  }
0xf0: {  	_ =	swait.ge [sflag:s3], $0x2800  }
0xf1: {  	[sflag:s3] =	ssyncset.done $0x0  }
0xf2: {  	s16 =	sadd.s32 $0x14100, s15;
	[sflag:s3] =	ssyncadd.s32 $0xFFFFD800  }
0xf3: {  	[tilespmem:s2], [sflag:$0x1] =	stream.indirect.gather [hbm4b:s18+s6], $0x80, s16, s6, $0xb8;
	[tilespmem:$0x1D000] =	vst v63  }
0xf4: {  	_ =	swait.ge [sflag:s9], $0x2800  }
.Ltmp2:
0xf5: {  	[sflag:s9] =	ssyncset.done $0x0;
	(pc) =	sbr.rel @p0 .LBB2_6-.Ltmp2, $4  }
0xf6: {  	s15 =	sadd.s32 $0x16080, s15;
	[sflag:s9] =	ssyncadd.s32 $0xFFFFD800  }
0xf7: {  	[spmem:s21] =	stream.indirect.scatter.add.f32 [tilespmem:s7], [sflag:$0x3], $0x80, s15, s6, $0xb8;
	[tilespmem:$0x1D000] =	vst v63  }
0xf8: {  	_ =	swait.ge [sflag:s3], $0x2800  }
0xf9: {  	s16 =	smov.u32 s22;
	s15 =	sshra.s32 s20, $0x2;
	[sflag:s3] =	ssyncset.done $0x0  }
0xfa: {  	s16 =	sadd.s32 $0x14080, s15;
	[sflag:s3] =	ssyncadd.s32 $0xFFFFD800  }
0xfb: {  	[tilespmem:s7], [sflag:$0x2] =	stream.indirect.gather [hbm4b:s18+s6], $0x80, s16, s6, $0xb8;
	[tilespmem:$0x1D000] =	vst v63  }
0xfc: {  	_ =	swait.ge [sflag:s8], $0x2800  }
0xfd: {  	[sflag:s8] =	ssyncset.done $0x0  }
0xfe: {  	s20 =	sadd.s32 $0x16000, s15;
	[sflag:s8] =	ssyncadd.s32 $0xFFFFD800  }
0xff: {  	[spmem:s21] =	stream.indirect.scatter.add.f32 [tilespmem:s2], [sflag:$0x3], $0x80, s20, s6, $0xb8;
	[tilespmem:$0x1D000] =	vst v63  }
0x100: {  	_ =	swait.ge [sflag:s3], $0x2800  }
0x101: {  	[sflag:s3] =	ssyncset.done $0x0  }
0x102: {  	s22 =	sadd.s32 $0x14100, s15;
	[sflag:s3] =	ssyncadd.s32 $0xFFFFD800  }
0x103: {  	[tilespmem:s2], [sflag:$0x1] =	stream.indirect.gather [hbm4b:s18+s6], $0x80, s22, s6, $0xb8;
	[tilespmem:$0x1D000] =	vst v63  }
0x104: {  	_ =	swait.ge [sflag:s9], $0x2800  }
0x105: {  	[sflag:s9] =	ssyncset.done $0x0  }
0x106: {  	s16 =	sadd.s32 $0x16080, s15;
	[sflag:s9] =	ssyncadd.s32 $0xFFFFD800  }
0x107: {  	[spmem:s21] =	stream.indirect.scatter.add.f32 [tilespmem:s7], [sflag:$0x3], $0x80, s16, s6, $0xb8;
	[tilespmem:$0x1D000] =	vst v63  }
0x108: {  	_ =	swait.ge [sflag:s3], $0x2800  }
0x109: {  	[sflag:s3] =	ssyncset.done $0x0  }
0x10a: {  	[sflag:s3] =	ssyncadd.s32 $0xFFFFD800  }
0x10b: {  	_ =	swait.ge [sflag:s8], $0x2800  }
0x10c: {  	[sflag:s8] =	ssyncset.done $0x0  }
0x10d: {  	[sflag:s8] =	ssyncadd.s32 $0xFFFFD800  }
0x10e: {  	[spmem:s21] =	stream.indirect.scatter.add.f32 [tilespmem:s2], [sflag:$0x3], $0x80, s10, s6, $0xb8;
	[tilespmem:$0x1D000] =	vst v63  }
0x10f: {  	_ =	swait.ge [sflag:s3], $0x2800  }
0x110: {  	[sflag:s3] =	ssyncset.done $0x0  }
0x111: {  	s17 =	simm.s32 $0x0;
	s20 =	rddreg [dreg:$0xa];
	[sflag:s3] =	ssyncadd.s32 $0xFFFFD800  }
0x112: {  	[tilespmem:s11], [sflag:$0x3] =	stream.linear.gather [hbm4b:s20+s17], $0xC80, $0x38;
	[tilespmem:$0x1D000] =	vst v63  }
0x113: {  	_ =	swait.ge [sflag:s3], $0xC80  }
0x114: {  	[sflag:s3] =	ssyncset.done $0x0  }
0x115: {  	s22 =	rddreg [dreg:$0xb];
	[sflag:s3] =	ssyncadd.s32 $0xFFFFF380  }
0x116: {  	[tilespmem:s12], [sflag:$0x3] =	stream.linear.gather [hbm4b:s22+s17], $0xC80, $0x38;
	[tilespmem:$0x1D000] =	vst v63  }
0x117: {  	_ =	swait.ge [sflag:s3], $0xC80  }
0x118: {  	[sflag:s3] =	ssyncset.done $0x0  }
0x119: {  	[sflag:s3] =	ssyncadd.s32 $0xFFFFF380  }
0x11a: {  	[tilespmem:s2], [sflag:$0x1] =	stream.indirect.gather [hbm4b:s18+s6], $0x80, s11, s6, $0xb8;
	[tilespmem:$0x1D000] =	vst v63  }
0x11b: {  	s16 =	simm.s32 $0x15080  }
0x11c: {  	[tilespmem:s7], [sflag:$0x2] =	stream.indirect.gather [hbm4b:s18+s6], $0x80, s16, s6, $0xb8;
	[tilespmem:$0x1D000] =	vst v63  }
0x11d: {  	_ =	swait.ge [sflag:s8], $0x2800  }
0x11e: {  	[sflag:s8] =	ssyncset.done $0x0  }
0x11f: {  	s17 =	simm.s32 $0x17000;
	[sflag:s8] =	ssyncadd.s32 $0xFFFFD800  }
0x120: {  	[spmem:s21] =	stream.indirect.scatter.add.f32 [tilespmem:s2], [sflag:$0x3], $0x80, s17, s6, $0xb8;
	[tilespmem:$0x1D000] =	vst v63  }
0x121: {  	_ =	swait.ge [sflag:s3], $0x2800  }
0x122: {  	[sflag:s3] =	ssyncset.done $0x0  }
0x123: {  	s20 =	simm.s32 $0x15100;
	[sflag:s3] =	ssyncadd.s32 $0xFFFFD800  }
0x124: {  	[tilespmem:s2], [sflag:$0x1] =	stream.indirect.gather [hbm4b:s18+s6], $0x80, s20, s6, $0xb8;
	[tilespmem:$0x1D000] =	vst v63  }
0x125: {  	_ =	swait.ge [sflag:s9], $0x2800  }
0x126: {  	[sflag:s9] =	ssyncset.done $0x0  }
0x127: {  	s22 =	simm.s32 $0x17080;
	[sflag:s9] =	ssyncadd.s32 $0xFFFFD800  }
0x128: {  	[spmem:s21] =	stream.indirect.scatter.add.f32 [tilespmem:s7], [sflag:$0x3], $0x80, s22, s6, $0xb8;
	[tilespmem:$0x1D000] =	vst v63  }
0x129: {  	_ =	swait.ge [sflag:s3], $0x2800  }
0x12a: {  	s15 =	simm.s32 $0x100;
	s16 =	simm.s32 $0x800;
	[sflag:s3] =	ssyncset.done $0x0  }
.LBB2_8:
0x12b: {  	s17 =	sadd.s32 $0x15080, s15  }
0x12c: {  	[sflag:s3] =	ssyncadd.s32 $0xFFFFD800;
	s20 =	smov.u32 s16;
	s22 =	sadd.s32 $0x400, s16  }
0x12d: {  	[tilespmem:s7], [sflag:$0x2] =	stream.indirect.gather [hbm4b:s18+s6], $0x80, s17, s6, $0xb8;
	[tilespmem:$0x1D000] =	vst v63  }
0x12e: {  	p0 =	sne.s32 s16, $0x2C00;
	_ =	swait.ge [sflag:s8], $0x2800  }
0x12f: {  	[sflag:s8] =	ssyncset.done $0x0  }
0x130: {  	s16 =	sadd.s32 $0x17000, s15;
	[sflag:s8] =	ssyncadd.s32 $0xFFFFD800  }
0x131: {  	[spmem:s21] =	stream.indirect.scatter.add.f32 [tilespmem:s2], [sflag:$0x3], $0x80, s16, s6, $0xb8;
	[tilespmem:$0x1D000] =	vst v63  }
0x132: {  	_ =	swait.ge [sflag:s3], $0x2800  }
0x133: {  	[sflag:s3] =	ssyncset.done $0x0  }
0x134: {  	s16 =	sadd.s32 $0x15100, s15;
	[sflag:s3] =	ssyncadd.s32 $0xFFFFD800  }
0x135: {  	[tilespmem:s2], [sflag:$0x1] =	stream.indirect.gather [hbm4b:s18+s6], $0x80, s16, s6, $0xb8;
	[tilespmem:$0x1D000] =	vst v63  }
0x136: {  	_ =	swait.ge [sflag:s9], $0x2800  }
.Ltmp3:
0x137: {  	[sflag:s9] =	ssyncset.done $0x0;
	(pc) =	sbr.rel @p0 .LBB2_8-.Ltmp3, $4  }
0x138: {  	s15 =	sadd.s32 $0x17080, s15;
	[sflag:s9] =	ssyncadd.s32 $0xFFFFD800  }
0x139: {  	[spmem:s21] =	stream.indirect.scatter.add.f32 [tilespmem:s7], [sflag:$0x3], $0x80, s15, s6, $0xb8;
	[tilespmem:$0x1D000] =	vst v63  }
0x13a: {  	_ =	swait.ge [sflag:s3], $0x2800  }
0x13b: {  	s16 =	smov.u32 s22;
	s15 =	sshra.s32 s20, $0x2;
	[sflag:s3] =	ssyncset.done $0x0  }
0x13c: {  	s16 =	sadd.s32 $0x15080, s15;
	[sflag:s3] =	ssyncadd.s32 $0xFFFFD800  }
0x13d: {  	[tilespmem:s7], [sflag:$0x2] =	stream.indirect.gather [hbm4b:s18+s6], $0x80, s16, s6, $0xb8;
	[tilespmem:$0x1D000] =	vst v63  }
0x13e: {  	_ =	swait.ge [sflag:s8], $0x2800  }
0x13f: {  	[sflag:s8] =	ssyncset.done $0x0  }
0x140: {  	s20 =	sadd.s32 $0x17000, s15;
	[sflag:s8] =	ssyncadd.s32 $0xFFFFD800  }
0x141: {  	[spmem:s21] =	stream.indirect.scatter.add.f32 [tilespmem:s2], [sflag:$0x3], $0x80, s20, s6, $0xb8;
	[tilespmem:$0x1D000] =	vst v63  }
0x142: {  	_ =	swait.ge [sflag:s3], $0x2800  }
0x143: {  	[sflag:s3] =	ssyncset.done $0x0  }
0x144: {  	s22 =	sadd.s32 $0x15100, s15;
	[sflag:s3] =	ssyncadd.s32 $0xFFFFD800  }
0x145: {  	[tilespmem:s2], [sflag:$0x1] =	stream.indirect.gather [hbm4b:s18+s6], $0x80, s22, s6, $0xb8;
	[tilespmem:$0x1D000] =	vst v63  }
0x146: {  	_ =	swait.ge [sflag:s9], $0x2800  }
0x147: {  	[sflag:s9] =	ssyncset.done $0x0  }
0x148: {  	s16 =	sadd.s32 $0x17080, s15;
	[sflag:s9] =	ssyncadd.s32 $0xFFFFD800  }
0x149: {  	[spmem:s21] =	stream.indirect.scatter.add.f32 [tilespmem:s7], [sflag:$0x3], $0x80, s16, s6, $0xb8;
	[tilespmem:$0x1D000] =	vst v63  }
0x14a: {  	_ =	swait.ge [sflag:s3], $0x2800  }
0x14b: {  	[sflag:s3] =	ssyncset.done $0x0  }
0x14c: {  	[sflag:s3] =	ssyncadd.s32 $0xFFFFD800  }
0x14d: {  	_ =	swait.ge [sflag:s8], $0x2800  }
0x14e: {  	[sflag:s8] =	ssyncset.done $0x0  }
0x14f: {  	[sflag:s8] =	ssyncadd.s32 $0xFFFFD800  }
0x150: {  	[spmem:s21] =	stream.indirect.scatter.add.f32 [tilespmem:s2], [sflag:$0x3], $0x80, s13, s6, $0xb8;
	[tilespmem:$0x1D000] =	vst v63  }
0x151: {  	_ =	swait.ge [sflag:s3], $0x2800  }
0x152: {  	[sflag:s3] =	ssyncset.done $0x0  }
0x153: {  	s17 =	simm.s32 $0x0;
	s20 =	rddreg [dreg:$0xc];
	[sflag:s3] =	ssyncadd.s32 $0xFFFFD800  }
0x154: {  	[tilespmem:s4], [sflag:$0x3] =	stream.linear.gather [hbm4b:s20+s17], $0xC80, $0x38;
	[tilespmem:$0x1D000] =	vst v63  }
0x155: {  	_ =	swait.ge [sflag:s3], $0xC80  }
0x156: {  	[sflag:s3] =	ssyncset.done $0x0  }
0x157: {  	s22 =	rddreg [dreg:$0xd];
	[sflag:s3] =	ssyncadd.s32 $0xFFFFF380  }
0x158: {  	[tilespmem:s5], [sflag:$0x3] =	stream.linear.gather [hbm4b:s22+s17], $0xC80, $0x38;
	[tilespmem:$0x1D000] =	vst v63  }
0x159: {  	_ =	swait.ge [sflag:s3], $0xC80  }
0x15a: {  	[sflag:s3] =	ssyncset.done $0x0  }
0x15b: {  	[sflag:s3] =	ssyncadd.s32 $0xFFFFF380  }
0x15c: {  	[tilespmem:s2], [sflag:$0x1] =	stream.indirect.gather [hbm4b:s18+s6], $0x80, s4, s6, $0xb8;
	[tilespmem:$0x1D000] =	vst v63  }
0x15d: {  	s16 =	simm.s32 $0x14080  }
0x15e: {  	[tilespmem:s7], [sflag:$0x2] =	stream.indirect.gather [hbm4b:s18+s6], $0x80, s16, s6, $0xb8;
	[tilespmem:$0x1D000] =	vst v63  }
0x15f: {  	_ =	swait.ge [sflag:s8], $0x2800  }
0x160: {  	[sflag:s8] =	ssyncset.done $0x0  }
0x161: {  	s17 =	simm.s32 $0x16000;
	[sflag:s8] =	ssyncadd.s32 $0xFFFFD800  }
0x162: {  	[spmem:s21] =	stream.indirect.scatter.add.f32 [tilespmem:s2], [sflag:$0x3], $0x80, s17, s6, $0xb8;
	[tilespmem:$0x1D000] =	vst v63  }
0x163: {  	_ =	swait.ge [sflag:s3], $0x2800  }
0x164: {  	[sflag:s3] =	ssyncset.done $0x0  }
0x165: {  	s20 =	simm.s32 $0x14100;
	[sflag:s3] =	ssyncadd.s32 $0xFFFFD800  }
0x166: {  	[tilespmem:s2], [sflag:$0x1] =	stream.indirect.gather [hbm4b:s18+s6], $0x80, s20, s6, $0xb8;
	[tilespmem:$0x1D000] =	vst v63  }
0x167: {  	_ =	swait.ge [sflag:s9], $0x2800  }
0x168: {  	[sflag:s9] =	ssyncset.done $0x0  }
0x169: {  	s22 =	simm.s32 $0x16080;
	[sflag:s9] =	ssyncadd.s32 $0xFFFFD800  }
0x16a: {  	[spmem:s21] =	stream.indirect.scatter.add.f32 [tilespmem:s7], [sflag:$0x3], $0x80, s22, s6, $0xb8;
	[tilespmem:$0x1D000] =	vst v63  }
0x16b: {  	_ =	swait.ge [sflag:s3], $0x2800  }
0x16c: {  	s15 =	simm.s32 $0x100;
	s16 =	simm.s32 $0x800;
	[sflag:s3] =	ssyncset.done $0x0  }
.LBB2_10:
0x16d: {  	s17 =	sadd.s32 $0x14080, s15  }
0x16e: {  	[sflag:s3] =	ssyncadd.s32 $0xFFFFD800;
	s20 =	smov.u32 s16;
	s22 =	sadd.s32 $0x400, s16  }
0x16f: {  	[tilespmem:s7], [sflag:$0x2] =	stream.indirect.gather [hbm4b:s18+s6], $0x80, s17, s6, $0xb8;
	[tilespmem:$0x1D000] =	vst v63  }
0x170: {  	p0 =	sne.s32 s16, $0x2C00;
	_ =	swait.ge [sflag:s8], $0x2800  }
0x171: {  	[sflag:s8] =	ssyncset.done $0x0  }
0x172: {  	s16 =	sadd.s32 $0x16000, s15;
	[sflag:s8] =	ssyncadd.s32 $0xFFFFD800  }
0x173: {  	[spmem:s21] =	stream.indirect.scatter.add.f32 [tilespmem:s2], [sflag:$0x3], $0x80, s16, s6, $0xb8;
	[tilespmem:$0x1D000] =	vst v63  }
0x174: {  	_ =	swait.ge [sflag:s3], $0x2800  }
0x175: {  	[sflag:s3] =	ssyncset.done $0x0  }
0x176: {  	s16 =	sadd.s32 $0x14100, s15;
	[sflag:s3] =	ssyncadd.s32 $0xFFFFD800  }
0x177: {  	[tilespmem:s2], [sflag:$0x1] =	stream.indirect.gather [hbm4b:s18+s6], $0x80, s16, s6, $0xb8;
	[tilespmem:$0x1D000] =	vst v63  }
0x178: {  	_ =	swait.ge [sflag:s9], $0x2800  }
.Ltmp4:
0x179: {  	[sflag:s9] =	ssyncset.done $0x0;
	(pc) =	sbr.rel @p0 .LBB2_10-.Ltmp4, $4  }
0x17a: {  	s15 =	sadd.s32 $0x16080, s15;
	[sflag:s9] =	ssyncadd.s32 $0xFFFFD800  }
0x17b: {  	[spmem:s21] =	stream.indirect.scatter.add.f32 [tilespmem:s7], [sflag:$0x3], $0x80, s15, s6, $0xb8;
	[tilespmem:$0x1D000] =	vst v63  }
0x17c: {  	_ =	swait.ge [sflag:s3], $0x2800  }
0x17d: {  	s16 =	smov.u32 s22;
	s15 =	sshra.s32 s20, $0x2;
	[sflag:s3] =	ssyncset.done $0x0  }
0x17e: {  	s16 =	sadd.s32 $0x14080, s15;
	[sflag:s3] =	ssyncadd.s32 $0xFFFFD800  }
0x17f: {  	[tilespmem:s7], [sflag:$0x2] =	stream.indirect.gather [hbm4b:s18+s6], $0x80, s16, s6, $0xb8;
	[tilespmem:$0x1D000] =	vst v63  }
0x180: {  	_ =	swait.ge [sflag:s8], $0x2800  }
0x181: {  	[sflag:s8] =	ssyncset.done $0x0  }
0x182: {  	s17 =	sadd.s32 $0x16000, s15;
	[sflag:s8] =	ssyncadd.s32 $0xFFFFD800  }
0x183: {  	[spmem:s21] =	stream.indirect.scatter.add.f32 [tilespmem:s2], [sflag:$0x3], $0x80, s17, s6, $0xb8;
	[tilespmem:$0x1D000] =	vst v63  }
0x184: {  	_ =	swait.ge [sflag:s3], $0x2800  }
0x185: {  	[sflag:s3] =	ssyncset.done $0x0  }
0x186: {  	s20 =	sadd.s32 $0x14100, s15;
	[sflag:s3] =	ssyncadd.s32 $0xFFFFD800  }
0x187: {  	[tilespmem:s2], [sflag:$0x1] =	stream.indirect.gather [hbm4b:s18+s6], $0x80, s20, s6, $0xb8;
	[tilespmem:$0x1D000] =	vst v63  }
0x188: {  	_ =	swait.ge [sflag:s9], $0x2800  }
0x189: {  	[sflag:s9] =	ssyncset.done $0x0  }
0x18a: {  	s22 =	sadd.s32 $0x16080, s15;
	[sflag:s9] =	ssyncadd.s32 $0xFFFFD800  }
0x18b: {  	[spmem:s21] =	stream.indirect.scatter.add.f32 [tilespmem:s7], [sflag:$0x3], $0x80, s22, s6, $0xb8;
	[tilespmem:$0x1D000] =	vst v63  }
0x18c: {  	_ =	swait.ge [sflag:s3], $0x2800  }
0x18d: {  	[sflag:s3] =	ssyncset.done $0x0  }
0x18e: {  	[sflag:s3] =	ssyncadd.s32 $0xFFFFD800  }
0x18f: {  	_ =	swait.ge [sflag:s8], $0x2800  }
0x190: {  	[sflag:s8] =	ssyncset.done $0x0  }
0x191: {  	[sflag:s8] =	ssyncadd.s32 $0xFFFFD800  }
0x192: {  	[spmem:s21] =	stream.indirect.scatter.add.f32 [tilespmem:s2], [sflag:$0x3], $0x80, s10, s6, $0xb8;
	[tilespmem:$0x1D000] =	vst v63  }
0x193: {  	_ =	swait.ge [sflag:s3], $0x2800  }
0x194: {  	[sflag:s3] =	ssyncset.done $0x0  }
0x195: {  	[sflag:s3] =	ssyncadd.s32 $0xFFFFD800  }
0x196: {  	[bflag:$0x0] =	sbarrier.arrive $0xFFFF  }
0x197: {  	[tilespmem:s2], [sflag:$0x3] =	stream.linear.gather [spmem:s24], $0x2800, $0x38;
	[tilespmem:$0x1D000] =	vst v63  }
0x198: {  	_ =	swait.ge [sflag:s3], $0x2800  }
0x199: {  	[sflag:s3] =	ssyncset.done $0x0  }
0x19a: {  	s16 =	rddreg [dreg:$0xe];
	[sflag:s3] =	ssyncadd.s32 $0xFFFFD800  }
0x19b: {  	[hbm4b:s16+s0] =	stream.linear.scatter [tilespmem:s2], [sflag:$0x3], $0x2800, $0x38;
	[tilespmem:$0x1D000] =	vst v63  }
0x19c: {  	_ =	swait.ge [sflag:s3], $0x2800  }
0x19d: {  	[sflag:s3] =	ssyncset.done $0x0  }
0x19e: {  	[sflag:s3] =	ssyncadd.s32 $0xFFFFD800  }
0x19f: {  	[tilespmem:s2], [sflag:$0x3] =	stream.linear.gather [spmem:s25], $0x2800, $0x38;
	[tilespmem:$0x1D000] =	vst v63  }
0x1a0: {  	_ =	swait.ge [sflag:s3], $0x2800  }
0x1a1: {  	[sflag:s3] =	ssyncset.done $0x0  }
0x1a2: {  	s17 =	rddreg [dreg:$0xf];
	[sflag:s3] =	ssyncadd.s32 $0xFFFFD800  }
0x1a3: {  	[hbm4b:s17+s0] =	stream.linear.scatter [tilespmem:s2], [sflag:$0x3], $0x2800, $0x38;
	[tilespmem:$0x1D000] =	vst v63  }
0x1a4: {  	_ =	swait.ge [sflag:s3], $0x2800  }
0x1a5: {  	[sflag:s3] =	ssyncset.done $0x0  }
0x1a6: {  	[sflag:s3] =	ssyncadd.s32 $0xFFFFD800  }
0x1a7: {  	[tilespmem:s2], [sflag:$0x3] =	stream.linear.gather [spmem:s26], $0x2800, $0x38;
	[tilespmem:$0x1D000] =	vst v63  }
0x1a8: {  	_ =	swait.ge [sflag:s3], $0x2800  }
0x1a9: {  	[sflag:s3] =	ssyncset.done $0x0  }
0x1aa: {  	s20 =	rddreg [dreg:$0x10];
	[sflag:s3] =	ssyncadd.s32 $0xFFFFD800  }
0x1ab: {  	[hbm4b:s20+s0] =	stream.linear.scatter [tilespmem:s2], [sflag:$0x3], $0x2800, $0x38;
	[tilespmem:$0x1D000] =	vst v63  }
0x1ac: {  	_ =	swait.ge [sflag:s3], $0x2800  }
0x1ad: {  	[sflag:s3] =	ssyncset.done $0x0  }
0x1ae: {  	[sflag:s3] =	ssyncadd.s32 $0xFFFFD800  }
0x1af: {  	[tilespmem:s2], [sflag:$0x3] =	stream.linear.gather [spmem:s28], $0x2800, $0x38;
	[tilespmem:$0x1D000] =	vst v63  }
0x1b0: {  	_ =	swait.ge [sflag:s3], $0x2800  }
0x1b1: {  	[sflag:s3] =	ssyncset.done $0x0  }
0x1b2: {  	s22 =	rddreg [dreg:$0x11];
	[sflag:s3] =	ssyncadd.s32 $0xFFFFD800  }
0x1b3: {  	[hbm4b:s22+s0] =	stream.linear.scatter [tilespmem:s2], [sflag:$0x3], $0x2800, $0x38;
	[tilespmem:$0x1D000] =	vst v63  }
0x1b4: {  	_ =	swait.ge [sflag:s3], $0x2800  }
0x1b5: {  	[sflag:s3] =	ssyncset.done $0x0  }
0x1b6: {  	[sflag:s3] =	ssyncadd.s32 $0xFFFFD800  }
0x1b7: {  	[tilespmem:s2], [sflag:$0x3] =	stream.linear.gather [spmem:s29], $0x2800, $0x38;
	[tilespmem:$0x1D000] =	vst v63  }
0x1b8: {  	_ =	swait.ge [sflag:s3], $0x2800  }
0x1b9: {  	[sflag:s3] =	ssyncset.done $0x0  }
0x1ba: {  	s16 =	rddreg [dreg:$0x12];
	[sflag:s3] =	ssyncadd.s32 $0xFFFFD800  }
0x1bb: {  	[hbm4b:s16+s0] =	stream.linear.scatter [tilespmem:s2], [sflag:$0x3], $0x2800, $0x38;
	[tilespmem:$0x1D000] =	vst v63  }
0x1bc: {  	_ =	swait.ge [sflag:s3], $0x2800  }
0x1bd: {  	[sflag:s3] =	ssyncset.done $0x0  }
0x1be: {  	[sflag:s3] =	ssyncadd.s32 $0xFFFFD800  }
0x1bf: {  	[tilespmem:s2], [sflag:$0x3] =	stream.linear.gather [spmem:s30], $0x2800, $0x38;
	[tilespmem:$0x1D000] =	vst v63  }
0x1c0: {  	_ =	swait.ge [sflag:s3], $0x2800  }
0x1c1: {  	[sflag:s3] =	ssyncset.done $0x0  }
0x1c2: {  	s17 =	rddreg [dreg:$0x13];
	[sflag:s3] =	ssyncadd.s32 $0xFFFFD800  }
0x1c3: {  	[hbm4b:s17+s0] =	stream.linear.scatter [tilespmem:s2], [sflag:$0x3], $0x2800, $0x38;
	[tilespmem:$0x1D000] =	vst v63  }
0x1c4: {  	_ =	swait.ge [sflag:s3], $0x2800  }
0x1c5: {  	[sflag:s3] =	ssyncset.done $0x0  }
0x1c6: {  	[sflag:s3] =	ssyncadd.s32 $0xFFFFD800  }
0x1c7: {  	[tilespmem:s2], [sflag:$0x3] =	stream.linear.gather [spmem:s31], $0x2800, $0x38;
	[tilespmem:$0x1D000] =	vst v63  }
0x1c8: {  	_ =	swait.ge [sflag:s3], $0x2800  }
0x1c9: {  	[sflag:s3] =	ssyncset.done $0x0  }
0x1ca: {  	s20 =	rddreg [dreg:$0x14];
	[sflag:s3] =	ssyncadd.s32 $0xFFFFD800  }
0x1cb: {  	[hbm4b:s20+s0] =	stream.linear.scatter [tilespmem:s2], [sflag:$0x3], $0x2800, $0x38;
	[tilespmem:$0x1D000] =	vst v63  }
0x1cc: {  	_ =	swait.ge [sflag:s3], $0x2800  }
0x1cd: {  	[sflag:s3] =	ssyncset.done $0x0  }
0x1ce: {  	[sflag:s3] =	ssyncadd.s32 $0xFFFFD800  }
0x1cf: {  	[tilespmem:s2], [sflag:$0x3] =	stream.linear.gather [spmem:s19], $0x2800, $0x38;
	[tilespmem:$0x1D000] =	vst v63  }
0x1d0: {  	s14 =	sadd.s32 $0x1, s14;
	_ =	swait.ge [sflag:s3], $0x2800  }
0x1d1: {  	p0 =	sne.s32 s14, s1;
	[sflag:s3] =	ssyncset.done $0x0  }
.Ltmp5:
0x1d2: {  	s22 =	rddreg [dreg:$0x15];
	[sflag:s3] =	ssyncadd.s32 $0xFFFFD800;
	(pc) =	sbr.rel @p0 .LBB2_1-.Ltmp5, $4  }
0x1d3: {  	[hbm4b:s22+s0] =	stream.linear.scatter [tilespmem:s2], [sflag:$0x3], $0x2800, $0x38;
	[tilespmem:$0x1D000] =	vst v63  }
0x1d4: {  	_ =	swait.ge [sflag:s3], $0x2800  }
0x1d5: {  	[sflag:s3] =	ssyncset.done $0x0  }
0x1d6: {  	[sflag:s3] =	ssyncadd.s32 $0xFFFFD800  }
0x1d7: {  	_ =	sfence.sel $0x180000  }
0x1d8: {  	[bflag:$0x0] =	sbarrier.arrive $0xFFFF  }
0x1d9: {  	_ =	strace $0x9000004D  }
0x1da: {  	s0 =	stileid.u32;
	[bflag:$0x2] =	sbarrier.arrive $0xFFFF  }
0x1db: {  	p0 =	sne.s32 s0, $0x0;
	s0 =	rddreg [dreg:$0x3]  }
0x1dc: {  	s0 =	sadd.s32 @!p0 $0x100000, s0  }
0x1dd: {  	[sflag:s0] =	ssyncadd.tile.s32 @!p0 $0x1;
	_ =	shalt  }
.Lfunc_end2:
_tile_overlayer_lowered:
.L_overlay_start_2:
0x1de: {  	(tag) =	ssettag $0x2  }
0x1df: {  	s0 =	rddreg [dreg:$0x0];
	s2 =	stileid.u32  }
0x1e0: {  	s1 =	rddreg [dreg:$0x1];
	p0 =	sne.s32 s2, $0x0  }
0x1e1: {  	s3 =	rddreg [dreg:$0x2];
	[bflag:$0x3] =	sbarrier.arrive $0xFFFF;
	s2 =	simm.s32 @!p0 $0x1C03  }
0x1e2: {  	[timem:s3], [sflag:s2] =	dma.local @!p0 [hbm:s0], s1  }
0x1e3: {  	s0 =	simm.s32 @!p0 $0x3  }
0x1e4: {  	_ =	swait.ge @!p0 [sflag:s0], s1  }
0x1e5: {  	s1 =	ssub.s32 @!p0 $0x0, s1;
	[sflag:s0] =	ssyncset.done @!p0 $0x0  }
0x1e6: {  	[sflag:s0] =	ssyncadd.s32 @!p0 s1  }
0x1e7: {  	[bflag:$0x3] =	sbarrier.arrive $0xFFFF  }
0x1e8: {  	_ =	shalt  }

// kernel: kernel.7.cloned.1.call-start
scs
__scs_entry_jumppad:
0x0: {  	(pc) =	sbr.rel $0x88, $3  }
0x1: {  	(tag) =	ssettag $0x0;
	lr =	simm.s32 $0x1  }
0x2: {  	[smem:$0x3F99] =	sst lr;
	_ =	strace $0xD0000000  }
0x3: {  	_ = 	snop  }
0x4: {  	_ = 	snop  }
0x5: {  	_ = 	snop  }
0x6: {  	_ = 	snop  }
0x7: {  	_ = 	snop  }
__scs_overlays_trampoline_lowered:
0x8: {  	[smem:$0x3FA8] =	sst s0  }
0x9: {  	[smem:$0x3FA9] =	sst s1  }
0xa: {  	[smem:$0x3FAA] =	sst s2  }
0xb: {  	[smem:$0x3FAB] =	sst s3  }
0xc: {  	[smem:$0x3FAC] =	sst s4  }
0xd: {  	[smem:$0x3FAD] =	sst s5  }
0xe: {  	[smem:$0x3FAE] =	sst s6  }
0xf: {  	[smem:$0x3FAF] =	sst s7  }
0x10: {  	[smem:$0x3FB0] =	sst s8  }
0x11: {  	[smem:$0x3FB1] =	sst s9;
	s0 =	simm.s32 @!p0 $0x0  }
0x12: {  	s1 =	sld [smem:$0x3F97];
	s0 =	simm.s32 @p0 $0x1  }
0x13: {  	[smem:$0x3FB2] =	sst s0;
	s0 =	simm.s32 @!p1 $0x0  }
0x14: {  	s2 =	sld [smem:$0x3F96];
	s0 =	simm.s32 @p1 $0x1  }
0x15: {  	[smem:$0x3FB3] =	sst s0;
	s0 =	simm.s32 @!p2 $0x0  }
0x16: {  	s3 =	sld [smem:$0x3FDB];
	s0 =	simm.s32 @p2 $0x1  }
0x17: {  	s4 =	simm.s32 $0x1BF5;
	[smem:$0x3FB5] =	sst s0  }
0x18: {  	s0 =	sld [smem:$0x3F98];
	_ =	swait.ge [sflag:s4], $0x0  }
0x19: {  	s7 =	sld [smem:$0x3F99]  }
0x1a: {  	s8 =	sadd.s32 $0xFFFFE003, lr  }
0x1b: {  	s9 =	sadd.s32 $0xFFFFFEF7, lr;
	s5 =	simm.s32 $0xFFFFFFFF;
	p2 =	slt.u32 s8, $0xFFFFF086  }
0x1c: {  	p1 =	slt.u32 s9, $0xF7A;
	s5 =	simm.s32 @!p2 $0x0  }
0x1d: {  	s5 =	simm.s32 @p1 $0x1;
	p0 =	seq.s32 s7, s2  }
0x1e: {  	s7 =	smul.u32 @!p0 $0xF7A, s2;
	p2 =	seq.s32 @!p0 s5, $0x0  }
0x1f: {  	s9 =	smul.u32 $0xF7A, s1;
	s8 =	simm.s32 @!p0 $0x1BF5;
	p2 =	por !p2, p0  }
0x20: {  	[sflag:s8] =	ssyncset.s32 @!p0 $0xFFFFF086;
	s6 =	sadd.s32 @!p0 s3, s7;
	s7 =	simm.s32 @!p0 $0x108  }
0x21: {  	s3 =	sadd.s32 s3, s9;
	s6 =	sadd.s32 @!p0 $0x88, s6;
	s7 =	simm.s32 @p2 $0x1082  }
0x22: {  	[simem:s7], [sflag:s8] =	dma.local @!p0 [hbm:s6], $0xF7A  }
0x23: {  	s9 =	sor.u32 $0xD0000000, s2;
	s6 =	simm.s32 $0x108;
	_ =	swait.ge @!p0 [sflag:s8], $0x0  }
0x24: {  	s3 =	sadd.s32 $0x88, s3;
	s6 =	simm.s32 @!p1 $0x1082;
	[sflag:s4] =	ssyncset.s32 $0xFFFFF086  }
0x25: {  	[simem:s6], [sflag:s4] =	dma.local [hbm:s3], $0xF7A  }
0x26: {  	[smem:$0x3F99] =	sst s1;
	(tag) =	ssettag s2;
	_ =	strace s9  }
0x27: {  	s1 =	sld [smem:$0x3FA9]  }
0x28: {  	s2 =	sld [smem:$0x3FAA]  }
0x29: {  	s4 =	sld [smem:$0x3FAC]  }
0x2a: {  	p0 =	seq.s32 s5, $0x0;
	s5 =	sld [smem:$0x3FAD]  }
0x2b: {  	s6 =	sld [smem:$0x3FAE]  }
0x2c: {  	s7 =	sld [smem:$0x3FAF]  }
0x2d: {  	s3 =	simm.s32 $0x108;
	s8 =	sld [smem:$0x3FB0]  }
0x2e: {  	s3 =	simm.s32 @!p0 $0x1082;
	s9 =	sld [smem:$0x3FB1]  }
0x2f: {  	lr =	sadd.s32 s0, s3;
	s0 =	sld [smem:$0x3FA8]  }
0x30: {  	s3 =	sld [smem:$0x3FAB]  }
0x31: {  	[smem:$0x3FB4] =	sst s10  }
0x32: {  	s10 =	sld [smem:$0x3FB2];
	_ =	sdelay $0x3  }
0x33: {  	p0 =	seq.s32 s10, $0x1;
	s10 =	sld [smem:$0x3FB4];
	_ =	sdelay $0x3  }
0x34: {  	[smem:$0x3FB4] =	sst s10  }
0x35: {  	s10 =	sld [smem:$0x3FB3];
	_ =	sdelay $0x3  }
0x36: {  	p1 =	seq.s32 s10, $0x1;
	s10 =	sld [smem:$0x3FB4];
	_ =	sdelay $0x3  }
0x37: {  	[smem:$0x3FB4] =	sst s10  }
0x38: {  	s10 =	sld [smem:$0x3FB5]  }
0x39: {  	_ = 	snop;
	(pc) =	sbr.ind lr, $3  }
0x3a: {  	_ = 	snop  }
0x3b: {  	_ = 	snop  }
0x3c: {  	p2 =	seq.s32 s10, $0x1;
	s10 =	sld [smem:$0x3FB4]  }
0x3d: {  	_ =	shalt  }
0x3e: {  	_ =	shalt  }
0x3f: {  	_ =	shalt  }
0x40: {  	_ =	shalt  }
0x41: {  	_ =	shalt  }
0x42: {  	_ =	shalt  }
0x43: {  	_ =	shalt  }
0x44: {  	_ =	shalt  }
0x45: {  	_ =	shalt  }
0x46: {  	_ =	shalt  }
0x47: {  	_ =	shalt  }
0x48: {  	_ =	shalt  }
0x49: {  	_ =	shalt  }
0x4a: {  	_ =	shalt  }
0x4b: {  	_ =	shalt  }
0x4c: {  	_ =	shalt  }
0x4d: {  	_ =	shalt  }
0x4e: {  	_ =	shalt  }
0x4f: {  	_ =	shalt  }
0x50: {  	_ =	shalt  }
0x51: {  	_ =	shalt  }
0x52: {  	_ =	shalt  }
0x53: {  	_ =	shalt  }
0x54: {  	_ =	shalt  }
0x55: {  	_ =	shalt  }
0x56: {  	_ =	shalt  }
0x57: {  	_ =	shalt  }
0x58: {  	_ =	shalt  }
0x59: {  	_ =	shalt  }
0x5a: {  	_ =	shalt  }
0x5b: {  	_ =	shalt  }
0x5c: {  	_ =	shalt  }
0x5d: {  	_ =	shalt  }
0x5e: {  	_ =	shalt  }
0x5f: {  	_ =	shalt  }
0x60: {  	_ =	shalt  }
0x61: {  	_ =	shalt  }
0x62: {  	_ =	shalt  }
0x63: {  	_ =	shalt  }
0x64: {  	_ =	shalt  }
0x65: {  	_ =	shalt  }
0x66: {  	_ =	shalt  }
0x67: {  	_ =	shalt  }
0x68: {  	_ =	shalt  }
0x69: {  	_ =	shalt  }
0x6a: {  	_ =	shalt  }
0x6b: {  	_ =	shalt  }
0x6c: {  	_ =	shalt  }
0x6d: {  	_ =	shalt  }
0x6e: {  	_ =	shalt  }
0x6f: {  	_ =	shalt  }
0x70: {  	_ =	shalt  }
0x71: {  	_ =	shalt  }
0x72: {  	_ =	shalt  }
0x73: {  	_ =	shalt  }
0x74: {  	_ =	shalt  }
0x75: {  	_ =	shalt  }
0x76: {  	_ =	shalt  }
0x77: {  	_ =	shalt  }
0x78: {  	_ =	shalt  }
0x79: {  	_ =	shalt  }
0x7a: {  	_ =	shalt  }
0x7b: {  	_ =	shalt  }
0x7c: {  	_ =	shalt  }
0x7d: {  	_ =	shalt  }
0x7e: {  	_ =	shalt  }
0x7f: {  	_ =	shalt  }
0x80: {  	_ =	shalt  }
0x81: {  	_ =	shalt  }
0x82: {  	_ =	shalt  }
0x83: {  	_ =	shalt  }
0x84: {  	_ =	shalt  }
0x85: {  	_ =	shalt  }
0x86: {  	_ =	shalt  }
0x87: {  	_ =	shalt  }
.Lfunc_end0:
.L_simem_size_0:
called_computation_lowered:
.L_overlay_start_0:
0x88: {  	s2 =	sld [smem:$0x3FD9]  }
0x89: {  	s3 =	sld [smem:$0x3FFE];
	_ =	sdelay $0x1  }
0x8a: {  	s1 =	srdreg.scid  }
0x8b: {  	s0 =	sand.u32 $0x1, s1  }
0x8c: {  	s17 =	sshll.u32 s0, $0xA;
	s2 =	sadd.s32 s3, s2  }
0x8d: {  	s2 =	sadd.s32 s2, s17  }
0x8e: {  	[smem:$0x3FC0] =	sst s2  }
0x8f: {  	_ = 	snop  }
0x90: {  	s2 =	sld [smem:$0x3FD0];
	(tm) =	ssettm $0x1  }
0x91: {  	s18 =	sld [smem:$0x3FFB];
	_ =	sdelay $0x3  }
0x92: {  	_ =	strace s18  }
0x93: {  	s3 =	sld [smem:$0x3FFC];
	_ =	sdelay $0x3  }
0x94: {  	_ =	strace s3  }
0x95: {  	s3 =	sld [smem:$0x3FFD];
	_ =	sdelay $0x3  }
0x96: {  	_ =	strace s3  }
0x97: {  	_ =	strace $0x8FFFFFFF  }
0x98: {  	s19 =	sld [smem:$0x3FDB];
	_ =	sdelay $0x1  }
0x99: {  	s4 =	simm.s32 $_scs_section_size  }
0x9a: {  	s5 =	simm.s32 $_size__tile_overlayer_lowered;
	s6 =	simm.s32 $_tile_overlayer_lowered  }
0x9b: {  	s22 =	simm.s32 $0x1BFF;
	s21 =	sshll.u32 s6, $0x1;
	s3 =	sadd.s32 s4, s19  }
0x9c: {  	s7 =	simm.s32 $0x0;
	s20 =	sshll.u32 s5, $0x1;
	s5 =	sadd.s32 s21, s3  }
0x9d: {  	[timem:s7], [sflag:s22] =	dma.local [hbm:s5], s20  }
0x9e: {  	_ =	swait.ge [sflag:s22], s20  }
0x9f: {  	s4 =	ssub.s32 $0x0, s20;
	[sflag:s22] =	ssyncset.done $0x0  }
0xa0: {  	[sflag:s22] =	ssyncadd.s32 s4;
	_ =	sdelay $0x1  }
0xa1: {  	s23 =	simm.s32 $0x1B8B  }
0xa2: {  	_ =	swait.ge [sflag:s23], $0x1  }
0xa3: {  	[sflag:s23] =	ssyncset.done $0x0  }
0xa4: {  	s25 =	simm.s32 $0x1B8E;
	s24 =	sld [smem:$0x3FFE];
	[sflag:s23] =	ssyncadd.s32 $0xFFFFFFFF  }
0xa5: {  	s26 =	simm.s32 $execute0_lowered;
	[smem:$0x3FD2] =	sst s25  }
0xa6: {  	s5 =	sshll.u32 s26, $0x1;
	_ =	strace $0x80000046;
	[dreg:$0x1] =	wrdreg $0xFFFFFFFF  }
0xa7: {  	s28 =	simm.s32 $_size_execute0_lowered;
	s3 =	sadd.s32 s3, s5;
	[dreg:$0x0] =	wrdreg $0x0  }
0xa8: {  	s5 =	sshll.u32 s28, $0x1;
	[dreg:$0x2] =	wrdreg s3  }
0xa9: {  	[dreg:$0x3] =	wrdreg s5  }
0xaa: {  	[dreg:$0x4] =	wrdreg $0xC0  }
0xab: {  	_ =	task [dreg:s7], $0x5FFFF  }
0xac: {  	[dreg:$0x1] =	wrdreg $0xFFFFFFFF  }
0xad: {  	[dreg:$0x0] =	wrdreg $0x60  }
0xae: {  	[dreg:$0x2] =	wrdreg s2  }
0xaf: {  	[dreg:$0x3] =	wrdreg s24  }
0xb0: {  	[dreg:$0x4] =	wrdreg $0x9  }
0xb1: {  	_ =	task.clear_ibuf [dreg:s7], $0x5FFFF;
	_ =	strace $0x90000046  }
0xb2: {  	s29 =	simm.s32 $0x9;
	_ =	strace $0x80000048  }
0xb3: {  	_ =	swait.ge [sflag:s29], $0x1  }
0xb4: {  	[sflag:s29] =	ssyncadd.s32 $0xFFFFFFFF  }
0xb5: {  	_ =	strace $0x90000048  }
0xb6: {  	_ =	sfence  }
0xb7: {  	s30 =	sld [smem:$0x0];
	_ =	sdelay $0x2  }
0xb8: {  	s31 =	sshll.u32 s1, $0xD;
	s1 =	sshrl.u32 s1, $0x2  }
0xb9: {  	s3 =	sand.u32 $0x4000, s31;
	s1 =	sadd.s32 s1, s30  }
0xba: {  	s0 =	sor.u32 s3, s0;
	s1 =	sshll.u32 s1, $0x11  }
0xbb: {  	s0 =	sor.u32 s1, s0  }
0xbc: {  	s0 =	sadd.s32 $0x8F2B, s0  }
0xbd: {  	[sflag:s0] =	ssyncadd.remote.s32 $0x1  }
0xbe: {  	_ =	sfence.sel $0xFFFF  }
0xbf: {  	[dreg:$0x0] =	wrdreg $0xFFFFFFFF;
	(pc) =	sbr.abs _section_cstart, $3  }
0xc0: {  	[dreg:$0x1] =	wrdreg $0xFFFFFFFF  }
0xc1: {  	_ =	task.clear_ibuf [dreg:s7], $0x2FFFF;
	_ =	strace $0x9FFFFFFF  }
0xc2: {  	(tm) =	ssettm $0x7FFFFFFF  }
0xc3: {  	_ =	shalt  }
tec
execute0_lowered:
.L_overlay_start_1:
0x0: {  	(tag) =	ssettag $0x1  }
0x1: {  	s4 =	rddreg [dreg:$0x0]  }
0x2: {  	s0 =	srdreg.scid;
	s5 =	rddreg [dreg:$0x1]  }
0x3: {  	s2 =	simm.s32 $0x0;
	s3 =	sand.u32 $0x1, s0;
	s0 =	rddreg [dreg:$0x2]  }
0x4: {  	s1 =	stileid.u32;
	[smem:$0x7FF] =	sst s2;
	s6 =	sshll.u32 s3, $0x4  }
0x5: {  	s8 =	ssub.s32 $0x2, s3;
	_ =	strace $0x80000047;
	s6 =	sor.u32 s1, s6  }
0x6: {  	s3 =	sadd.s32 $0x1E00, s5;
	s9 =	sshrl.u32 s8, $0x1;
	s7 =	smul.u32 $0x500, s6  }
0x7: {  	s31 =	ssub.s32 s8, s9;
	s6 =	sshll.u32 s6, $0xB;
	s8 =	simm.s32 $0x4000  }
0x8: {  	s9 =	simm.s32 $0x0;
	s4 =	sadd.s32 s4, s6;
	s5 =	sadd.s32 s7, s5  }
0x9: {  	v0 =	vimm.f32 $1.000000000e+00;
	s6 =	smax.u32 s31, $0x1;
	s7 =	simm.s32 $0x1;
	s5 =	sadd.s32 $0x2400, s5  }
.LBB2_1:
0xa: {  	[tilespmem:s2], [sflag:$0x1] =	stream.linear.gather [hbm4b:s4+s2], $0x3E80, $0x38;
	[tilespmem:$0x6800] =	vst v63  }
0xb: {  	_ =	swait.ge [sflag:s7], $0x3E80  }
0xc: {  	[sflag:s7] =	ssyncset.done $0x0  }
0xd: {  	[sflag:s7] =	ssyncadd.s32 $0xFFFFC180  }
0xe: {  	[tilespmem:s8], [sflag:$0x1] =	stream.linear.gather [hbm4b:s3+s2], $0x2800, $0x38;
	[tilespmem:$0x6800] =	vst v63  }
0xf: {  	_ =	swait.ge [sflag:s7], $0x2800  }
0x10: {  	[sflag:s7] =	ssyncset.done $0x0  }
0x11: {  	s10 =	simm.s32 $0x0;
	[sflag:s7] =	ssyncadd.s32 $0xFFFFD800  }
.LBB2_2:
0x12: {  	s11 =	sshra.s32 s10, $0x2  }
0x13: {  	v1 =	vld [tilespmem:s11+$0x0];
	_ =	sdelay $0x7  }
0x14: {  	[tilespmem:v1+s8+$0x0] =	vst.idx.add.f32.msk $0xffff, v0  }
0x15: {  	v1 =	vld [tilespmem:s11+$0x10];
	_ =	sdelay $0x7  }
0x16: {  	[tilespmem:v1+s8+$0x0] =	vst.idx.add.f32.msk $0xffff, v0  }
0x17: {  	v1 =	vld [tilespmem:s11+$0x20];
	_ =	sdelay $0x7  }
0x18: {  	[tilespmem:v1+s8+$0x0] =	vst.idx.add.f32.msk $0xffff, v0  }
0x19: {  	v1 =	vld [tilespmem:s11+$0x30];
	_ =	sdelay $0x7  }
0x1a: {  	[tilespmem:v1+s8+$0x0] =	vst.idx.add.f32.msk $0xffff, v0  }
0x1b: {  	v1 =	vld [tilespmem:s11+$0x40];
	_ =	sdelay $0x2  }
0x1c: {  	p0 =	sne.s32 s10, $0xF800  }
.Ltmp0:
0x1d: {  	_ = 	snop;
	(pc) =	sbr.rel @p0 .LBB2_2-.Ltmp0, $2  }
0x1e: {  	_ =	sdelay $0x2  }
0x1f: {  	s10 =	sadd.s32 $0x200, s10;
	[tilespmem:v1+s8+$0x0] =	vst.idx.add.f32.msk $0xffff, v0  }
0x20: {  	s9 =	sadd.s32 $0x1, s9  }
0x21: {  	p0 =	sne.s32 s9, s6  }
.Ltmp1:
0x22: {  	_ = 	snop;
	(pc) =	sbr.rel @p0 .LBB2_1-.Ltmp1, $4  }
0x23: {  	[hbm4b:s5+s2] =	stream.linear.scatter [tilespmem:s8], [sflag:$0x1], $0x2800, $0x38;
	[tilespmem:$0x6800] =	vst v63  }
0x24: {  	_ =	swait.ge [sflag:s7], $0x2800  }
0x25: {  	[sflag:s7] =	ssyncset.done $0x0  }
0x26: {  	[sflag:s7] =	ssyncadd.s32 $0xFFFFD800  }
0x27: {  	_ =	sfence.sel $0x180000  }
0x28: {  	[bflag:$0x0] =	sbarrier.arrive $0xFFFF  }
0x29: {  	p0 =	sne.s32 s1, $0x0;
	_ =	strace $0x90000047  }
0x2a: {  	s0 =	sadd.s32 @!p0 $0x100000, s0;
	[bflag:$0x2] =	sbarrier.arrive $0xFFFF  }
0x2b: {  	[sflag:s0] =	ssyncadd.tile.s32 @!p0 $0x1;
	_ =	shalt  }
.Lfunc_end2:
_tile_overlayer_lowered:
.L_overlay_start_2:
0x2c: {  	(tag) =	ssettag $0x2  }
0x2d: {  	s0 =	rddreg [dreg:$0x0];
	s2 =	stileid.u32  }
0x2e: {  	s1 =	rddreg [dreg:$0x1];
	p0 =	sne.s32 s2, $0x0  }
0x2f: {  	s3 =	rddreg [dreg:$0x2];
	[bflag:$0x3] =	sbarrier.arrive $0xFFFF;
	s2 =	simm.s32 @!p0 $0x1C01  }
0x30: {  	[timem:s3], [sflag:s2] =	dma.local @!p0 [hbm:s0], s1  }
0x31: {  	s0 =	simm.s32 @!p0 $0x1  }
0x32: {  	_ =	swait.ge @!p0 [sflag:s0], s1  }
0x33: {  	s1 =	ssub.s32 @!p0 $0x0, s1;
	[sflag:s0] =	ssyncset.done @!p0 $0x0  }
0x34: {  	[sflag:s0] =	ssyncadd.s32 @!p0 s1  }
0x35: {  	[bflag:$0x3] =	sbarrier.arrive $0xFFFF  }
0x36: {  	_ =	shalt  }

</sc_bundles>
